<compile_context>
chip_gen: v7x
topology: tpu7x:2x2x1
jax: 0.10.2.dev20260603
libtpu: 0.0.44.dev20260713+nightly
codegen_flags: <defaults>
</compile_context>

<pallas_src>
import functools

import jax
import jax.numpy as jnp
from jax import lax
from jax.experimental import pallas as pl
from jax.experimental.pallas import tpu as pltpu
from jax.experimental.pallas import tpu_sc as plsc

_LANES = 16
_CHUNK = 64
_PKW = 128
_NUM_WORKERS = 32
_NBUF = 4
_NODE_BITS = 14


def _linear_body(x_ref, wt_ref, b_ref, o_ref):
    o_ref[...] = (
        jnp.dot(x_ref[...], wt_ref[...], preferred_element_type=jnp.float32)
        + b_ref[...]
    )


def _linear(x, wt, b2d, block_rows):
    n, cin = x.shape
    cout = wt.shape[1]
    return pl.pallas_call(
        _linear_body,
        grid=(n // block_rows,),
        in_specs=[
            pl.BlockSpec((block_rows, cin), lambda i: (i, 0)),
            pl.BlockSpec((cin, cout), lambda i: (0, 0)),
            pl.BlockSpec((1, cout), lambda i: (0, 0)),
        ],
        out_specs=pl.BlockSpec((block_rows, cout), lambda i: (i, 0)),
        out_shape=jax.ShapeDtypeStruct((n, cout), jnp.float32),
    )(x, wt, b2d)


def _combine_body(tr_ref, agg_ref, cnt_ref, tbl_ref, o_ref):
    c = cnt_ref[0] + cnt_ref[1]
    emb = jnp.dot(c, tbl_ref[...], preferred_element_type=jnp.float32)
    o_ref[...] = jnp.maximum(agg_ref[0] + agg_ref[1] + tr_ref[...] + emb, 0.0)


def _combine(tr, agg, cnt3, tbl, block_rows):
    n, cout = tr.shape
    n_types = tbl.shape[0]
    return pl.pallas_call(
        _combine_body,
        grid=(n // block_rows,),
        in_specs=[
            pl.BlockSpec((block_rows, cout), lambda i: (i, 0)),
            pl.BlockSpec((2, block_rows, cout), lambda i: (0, i, 0)),
            pl.BlockSpec((2, block_rows, n_types), lambda i: (0, i, 0)),
            pl.BlockSpec((n_types, cout), lambda i: (0, 0)),
        ],
        out_specs=pl.BlockSpec((block_rows, cout), lambda i: (i, 0)),
        out_shape=jax.ShapeDtypeStruct((n, cout), jnp.float32),
    )(tr, agg, cnt3, tbl)


def _mesh():
    return plsc.VectorSubcoreMesh(core_axis_name="c", subcore_axis_name="s")


@functools.lru_cache(maxsize=None)
def _make_sc_agg(npad, nchunks, cout):
    rows_per_tile = npad // 16
    ngroups = nchunks // _NBUF
    nmask = (1 << _NODE_BITS) - 1

    @functools.partial(
        pl.kernel,
        out_type=jax.ShapeDtypeStruct((2, npad, cout), jnp.float32),
        mesh=_mesh(),
        scratch_types=[
            pltpu.VMEM((nchunks // 2, _PKW), jnp.int32),
            pltpu.VMEM((_NBUF, _CHUNK), jnp.int32),
            pltpu.VMEM((_NBUF, _CHUNK), jnp.int32),
            pltpu.VMEM((_NBUF, _CHUNK, 128), jnp.float32),
            pltpu.VMEM_SHARED((npad, 128), jnp.float32),
        ]
        + [pltpu.SemaphoreType.DMA] * (2 * _NBUF),
    )
    def sc_agg(tr_hbm, pk_hbm, agg_out,
               pk_v, src_v, tgt_v, rows_v, agg_sh, *sems):
        gsem = sems[:_NBUF]
        ssem = sems[_NBUF:]
        cid = lax.axis_index("c")
        sid = lax.axis_index("s")
        wid = cid * 16 + sid

        zero16 = jnp.zeros((_LANES,), jnp.float32)

        npkrows = nchunks // 2
        pltpu.sync_copy(pk_hbm.at[pl.ds(wid * npkrows, npkrows)], pk_v)

        def _dec_src(c, b):
            half = (b % 2) * _CHUNK
            for i in range(_CHUNK // _LANES):
                pv = pk_v[c // 2, pl.ds(half + i * _LANES, _LANES)]
                src_v[b, pl.ds(i * _LANES, _LANES)] = pv & nmask

        def _dec_tgt(c, b):
            half = (b % 2) * _CHUNK
            for i in range(_CHUNK // _LANES):
                pv = pk_v[c // 2, pl.ds(half + i * _LANES, _LANES)]
                tgt_v[b, pl.ds(i * _LANES, _LANES)] = (
                    lax.shift_right_logical(pv, _NODE_BITS) & nmask
                )

        def _zr(r, carry):
            for i in range(cout // _LANES):
                rows_v[0, r, pl.ds(i * _LANES, _LANES)] = zero16
            return carry

        lax.fori_loop(0, _CHUNK, _zr, 0)

        rbase = sid * rows_per_tile
        zsrc = rows_v.at[0]
        nfull, rrem = divmod(rows_per_tile, _CHUNK)
        for k in range(nfull):
            pltpu.sync_copy(zsrc, agg_sh.at[pl.ds(rbase + k * _CHUNK, _CHUNK)])
        if rrem:
            pltpu.sync_copy(
                zsrc.at[pl.ds(0, rrem)],
                agg_sh.at[pl.ds(rbase + nfull * _CHUNK, rrem)],
            )

        plsc.subcore_barrier()

        def _fire_gather(b):
            pltpu.async_copy(tr_hbm.at[src_v.at[b]], rows_v.at[b], gsem[b])

        def _wait_gather(b):
            pltpu.make_async_copy(
                tr_hbm.at[src_v.at[b]], rows_v.at[b], gsem[b]
            ).wait()

        def _fire_scatter(b):
            pltpu.async_copy(
                rows_v.at[b], agg_sh.at[tgt_v.at[b]], ssem[b], add=True
            )

        def _wait_scatter(b):
            pltpu.make_async_copy(
                rows_v.at[b], agg_sh.at[tgt_v.at[b]], ssem[b]
            ).wait()

        for b in range(_NBUF):
            _dec_src(b, b)
            _fire_gather(b)

        def _group(g, carry):
            base = g * _NBUF
            for b in range(_NBUF):
                _wait_gather(b)
                _dec_tgt(base + b, b)
                _fire_scatter(b)
            for b in range(_NBUF):
                _wait_scatter(b)
                _dec_src(base + _NBUF + b, b)
                _fire_gather(b)
            return carry

        lax.fori_loop(0, ngroups - 1, _group, 0)

        tail = (ngroups - 1) * _NBUF
        for b in range(_NBUF):
            _wait_gather(b)
            _dec_tgt(tail + b, b)
            _fire_scatter(b)
        for b in range(_NBUF):
            _wait_scatter(b)

        plsc.subcore_barrier()

        pltpu.sync_copy(
            agg_sh.at[pl.ds(rbase, rows_per_tile)],
            agg_out.at[cid, pl.ds(rbase, rows_per_tile)],
        )

    return sc_agg


@functools.lru_cache(maxsize=None)
def _make_sc_cnt(npad, nchunks, n_types):
    cnt_len = npad * n_types
    cnt_per_tile = cnt_len // 16
    nmask = (1 << _NODE_BITS) - 1
    tmask = n_types - 1

    @functools.partial(
        pl.kernel,
        out_type=jax.ShapeDtypeStruct((2, cnt_len), jnp.float32),
        mesh=_mesh(),
        scratch_types=[
            pltpu.VMEM((nchunks, _PKW), jnp.int32),
            pltpu.VMEM((_PKW,), jnp.int32),
            pltpu.VMEM((_PKW,), jnp.float32),
            pltpu.VMEM((2048,), jnp.float32),
            pltpu.VMEM_SHARED((cnt_len,), jnp.float32),
        ],
    )
    def sc_cnt(pk_hbm, cnt_out, pk_v, cidx_v, ones_v, zf_v, cnt_sh):
        cid = lax.axis_index("c")
        sid = lax.axis_index("s")
        wid = cid * 16 + sid

        zero16 = jnp.zeros((_LANES,), jnp.float32)
        one16 = jnp.ones((_LANES,), jnp.float32)

        def _zf(k, carry):
            zf_v[pl.ds(k * _LANES, _LANES)] = zero16
            return carry

        lax.fori_loop(0, 2048 // _LANES, _zf, 0)

        for i in range(_PKW // _LANES):
            ones_v[pl.ds(i * _LANES, _LANES)] = one16

        cbase = sid * cnt_per_tile
        cfull, crem = divmod(cnt_per_tile, 2048)
        for k in range(cfull):
            pltpu.sync_copy(zf_v, cnt_sh.at[pl.ds(cbase + k * 2048, 2048)])
        if crem:
            pltpu.sync_copy(
                zf_v.at[pl.ds(0, crem)],
                cnt_sh.at[pl.ds(cbase + cfull * 2048, crem)],
            )

        pltpu.sync_copy(pk_hbm.at[pl.ds(wid * nchunks, nchunks)], pk_v)

        plsc.subcore_barrier()

        def _chunk(j, carry):
            for i in range(_PKW // _LANES):
                sl = pl.ds(i * _LANES, _LANES)
                p = pk_v[j, sl]
                tgt = lax.shift_right_logical(p, _NODE_BITS) & nmask
                et = lax.shift_right_logical(p, 2 * _NODE_BITS) & tmask
                cidx_v[sl] = tgt * n_types + et
            pltpu.sync_copy(ones_v, cnt_sh.at[cidx_v], add=True)
            return carry

        lax.fori_loop(0, nchunks, _chunk, 0)

        plsc.subcore_barrier()

        pltpu.sync_copy(
            cnt_sh.at[pl.ds(cbase, cnt_per_tile)],
            cnt_out.at[cid, pl.ds(cbase, cnt_per_tile)],
        )

    return sc_cnt


def kernel(node_features, edge_index, edge_type, W, b, edge_emb_table):
    n, cin = node_features.shape
    cout, _ = W.shape
    n_types = edge_emb_table.shape[0]
    e = edge_index.shape[1]
    assert n + 1 <= (1 << _NODE_BITS) and n_types <= (1 << (32 - 2 * _NODE_BITS))

    src = edge_index[0].astype(jnp.int32)
    tgt = edge_index[1].astype(jnp.int32)
    et = edge_type.astype(jnp.int32)

    npad = -(-(n + 1) // 128) * 128
    ept = -(-e // (_NUM_WORKERS * _PKW * 8)) * (_PKW * 8)
    epad = ept * _NUM_WORKERS
    pad = epad - e
    if pad:
        spread = jnp.arange(pad, dtype=jnp.int32)
        src = jnp.concatenate([src, spread % n])
        tgt = jnp.concatenate([tgt, n + spread % (npad - n)])
        et = jnp.concatenate([et, jnp.zeros((pad,), jnp.int32)])
    packed = src | (tgt << _NODE_BITS) | (et << (2 * _NODE_BITS))
    pk2 = packed.reshape(epad // _PKW, _PKW)

    transformed = _linear(node_features, W.T, b.reshape(1, cout), block_rows=2000)

    agg = _make_sc_agg(npad, ept // _CHUNK, cout)(transformed, pk2)
    cnt = _make_sc_cnt(npad, epad // _PKW // _NUM_WORKERS, n_types)(pk2)

    cnt3 = cnt.reshape(2, npad, n_types)
    return _combine(transformed, agg, cnt3, edge_emb_table, block_rows=2000)

# --- scband reference (transcript-rebuilt; emitter-appended) ---
"""Pipeline reference for scband-graph-convolutional-layer-12927851561632 (READ-ONLY COPY).

The authoritative reference and input builder live on the scoring server;
editing this copy changes nothing except your own understanding.
"""

import jax, jax.numpy as jnp
import numpy as np

N_NODES = 10000
N_EDGES = 320000
IN_CH = 128
OUT_CH = 128
N_EDGE_TYPES = 16


def setup_inputs(seed: int = 0) -> dict:
    key = jax.random.key(seed)
    k1, k2, k3, k4, k5, k6 = jax.random.split(key, 6)
    node_features = jax.random.normal(k1, (N_NODES, IN_CH), dtype=jnp.float32)
    edge_index = jax.random.randint(k2, (2, N_EDGES), 0, N_NODES, dtype=jnp.int64)
    edge_type = jax.random.randint(k3, (N_EDGES,), 0, N_EDGE_TYPES, dtype=jnp.int64)
    # learned parameters: nn.Linear(in_channels, out_channels) and nn.Embedding(n_types, out_channels)
    bound = 1.0 / np.sqrt(IN_CH)
    W = jax.random.uniform(k4, (OUT_CH, IN_CH), minval=-bound, maxval=bound, dtype=jnp.float32)
    b = jax.random.uniform(k5, (OUT_CH,), minval=-bound, maxval=bound, dtype=jnp.float32)
    edge_emb_table = jax.random.normal(k6, (N_EDGE_TYPES, OUT_CH), dtype=jnp.float32)
    return {"node_features": node_features, "edge_index": edge_index, "edge_type": edge_type,
            "W": W, "b": b, "edge_emb_table": edge_emb_table}


def reference(node_features, edge_index, edge_type, W, b, edge_emb_table):
    # linear transform of node features
    transformed = node_features @ W.T + b  # (N, out_ch)
    src = edge_index[0]
    tgt = edge_index[1]
    # per-edge message: gather src features + edge-type embedding lookup
    e_emb = jnp.take(edge_emb_table, edge_type, axis=0)  # (E, out_ch)
    messages = jnp.take(transformed, src, axis=0) + e_emb  # (E, out_ch)
    # scatter-add messages into target nodes
    aggregated = jnp.zeros_like(transformed).at[tgt].add(messages)
    aggregated = aggregated + transformed  # self contribution
    return jax.nn.relu(aggregated)

if __name__ == "__main__":
    import jax
    _d = setup_inputs()
    print(jax.jit(kernel)(*tuple(_d.values())))

</pallas_src>

<mosaic_0001>
#map = affine_map<(d0, d1) -> (0, 0)>
module attributes {stable_mosaic.version = 14 : i64} {
  func.func @sc_cnt(%arg0: i32, %arg1: i32, %arg2: memref<2560x128xi32, #tpu.memory_space<hbm>>, %arg3: memref<2x161792xf32, #tpu.memory_space<hbm>>, %arg4: memref<80x128xi32, #tpu.memory_space<vmem>>, %arg5: memref<128xi32, #tpu.memory_space<vmem>>, %arg6: memref<128xf32, #tpu.memory_space<vmem>>, %arg7: memref<2048xf32, #tpu.memory_space<vmem>>, %arg8: memref<161792xf32, #tpu.memory_space<vmem_shared>>) attributes {dimension_semantics = [#tpu.dimension_semantics<core_parallel>, #tpu.dimension_semantics<subcore_parallel>], iteration_bounds = array<i64: 2, 16>, scalar_prefetch = 0 : i64, scratch_operands = 5 : i64, tpu.core_type = #tpu.core_type<sc_vector_subcore>, window_params = [{transform_indices = #map}, {transform_indices = #map}]} {
    %mul3A = arith.constant 16 : i32
    %mul3A_0 = arith.muli %arg0, %mul3A : i32
    %add3A = arith.addi %mul3A_0, %arg1 : i32
    %broadcast_in_dim3A = arith.constant 0.000000e+00 : f32
    %broadcast_in_dim3A_1 = vector.broadcast %broadcast_in_dim3A : f32 to vector<16xf32>
    %broadcast_in_dim3A_2 = arith.constant 1.000000e+00 : f32
    %broadcast_in_dim3A_3 = vector.broadcast %broadcast_in_dim3A_2 : f32 to vector<16xf32>
    %scan3A = arith.constant 0 : i32
    %scan3A_4 = arith.constant 0 : i32
    %scan3A_5 = arith.constant 128 : i32
    %scan3A_6 = arith.addi %scan3A_4, %scan3A_5 : i32
    %scan3A_7 = arith.constant 1 : i32
    scf.for %scan3A_61 = %scan3A_4 to %scan3A_6 step %scan3A_7  : i32 {
      %mul3A_62 = arith.constant 16 : i32
      %mul3A_63 = arith.muli %scan3A_61, %mul3A_62 : i32
      %swap3A_64 = arith.index_cast %mul3A_63 : i32 to index
      %swap3A_65 = tpu.vector_load %arg7[%swap3A_64] {strides = array<i32>} : memref<2048xf32, #tpu.memory_space<vmem>>, vector<16xf32>,
      %swap3A_66 = vector.shape_cast %swap3A_65 : vector<16xf32> to vector<16xf32>
      %swap3A_67 = vector.shape_cast %broadcast_in_dim3A_1 : vector<16xf32> to vector<16xf32>
      tpu.vector_store %arg7[%swap3A_64], %swap3A_67 {strides = array<i32>} : memref<2048xf32, #tpu.memory_space<vmem>>, vector<16xf32>,
    }
    %scan3A_8 = arith.constant 128 : i32
    %swap3A = arith.constant 0 : index
    %swap3A_9 = tpu.vector_load %arg6[%swap3A] {strides = array<i32>} : memref<128xf32, #tpu.memory_space<vmem>>, vector<16xf32>,
    %swap3A_10 = vector.shape_cast %swap3A_9 : vector<16xf32> to vector<16xf32>
    %swap3A_11 = vector.shape_cast %broadcast_in_dim3A_3 : vector<16xf32> to vector<16xf32>
    tpu.vector_store %arg6[%swap3A], %swap3A_11 {strides = array<i32>} : memref<128xf32, #tpu.memory_space<vmem>>, vector<16xf32>,
    %swap3A_12 = arith.constant 16 : index
    %swap3A_13 = tpu.vector_load %arg6[%swap3A_12] {strides = array<i32>} : memref<128xf32, #tpu.memory_space<vmem>>, vector<16xf32>,
    %swap3A_14 = vector.shape_cast %swap3A_13 : vector<16xf32> to vector<16xf32>
    %swap3A_15 = vector.shape_cast %broadcast_in_dim3A_3 : vector<16xf32> to vector<16xf32>
    tpu.vector_store %arg6[%swap3A_12], %swap3A_15 {strides = array<i32>} : memref<128xf32, #tpu.memory_space<vmem>>, vector<16xf32>,
    %swap3A_16 = arith.constant 32 : index
    %swap3A_17 = tpu.vector_load %arg6[%swap3A_16] {strides = array<i32>} : memref<128xf32, #tpu.memory_space<vmem>>, vector<16xf32>,
    %swap3A_18 = vector.shape_cast %swap3A_17 : vector<16xf32> to vector<16xf32>
    %swap3A_19 = vector.shape_cast %broadcast_in_dim3A_3 : vector<16xf32> to vector<16xf32>
    tpu.vector_store %arg6[%swap3A_16], %swap3A_19 {strides = array<i32>} : memref<128xf32, #tpu.memory_space<vmem>>, vector<16xf32>,
    %swap3A_20 = arith.constant 48 : index
    %swap3A_21 = tpu.vector_load %arg6[%swap3A_20] {strides = array<i32>} : memref<128xf32, #tpu.memory_space<vmem>>, vector<16xf32>,
    %swap3A_22 = vector.shape_cast %swap3A_21 : vector<16xf32> to vector<16xf32>
    %swap3A_23 = vector.shape_cast %broadcast_in_dim3A_3 : vector<16xf32> to vector<16xf32>
    tpu.vector_store %arg6[%swap3A_20], %swap3A_23 {strides = array<i32>} : memref<128xf32, #tpu.memory_space<vmem>>, vector<16xf32>,
    %swap3A_24 = arith.constant 64 : index
    %swap3A_25 = tpu.vector_load %arg6[%swap3A_24] {strides = array<i32>} : memref<128xf32, #tpu.memory_space<vmem>>, vector<16xf32>,
    %swap3A_26 = vector.shape_cast %swap3A_25 : vector<16xf32> to vector<16xf32>
    %swap3A_27 = vector.shape_cast %broadcast_in_dim3A_3 : vector<16xf32> to vector<16xf32>
    tpu.vector_store %arg6[%swap3A_24], %swap3A_27 {strides = array<i32>} : memref<128xf32, #tpu.memory_space<vmem>>, vector<16xf32>,
    %swap3A_28 = arith.constant 80 : index
    %swap3A_29 = tpu.vector_load %arg6[%swap3A_28] {strides = array<i32>} : memref<128xf32, #tpu.memory_space<vmem>>, vector<16xf32>,
    %swap3A_30 = vector.shape_cast %swap3A_29 : vector<16xf32> to vector<16xf32>
    %swap3A_31 = vector.shape_cast %broadcast_in_dim3A_3 : vector<16xf32> to vector<16xf32>
    tpu.vector_store %arg6[%swap3A_28], %swap3A_31 {strides = array<i32>} : memref<128xf32, #tpu.memory_space<vmem>>, vector<16xf32>,
    %swap3A_32 = arith.constant 96 : index
    %swap3A_33 = tpu.vector_load %arg6[%swap3A_32] {strides = array<i32>} : memref<128xf32, #tpu.memory_space<vmem>>, vector<16xf32>,
    %swap3A_34 = vector.shape_cast %swap3A_33 : vector<16xf32> to vector<16xf32>
    %swap3A_35 = vector.shape_cast %broadcast_in_dim3A_3 : vector<16xf32> to vector<16xf32>
    tpu.vector_store %arg6[%swap3A_32], %swap3A_35 {strides = array<i32>} : memref<128xf32, #tpu.memory_space<vmem>>, vector<16xf32>,
    %swap3A_36 = arith.constant 112 : index
    %swap3A_37 = tpu.vector_load %arg6[%swap3A_36] {strides = array<i32>} : memref<128xf32, #tpu.memory_space<vmem>>, vector<16xf32>,
    %swap3A_38 = vector.shape_cast %swap3A_37 : vector<16xf32> to vector<16xf32>
    %swap3A_39 = vector.shape_cast %broadcast_in_dim3A_3 : vector<16xf32> to vector<16xf32>
    tpu.vector_store %arg6[%swap3A_36], %swap3A_39 {strides = array<i32>} : memref<128xf32, #tpu.memory_space<vmem>>, vector<16xf32>,
    %mul3A_40 = arith.constant 10112 : i32
    %mul3A_41 = arith.muli %arg1, %mul3A_40 : i32
    %add3A_42 = arith.constant 0 : i32
    %add3A_43 = arith.addi %mul3A_41, %add3A_42 : i32
    "tpu.region"() ({
      %run_scoped3A = tpu.sem_alloc : memref<!tpu.dma_semaphore, #tpu.memory_space<semaphore_mem>>
      %dma_start3A = tpu.memref_slice %arg8[%add3A_43] : memref<161792xf32, #tpu.memory_space<vmem_shared>> -> memref<2048xf32, #tpu.memory_space<vmem_shared>>
      %dma_start3A_61 = tpu.memref_slice %arg8[%add3A_43] : memref<161792xf32, #tpu.memory_space<vmem_shared>> -> memref<2048xf32, #tpu.memory_space<vmem_shared>>
      tpu.enqueue_dma source(%arg7 : memref<2048xf32, #tpu.memory_space<vmem>>) target(%dma_start3A_61 : memref<2048xf32, #tpu.memory_space<vmem_shared>>) target_semaphore(%run_scoped3A : memref<!tpu.dma_semaphore, #tpu.memory_space<semaphore_mem>>)
      %dma_wait3A = tpu.memref_slice %arg8[%add3A_43] : memref<161792xf32, #tpu.memory_space<vmem_shared>> -> memref<2048xf32, #tpu.memory_space<vmem_shared>>
      %dma_wait3A_62 = tpu.memref_slice %arg8[%add3A_43] : memref<161792xf32, #tpu.memory_space<vmem_shared>> -> memref<2048xf32, #tpu.memory_space<vmem_shared>>
      tpu.wait_dma2 semaphore(%run_scoped3A : memref<!tpu.dma_semaphore, #tpu.memory_space<semaphore_mem>>) src(%arg7 : memref<2048xf32, #tpu.memory_space<vmem>>) dst(%dma_wait3A_62 : memref<2048xf32, #tpu.memory_space<vmem_shared>>)
      tpu.yield
    }) : () -> ()
    %add3A_44 = arith.constant 2048 : i32
    %add3A_45 = arith.addi %mul3A_41, %add3A_44 : i32
    "tpu.region"() ({
      %run_scoped3A = tpu.sem_alloc : memref<!tpu.dma_semaphore, #tpu.memory_space<semaphore_mem>>
      %dma_start3A = tpu.memref_slice %arg8[%add3A_45] : memref<161792xf32, #tpu.memory_space<vmem_shared>> -> memref<2048xf32, #tpu.memory_space<vmem_shared>>
      %dma_start3A_61 = tpu.memref_slice %arg8[%add3A_45] : memref<161792xf32, #tpu.memory_space<vmem_shared>> -> memref<2048xf32, #tpu.memory_space<vmem_shared>>
      tpu.enqueue_dma source(%arg7 : memref<2048xf32, #tpu.memory_space<vmem>>) target(%dma_start3A_61 : memref<2048xf32, #tpu.memory_space<vmem_shared>>) target_semaphore(%run_scoped3A : memref<!tpu.dma_semaphore, #tpu.memory_space<semaphore_mem>>)
      %dma_wait3A = tpu.memref_slice %arg8[%add3A_45] : memref<161792xf32, #tpu.memory_space<vmem_shared>> -> memref<2048xf32, #tpu.memory_space<vmem_shared>>
      %dma_wait3A_62 = tpu.memref_slice %arg8[%add3A_45] : memref<161792xf32, #tpu.memory_space<vmem_shared>> -> memref<2048xf32, #tpu.memory_space<vmem_shared>>
      tpu.wait_dma2 semaphore(%run_scoped3A : memref<!tpu.dma_semaphore, #tpu.memory_space<semaphore_mem>>) src(%arg7 : memref<2048xf32, #tpu.memory_space<vmem>>) dst(%dma_wait3A_62 : memref<2048xf32, #tpu.memory_space<vmem_shared>>)
      tpu.yield
    }) : () -> ()
    %add3A_46 = arith.constant 4096 : i32
    %add3A_47 = arith.addi %mul3A_41, %add3A_46 : i32
    "tpu.region"() ({
      %run_scoped3A = tpu.sem_alloc : memref<!tpu.dma_semaphore, #tpu.memory_space<semaphore_mem>>
      %dma_start3A = tpu.memref_slice %arg8[%add3A_47] : memref<161792xf32, #tpu.memory_space<vmem_shared>> -> memref<2048xf32, #tpu.memory_space<vmem_shared>>
      %dma_start3A_61 = tpu.memref_slice %arg8[%add3A_47] : memref<161792xf32, #tpu.memory_space<vmem_shared>> -> memref<2048xf32, #tpu.memory_space<vmem_shared>>
      tpu.enqueue_dma source(%arg7 : memref<2048xf32, #tpu.memory_space<vmem>>) target(%dma_start3A_61 : memref<2048xf32, #tpu.memory_space<vmem_shared>>) target_semaphore(%run_scoped3A : memref<!tpu.dma_semaphore, #tpu.memory_space<semaphore_mem>>)
      %dma_wait3A = tpu.memref_slice %arg8[%add3A_47] : memref<161792xf32, #tpu.memory_space<vmem_shared>> -> memref<2048xf32, #tpu.memory_space<vmem_shared>>
      %dma_wait3A_62 = tpu.memref_slice %arg8[%add3A_47] : memref<161792xf32, #tpu.memory_space<vmem_shared>> -> memref<2048xf32, #tpu.memory_space<vmem_shared>>
      tpu.wait_dma2 semaphore(%run_scoped3A : memref<!tpu.dma_semaphore, #tpu.memory_space<semaphore_mem>>) src(%arg7 : memref<2048xf32, #tpu.memory_space<vmem>>) dst(%dma_wait3A_62 : memref<2048xf32, #tpu.memory_space<vmem_shared>>)
      tpu.yield
    }) : () -> ()
    %add3A_48 = arith.constant 6144 : i32
    %add3A_49 = arith.addi %mul3A_41, %add3A_48 : i32
    "tpu.region"() ({
      %run_scoped3A = tpu.sem_alloc : memref<!tpu.dma_semaphore, #tpu.memory_space<semaphore_mem>>
      %dma_start3A = tpu.memref_slice %arg8[%add3A_49] : memref<161792xf32, #tpu.memory_space<vmem_shared>> -> memref<2048xf32, #tpu.memory_space<vmem_shared>>
      %dma_start3A_61 = tpu.memref_slice %arg8[%add3A_49] : memref<161792xf32, #tpu.memory_space<vmem_shared>> -> memref<2048xf32, #tpu.memory_space<vmem_shared>>
      tpu.enqueue_dma source(%arg7 : memref<2048xf32, #tpu.memory_space<vmem>>) target(%dma_start3A_61 : memref<2048xf32, #tpu.memory_space<vmem_shared>>) target_semaphore(%run_scoped3A : memref<!tpu.dma_semaphore, #tpu.memory_space<semaphore_mem>>)
      %dma_wait3A = tpu.memref_slice %arg8[%add3A_49] : memref<161792xf32, #tpu.memory_space<vmem_shared>> -> memref<2048xf32, #tpu.memory_space<vmem_shared>>
      %dma_wait3A_62 = tpu.memref_slice %arg8[%add3A_49] : memref<161792xf32, #tpu.memory_space<vmem_shared>> -> memref<2048xf32, #tpu.memory_space<vmem_shared>>
      tpu.wait_dma2 semaphore(%run_scoped3A : memref<!tpu.dma_semaphore, #tpu.memory_space<semaphore_mem>>) src(%arg7 : memref<2048xf32, #tpu.memory_space<vmem>>) dst(%dma_wait3A_62 : memref<2048xf32, #tpu.memory_space<vmem_shared>>)
      tpu.yield
    }) : () -> ()
    %add3A_50 = arith.constant 8192 : i32
    %add3A_51 = arith.addi %mul3A_41, %add3A_50 : i32
    "tpu.region"() ({
      %run_scoped3A = tpu.sem_alloc : memref<!tpu.dma_semaphore, #tpu.memory_space<semaphore_mem>>
      %dma_start3A = arith.constant 0 : i32
      %dma_start3A_61 = tpu.memref_slice %arg7[%dma_start3A] : memref<2048xf32, #tpu.memory_space<vmem>> -> memref<1920xf32, #tpu.memory_space<vmem>>
      %dma_start3A_62 = tpu.memref_slice %arg8[%add3A_51] : memref<161792xf32, #tpu.memory_space<vmem_shared>> -> memref<1920xf32, #tpu.memory_space<vmem_shared>>
      %dma_start3A_63 = tpu.memref_slice %arg8[%add3A_51] : memref<161792xf32, #tpu.memory_space<vmem_shared>> -> memref<1920xf32, #tpu.memory_space<vmem_shared>>
      %dma_start3A_64 = arith.constant 0 : i32
      %dma_start3A_65 = tpu.memref_slice %arg7[%dma_start3A_64] : memref<2048xf32, #tpu.memory_space<vmem>> -> memref<1920xf32, #tpu.memory_space<vmem>>
      tpu.enqueue_dma source(%dma_start3A_65 : memref<1920xf32, #tpu.memory_space<vmem>>) target(%dma_start3A_63 : memref<1920xf32, #tpu.memory_space<vmem_shared>>) target_semaphore(%run_scoped3A : memref<!tpu.dma_semaphore, #tpu.memory_space<semaphore_mem>>)
      %dma_wait3A = arith.constant 0 : i32
      %dma_wait3A_66 = tpu.memref_slice %arg7[%dma_wait3A] : memref<2048xf32, #tpu.memory_space<vmem>> -> memref<1920xf32, #tpu.memory_space<vmem>>
      %dma_wait3A_67 = tpu.memref_slice %arg8[%add3A_51] : memref<161792xf32, #tpu.memory_space<vmem_shared>> -> memref<1920xf32, #tpu.memory_space<vmem_shared>>
      %dma_wait3A_68 = tpu.memref_slice %arg8[%add3A_51] : memref<161792xf32, #tpu.memory_space<vmem_shared>> -> memref<1920xf32, #tpu.memory_space<vmem_shared>>
      %dma_wait3A_69 = arith.constant 0 : i32
      %dma_wait3A_70 = tpu.memref_slice %arg7[%dma_wait3A_69] : memref<2048xf32, #tpu.memory_space<vmem>> -> memref<1920xf32, #tpu.memory_space<vmem>>
      tpu.wait_dma2 semaphore(%run_scoped3A : memref<!tpu.dma_semaphore, #tpu.memory_space<semaphore_mem>>) src(%dma_wait3A_70 : memref<1920xf32, #tpu.memory_space<vmem>>) dst(%dma_wait3A_68 : memref<1920xf32, #tpu.memory_space<vmem_shared>>)
      tpu.yield
    }) : () -> ()
    %mul3A_52 = arith.constant 80 : i32
    %mul3A_53 = arith.muli %add3A, %mul3A_52 : i32
    "tpu.region"() ({
      %run_scoped3A = tpu.sem_alloc : memref<!tpu.dma_semaphore, #tpu.memory_space<semaphore_mem>>
      %dma_start3A = arith.constant 0 : i32
      %dma_start3A_61 = tpu.memref_slice %arg2[%mul3A_53, %dma_start3A] : memref<2560x128xi32, #tpu.memory_space<hbm>> -> memref<80x128xi32, #tpu.memory_space<hbm>>
      %dma_start3A_62 = arith.constant 0 : i32
      %dma_start3A_63 = tpu.memref_slice %arg2[%mul3A_53, %dma_start3A_62] : memref<2560x128xi32, #tpu.memory_space<hbm>> -> memref<80x128xi32, #tpu.memory_space<hbm>>
      tpu.enqueue_dma source(%dma_start3A_63 : memref<80x128xi32, #tpu.memory_space<hbm>>) target(%arg4 : memref<80x128xi32, #tpu.memory_space<vmem>>) target_semaphore(%run_scoped3A : memref<!tpu.dma_semaphore, #tpu.memory_space<semaphore_mem>>)
      %dma_wait3A = arith.constant 0 : i32
      %dma_wait3A_64 = tpu.memref_slice %arg2[%mul3A_53, %dma_wait3A] : memref<2560x128xi32, #tpu.memory_space<hbm>> -> memref<80x128xi32, #tpu.memory_space<hbm>>
      %dma_wait3A_65 = arith.constant 0 : i32
      %dma_wait3A_66 = tpu.memref_slice %arg2[%mul3A_53, %dma_wait3A_65] : memref<2560x128xi32, #tpu.memory_space<hbm>> -> memref<80x128xi32, #tpu.memory_space<hbm>>
      tpu.wait_dma2 semaphore(%run_scoped3A : memref<!tpu.dma_semaphore, #tpu.memory_space<semaphore_mem>>) src(%dma_wait3A_66 : memref<80x128xi32, #tpu.memory_space<hbm>>) dst(%arg4 : memref<80x128xi32, #tpu.memory_space<vmem>>)
      tpu.yield
    }) : () -> ()
    %barrier3A = arith.constant 0 : index
    tpu.barrier barrier_id(%barrier3A)
    %scan3A_54 = arith.constant 0 : i32
    %scan3A_55 = arith.constant 0 : i32
    %scan3A_56 = arith.constant 80 : i32
    %scan3A_57 = arith.addi %scan3A_55, %scan3A_56 : i32
    %scan3A_58 = arith.constant 1 : i32
    scf.for %scan3A_61 = %scan3A_55 to %scan3A_57 step %scan3A_58  : i32 {
      %get3A = arith.index_cast %scan3A_61 : i32 to index
      %get3A_62 = arith.constant 0 : index
      %get3A_63 = tpu.vector_load %arg4[%get3A, %get3A_62] {strides = array<i32>} : memref<80x128xi32, #tpu.memory_space<vmem>>, vector<1x16xi32>,
      %get3A_64 = vector.shape_cast %get3A_63 : vector<1x16xi32> to vector<16xi32>
      %shift_right_logical3A = arith.constant 14 : i32
      %shift_right_logical3A_65 = vector.broadcast %shift_right_logical3A : i32 to vector<16xi32>
      %shift_right_logical3A_66 = arith.shrui %get3A_64, %shift_right_logical3A_65 : vector<16xi32>
      %and3A = arith.constant 16383 : i32
      %and3A_67 = vector.broadcast %and3A : i32 to vector<16xi32>
      %and3A_68 = arith.andi %shift_right_logical3A_66, %and3A_67 : vector<16xi32>
      %shift_right_logical3A_69 = arith.constant 28 : i32
      %shift_right_logical3A_70 = vector.broadcast %shift_right_logical3A_69 : i32 to vector<16xi32>
      %shift_right_logical3A_71 = arith.shrui %get3A_64, %shift_right_logical3A_70 : vector<16xi32>
      %and3A_72 = arith.constant 15 : i32
      %and3A_73 = vector.broadcast %and3A_72 : i32 to vector<16xi32>
      %and3A_74 = arith.andi %shift_right_logical3A_71, %and3A_73 : vector<16xi32>
      %mul3A_75 = arith.constant 16 : i32
      %mul3A_76 = vector.broadcast %mul3A_75 : i32 to vector<16xi32>
      %mul3A_77 = arith.muli %and3A_68, %mul3A_76 : vector<16xi32>
      %add3A_78 = arith.addi %mul3A_77, %and3A_74 : vector<16xi32>
      %swap3A_79 = arith.constant 0 : index
      %swap3A_80 = tpu.vector_load %arg5[%swap3A_79] {strides = array<i32>} : memref<128xi32, #tpu.memory_space<vmem>>, vector<16xi32>,
      %swap3A_81 = vector.shape_cast %swap3A_80 : vector<16xi32> to vector<16xi32>
      %swap3A_82 = vector.shape_cast %add3A_78 : vector<16xi32> to vector<16xi32>
      tpu.vector_store %arg5[%swap3A_79], %swap3A_82 {strides = array<i32>} : memref<128xi32, #tpu.memory_space<vmem>>, vector<16xi32>,
      %get3A_83 = arith.index_cast %scan3A_61 : i32 to index
      %get3A_84 = arith.constant 16 : index
      %get3A_85 = tpu.vector_load %arg4[%get3A_83, %get3A_84] {strides = array<i32>} : memref<80x128xi32, #tpu.memory_space<vmem>>, vector<1x16xi32>,
      %get3A_86 = vector.shape_cast %get3A_85 : vector<1x16xi32> to vector<16xi32>
      %shift_right_logical3A_87 = arith.constant 14 : i32
      %shift_right_logical3A_88 = vector.broadcast %shift_right_logical3A_87 : i32 to vector<16xi32>
      %shift_right_logical3A_89 = arith.shrui %get3A_86, %shift_right_logical3A_88 : vector<16xi32>
      %and3A_90 = arith.constant 16383 : i32
      %and3A_91 = vector.broadcast %and3A_90 : i32 to vector<16xi32>
      %and3A_92 = arith.andi %shift_right_logical3A_89, %and3A_91 : vector<16xi32>
      %shift_right_logical3A_93 = arith.constant 28 : i32
      %shift_right_logical3A_94 = vector.broadcast %shift_right_logical3A_93 : i32 to vector<16xi32>
      %shift_right_logical3A_95 = arith.shrui %get3A_86, %shift_right_logical3A_94 : vector<16xi32>
      %and3A_96 = arith.constant 15 : i32
      %and3A_97 = vector.broadcast %and3A_96 : i32 to vector<16xi32>
      %and3A_98 = arith.andi %shift_right_logical3A_95, %and3A_97 : vector<16xi32>
      %mul3A_99 = arith.constant 16 : i32
      %mul3A_100 = vector.broadcast %mul3A_99 : i32 to vector<16xi32>
      %mul3A_101 = arith.muli %and3A_92, %mul3A_100 : vector<16xi32>
      %add3A_102 = arith.addi %mul3A_101, %and3A_98 : vector<16xi32>
      %swap3A_103 = arith.constant 16 : index
      %swap3A_104 = tpu.vector_load %arg5[%swap3A_103] {strides = array<i32>} : memref<128xi32, #tpu.memory_space<vmem>>, vector<16xi32>,
      %swap3A_105 = vector.shape_cast %swap3A_104 : vector<16xi32> to vector<16xi32>
      %swap3A_106 = vector.shape_cast %add3A_102 : vector<16xi32> to vector<16xi32>
      tpu.vector_store %arg5[%swap3A_103], %swap3A_106 {strides = array<i32>} : memref<128xi32, #tpu.memory_space<vmem>>, vector<16xi32>,
      %get3A_107 = arith.index_cast %scan3A_61 : i32 to index
      %get3A_108 = arith.constant 32 : index
      %get3A_109 = tpu.vector_load %arg4[%get3A_107, %get3A_108] {strides = array<i32>} : memref<80x128xi32, #tpu.memory_space<vmem>>, vector<1x16xi32>,
      %get3A_110 = vector.shape_cast %get3A_109 : vector<1x16xi32> to vector<16xi32>
      %shift_right_logical3A_111 = arith.constant 14 : i32
      %shift_right_logical3A_112 = vector.broadcast %shift_right_logical3A_111 : i32 to vector<16xi32>
      %shift_right_logical3A_113 = arith.shrui %get3A_110, %shift_right_logical3A_112 : vector<16xi32>
      %and3A_114 = arith.constant 16383 : i32
      %and3A_115 = vector.broadcast %and3A_114 : i32 to vector<16xi32>
      %and3A_116 = arith.andi %shift_right_logical3A_113, %and3A_115 : vector<16xi32>
      %shift_right_logical3A_117 = arith.constant 28 : i32
      %shift_right_logical3A_118 = vector.broadcast %shift_right_logical3A_117 : i32 to vector<16xi32>
      %shift_right_logical3A_119 = arith.shrui %get3A_110, %shift_right_logical3A_118 : vector<16xi32>
      %and3A_120 = arith.constant 15 : i32
      %and3A_121 = vector.broadcast %and3A_120 : i32 to vector<16xi32>
      %and3A_122 = arith.andi %shift_right_logical3A_119, %and3A_121 : vector<16xi32>
      %mul3A_123 = arith.constant 16 : i32
      %mul3A_124 = vector.broadcast %mul3A_123 : i32 to vector<16xi32>
      %mul3A_125 = arith.muli %and3A_116, %mul3A_124 : vector<16xi32>
      %add3A_126 = arith.addi %mul3A_125, %and3A_122 : vector<16xi32>
      %swap3A_127 = arith.constant 32 : index
      %swap3A_128 = tpu.vector_load %arg5[%swap3A_127] {strides = array<i32>} : memref<128xi32, #tpu.memory_space<vmem>>, vector<16xi32>,
      %swap3A_129 = vector.shape_cast %swap3A_128 : vector<16xi32> to vector<16xi32>
      %swap3A_130 = vector.shape_cast %add3A_126 : vector<16xi32> to vector<16xi32>
      tpu.vector_store %arg5[%swap3A_127], %swap3A_130 {strides = array<i32>} : memref<128xi32, #tpu.memory_space<vmem>>, vector<16xi32>,
      %get3A_131 = arith.index_cast %scan3A_61 : i32 to index
      %get3A_132 = arith.constant 48 : index
      %get3A_133 = tpu.vector_load %arg4[%get3A_131, %get3A_132] {strides = array<i32>} : memref<80x128xi32, #tpu.memory_space<vmem>>, vector<1x16xi32>,
      %get3A_134 = vector.shape_cast %get3A_133 : vector<1x16xi32> to vector<16xi32>
      %shift_right_logical3A_135 = arith.constant 14 : i32
      %shift_right_logical3A_136 = vector.broadcast %shift_right_logical3A_135 : i32 to vector<16xi32>
      %shift_right_logical3A_137 = arith.shrui %get3A_134, %shift_right_logical3A_136 : vector<16xi32>
      %and3A_138 = arith.constant 16383 : i32
      %and3A_139 = vector.broadcast %and3A_138 : i32 to vector<16xi32>
      %and3A_140 = arith.andi %shift_right_logical3A_137, %and3A_139 : vector<16xi32>
      %shift_right_logical3A_141 = arith.constant 28 : i32
      %shift_right_logical3A_142 = vector.broadcast %shift_right_logical3A_141 : i32 to vector<16xi32>
      %shift_right_logical3A_143 = arith.shrui %get3A_134, %shift_right_logical3A_142 : vector<16xi32>
      %and3A_144 = arith.constant 15 : i32
      %and3A_145 = vector.broadcast %and3A_144 : i32 to vector<16xi32>
      %and3A_146 = arith.andi %shift_right_logical3A_143, %and3A_145 : vector<16xi32>
      %mul3A_147 = arith.constant 16 : i32
      %mul3A_148 = vector.broadcast %mul3A_147 : i32 to vector<16xi32>
      %mul3A_149 = arith.muli %and3A_140, %mul3A_148 : vector<16xi32>
      %add3A_150 = arith.addi %mul3A_149, %and3A_146 : vector<16xi32>
      %swap3A_151 = arith.constant 48 : index
      %swap3A_152 = tpu.vector_load %arg5[%swap3A_151] {strides = array<i32>} : memref<128xi32, #tpu.memory_space<vmem>>, vector<16xi32>,
      %swap3A_153 = vector.shape_cast %swap3A_152 : vector<16xi32> to vector<16xi32>
      %swap3A_154 = vector.shape_cast %add3A_150 : vector<16xi32> to vector<16xi32>
      tpu.vector_store %arg5[%swap3A_151], %swap3A_154 {strides = array<i32>} : memref<128xi32, #tpu.memory_space<vmem>>, vector<16xi32>,
      %get3A_155 = arith.index_cast %scan3A_61 : i32 to index
      %get3A_156 = arith.constant 64 : index
      %get3A_157 = tpu.vector_load %arg4[%get3A_155, %get3A_156] {strides = array<i32>} : memref<80x128xi32, #tpu.memory_space<vmem>>, vector<1x16xi32>,
      %get3A_158 = vector.shape_cast %get3A_157 : vector<1x16xi32> to vector<16xi32>
      %shift_right_logical3A_159 = arith.constant 14 : i32
      %shift_right_logical3A_160 = vector.broadcast %shift_right_logical3A_159 : i32 to vector<16xi32>
      %shift_right_logical3A_161 = arith.shrui %get3A_158, %shift_right_logical3A_160 : vector<16xi32>
      %and3A_162 = arith.constant 16383 : i32
      %and3A_163 = vector.broadcast %and3A_162 : i32 to vector<16xi32>
      %and3A_164 = arith.andi %shift_right_logical3A_161, %and3A_163 : vector<16xi32>
      %shift_right_logical3A_165 = arith.constant 28 : i32
      %shift_right_logical3A_166 = vector.broadcast %shift_right_logical3A_165 : i32 to vector<16xi32>
      %shift_right_logical3A_167 = arith.shrui %get3A_158, %shift_right_logical3A_166 : vector<16xi32>
      %and3A_168 = arith.constant 15 : i32
      %and3A_169 = vector.broadcast %and3A_168 : i32 to vector<16xi32>
      %and3A_170 = arith.andi %shift_right_logical3A_167, %and3A_169 : vector<16xi32>
      %mul3A_171 = arith.constant 16 : i32
      %mul3A_172 = vector.broadcast %mul3A_171 : i32 to vector<16xi32>
      %mul3A_173 = arith.muli %and3A_164, %mul3A_172 : vector<16xi32>
      %add3A_174 = arith.addi %mul3A_173, %and3A_170 : vector<16xi32>
      %swap3A_175 = arith.constant 64 : index
      %swap3A_176 = tpu.vector_load %arg5[%swap3A_175] {strides = array<i32>} : memref<128xi32, #tpu.memory_space<vmem>>, vector<16xi32>,
      %swap3A_177 = vector.shape_cast %swap3A_176 : vector<16xi32> to vector<16xi32>
      %swap3A_178 = vector.shape_cast %add3A_174 : vector<16xi32> to vector<16xi32>
      tpu.vector_store %arg5[%swap3A_175], %swap3A_178 {strides = array<i32>} : memref<128xi32, #tpu.memory_space<vmem>>, vector<16xi32>,
      %get3A_179 = arith.index_cast %scan3A_61 : i32 to index
      %get3A_180 = arith.constant 80 : index
      %get3A_181 = tpu.vector_load %arg4[%get3A_179, %get3A_180] {strides = array<i32>} : memref<80x128xi32, #tpu.memory_space<vmem>>, vector<1x16xi32>,
      %get3A_182 = vector.shape_cast %get3A_181 : vector<1x16xi32> to vector<16xi32>
      %shift_right_logical3A_183 = arith.constant 14 : i32
      %shift_right_logical3A_184 = vector.broadcast %shift_right_logical3A_183 : i32 to vector<16xi32>
      %shift_right_logical3A_185 = arith.shrui %get3A_182, %shift_right_logical3A_184 : vector<16xi32>
      %and3A_186 = arith.constant 16383 : i32
      %and3A_187 = vector.broadcast %and3A_186 : i32 to vector<16xi32>
      %and3A_188 = arith.andi %shift_right_logical3A_185, %and3A_187 : vector<16xi32>
      %shift_right_logical3A_189 = arith.constant 28 : i32
      %shift_right_logical3A_190 = vector.broadcast %shift_right_logical3A_189 : i32 to vector<16xi32>
      %shift_right_logical3A_191 = arith.shrui %get3A_182, %shift_right_logical3A_190 : vector<16xi32>
      %and3A_192 = arith.constant 15 : i32
      %and3A_193 = vector.broadcast %and3A_192 : i32 to vector<16xi32>
      %and3A_194 = arith.andi %shift_right_logical3A_191, %and3A_193 : vector<16xi32>
      %mul3A_195 = arith.constant 16 : i32
      %mul3A_196 = vector.broadcast %mul3A_195 : i32 to vector<16xi32>
      %mul3A_197 = arith.muli %and3A_188, %mul3A_196 : vector<16xi32>
      %add3A_198 = arith.addi %mul3A_197, %and3A_194 : vector<16xi32>
      %swap3A_199 = arith.constant 80 : index
      %swap3A_200 = tpu.vector_load %arg5[%swap3A_199] {strides = array<i32>} : memref<128xi32, #tpu.memory_space<vmem>>, vector<16xi32>,
      %swap3A_201 = vector.shape_cast %swap3A_200 : vector<16xi32> to vector<16xi32>
      %swap3A_202 = vector.shape_cast %add3A_198 : vector<16xi32> to vector<16xi32>
      tpu.vector_store %arg5[%swap3A_199], %swap3A_202 {strides = array<i32>} : memref<128xi32, #tpu.memory_space<vmem>>, vector<16xi32>,
      %get3A_203 = arith.index_cast %scan3A_61 : i32 to index
      %get3A_204 = arith.constant 96 : index
      %get3A_205 = tpu.vector_load %arg4[%get3A_203, %get3A_204] {strides = array<i32>} : memref<80x128xi32, #tpu.memory_space<vmem>>, vector<1x16xi32>,
      %get3A_206 = vector.shape_cast %get3A_205 : vector<1x16xi32> to vector<16xi32>
      %shift_right_logical3A_207 = arith.constant 14 : i32
      %shift_right_logical3A_208 = vector.broadcast %shift_right_logical3A_207 : i32 to vector<16xi32>
      %shift_right_logical3A_209 = arith.shrui %get3A_206, %shift_right_logical3A_208 : vector<16xi32>
      %and3A_210 = arith.constant 16383 : i32
      %and3A_211 = vector.broadcast %and3A_210 : i32 to vector<16xi32>
      %and3A_212 = arith.andi %shift_right_logical3A_209, %and3A_211 : vector<16xi32>
      %shift_right_logical3A_213 = arith.constant 28 : i32
      %shift_right_logical3A_214 = vector.broadcast %shift_right_logical3A_213 : i32 to vector<16xi32>
      %shift_right_logical3A_215 = arith.shrui %get3A_206, %shift_right_logical3A_214 : vector<16xi32>
      %and3A_216 = arith.constant 15 : i32
      %and3A_217 = vector.broadcast %and3A_216 : i32 to vector<16xi32>
      %and3A_218 = arith.andi %shift_right_logical3A_215, %and3A_217 : vector<16xi32>
      %mul3A_219 = arith.constant 16 : i32
      %mul3A_220 = vector.broadcast %mul3A_219 : i32 to vector<16xi32>
      %mul3A_221 = arith.muli %and3A_212, %mul3A_220 : vector<16xi32>
      %add3A_222 = arith.addi %mul3A_221, %and3A_218 : vector<16xi32>
      %swap3A_223 = arith.constant 96 : index
      %swap3A_224 = tpu.vector_load %arg5[%swap3A_223] {strides = array<i32>} : memref<128xi32, #tpu.memory_space<vmem>>, vector<16xi32>,
      %swap3A_225 = vector.shape_cast %swap3A_224 : vector<16xi32> to vector<16xi32>
      %swap3A_226 = vector.shape_cast %add3A_222 : vector<16xi32> to vector<16xi32>
      tpu.vector_store %arg5[%swap3A_223], %swap3A_226 {strides = array<i32>} : memref<128xi32, #tpu.memory_space<vmem>>, vector<16xi32>,
      %get3A_227 = arith.index_cast %scan3A_61 : i32 to index
      %get3A_228 = arith.constant 112 : index
      %get3A_229 = tpu.vector_load %arg4[%get3A_227, %get3A_228] {strides = array<i32>} : memref<80x128xi32, #tpu.memory_space<vmem>>, vector<1x16xi32>,
      %get3A_230 = vector.shape_cast %get3A_229 : vector<1x16xi32> to vector<16xi32>
      %shift_right_logical3A_231 = arith.constant 14 : i32
      %shift_right_logical3A_232 = vector.broadcast %shift_right_logical3A_231 : i32 to vector<16xi32>
      %shift_right_logical3A_233 = arith.shrui %get3A_230, %shift_right_logical3A_232 : vector<16xi32>
      %and3A_234 = arith.constant 16383 : i32
      %and3A_235 = vector.broadcast %and3A_234 : i32 to vector<16xi32>
      %and3A_236 = arith.andi %shift_right_logical3A_233, %and3A_235 : vector<16xi32>
      %shift_right_logical3A_237 = arith.constant 28 : i32
      %shift_right_logical3A_238 = vector.broadcast %shift_right_logical3A_237 : i32 to vector<16xi32>
      %shift_right_logical3A_239 = arith.shrui %get3A_230, %shift_right_logical3A_238 : vector<16xi32>
      %and3A_240 = arith.constant 15 : i32
      %and3A_241 = vector.broadcast %and3A_240 : i32 to vector<16xi32>
      %and3A_242 = arith.andi %shift_right_logical3A_239, %and3A_241 : vector<16xi32>
      %mul3A_243 = arith.constant 16 : i32
      %mul3A_244 = vector.broadcast %mul3A_243 : i32 to vector<16xi32>
      %mul3A_245 = arith.muli %and3A_236, %mul3A_244 : vector<16xi32>
      %add3A_246 = arith.addi %mul3A_245, %and3A_242 : vector<16xi32>
      %swap3A_247 = arith.constant 112 : index
      %swap3A_248 = tpu.vector_load %arg5[%swap3A_247] {strides = array<i32>} : memref<128xi32, #tpu.memory_space<vmem>>, vector<16xi32>,
      %swap3A_249 = vector.shape_cast %swap3A_248 : vector<16xi32> to vector<16xi32>
      %swap3A_250 = vector.shape_cast %add3A_246 : vector<16xi32> to vector<16xi32>
      tpu.vector_store %arg5[%swap3A_247], %swap3A_250 {strides = array<i32>} : memref<128xi32, #tpu.memory_space<vmem>>, vector<16xi32>,
      "tpu.region"() ({
        %run_scoped3A = tpu.sem_alloc : memref<!tpu.dma_semaphore, #tpu.memory_space<semaphore_mem>>
        %dma_start3A = arith.constant 0 : i32
        %dma_start3A_251 = tpu.memref_slice %arg8[%dma_start3A] : memref<161792xf32, #tpu.memory_space<vmem_shared>> -> memref<161792xf32, #tpu.memory_space<vmem_shared>>
        tpu.enqueue_indirect_dma source(%arg6 : memref<128xf32, #tpu.memory_space<vmem>>) target(%dma_start3A_251 : memref<161792xf32, #tpu.memory_space<vmem_shared>>) offsets(%arg5 : memref<128xi32, #tpu.memory_space<vmem>>) semaphore(%run_scoped3A : memref<!tpu.dma_semaphore, #tpu.memory_space<semaphore_mem>>) {add = true}
        %dma_wait3A = arith.constant 0 : i32
        %dma_wait3A_252 = tpu.memref_slice %arg8[%dma_wait3A] : memref<161792xf32, #tpu.memory_space<vmem_shared>> -> memref<161792xf32, #tpu.memory_space<vmem_shared>>
        tpu.wait_indirect_dma semaphore(%run_scoped3A : memref<!tpu.dma_semaphore, #tpu.memory_space<semaphore_mem>>) src(%arg6 : memref<128xf32, #tpu.memory_space<vmem>>) dst(%dma_wait3A_252 : memref<161792xf32, #tpu.memory_space<vmem_shared>>)
        tpu.yield
      }) : () -> ()
    }
    %scan3A_59 = arith.constant 80 : i32
    %barrier3A_60 = arith.constant 0 : index
    tpu.barrier barrier_id(%barrier3A_60)
    "tpu.region"() ({
      %run_scoped3A = tpu.sem_alloc : memref<!tpu.dma_semaphore, #tpu.memory_space<semaphore_mem>>
      %dma_start3A = tpu.memref_slice %arg3[%arg0, %mul3A_41] : memref<2x161792xf32, #tpu.memory_space<hbm>> -> memref<1x10112xf32, #tpu.memory_space<hbm>>
      %dma_start3A_61 = tpu.memref_squeeze %dma_start3A : memref<1x10112xf32, #tpu.memory_space<hbm>> -> memref<10112xf32, #tpu.memory_space<hbm>>
      %dma_start3A_62 = tpu.memref_slice %arg8[%mul3A_41] : memref<161792xf32, #tpu.memory_space<vmem_shared>> -> memref<10112xf32, #tpu.memory_space<vmem_shared>>
      tpu.enqueue_dma source(%dma_start3A_62 : memref<10112xf32, #tpu.memory_space<vmem_shared>>) target(%dma_start3A_61 : memref<10112xf32, #tpu.memory_space<hbm>>) target_semaphore(%run_scoped3A : memref<!tpu.dma_semaphore, #tpu.memory_space<semaphore_mem>>)
      %dma_wait3A = tpu.memref_slice %arg3[%arg0, %mul3A_41] : memref<2x161792xf32, #tpu.memory_space<hbm>> -> memref<1x10112xf32, #tpu.memory_space<hbm>>
      %dma_wait3A_63 = tpu.memref_squeeze %dma_wait3A : memref<1x10112xf32, #tpu.memory_space<hbm>> -> memref<10112xf32, #tpu.memory_space<hbm>>
      %dma_wait3A_64 = tpu.memref_slice %arg8[%mul3A_41] : memref<161792xf32, #tpu.memory_space<vmem_shared>> -> memref<10112xf32, #tpu.memory_space<vmem_shared>>
      tpu.wait_dma2 semaphore(%run_scoped3A : memref<!tpu.dma_semaphore, #tpu.memory_space<semaphore_mem>>) src(%dma_wait3A_64 : memref<10112xf32, #tpu.memory_space<vmem_shared>>) dst(%dma_wait3A_63 : memref<10112xf32, #tpu.memory_space<hbm>>)
      tpu.yield
    }) : () -> ()
    return
  }
}

#map = affine_map<(d0, d1) -> (0, 0)>
#map1 = affine_map<(d0, d1) -> (0, 0, 0)>
module attributes {stable_mosaic.version = 14 : i64} {
  func.func @sc_agg(%arg0: i32, %arg1: i32, %arg2: memref<10000x128xf32, #tpu.memory_space<hbm>>, %arg3: memref<2560x128xi32, #tpu.memory_space<hbm>>, %arg4: memref<2x10112x128xf32, #tpu.memory_space<hbm>>, %arg5: memref<80x128xi32, #tpu.memory_space<vmem>>, %arg6: memref<4x64xi32, #tpu.memory_space<vmem>>, %arg7: memref<4x64xi32, #tpu.memory_space<vmem>>, %arg8: memref<4x64x128xf32, #tpu.memory_space<vmem>>, %arg9: memref<10112x128xf32, #tpu.memory_space<vmem_shared>>, %arg10: memref<!tpu.dma_semaphore, #tpu.memory_space<semaphore_mem>>, %arg11: memref<!tpu.dma_semaphore, #tpu.memory_space<semaphore_mem>>, %arg12: memref<!tpu.dma_semaphore, #tpu.memory_space<semaphore_mem>>, %arg13: memref<!tpu.dma_semaphore, #tpu.memory_space<semaphore_mem>>, %arg14: memref<!tpu.dma_semaphore, #tpu.memory_space<semaphore_mem>>, %arg15: memref<!tpu.dma_semaphore, #tpu.memory_space<semaphore_mem>>, %arg16: memref<!tpu.dma_semaphore, #tpu.memory_space<semaphore_mem>>, %arg17: memref<!tpu.dma_semaphore, #tpu.memory_space<semaphore_mem>>) attributes {dimension_semantics = [#tpu.dimension_semantics<core_parallel>, #tpu.dimension_semantics<subcore_parallel>], iteration_bounds = array<i64: 2, 16>, scalar_prefetch = 0 : i64, scratch_operands = 13 : i64, tpu.core_type = #tpu.core_type<sc_vector_subcore>, window_params = [{transform_indices = #map}, {transform_indices = #map}, {transform_indices = #map1}]} {
    %mul3A = arith.constant 16 : i32
    %mul3A_0 = arith.muli %arg0, %mul3A : i32
    %add3A = arith.addi %mul3A_0, %arg1 : i32
    %broadcast_in_dim3A = arith.constant 0.000000e+00 : f32
    %broadcast_in_dim3A_1 = vector.broadcast %broadcast_in_dim3A : f32 to vector<16xf32>
    %mul3A_2 = arith.constant 80 : i32
    %mul3A_3 = arith.muli %add3A, %mul3A_2 : i32
    "tpu.region"() ({
      %run_scoped3A_729 = tpu.sem_alloc : memref<!tpu.dma_semaphore, #tpu.memory_space<semaphore_mem>>
      %dma_start3A_730 = arith.constant 0 : i32
      %dma_start3A_731 = tpu.memref_slice %arg3[%mul3A_3, %dma_start3A_730] : memref<2560x128xi32, #tpu.memory_space<hbm>> -> memref<80x128xi32, #tpu.memory_space<hbm>>
      %dma_start3A_732 = arith.constant 0 : i32
      %dma_start3A_733 = tpu.memref_slice %arg3[%mul3A_3, %dma_start3A_732] : memref<2560x128xi32, #tpu.memory_space<hbm>> -> memref<80x128xi32, #tpu.memory_space<hbm>>
      tpu.enqueue_dma source(%dma_start3A_733 : memref<80x128xi32, #tpu.memory_space<hbm>>) target(%arg5 : memref<80x128xi32, #tpu.memory_space<vmem>>) target_semaphore(%run_scoped3A_729 : memref<!tpu.dma_semaphore, #tpu.memory_space<semaphore_mem>>)
      %dma_wait3A_734 = arith.constant 0 : i32
      %dma_wait3A_735 = tpu.memref_slice %arg3[%mul3A_3, %dma_wait3A_734] : memref<2560x128xi32, #tpu.memory_space<hbm>> -> memref<80x128xi32, #tpu.memory_space<hbm>>
      %dma_wait3A_736 = arith.constant 0 : i32
      %dma_wait3A_737 = tpu.memref_slice %arg3[%mul3A_3, %dma_wait3A_736] : memref<2560x128xi32, #tpu.memory_space<hbm>> -> memref<80x128xi32, #tpu.memory_space<hbm>>
      tpu.wait_dma2 semaphore(%run_scoped3A_729 : memref<!tpu.dma_semaphore, #tpu.memory_space<semaphore_mem>>) src(%dma_wait3A_737 : memref<80x128xi32, #tpu.memory_space<hbm>>) dst(%arg5 : memref<80x128xi32, #tpu.memory_space<vmem>>)
      tpu.yield
    }) : () -> ()
    %scan3A = arith.constant 0 : i32
    %scan3A_4 = arith.constant 0 : i32
    %scan3A_5 = arith.constant 64 : i32
    %scan3A_6 = arith.addi %scan3A_4, %scan3A_5 : i32
    %scan3A_7 = arith.constant 1 : i32
    scf.for %scan3A_729 = %scan3A_4 to %scan3A_6 step %scan3A_7  : i32 {
      %swap3A_730 = arith.constant 0 : i32
      %swap3A_731 = arith.index_cast %swap3A_730 : i32 to index
      %swap3A_732 = arith.index_cast %scan3A_729 : i32 to index
      %swap3A_733 = arith.constant 0 : index
      %swap3A_734 = tpu.vector_load %arg8[%swap3A_731, %swap3A_732, %swap3A_733] {strides = array<i32>} : memref<4x64x128xf32, #tpu.memory_space<vmem>>, vector<1x1x16xf32>,
      %swap3A_735 = vector.shape_cast %swap3A_734 : vector<1x1x16xf32> to vector<16xf32>
      %swap3A_736 = vector.shape_cast %broadcast_in_dim3A_1 : vector<16xf32> to vector<1x1x16xf32>
      tpu.vector_store %arg8[%swap3A_731, %swap3A_732, %swap3A_733], %swap3A_736 {strides = array<i32>} : memref<4x64x128xf32, #tpu.memory_space<vmem>>, vector<1x1x16xf32>,
      %swap3A_737 = arith.constant 0 : i32
      %swap3A_738 = arith.index_cast %swap3A_737 : i32 to index
      %swap3A_739 = arith.index_cast %scan3A_729 : i32 to index
      %swap3A_740 = arith.constant 16 : index
      %swap3A_741 = tpu.vector_load %arg8[%swap3A_738, %swap3A_739, %swap3A_740] {strides = array<i32>} : memref<4x64x128xf32, #tpu.memory_space<vmem>>, vector<1x1x16xf32>,
      %swap3A_742 = vector.shape_cast %swap3A_741 : vector<1x1x16xf32> to vector<16xf32>
      %swap3A_743 = vector.shape_cast %broadcast_in_dim3A_1 : vector<16xf32> to vector<1x1x16xf32>
      tpu.vector_store %arg8[%swap3A_738, %swap3A_739, %swap3A_740], %swap3A_743 {strides = array<i32>} : memref<4x64x128xf32, #tpu.memory_space<vmem>>, vector<1x1x16xf32>,
      %swap3A_744 = arith.constant 0 : i32
      %swap3A_745 = arith.index_cast %swap3A_744 : i32 to index
      %swap3A_746 = arith.index_cast %scan3A_729 : i32 to index
      %swap3A_747 = arith.constant 32 : index
      %swap3A_748 = tpu.vector_load %arg8[%swap3A_745, %swap3A_746, %swap3A_747] {strides = array<i32>} : memref<4x64x128xf32, #tpu.memory_space<vmem>>, vector<1x1x16xf32>,
      %swap3A_749 = vector.shape_cast %swap3A_748 : vector<1x1x16xf32> to vector<16xf32>
      %swap3A_750 = vector.shape_cast %broadcast_in_dim3A_1 : vector<16xf32> to vector<1x1x16xf32>
      tpu.vector_store %arg8[%swap3A_745, %swap3A_746, %swap3A_747], %swap3A_750 {strides = array<i32>} : memref<4x64x128xf32, #tpu.memory_space<vmem>>, vector<1x1x16xf32>,
      %swap3A_751 = arith.constant 0 : i32
      %swap3A_752 = arith.index_cast %swap3A_751 : i32 to index
      %swap3A_753 = arith.index_cast %scan3A_729 : i32 to index
      %swap3A_754 = arith.constant 48 : index
      %swap3A_755 = tpu.vector_load %arg8[%swap3A_752, %swap3A_753, %swap3A_754] {strides = array<i32>} : memref<4x64x128xf32, #tpu.memory_space<vmem>>, vector<1x1x16xf32>,
      %swap3A_756 = vector.shape_cast %swap3A_755 : vector<1x1x16xf32> to vector<16xf32>
      %swap3A_757 = vector.shape_cast %broadcast_in_dim3A_1 : vector<16xf32> to vector<1x1x16xf32>
      tpu.vector_store %arg8[%swap3A_752, %swap3A_753, %swap3A_754], %swap3A_757 {strides = array<i32>} : memref<4x64x128xf32, #tpu.memory_space<vmem>>, vector<1x1x16xf32>,
      %swap3A_758 = arith.constant 0 : i32
      %swap3A_759 = arith.index_cast %swap3A_758 : i32 to index
      %swap3A_760 = arith.index_cast %scan3A_729 : i32 to index
      %swap3A_761 = arith.constant 64 : index
      %swap3A_762 = tpu.vector_load %arg8[%swap3A_759, %swap3A_760, %swap3A_761] {strides = array<i32>} : memref<4x64x128xf32, #tpu.memory_space<vmem>>, vector<1x1x16xf32>,
      %swap3A_763 = vector.shape_cast %swap3A_762 : vector<1x1x16xf32> to vector<16xf32>
      %swap3A_764 = vector.shape_cast %broadcast_in_dim3A_1 : vector<16xf32> to vector<1x1x16xf32>
      tpu.vector_store %arg8[%swap3A_759, %swap3A_760, %swap3A_761], %swap3A_764 {strides = array<i32>} : memref<4x64x128xf32, #tpu.memory_space<vmem>>, vector<1x1x16xf32>,
      %swap3A_765 = arith.constant 0 : i32
      %swap3A_766 = arith.index_cast %swap3A_765 : i32 to index
      %swap3A_767 = arith.index_cast %scan3A_729 : i32 to index
      %swap3A_768 = arith.constant 80 : index
      %swap3A_769 = tpu.vector_load %arg8[%swap3A_766, %swap3A_767, %swap3A_768] {strides = array<i32>} : memref<4x64x128xf32, #tpu.memory_space<vmem>>, vector<1x1x16xf32>,
      %swap3A_770 = vector.shape_cast %swap3A_769 : vector<1x1x16xf32> to vector<16xf32>
      %swap3A_771 = vector.shape_cast %broadcast_in_dim3A_1 : vector<16xf32> to vector<1x1x16xf32>
      tpu.vector_store %arg8[%swap3A_766, %swap3A_767, %swap3A_768], %swap3A_771 {strides = array<i32>} : memref<4x64x128xf32, #tpu.memory_space<vmem>>, vector<1x1x16xf32>,
      %swap3A_772 = arith.constant 0 : i32
      %swap3A_773 = arith.index_cast %swap3A_772 : i32 to index
      %swap3A_774 = arith.index_cast %scan3A_729 : i32 to index
      %swap3A_775 = arith.constant 96 : index
      %swap3A_776 = tpu.vector_load %arg8[%swap3A_773, %swap3A_774, %swap3A_775] {strides = array<i32>} : memref<4x64x128xf32, #tpu.memory_space<vmem>>, vector<1x1x16xf32>,
      %swap3A_777 = vector.shape_cast %swap3A_776 : vector<1x1x16xf32> to vector<16xf32>
      %swap3A_778 = vector.shape_cast %broadcast_in_dim3A_1 : vector<16xf32> to vector<1x1x16xf32>
      tpu.vector_store %arg8[%swap3A_773, %swap3A_774, %swap3A_775], %swap3A_778 {strides = array<i32>} : memref<4x64x128xf32, #tpu.memory_space<vmem>>, vector<1x1x16xf32>,
      %swap3A_779 = arith.constant 0 : i32
      %swap3A_780 = arith.index_cast %swap3A_779 : i32 to index
      %swap3A_781 = arith.index_cast %scan3A_729 : i32 to index
      %swap3A_782 = arith.constant 112 : index
      %swap3A_783 = tpu.vector_load %arg8[%swap3A_780, %swap3A_781, %swap3A_782] {strides = array<i32>} : memref<4x64x128xf32, #tpu.memory_space<vmem>>, vector<1x1x16xf32>,
      %swap3A_784 = vector.shape_cast %swap3A_783 : vector<1x1x16xf32> to vector<16xf32>
      %swap3A_785 = vector.shape_cast %broadcast_in_dim3A_1 : vector<16xf32> to vector<1x1x16xf32>
      tpu.vector_store %arg8[%swap3A_780, %swap3A_781, %swap3A_782], %swap3A_785 {strides = array<i32>} : memref<4x64x128xf32, #tpu.memory_space<vmem>>, vector<1x1x16xf32>,
    }
    %scan3A_8 = arith.constant 64 : i32
    %mul3A_9 = arith.constant 632 : i32
    %mul3A_10 = arith.muli %arg1, %mul3A_9 : i32
    %add3A_11 = arith.constant 0 : i32
    %add3A_12 = arith.addi %mul3A_10, %add3A_11 : i32
    %run_scoped3A = arith.constant 0 : i32
    "tpu.region"() ({
      %run_scoped3A_729 = tpu.sem_alloc : memref<!tpu.dma_semaphore, #tpu.memory_space<semaphore_mem>>
      %dma_start3A_730 = arith.constant 0 : i32
      %dma_start3A_731 = arith.constant 0 : i32
      %dma_start3A_732 = tpu.memref_slice %arg8[%run_scoped3A, %dma_start3A_730, %dma_start3A_731] : memref<4x64x128xf32, #tpu.memory_space<vmem>> -> memref<1x64x128xf32, #tpu.memory_space<vmem>>
      %dma_start3A_733 = tpu.memref_squeeze %dma_start3A_732 : memref<1x64x128xf32, #tpu.memory_space<vmem>> -> memref<64x128xf32, #tpu.memory_space<vmem>>
      %dma_start3A_734 = arith.constant 0 : i32
      %dma_start3A_735 = tpu.memref_slice %arg9[%add3A_12, %dma_start3A_734] : memref<10112x128xf32, #tpu.memory_space<vmem_shared>> -> memref<64x128xf32, #tpu.memory_space<vmem_shared>>
      %dma_start3A_736 = arith.constant 0 : i32
      %dma_start3A_737 = tpu.memref_slice %arg9[%add3A_12, %dma_start3A_736] : memref<10112x128xf32, #tpu.memory_space<vmem_shared>> -> memref<64x128xf32, #tpu.memory_space<vmem_shared>>
      %dma_start3A_738 = arith.constant 0 : i32
      %dma_start3A_739 = arith.constant 0 : i32
      %dma_start3A_740 = tpu.memref_slice %arg8[%run_scoped3A, %dma_start3A_738, %dma_start3A_739] : memref<4x64x128xf32, #tpu.memory_space<vmem>> -> memref<1x64x128xf32, #tpu.memory_space<vmem>>
      %dma_start3A_741 = tpu.memref_squeeze %dma_start3A_740 : memref<1x64x128xf32, #tpu.memory_space<vmem>> -> memref<64x128xf32, #tpu.memory_space<vmem>>
      tpu.enqueue_dma source(%dma_start3A_741 : memref<64x128xf32, #tpu.memory_space<vmem>>) target(%dma_start3A_737 : memref<64x128xf32, #tpu.memory_space<vmem_shared>>) target_semaphore(%run_scoped3A_729 : memref<!tpu.dma_semaphore, #tpu.memory_space<semaphore_mem>>)
      %dma_wait3A_742 = arith.constant 0 : i32
      %dma_wait3A_743 = arith.constant 0 : i32
      %dma_wait3A_744 = tpu.memref_slice %arg8[%run_scoped3A, %dma_wait3A_742, %dma_wait3A_743] : memref<4x64x128xf32, #tpu.memory_space<vmem>> -> memref<1x64x128xf32, #tpu.memory_space<vmem>>
      %dma_wait3A_745 = tpu.memref_squeeze %dma_wait3A_744 : memref<1x64x128xf32, #tpu.memory_space<vmem>> -> memref<64x128xf32, #tpu.memory_space<vmem>>
      %dma_wait3A_746 = arith.constant 0 : i32
      %dma_wait3A_747 = tpu.memref_slice %arg9[%add3A_12, %dma_wait3A_746] : memref<10112x128xf32, #tpu.memory_space<vmem_shared>> -> memref<64x128xf32, #tpu.memory_space<vmem_shared>>
      %dma_wait3A_748 = arith.constant 0 : i32
      %dma_wait3A_749 = tpu.memref_slice %arg9[%add3A_12, %dma_wait3A_748] : memref<10112x128xf32, #tpu.memory_space<vmem_shared>> -> memref<64x128xf32, #tpu.memory_space<vmem_shared>>
      %dma_wait3A_750 = arith.constant 0 : i32
      %dma_wait3A_751 = arith.constant 0 : i32
      %dma_wait3A_752 = tpu.memref_slice %arg8[%run_scoped3A, %dma_wait3A_750, %dma_wait3A_751] : memref<4x64x128xf32, #tpu.memory_space<vmem>> -> memref<1x64x128xf32, #tpu.memory_space<vmem>>
      %dma_wait3A_753 = tpu.memref_squeeze %dma_wait3A_752 : memref<1x64x128xf32, #tpu.memory_space<vmem>> -> memref<64x128xf32, #tpu.memory_space<vmem>>
      tpu.wait_dma2 semaphore(%run_scoped3A_729 : memref<!tpu.dma_semaphore, #tpu.memory_space<semaphore_mem>>) src(%dma_wait3A_753 : memref<64x128xf32, #tpu.memory_space<vmem>>) dst(%dma_wait3A_749 : memref<64x128xf32, #tpu.memory_space<vmem_shared>>)
      tpu.yield
    }) : () -> ()
    %add3A_13 = arith.constant 64 : i32
    %add3A_14 = arith.addi %mul3A_10, %add3A_13 : i32
    %run_scoped3A_15 = arith.constant 0 : i32
    "tpu.region"() ({
      %run_scoped3A_729 = tpu.sem_alloc : memref<!tpu.dma_semaphore, #tpu.memory_space<semaphore_mem>>
      %dma_start3A_730 = arith.constant 0 : i32
      %dma_start3A_731 = arith.constant 0 : i32
      %dma_start3A_732 = tpu.memref_slice %arg8[%run_scoped3A_15, %dma_start3A_730, %dma_start3A_731] : memref<4x64x128xf32, #tpu.memory_space<vmem>> -> memref<1x64x128xf32, #tpu.memory_space<vmem>>
      %dma_start3A_733 = tpu.memref_squeeze %dma_start3A_732 : memref<1x64x128xf32, #tpu.memory_space<vmem>> -> memref<64x128xf32, #tpu.memory_space<vmem>>
      %dma_start3A_734 = arith.constant 0 : i32
      %dma_start3A_735 = tpu.memref_slice %arg9[%add3A_14, %dma_start3A_734] : memref<10112x128xf32, #tpu.memory_space<vmem_shared>> -> memref<64x128xf32, #tpu.memory_space<vmem_shared>>
      %dma_start3A_736 = arith.constant 0 : i32
      %dma_start3A_737 = tpu.memref_slice %arg9[%add3A_14, %dma_start3A_736] : memref<10112x128xf32, #tpu.memory_space<vmem_shared>> -> memref<64x128xf32, #tpu.memory_space<vmem_shared>>
      %dma_start3A_738 = arith.constant 0 : i32
      %dma_start3A_739 = arith.constant 0 : i32
      %dma_start3A_740 = tpu.memref_slice %arg8[%run_scoped3A_15, %dma_start3A_738, %dma_start3A_739] : memref<4x64x128xf32, #tpu.memory_space<vmem>> -> memref<1x64x128xf32, #tpu.memory_space<vmem>>
      %dma_start3A_741 = tpu.memref_squeeze %dma_start3A_740 : memref<1x64x128xf32, #tpu.memory_space<vmem>> -> memref<64x128xf32, #tpu.memory_space<vmem>>
      tpu.enqueue_dma source(%dma_start3A_741 : memref<64x128xf32, #tpu.memory_space<vmem>>) target(%dma_start3A_737 : memref<64x128xf32, #tpu.memory_space<vmem_shared>>) target_semaphore(%run_scoped3A_729 : memref<!tpu.dma_semaphore, #tpu.memory_space<semaphore_mem>>)
      %dma_wait3A_742 = arith.constant 0 : i32
      %dma_wait3A_743 = arith.constant 0 : i32
      %dma_wait3A_744 = tpu.memref_slice %arg8[%run_scoped3A_15, %dma_wait3A_742, %dma_wait3A_743] : memref<4x64x128xf32, #tpu.memory_space<vmem>> -> memref<1x64x128xf32, #tpu.memory_space<vmem>>
      %dma_wait3A_745 = tpu.memref_squeeze %dma_wait3A_744 : memref<1x64x128xf32, #tpu.memory_space<vmem>> -> memref<64x128xf32, #tpu.memory_space<vmem>>
      %dma_wait3A_746 = arith.constant 0 : i32
      %dma_wait3A_747 = tpu.memref_slice %arg9[%add3A_14, %dma_wait3A_746] : memref<10112x128xf32, #tpu.memory_space<vmem_shared>> -> memref<64x128xf32, #tpu.memory_space<vmem_shared>>
      %dma_wait3A_748 = arith.constant 0 : i32
      %dma_wait3A_749 = tpu.memref_slice %arg9[%add3A_14, %dma_wait3A_748] : memref<10112x128xf32, #tpu.memory_space<vmem_shared>> -> memref<64x128xf32, #tpu.memory_space<vmem_shared>>
      %dma_wait3A_750 = arith.constant 0 : i32
      %dma_wait3A_751 = arith.constant 0 : i32
      %dma_wait3A_752 = tpu.memref_slice %arg8[%run_scoped3A_15, %dma_wait3A_750, %dma_wait3A_751] : memref<4x64x128xf32, #tpu.memory_space<vmem>> -> memref<1x64x128xf32, #tpu.memory_space<vmem>>
      %dma_wait3A_753 = tpu.memref_squeeze %dma_wait3A_752 : memref<1x64x128xf32, #tpu.memory_space<vmem>> -> memref<64x128xf32, #tpu.memory_space<vmem>>
      tpu.wait_dma2 semaphore(%run_scoped3A_729 : memref<!tpu.dma_semaphore, #tpu.memory_space<semaphore_mem>>) src(%dma_wait3A_753 : memref<64x128xf32, #tpu.memory_space<vmem>>) dst(%dma_wait3A_749 : memref<64x128xf32, #tpu.memory_space<vmem_shared>>)
      tpu.yield
    }) : () -> ()
    %add3A_16 = arith.constant 128 : i32
    %add3A_17 = arith.addi %mul3A_10, %add3A_16 : i32
    %run_scoped3A_18 = arith.constant 0 : i32
    "tpu.region"() ({
      %run_scoped3A_729 = tpu.sem_alloc : memref<!tpu.dma_semaphore, #tpu.memory_space<semaphore_mem>>
      %dma_start3A_730 = arith.constant 0 : i32
      %dma_start3A_731 = arith.constant 0 : i32
      %dma_start3A_732 = tpu.memref_slice %arg8[%run_scoped3A_18, %dma_start3A_730, %dma_start3A_731] : memref<4x64x128xf32, #tpu.memory_space<vmem>> -> memref<1x64x128xf32, #tpu.memory_space<vmem>>
      %dma_start3A_733 = tpu.memref_squeeze %dma_start3A_732 : memref<1x64x128xf32, #tpu.memory_space<vmem>> -> memref<64x128xf32, #tpu.memory_space<vmem>>
      %dma_start3A_734 = arith.constant 0 : i32
      %dma_start3A_735 = tpu.memref_slice %arg9[%add3A_17, %dma_start3A_734] : memref<10112x128xf32, #tpu.memory_space<vmem_shared>> -> memref<64x128xf32, #tpu.memory_space<vmem_shared>>
      %dma_start3A_736 = arith.constant 0 : i32
      %dma_start3A_737 = tpu.memref_slice %arg9[%add3A_17, %dma_start3A_736] : memref<10112x128xf32, #tpu.memory_space<vmem_shared>> -> memref<64x128xf32, #tpu.memory_space<vmem_shared>>
      %dma_start3A_738 = arith.constant 0 : i32
      %dma_start3A_739 = arith.constant 0 : i32
      %dma_start3A_740 = tpu.memref_slice %arg8[%run_scoped3A_18, %dma_start3A_738, %dma_start3A_739] : memref<4x64x128xf32, #tpu.memory_space<vmem>> -> memref<1x64x128xf32, #tpu.memory_space<vmem>>
      %dma_start3A_741 = tpu.memref_squeeze %dma_start3A_740 : memref<1x64x128xf32, #tpu.memory_space<vmem>> -> memref<64x128xf32, #tpu.memory_space<vmem>>
      tpu.enqueue_dma source(%dma_start3A_741 : memref<64x128xf32, #tpu.memory_space<vmem>>) target(%dma_start3A_737 : memref<64x128xf32, #tpu.memory_space<vmem_shared>>) target_semaphore(%run_scoped3A_729 : memref<!tpu.dma_semaphore, #tpu.memory_space<semaphore_mem>>)
      %dma_wait3A_742 = arith.constant 0 : i32
      %dma_wait3A_743 = arith.constant 0 : i32
      %dma_wait3A_744 = tpu.memref_slice %arg8[%run_scoped3A_18, %dma_wait3A_742, %dma_wait3A_743] : memref<4x64x128xf32, #tpu.memory_space<vmem>> -> memref<1x64x128xf32, #tpu.memory_space<vmem>>
      %dma_wait3A_745 = tpu.memref_squeeze %dma_wait3A_744 : memref<1x64x128xf32, #tpu.memory_space<vmem>> -> memref<64x128xf32, #tpu.memory_space<vmem>>
      %dma_wait3A_746 = arith.constant 0 : i32
      %dma_wait3A_747 = tpu.memref_slice %arg9[%add3A_17, %dma_wait3A_746] : memref<10112x128xf32, #tpu.memory_space<vmem_shared>> -> memref<64x128xf32, #tpu.memory_space<vmem_shared>>
      %dma_wait3A_748 = arith.constant 0 : i32
      %dma_wait3A_749 = tpu.memref_slice %arg9[%add3A_17, %dma_wait3A_748] : memref<10112x128xf32, #tpu.memory_space<vmem_shared>> -> memref<64x128xf32, #tpu.memory_space<vmem_shared>>
      %dma_wait3A_750 = arith.constant 0 : i32
      %dma_wait3A_751 = arith.constant 0 : i32
      %dma_wait3A_752 = tpu.memref_slice %arg8[%run_scoped3A_18, %dma_wait3A_750, %dma_wait3A_751] : memref<4x64x128xf32, #tpu.memory_space<vmem>> -> memref<1x64x128xf32, #tpu.memory_space<vmem>>
      %dma_wait3A_753 = tpu.memref_squeeze %dma_wait3A_752 : memref<1x64x128xf32, #tpu.memory_space<vmem>> -> memref<64x128xf32, #tpu.memory_space<vmem>>
      tpu.wait_dma2 semaphore(%run_scoped3A_729 : memref<!tpu.dma_semaphore, #tpu.memory_space<semaphore_mem>>) src(%dma_wait3A_753 : memref<64x128xf32, #tpu.memory_space<vmem>>) dst(%dma_wait3A_749 : memref<64x128xf32, #tpu.memory_space<vmem_shared>>)
      tpu.yield
    }) : () -> ()
    %add3A_19 = arith.constant 192 : i32
    %add3A_20 = arith.addi %mul3A_10, %add3A_19 : i32
    %run_scoped3A_21 = arith.constant 0 : i32
    "tpu.region"() ({
      %run_scoped3A_729 = tpu.sem_alloc : memref<!tpu.dma_semaphore, #tpu.memory_space<semaphore_mem>>
      %dma_start3A_730 = arith.constant 0 : i32
      %dma_start3A_731 = arith.constant 0 : i32
      %dma_start3A_732 = tpu.memref_slice %arg8[%run_scoped3A_21, %dma_start3A_730, %dma_start3A_731] : memref<4x64x128xf32, #tpu.memory_space<vmem>> -> memref<1x64x128xf32, #tpu.memory_space<vmem>>
      %dma_start3A_733 = tpu.memref_squeeze %dma_start3A_732 : memref<1x64x128xf32, #tpu.memory_space<vmem>> -> memref<64x128xf32, #tpu.memory_space<vmem>>
      %dma_start3A_734 = arith.constant 0 : i32
      %dma_start3A_735 = tpu.memref_slice %arg9[%add3A_20, %dma_start3A_734] : memref<10112x128xf32, #tpu.memory_space<vmem_shared>> -> memref<64x128xf32, #tpu.memory_space<vmem_shared>>
      %dma_start3A_736 = arith.constant 0 : i32
      %dma_start3A_737 = tpu.memref_slice %arg9[%add3A_20, %dma_start3A_736] : memref<10112x128xf32, #tpu.memory_space<vmem_shared>> -> memref<64x128xf32, #tpu.memory_space<vmem_shared>>
      %dma_start3A_738 = arith.constant 0 : i32
      %dma_start3A_739 = arith.constant 0 : i32
      %dma_start3A_740 = tpu.memref_slice %arg8[%run_scoped3A_21, %dma_start3A_738, %dma_start3A_739] : memref<4x64x128xf32, #tpu.memory_space<vmem>> -> memref<1x64x128xf32, #tpu.memory_space<vmem>>
      %dma_start3A_741 = tpu.memref_squeeze %dma_start3A_740 : memref<1x64x128xf32, #tpu.memory_space<vmem>> -> memref<64x128xf32, #tpu.memory_space<vmem>>
      tpu.enqueue_dma source(%dma_start3A_741 : memref<64x128xf32, #tpu.memory_space<vmem>>) target(%dma_start3A_737 : memref<64x128xf32, #tpu.memory_space<vmem_shared>>) target_semaphore(%run_scoped3A_729 : memref<!tpu.dma_semaphore, #tpu.memory_space<semaphore_mem>>)
      %dma_wait3A_742 = arith.constant 0 : i32
      %dma_wait3A_743 = arith.constant 0 : i32
      %dma_wait3A_744 = tpu.memref_slice %arg8[%run_scoped3A_21, %dma_wait3A_742, %dma_wait3A_743] : memref<4x64x128xf32, #tpu.memory_space<vmem>> -> memref<1x64x128xf32, #tpu.memory_space<vmem>>
      %dma_wait3A_745 = tpu.memref_squeeze %dma_wait3A_744 : memref<1x64x128xf32, #tpu.memory_space<vmem>> -> memref<64x128xf32, #tpu.memory_space<vmem>>
      %dma_wait3A_746 = arith.constant 0 : i32
      %dma_wait3A_747 = tpu.memref_slice %arg9[%add3A_20, %dma_wait3A_746] : memref<10112x128xf32, #tpu.memory_space<vmem_shared>> -> memref<64x128xf32, #tpu.memory_space<vmem_shared>>
      %dma_wait3A_748 = arith.constant 0 : i32
      %dma_wait3A_749 = tpu.memref_slice %arg9[%add3A_20, %dma_wait3A_748] : memref<10112x128xf32, #tpu.memory_space<vmem_shared>> -> memref<64x128xf32, #tpu.memory_space<vmem_shared>>
      %dma_wait3A_750 = arith.constant 0 : i32
      %dma_wait3A_751 = arith.constant 0 : i32
      %dma_wait3A_752 = tpu.memref_slice %arg8[%run_scoped3A_21, %dma_wait3A_750, %dma_wait3A_751] : memref<4x64x128xf32, #tpu.memory_space<vmem>> -> memref<1x64x128xf32, #tpu.memory_space<vmem>>
      %dma_wait3A_753 = tpu.memref_squeeze %dma_wait3A_752 : memref<1x64x128xf32, #tpu.memory_space<vmem>> -> memref<64x128xf32, #tpu.memory_space<vmem>>
      tpu.wait_dma2 semaphore(%run_scoped3A_729 : memref<!tpu.dma_semaphore, #tpu.memory_space<semaphore_mem>>) src(%dma_wait3A_753 : memref<64x128xf32, #tpu.memory_space<vmem>>) dst(%dma_wait3A_749 : memref<64x128xf32, #tpu.memory_space<vmem_shared>>)
      tpu.yield
    }) : () -> ()
    %add3A_22 = arith.constant 256 : i32
    %add3A_23 = arith.addi %mul3A_10, %add3A_22 : i32
    %run_scoped3A_24 = arith.constant 0 : i32
    "tpu.region"() ({
      %run_scoped3A_729 = tpu.sem_alloc : memref<!tpu.dma_semaphore, #tpu.memory_space<semaphore_mem>>
      %dma_start3A_730 = arith.constant 0 : i32
      %dma_start3A_731 = arith.constant 0 : i32
      %dma_start3A_732 = tpu.memref_slice %arg8[%run_scoped3A_24, %dma_start3A_730, %dma_start3A_731] : memref<4x64x128xf32, #tpu.memory_space<vmem>> -> memref<1x64x128xf32, #tpu.memory_space<vmem>>
      %dma_start3A_733 = tpu.memref_squeeze %dma_start3A_732 : memref<1x64x128xf32, #tpu.memory_space<vmem>> -> memref<64x128xf32, #tpu.memory_space<vmem>>
      %dma_start3A_734 = arith.constant 0 : i32
      %dma_start3A_735 = tpu.memref_slice %arg9[%add3A_23, %dma_start3A_734] : memref<10112x128xf32, #tpu.memory_space<vmem_shared>> -> memref<64x128xf32, #tpu.memory_space<vmem_shared>>
      %dma_start3A_736 = arith.constant 0 : i32
      %dma_start3A_737 = tpu.memref_slice %arg9[%add3A_23, %dma_start3A_736] : memref<10112x128xf32, #tpu.memory_space<vmem_shared>> -> memref<64x128xf32, #tpu.memory_space<vmem_shared>>
      %dma_start3A_738 = arith.constant 0 : i32
      %dma_start3A_739 = arith.constant 0 : i32
      %dma_start3A_740 = tpu.memref_slice %arg8[%run_scoped3A_24, %dma_start3A_738, %dma_start3A_739] : memref<4x64x128xf32, #tpu.memory_space<vmem>> -> memref<1x64x128xf32, #tpu.memory_space<vmem>>
      %dma_start3A_741 = tpu.memref_squeeze %dma_start3A_740 : memref<1x64x128xf32, #tpu.memory_space<vmem>> -> memref<64x128xf32, #tpu.memory_space<vmem>>
      tpu.enqueue_dma source(%dma_start3A_741 : memref<64x128xf32, #tpu.memory_space<vmem>>) target(%dma_start3A_737 : memref<64x128xf32, #tpu.memory_space<vmem_shared>>) target_semaphore(%run_scoped3A_729 : memref<!tpu.dma_semaphore, #tpu.memory_space<semaphore_mem>>)
      %dma_wait3A_742 = arith.constant 0 : i32
      %dma_wait3A_743 = arith.constant 0 : i32
      %dma_wait3A_744 = tpu.memref_slice %arg8[%run_scoped3A_24, %dma_wait3A_742, %dma_wait3A_743] : memref<4x64x128xf32, #tpu.memory_space<vmem>> -> memref<1x64x128xf32, #tpu.memory_space<vmem>>
      %dma_wait3A_745 = tpu.memref_squeeze %dma_wait3A_744 : memref<1x64x128xf32, #tpu.memory_space<vmem>> -> memref<64x128xf32, #tpu.memory_space<vmem>>
      %dma_wait3A_746 = arith.constant 0 : i32
      %dma_wait3A_747 = tpu.memref_slice %arg9[%add3A_23, %dma_wait3A_746] : memref<10112x128xf32, #tpu.memory_space<vmem_shared>> -> memref<64x128xf32, #tpu.memory_space<vmem_shared>>
      %dma_wait3A_748 = arith.constant 0 : i32
      %dma_wait3A_749 = tpu.memref_slice %arg9[%add3A_23, %dma_wait3A_748] : memref<10112x128xf32, #tpu.memory_space<vmem_shared>> -> memref<64x128xf32, #tpu.memory_space<vmem_shared>>
      %dma_wait3A_750 = arith.constant 0 : i32
      %dma_wait3A_751 = arith.constant 0 : i32
      %dma_wait3A_752 = tpu.memref_slice %arg8[%run_scoped3A_24, %dma_wait3A_750, %dma_wait3A_751] : memref<4x64x128xf32, #tpu.memory_space<vmem>> -> memref<1x64x128xf32, #tpu.memory_space<vmem>>
      %dma_wait3A_753 = tpu.memref_squeeze %dma_wait3A_752 : memref<1x64x128xf32, #tpu.memory_space<vmem>> -> memref<64x128xf32, #tpu.memory_space<vmem>>
      tpu.wait_dma2 semaphore(%run_scoped3A_729 : memref<!tpu.dma_semaphore, #tpu.memory_space<semaphore_mem>>) src(%dma_wait3A_753 : memref<64x128xf32, #tpu.memory_space<vmem>>) dst(%dma_wait3A_749 : memref<64x128xf32, #tpu.memory_space<vmem_shared>>)
      tpu.yield
    }) : () -> ()
    %add3A_25 = arith.constant 320 : i32
    %add3A_26 = arith.addi %mul3A_10, %add3A_25 : i32
    %run_scoped3A_27 = arith.constant 0 : i32
    "tpu.region"() ({
      %run_scoped3A_729 = tpu.sem_alloc : memref<!tpu.dma_semaphore, #tpu.memory_space<semaphore_mem>>
      %dma_start3A_730 = arith.constant 0 : i32
      %dma_start3A_731 = arith.constant 0 : i32
      %dma_start3A_732 = tpu.memref_slice %arg8[%run_scoped3A_27, %dma_start3A_730, %dma_start3A_731] : memref<4x64x128xf32, #tpu.memory_space<vmem>> -> memref<1x64x128xf32, #tpu.memory_space<vmem>>
      %dma_start3A_733 = tpu.memref_squeeze %dma_start3A_732 : memref<1x64x128xf32, #tpu.memory_space<vmem>> -> memref<64x128xf32, #tpu.memory_space<vmem>>
      %dma_start3A_734 = arith.constant 0 : i32
      %dma_start3A_735 = tpu.memref_slice %arg9[%add3A_26, %dma_start3A_734] : memref<10112x128xf32, #tpu.memory_space<vmem_shared>> -> memref<64x128xf32, #tpu.memory_space<vmem_shared>>
      %dma_start3A_736 = arith.constant 0 : i32
      %dma_start3A_737 = tpu.memref_slice %arg9[%add3A_26, %dma_start3A_736] : memref<10112x128xf32, #tpu.memory_space<vmem_shared>> -> memref<64x128xf32, #tpu.memory_space<vmem_shared>>
      %dma_start3A_738 = arith.constant 0 : i32
      %dma_start3A_739 = arith.constant 0 : i32
      %dma_start3A_740 = tpu.memref_slice %arg8[%run_scoped3A_27, %dma_start3A_738, %dma_start3A_739] : memref<4x64x128xf32, #tpu.memory_space<vmem>> -> memref<1x64x128xf32, #tpu.memory_space<vmem>>
      %dma_start3A_741 = tpu.memref_squeeze %dma_start3A_740 : memref<1x64x128xf32, #tpu.memory_space<vmem>> -> memref<64x128xf32, #tpu.memory_space<vmem>>
      tpu.enqueue_dma source(%dma_start3A_741 : memref<64x128xf32, #tpu.memory_space<vmem>>) target(%dma_start3A_737 : memref<64x128xf32, #tpu.memory_space<vmem_shared>>) target_semaphore(%run_scoped3A_729 : memref<!tpu.dma_semaphore, #tpu.memory_space<semaphore_mem>>)
      %dma_wait3A_742 = arith.constant 0 : i32
      %dma_wait3A_743 = arith.constant 0 : i32
      %dma_wait3A_744 = tpu.memref_slice %arg8[%run_scoped3A_27, %dma_wait3A_742, %dma_wait3A_743] : memref<4x64x128xf32, #tpu.memory_space<vmem>> -> memref<1x64x128xf32, #tpu.memory_space<vmem>>
      %dma_wait3A_745 = tpu.memref_squeeze %dma_wait3A_744 : memref<1x64x128xf32, #tpu.memory_space<vmem>> -> memref<64x128xf32, #tpu.memory_space<vmem>>
      %dma_wait3A_746 = arith.constant 0 : i32
      %dma_wait3A_747 = tpu.memref_slice %arg9[%add3A_26, %dma_wait3A_746] : memref<10112x128xf32, #tpu.memory_space<vmem_shared>> -> memref<64x128xf32, #tpu.memory_space<vmem_shared>>
      %dma_wait3A_748 = arith.constant 0 : i32
      %dma_wait3A_749 = tpu.memref_slice %arg9[%add3A_26, %dma_wait3A_748] : memref<10112x128xf32, #tpu.memory_space<vmem_shared>> -> memref<64x128xf32, #tpu.memory_space<vmem_shared>>
      %dma_wait3A_750 = arith.constant 0 : i32
      %dma_wait3A_751 = arith.constant 0 : i32
      %dma_wait3A_752 = tpu.memref_slice %arg8[%run_scoped3A_27, %dma_wait3A_750, %dma_wait3A_751] : memref<4x64x128xf32, #tpu.memory_space<vmem>> -> memref<1x64x128xf32, #tpu.memory_space<vmem>>
      %dma_wait3A_753 = tpu.memref_squeeze %dma_wait3A_752 : memref<1x64x128xf32, #tpu.memory_space<vmem>> -> memref<64x128xf32, #tpu.memory_space<vmem>>
      tpu.wait_dma2 semaphore(%run_scoped3A_729 : memref<!tpu.dma_semaphore, #tpu.memory_space<semaphore_mem>>) src(%dma_wait3A_753 : memref<64x128xf32, #tpu.memory_space<vmem>>) dst(%dma_wait3A_749 : memref<64x128xf32, #tpu.memory_space<vmem_shared>>)
      tpu.yield
    }) : () -> ()
    %add3A_28 = arith.constant 384 : i32
    %add3A_29 = arith.addi %mul3A_10, %add3A_28 : i32
    %run_scoped3A_30 = arith.constant 0 : i32
    "tpu.region"() ({
      %run_scoped3A_729 = tpu.sem_alloc : memref<!tpu.dma_semaphore, #tpu.memory_space<semaphore_mem>>
      %dma_start3A_730 = arith.constant 0 : i32
      %dma_start3A_731 = arith.constant 0 : i32
      %dma_start3A_732 = tpu.memref_slice %arg8[%run_scoped3A_30, %dma_start3A_730, %dma_start3A_731] : memref<4x64x128xf32, #tpu.memory_space<vmem>> -> memref<1x64x128xf32, #tpu.memory_space<vmem>>
      %dma_start3A_733 = tpu.memref_squeeze %dma_start3A_732 : memref<1x64x128xf32, #tpu.memory_space<vmem>> -> memref<64x128xf32, #tpu.memory_space<vmem>>
      %dma_start3A_734 = arith.constant 0 : i32
      %dma_start3A_735 = tpu.memref_slice %arg9[%add3A_29, %dma_start3A_734] : memref<10112x128xf32, #tpu.memory_space<vmem_shared>> -> memref<64x128xf32, #tpu.memory_space<vmem_shared>>
      %dma_start3A_736 = arith.constant 0 : i32
      %dma_start3A_737 = tpu.memref_slice %arg9[%add3A_29, %dma_start3A_736] : memref<10112x128xf32, #tpu.memory_space<vmem_shared>> -> memref<64x128xf32, #tpu.memory_space<vmem_shared>>
      %dma_start3A_738 = arith.constant 0 : i32
      %dma_start3A_739 = arith.constant 0 : i32
      %dma_start3A_740 = tpu.memref_slice %arg8[%run_scoped3A_30, %dma_start3A_738, %dma_start3A_739] : memref<4x64x128xf32, #tpu.memory_space<vmem>> -> memref<1x64x128xf32, #tpu.memory_space<vmem>>
      %dma_start3A_741 = tpu.memref_squeeze %dma_start3A_740 : memref<1x64x128xf32, #tpu.memory_space<vmem>> -> memref<64x128xf32, #tpu.memory_space<vmem>>
      tpu.enqueue_dma source(%dma_start3A_741 : memref<64x128xf32, #tpu.memory_space<vmem>>) target(%dma_start3A_737 : memref<64x128xf32, #tpu.memory_space<vmem_shared>>) target_semaphore(%run_scoped3A_729 : memref<!tpu.dma_semaphore, #tpu.memory_space<semaphore_mem>>)
      %dma_wait3A_742 = arith.constant 0 : i32
      %dma_wait3A_743 = arith.constant 0 : i32
      %dma_wait3A_744 = tpu.memref_slice %arg8[%run_scoped3A_30, %dma_wait3A_742, %dma_wait3A_743] : memref<4x64x128xf32, #tpu.memory_space<vmem>> -> memref<1x64x128xf32, #tpu.memory_space<vmem>>
      %dma_wait3A_745 = tpu.memref_squeeze %dma_wait3A_744 : memref<1x64x128xf32, #tpu.memory_space<vmem>> -> memref<64x128xf32, #tpu.memory_space<vmem>>
      %dma_wait3A_746 = arith.constant 0 : i32
      %dma_wait3A_747 = tpu.memref_slice %arg9[%add3A_29, %dma_wait3A_746] : memref<10112x128xf32, #tpu.memory_space<vmem_shared>> -> memref<64x128xf32, #tpu.memory_space<vmem_shared>>
      %dma_wait3A_748 = arith.constant 0 : i32
      %dma_wait3A_749 = tpu.memref_slice %arg9[%add3A_29, %dma_wait3A_748] : memref<10112x128xf32, #tpu.memory_space<vmem_shared>> -> memref<64x128xf32, #tpu.memory_space<vmem_shared>>
      %dma_wait3A_750 = arith.constant 0 : i32
      %dma_wait3A_751 = arith.constant 0 : i32
      %dma_wait3A_752 = tpu.memref_slice %arg8[%run_scoped3A_30, %dma_wait3A_750, %dma_wait3A_751] : memref<4x64x128xf32, #tpu.memory_space<vmem>> -> memref<1x64x128xf32, #tpu.memory_space<vmem>>
      %dma_wait3A_753 = tpu.memref_squeeze %dma_wait3A_752 : memref<1x64x128xf32, #tpu.memory_space<vmem>> -> memref<64x128xf32, #tpu.memory_space<vmem>>
      tpu.wait_dma2 semaphore(%run_scoped3A_729 : memref<!tpu.dma_semaphore, #tpu.memory_space<semaphore_mem>>) src(%dma_wait3A_753 : memref<64x128xf32, #tpu.memory_space<vmem>>) dst(%dma_wait3A_749 : memref<64x128xf32, #tpu.memory_space<vmem_shared>>)
      tpu.yield
    }) : () -> ()
    %add3A_31 = arith.constant 448 : i32
    %add3A_32 = arith.addi %mul3A_10, %add3A_31 : i32
    %run_scoped3A_33 = arith.constant 0 : i32
    "tpu.region"() ({
      %run_scoped3A_729 = tpu.sem_alloc : memref<!tpu.dma_semaphore, #tpu.memory_space<semaphore_mem>>
      %dma_start3A_730 = arith.constant 0 : i32
      %dma_start3A_731 = arith.constant 0 : i32
      %dma_start3A_732 = tpu.memref_slice %arg8[%run_scoped3A_33, %dma_start3A_730, %dma_start3A_731] : memref<4x64x128xf32, #tpu.memory_space<vmem>> -> memref<1x64x128xf32, #tpu.memory_space<vmem>>
      %dma_start3A_733 = tpu.memref_squeeze %dma_start3A_732 : memref<1x64x128xf32, #tpu.memory_space<vmem>> -> memref<64x128xf32, #tpu.memory_space<vmem>>
      %dma_start3A_734 = arith.constant 0 : i32
      %dma_start3A_735 = tpu.memref_slice %arg9[%add3A_32, %dma_start3A_734] : memref<10112x128xf32, #tpu.memory_space<vmem_shared>> -> memref<64x128xf32, #tpu.memory_space<vmem_shared>>
      %dma_start3A_736 = arith.constant 0 : i32
      %dma_start3A_737 = tpu.memref_slice %arg9[%add3A_32, %dma_start3A_736] : memref<10112x128xf32, #tpu.memory_space<vmem_shared>> -> memref<64x128xf32, #tpu.memory_space<vmem_shared>>
      %dma_start3A_738 = arith.constant 0 : i32
      %dma_start3A_739 = arith.constant 0 : i32
      %dma_start3A_740 = tpu.memref_slice %arg8[%run_scoped3A_33, %dma_start3A_738, %dma_start3A_739] : memref<4x64x128xf32, #tpu.memory_space<vmem>> -> memref<1x64x128xf32, #tpu.memory_space<vmem>>
      %dma_start3A_741 = tpu.memref_squeeze %dma_start3A_740 : memref<1x64x128xf32, #tpu.memory_space<vmem>> -> memref<64x128xf32, #tpu.memory_space<vmem>>
      tpu.enqueue_dma source(%dma_start3A_741 : memref<64x128xf32, #tpu.memory_space<vmem>>) target(%dma_start3A_737 : memref<64x128xf32, #tpu.memory_space<vmem_shared>>) target_semaphore(%run_scoped3A_729 : memref<!tpu.dma_semaphore, #tpu.memory_space<semaphore_mem>>)
      %dma_wait3A_742 = arith.constant 0 : i32
      %dma_wait3A_743 = arith.constant 0 : i32
      %dma_wait3A_744 = tpu.memref_slice %arg8[%run_scoped3A_33, %dma_wait3A_742, %dma_wait3A_743] : memref<4x64x128xf32, #tpu.memory_space<vmem>> -> memref<1x64x128xf32, #tpu.memory_space<vmem>>
      %dma_wait3A_745 = tpu.memref_squeeze %dma_wait3A_744 : memref<1x64x128xf32, #tpu.memory_space<vmem>> -> memref<64x128xf32, #tpu.memory_space<vmem>>
      %dma_wait3A_746 = arith.constant 0 : i32
      %dma_wait3A_747 = tpu.memref_slice %arg9[%add3A_32, %dma_wait3A_746] : memref<10112x128xf32, #tpu.memory_space<vmem_shared>> -> memref<64x128xf32, #tpu.memory_space<vmem_shared>>
      %dma_wait3A_748 = arith.constant 0 : i32
      %dma_wait3A_749 = tpu.memref_slice %arg9[%add3A_32, %dma_wait3A_748] : memref<10112x128xf32, #tpu.memory_space<vmem_shared>> -> memref<64x128xf32, #tpu.memory_space<vmem_shared>>
      %dma_wait3A_750 = arith.constant 0 : i32
      %dma_wait3A_751 = arith.constant 0 : i32
      %dma_wait3A_752 = tpu.memref_slice %arg8[%run_scoped3A_33, %dma_wait3A_750, %dma_wait3A_751] : memref<4x64x128xf32, #tpu.memory_space<vmem>> -> memref<1x64x128xf32, #tpu.memory_space<vmem>>
      %dma_wait3A_753 = tpu.memref_squeeze %dma_wait3A_752 : memref<1x64x128xf32, #tpu.memory_space<vmem>> -> memref<64x128xf32, #tpu.memory_space<vmem>>
      tpu.wait_dma2 semaphore(%run_scoped3A_729 : memref<!tpu.dma_semaphore, #tpu.memory_space<semaphore_mem>>) src(%dma_wait3A_753 : memref<64x128xf32, #tpu.memory_space<vmem>>) dst(%dma_wait3A_749 : memref<64x128xf32, #tpu.memory_space<vmem_shared>>)
      tpu.yield
    }) : () -> ()
    %add3A_34 = arith.constant 512 : i32
    %add3A_35 = arith.addi %mul3A_10, %add3A_34 : i32
    %run_scoped3A_36 = arith.constant 0 : i32
    "tpu.region"() ({
      %run_scoped3A_729 = tpu.sem_alloc : memref<!tpu.dma_semaphore, #tpu.memory_space<semaphore_mem>>
      %dma_start3A_730 = arith.constant 0 : i32
      %dma_start3A_731 = arith.constant 0 : i32
      %dma_start3A_732 = tpu.memref_slice %arg8[%run_scoped3A_36, %dma_start3A_730, %dma_start3A_731] : memref<4x64x128xf32, #tpu.memory_space<vmem>> -> memref<1x64x128xf32, #tpu.memory_space<vmem>>
      %dma_start3A_733 = tpu.memref_squeeze %dma_start3A_732 : memref<1x64x128xf32, #tpu.memory_space<vmem>> -> memref<64x128xf32, #tpu.memory_space<vmem>>
      %dma_start3A_734 = arith.constant 0 : i32
      %dma_start3A_735 = tpu.memref_slice %arg9[%add3A_35, %dma_start3A_734] : memref<10112x128xf32, #tpu.memory_space<vmem_shared>> -> memref<64x128xf32, #tpu.memory_space<vmem_shared>>
      %dma_start3A_736 = arith.constant 0 : i32
      %dma_start3A_737 = tpu.memref_slice %arg9[%add3A_35, %dma_start3A_736] : memref<10112x128xf32, #tpu.memory_space<vmem_shared>> -> memref<64x128xf32, #tpu.memory_space<vmem_shared>>
      %dma_start3A_738 = arith.constant 0 : i32
      %dma_start3A_739 = arith.constant 0 : i32
      %dma_start3A_740 = tpu.memref_slice %arg8[%run_scoped3A_36, %dma_start3A_738, %dma_start3A_739] : memref<4x64x128xf32, #tpu.memory_space<vmem>> -> memref<1x64x128xf32, #tpu.memory_space<vmem>>
      %dma_start3A_741 = tpu.memref_squeeze %dma_start3A_740 : memref<1x64x128xf32, #tpu.memory_space<vmem>> -> memref<64x128xf32, #tpu.memory_space<vmem>>
      tpu.enqueue_dma source(%dma_start3A_741 : memref<64x128xf32, #tpu.memory_space<vmem>>) target(%dma_start3A_737 : memref<64x128xf32, #tpu.memory_space<vmem_shared>>) target_semaphore(%run_scoped3A_729 : memref<!tpu.dma_semaphore, #tpu.memory_space<semaphore_mem>>)
      %dma_wait3A_742 = arith.constant 0 : i32
      %dma_wait3A_743 = arith.constant 0 : i32
      %dma_wait3A_744 = tpu.memref_slice %arg8[%run_scoped3A_36, %dma_wait3A_742, %dma_wait3A_743] : memref<4x64x128xf32, #tpu.memory_space<vmem>> -> memref<1x64x128xf32, #tpu.memory_space<vmem>>
      %dma_wait3A_745 = tpu.memref_squeeze %dma_wait3A_744 : memref<1x64x128xf32, #tpu.memory_space<vmem>> -> memref<64x128xf32, #tpu.memory_space<vmem>>
      %dma_wait3A_746 = arith.constant 0 : i32
      %dma_wait3A_747 = tpu.memref_slice %arg9[%add3A_35, %dma_wait3A_746] : memref<10112x128xf32, #tpu.memory_space<vmem_shared>> -> memref<64x128xf32, #tpu.memory_space<vmem_shared>>
      %dma_wait3A_748 = arith.constant 0 : i32
      %dma_wait3A_749 = tpu.memref_slice %arg9[%add3A_35, %dma_wait3A_748] : memref<10112x128xf32, #tpu.memory_space<vmem_shared>> -> memref<64x128xf32, #tpu.memory_space<vmem_shared>>
      %dma_wait3A_750 = arith.constant 0 : i32
      %dma_wait3A_751 = arith.constant 0 : i32
      %dma_wait3A_752 = tpu.memref_slice %arg8[%run_scoped3A_36, %dma_wait3A_750, %dma_wait3A_751] : memref<4x64x128xf32, #tpu.memory_space<vmem>> -> memref<1x64x128xf32, #tpu.memory_space<vmem>>
      %dma_wait3A_753 = tpu.memref_squeeze %dma_wait3A_752 : memref<1x64x128xf32, #tpu.memory_space<vmem>> -> memref<64x128xf32, #tpu.memory_space<vmem>>
      tpu.wait_dma2 semaphore(%run_scoped3A_729 : memref<!tpu.dma_semaphore, #tpu.memory_space<semaphore_mem>>) src(%dma_wait3A_753 : memref<64x128xf32, #tpu.memory_space<vmem>>) dst(%dma_wait3A_749 : memref<64x128xf32, #tpu.memory_space<vmem_shared>>)
      tpu.yield
    }) : () -> ()
    %add3A_37 = arith.constant 576 : i32
    %add3A_38 = arith.addi %mul3A_10, %add3A_37 : i32
    %run_scoped3A_39 = arith.constant 0 : i32
    "tpu.region"() ({
      %run_scoped3A_729 = tpu.sem_alloc : memref<!tpu.dma_semaphore, #tpu.memory_space<semaphore_mem>>
      %dma_start3A_730 = arith.constant 0 : i32
      %dma_start3A_731 = arith.constant 0 : i32
      %dma_start3A_732 = tpu.memref_slice %arg8[%run_scoped3A_39, %dma_start3A_730, %dma_start3A_731] : memref<4x64x128xf32, #tpu.memory_space<vmem>> -> memref<1x64x128xf32, #tpu.memory_space<vmem>>
      %dma_start3A_733 = tpu.memref_squeeze %dma_start3A_732 : memref<1x64x128xf32, #tpu.memory_space<vmem>> -> memref<64x128xf32, #tpu.memory_space<vmem>>
      %dma_start3A_734 = arith.constant 0 : i32
      %dma_start3A_735 = arith.constant 0 : i32
      %dma_start3A_736 = tpu.memref_slice %dma_start3A_733[%dma_start3A_734, %dma_start3A_735] : memref<64x128xf32, #tpu.memory_space<vmem>> -> memref<56x128xf32, #tpu.memory_space<vmem>>
      %dma_start3A_737 = arith.constant 0 : i32
      %dma_start3A_738 = tpu.memref_slice %arg9[%add3A_38, %dma_start3A_737] : memref<10112x128xf32, #tpu.memory_space<vmem_shared>> -> memref<56x128xf32, #tpu.memory_space<vmem_shared>>
      %dma_start3A_739 = arith.constant 0 : i32
      %dma_start3A_740 = tpu.memref_slice %arg9[%add3A_38, %dma_start3A_739] : memref<10112x128xf32, #tpu.memory_space<vmem_shared>> -> memref<56x128xf32, #tpu.memory_space<vmem_shared>>
      %dma_start3A_741 = arith.constant 0 : i32
      %dma_start3A_742 = arith.constant 0 : i32
      %dma_start3A_743 = tpu.memref_slice %arg8[%run_scoped3A_39, %dma_start3A_741, %dma_start3A_742] : memref<4x64x128xf32, #tpu.memory_space<vmem>> -> memref<1x64x128xf32, #tpu.memory_space<vmem>>
      %dma_start3A_744 = tpu.memref_squeeze %dma_start3A_743 : memref<1x64x128xf32, #tpu.memory_space<vmem>> -> memref<64x128xf32, #tpu.memory_space<vmem>>
      %dma_start3A_745 = arith.constant 0 : i32
      %dma_start3A_746 = arith.constant 0 : i32
      %dma_start3A_747 = tpu.memref_slice %dma_start3A_744[%dma_start3A_745, %dma_start3A_746] : memref<64x128xf32, #tpu.memory_space<vmem>> -> memref<56x128xf32, #tpu.memory_space<vmem>>
      tpu.enqueue_dma source(%dma_start3A_747 : memref<56x128xf32, #tpu.memory_space<vmem>>) target(%dma_start3A_740 : memref<56x128xf32, #tpu.memory_space<vmem_shared>>) target_semaphore(%run_scoped3A_729 : memref<!tpu.dma_semaphore, #tpu.memory_space<semaphore_mem>>)
      %dma_wait3A_748 = arith.constant 0 : i32
      %dma_wait3A_749 = arith.constant 0 : i32
      %dma_wait3A_750 = tpu.memref_slice %arg8[%run_scoped3A_39, %dma_wait3A_748, %dma_wait3A_749] : memref<4x64x128xf32, #tpu.memory_space<vmem>> -> memref<1x64x128xf32, #tpu.memory_space<vmem>>
      %dma_wait3A_751 = tpu.memref_squeeze %dma_wait3A_750 : memref<1x64x128xf32, #tpu.memory_space<vmem>> -> memref<64x128xf32, #tpu.memory_space<vmem>>
      %dma_wait3A_752 = arith.constant 0 : i32
      %dma_wait3A_753 = arith.constant 0 : i32
      %dma_wait3A_754 = tpu.memref_slice %dma_wait3A_751[%dma_wait3A_752, %dma_wait3A_753] : memref<64x128xf32, #tpu.memory_space<vmem>> -> memref<56x128xf32, #tpu.memory_space<vmem>>
      %dma_wait3A_755 = arith.constant 0 : i32
      %dma_wait3A_756 = tpu.memref_slice %arg9[%add3A_38, %dma_wait3A_755] : memref<10112x128xf32, #tpu.memory_space<vmem_shared>> -> memref<56x128xf32, #tpu.memory_space<vmem_shared>>
      %dma_wait3A_757 = arith.constant 0 : i32
      %dma_wait3A_758 = tpu.memref_slice %arg9[%add3A_38, %dma_wait3A_757] : memref<10112x128xf32, #tpu.memory_space<vmem_shared>> -> memref<56x128xf32, #tpu.memory_space<vmem_shared>>
      %dma_wait3A_759 = arith.constant 0 : i32
      %dma_wait3A_760 = arith.constant 0 : i32
      %dma_wait3A_761 = tpu.memref_slice %arg8[%run_scoped3A_39, %dma_wait3A_759, %dma_wait3A_760] : memref<4x64x128xf32, #tpu.memory_space<vmem>> -> memref<1x64x128xf32, #tpu.memory_space<vmem>>
      %dma_wait3A_762 = tpu.memref_squeeze %dma_wait3A_761 : memref<1x64x128xf32, #tpu.memory_space<vmem>> -> memref<64x128xf32, #tpu.memory_space<vmem>>
      %dma_wait3A_763 = arith.constant 0 : i32
      %dma_wait3A_764 = arith.constant 0 : i32
      %dma_wait3A_765 = tpu.memref_slice %dma_wait3A_762[%dma_wait3A_763, %dma_wait3A_764] : memref<64x128xf32, #tpu.memory_space<vmem>> -> memref<56x128xf32, #tpu.memory_space<vmem>>
      tpu.wait_dma2 semaphore(%run_scoped3A_729 : memref<!tpu.dma_semaphore, #tpu.memory_space<semaphore_mem>>) src(%dma_wait3A_765 : memref<56x128xf32, #tpu.memory_space<vmem>>) dst(%dma_wait3A_758 : memref<56x128xf32, #tpu.memory_space<vmem_shared>>)
      tpu.yield
    }) : () -> ()
    %barrier3A = arith.constant 0 : index
    tpu.barrier barrier_id(%barrier3A)
    %get3A = arith.constant 0 : i32
    %get3A_40 = arith.index_cast %get3A : i32 to index
    %get3A_41 = arith.constant 0 : index
    %get3A_42 = tpu.vector_load %arg5[%get3A_40, %get3A_41] {strides = array<i32>} : memref<80x128xi32, #tpu.memory_space<vmem>>, vector<1x16xi32>,
    %get3A_43 = vector.shape_cast %get3A_42 : vector<1x16xi32> to vector<16xi32>
    %and3A = arith.constant 16383 : i32
    %and3A_44 = vector.broadcast %and3A : i32 to vector<16xi32>
    %and3A_45 = arith.andi %get3A_43, %and3A_44 : vector<16xi32>
    %swap3A = arith.constant 0 : i32
    %swap3A_46 = arith.index_cast %swap3A : i32 to index
    %swap3A_47 = arith.constant 0 : index
    %swap3A_48 = tpu.vector_load %arg6[%swap3A_46, %swap3A_47] {strides = array<i32>} : memref<4x64xi32, #tpu.memory_space<vmem>>, vector<1x16xi32>,
    %swap3A_49 = vector.shape_cast %swap3A_48 : vector<1x16xi32> to vector<16xi32>
    %swap3A_50 = vector.shape_cast %and3A_45 : vector<16xi32> to vector<1x16xi32>
    tpu.vector_store %arg6[%swap3A_46, %swap3A_47], %swap3A_50 {strides = array<i32>} : memref<4x64xi32, #tpu.memory_space<vmem>>, vector<1x16xi32>,
    %get3A_51 = arith.constant 0 : i32
    %get3A_52 = arith.index_cast %get3A_51 : i32 to index
    %get3A_53 = arith.constant 16 : index
    %get3A_54 = tpu.vector_load %arg5[%get3A_52, %get3A_53] {strides = array<i32>} : memref<80x128xi32, #tpu.memory_space<vmem>>, vector<1x16xi32>,
    %get3A_55 = vector.shape_cast %get3A_54 : vector<1x16xi32> to vector<16xi32>
    %and3A_56 = arith.constant 16383 : i32
    %and3A_57 = vector.broadcast %and3A_56 : i32 to vector<16xi32>
    %and3A_58 = arith.andi %get3A_55, %and3A_57 : vector<16xi32>
    %swap3A_59 = arith.constant 0 : i32
    %swap3A_60 = arith.index_cast %swap3A_59 : i32 to index
    %swap3A_61 = arith.constant 16 : index
    %swap3A_62 = tpu.vector_load %arg6[%swap3A_60, %swap3A_61] {strides = array<i32>} : memref<4x64xi32, #tpu.memory_space<vmem>>, vector<1x16xi32>,
    %swap3A_63 = vector.shape_cast %swap3A_62 : vector<1x16xi32> to vector<16xi32>
    %swap3A_64 = vector.shape_cast %and3A_58 : vector<16xi32> to vector<1x16xi32>
    tpu.vector_store %arg6[%swap3A_60, %swap3A_61], %swap3A_64 {strides = array<i32>} : memref<4x64xi32, #tpu.memory_space<vmem>>, vector<1x16xi32>,
    %get3A_65 = arith.constant 0 : i32
    %get3A_66 = arith.index_cast %get3A_65 : i32 to index
    %get3A_67 = arith.constant 32 : index
    %get3A_68 = tpu.vector_load %arg5[%get3A_66, %get3A_67] {strides = array<i32>} : memref<80x128xi32, #tpu.memory_space<vmem>>, vector<1x16xi32>,
    %get3A_69 = vector.shape_cast %get3A_68 : vector<1x16xi32> to vector<16xi32>
    %and3A_70 = arith.constant 16383 : i32
    %and3A_71 = vector.broadcast %and3A_70 : i32 to vector<16xi32>
    %and3A_72 = arith.andi %get3A_69, %and3A_71 : vector<16xi32>
    %swap3A_73 = arith.constant 0 : i32
    %swap3A_74 = arith.index_cast %swap3A_73 : i32 to index
    %swap3A_75 = arith.constant 32 : index
    %swap3A_76 = tpu.vector_load %arg6[%swap3A_74, %swap3A_75] {strides = array<i32>} : memref<4x64xi32, #tpu.memory_space<vmem>>, vector<1x16xi32>,
    %swap3A_77 = vector.shape_cast %swap3A_76 : vector<1x16xi32> to vector<16xi32>
    %swap3A_78 = vector.shape_cast %and3A_72 : vector<16xi32> to vector<1x16xi32>
    tpu.vector_store %arg6[%swap3A_74, %swap3A_75], %swap3A_78 {strides = array<i32>} : memref<4x64xi32, #tpu.memory_space<vmem>>, vector<1x16xi32>,
    %get3A_79 = arith.constant 0 : i32
    %get3A_80 = arith.index_cast %get3A_79 : i32 to index
    %get3A_81 = arith.constant 48 : index
    %get3A_82 = tpu.vector_load %arg5[%get3A_80, %get3A_81] {strides = array<i32>} : memref<80x128xi32, #tpu.memory_space<vmem>>, vector<1x16xi32>,
    %get3A_83 = vector.shape_cast %get3A_82 : vector<1x16xi32> to vector<16xi32>
    %and3A_84 = arith.constant 16383 : i32
    %and3A_85 = vector.broadcast %and3A_84 : i32 to vector<16xi32>
    %and3A_86 = arith.andi %get3A_83, %and3A_85 : vector<16xi32>
    %swap3A_87 = arith.constant 0 : i32
    %swap3A_88 = arith.index_cast %swap3A_87 : i32 to index
    %swap3A_89 = arith.constant 48 : index
    %swap3A_90 = tpu.vector_load %arg6[%swap3A_88, %swap3A_89] {strides = array<i32>} : memref<4x64xi32, #tpu.memory_space<vmem>>, vector<1x16xi32>,
    %swap3A_91 = vector.shape_cast %swap3A_90 : vector<1x16xi32> to vector<16xi32>
    %swap3A_92 = vector.shape_cast %and3A_86 : vector<16xi32> to vector<1x16xi32>
    tpu.vector_store %arg6[%swap3A_88, %swap3A_89], %swap3A_92 {strides = array<i32>} : memref<4x64xi32, #tpu.memory_space<vmem>>, vector<1x16xi32>,
    %dma_start3A = arith.constant 0 : i32
    %dma_start3A_93 = arith.constant 0 : i32
    %dma_start3A_94 = arith.constant 0 : i32
    %dma_start3A_95 = arith.constant 0 : i32
    %dma_start3A_96 = tpu.memref_slice %arg8[%dma_start3A_93, %dma_start3A_94, %dma_start3A_95] : memref<4x64x128xf32, #tpu.memory_space<vmem>> -> memref<1x64x128xf32, #tpu.memory_space<vmem>>
    %dma_start3A_97 = tpu.memref_squeeze %dma_start3A_96 : memref<1x64x128xf32, #tpu.memory_space<vmem>> -> memref<64x128xf32, #tpu.memory_space<vmem>>
    %dma_start3A_98 = arith.constant 0 : i32
    %dma_start3A_99 = tpu.memref_slice %arg6[%dma_start3A, %dma_start3A_98] : memref<4x64xi32, #tpu.memory_space<vmem>> -> memref<1x64xi32, #tpu.memory_space<vmem>>
    %dma_start3A_100 = tpu.memref_squeeze %dma_start3A_99 : memref<1x64xi32, #tpu.memory_space<vmem>> -> memref<64xi32, #tpu.memory_space<vmem>>
    %dma_start3A_101 = arith.constant 0 : i32
    %dma_start3A_102 = arith.constant 0 : i32
    %dma_start3A_103 = tpu.memref_slice %arg2[%dma_start3A_101, %dma_start3A_102] : memref<10000x128xf32, #tpu.memory_space<hbm>> -> memref<10000x128xf32, #tpu.memory_space<hbm>>
    tpu.enqueue_indirect_dma source(%dma_start3A_103 : memref<10000x128xf32, #tpu.memory_space<hbm>>) target(%dma_start3A_97 : memref<64x128xf32, #tpu.memory_space<vmem>>) offsets(%dma_start3A_100 : memref<64xi32, #tpu.memory_space<vmem>>) semaphore(%arg10 : memref<!tpu.dma_semaphore, #tpu.memory_space<semaphore_mem>>)
    %get3A_104 = arith.constant 0 : i32
    %get3A_105 = arith.index_cast %get3A_104 : i32 to index
    %get3A_106 = arith.constant 64 : index
    %get3A_107 = tpu.vector_load %arg5[%get3A_105, %get3A_106] {strides = array<i32>} : memref<80x128xi32, #tpu.memory_space<vmem>>, vector<1x16xi32>,
    %get3A_108 = vector.shape_cast %get3A_107 : vector<1x16xi32> to vector<16xi32>
    %and3A_109 = arith.constant 16383 : i32
    %and3A_110 = vector.broadcast %and3A_109 : i32 to vector<16xi32>
    %and3A_111 = arith.andi %get3A_108, %and3A_110 : vector<16xi32>
    %swap3A_112 = arith.constant 1 : i32
    %swap3A_113 = arith.index_cast %swap3A_112 : i32 to index
    %swap3A_114 = arith.constant 0 : index
    %swap3A_115 = tpu.vector_load %arg6[%swap3A_113, %swap3A_114] {strides = array<i32>} : memref<4x64xi32, #tpu.memory_space<vmem>>, vector<1x16xi32>,
    %swap3A_116 = vector.shape_cast %swap3A_115 : vector<1x16xi32> to vector<16xi32>
    %swap3A_117 = vector.shape_cast %and3A_111 : vector<16xi32> to vector<1x16xi32>
    tpu.vector_store %arg6[%swap3A_113, %swap3A_114], %swap3A_117 {strides = array<i32>} : memref<4x64xi32, #tpu.memory_space<vmem>>, vector<1x16xi32>,
    %get3A_118 = arith.constant 0 : i32
    %get3A_119 = arith.index_cast %get3A_118 : i32 to index
    %get3A_120 = arith.constant 80 : index
    %get3A_121 = tpu.vector_load %arg5[%get3A_119, %get3A_120] {strides = array<i32>} : memref<80x128xi32, #tpu.memory_space<vmem>>, vector<1x16xi32>,
    %get3A_122 = vector.shape_cast %get3A_121 : vector<1x16xi32> to vector<16xi32>
    %and3A_123 = arith.constant 16383 : i32
    %and3A_124 = vector.broadcast %and3A_123 : i32 to vector<16xi32>
    %and3A_125 = arith.andi %get3A_122, %and3A_124 : vector<16xi32>
    %swap3A_126 = arith.constant 1 : i32
    %swap3A_127 = arith.index_cast %swap3A_126 : i32 to index
    %swap3A_128 = arith.constant 16 : index
    %swap3A_129 = tpu.vector_load %arg6[%swap3A_127, %swap3A_128] {strides = array<i32>} : memref<4x64xi32, #tpu.memory_space<vmem>>, vector<1x16xi32>,
    %swap3A_130 = vector.shape_cast %swap3A_129 : vector<1x16xi32> to vector<16xi32>
    %swap3A_131 = vector.shape_cast %and3A_125 : vector<16xi32> to vector<1x16xi32>
    tpu.vector_store %arg6[%swap3A_127, %swap3A_128], %swap3A_131 {strides = array<i32>} : memref<4x64xi32, #tpu.memory_space<vmem>>, vector<1x16xi32>,
    %get3A_132 = arith.constant 0 : i32
    %get3A_133 = arith.index_cast %get3A_132 : i32 to index
    %get3A_134 = arith.constant 96 : index
    %get3A_135 = tpu.vector_load %arg5[%get3A_133, %get3A_134] {strides = array<i32>} : memref<80x128xi32, #tpu.memory_space<vmem>>, vector<1x16xi32>,
    %get3A_136 = vector.shape_cast %get3A_135 : vector<1x16xi32> to vector<16xi32>
    %and3A_137 = arith.constant 16383 : i32
    %and3A_138 = vector.broadcast %and3A_137 : i32 to vector<16xi32>
    %and3A_139 = arith.andi %get3A_136, %and3A_138 : vector<16xi32>
    %swap3A_140 = arith.constant 1 : i32
    %swap3A_141 = arith.index_cast %swap3A_140 : i32 to index
    %swap3A_142 = arith.constant 32 : index
    %swap3A_143 = tpu.vector_load %arg6[%swap3A_141, %swap3A_142] {strides = array<i32>} : memref<4x64xi32, #tpu.memory_space<vmem>>, vector<1x16xi32>,
    %swap3A_144 = vector.shape_cast %swap3A_143 : vector<1x16xi32> to vector<16xi32>
    %swap3A_145 = vector.shape_cast %and3A_139 : vector<16xi32> to vector<1x16xi32>
    tpu.vector_store %arg6[%swap3A_141, %swap3A_142], %swap3A_145 {strides = array<i32>} : memref<4x64xi32, #tpu.memory_space<vmem>>, vector<1x16xi32>,
    %get3A_146 = arith.constant 0 : i32
    %get3A_147 = arith.index_cast %get3A_146 : i32 to index
    %get3A_148 = arith.constant 112 : index
    %get3A_149 = tpu.vector_load %arg5[%get3A_147, %get3A_148] {strides = array<i32>} : memref<80x128xi32, #tpu.memory_space<vmem>>, vector<1x16xi32>,
    %get3A_150 = vector.shape_cast %get3A_149 : vector<1x16xi32> to vector<16xi32>
    %and3A_151 = arith.constant 16383 : i32
    %and3A_152 = vector.broadcast %and3A_151 : i32 to vector<16xi32>
    %and3A_153 = arith.andi %get3A_150, %and3A_152 : vector<16xi32>
    %swap3A_154 = arith.constant 1 : i32
    %swap3A_155 = arith.index_cast %swap3A_154 : i32 to index
    %swap3A_156 = arith.constant 48 : index
    %swap3A_157 = tpu.vector_load %arg6[%swap3A_155, %swap3A_156] {strides = array<i32>} : memref<4x64xi32, #tpu.memory_space<vmem>>, vector<1x16xi32>,
    %swap3A_158 = vector.shape_cast %swap3A_157 : vector<1x16xi32> to vector<16xi32>
    %swap3A_159 = vector.shape_cast %and3A_153 : vector<16xi32> to vector<1x16xi32>
    tpu.vector_store %arg6[%swap3A_155, %swap3A_156], %swap3A_159 {strides = array<i32>} : memref<4x64xi32, #tpu.memory_space<vmem>>, vector<1x16xi32>,
    %dma_start3A_160 = arith.constant 1 : i32
    %dma_start3A_161 = arith.constant 1 : i32
    %dma_start3A_162 = arith.constant 0 : i32
    %dma_start3A_163 = arith.constant 0 : i32
    %dma_start3A_164 = tpu.memref_slice %arg8[%dma_start3A_161, %dma_start3A_162, %dma_start3A_163] : memref<4x64x128xf32, #tpu.memory_space<vmem>> -> memref<1x64x128xf32, #tpu.memory_space<vmem>>
    %dma_start3A_165 = tpu.memref_squeeze %dma_start3A_164 : memref<1x64x128xf32, #tpu.memory_space<vmem>> -> memref<64x128xf32, #tpu.memory_space<vmem>>
    %dma_start3A_166 = arith.constant 0 : i32
    %dma_start3A_167 = tpu.memref_slice %arg6[%dma_start3A_160, %dma_start3A_166] : memref<4x64xi32, #tpu.memory_space<vmem>> -> memref<1x64xi32, #tpu.memory_space<vmem>>
    %dma_start3A_168 = tpu.memref_squeeze %dma_start3A_167 : memref<1x64xi32, #tpu.memory_space<vmem>> -> memref<64xi32, #tpu.memory_space<vmem>>
    %dma_start3A_169 = arith.constant 0 : i32
    %dma_start3A_170 = arith.constant 0 : i32
    %dma_start3A_171 = tpu.memref_slice %arg2[%dma_start3A_169, %dma_start3A_170] : memref<10000x128xf32, #tpu.memory_space<hbm>> -> memref<10000x128xf32, #tpu.memory_space<hbm>>
    tpu.enqueue_indirect_dma source(%dma_start3A_171 : memref<10000x128xf32, #tpu.memory_space<hbm>>) target(%dma_start3A_165 : memref<64x128xf32, #tpu.memory_space<vmem>>) offsets(%dma_start3A_168 : memref<64xi32, #tpu.memory_space<vmem>>) semaphore(%arg11 : memref<!tpu.dma_semaphore, #tpu.memory_space<semaphore_mem>>)
    %get3A_172 = arith.constant 1 : i32
    %get3A_173 = arith.index_cast %get3A_172 : i32 to index
    %get3A_174 = arith.constant 0 : index
    %get3A_175 = tpu.vector_load %arg5[%get3A_173, %get3A_174] {strides = array<i32>} : memref<80x128xi32, #tpu.memory_space<vmem>>, vector<1x16xi32>,
    %get3A_176 = vector.shape_cast %get3A_175 : vector<1x16xi32> to vector<16xi32>
    %and3A_177 = arith.constant 16383 : i32
    %and3A_178 = vector.broadcast %and3A_177 : i32 to vector<16xi32>
    %and3A_179 = arith.andi %get3A_176, %and3A_178 : vector<16xi32>
    %swap3A_180 = arith.constant 2 : i32
    %swap3A_181 = arith.index_cast %swap3A_180 : i32 to index
    %swap3A_182 = arith.constant 0 : index
    %swap3A_183 = tpu.vector_load %arg6[%swap3A_181, %swap3A_182] {strides = array<i32>} : memref<4x64xi32, #tpu.memory_space<vmem>>, vector<1x16xi32>,
    %swap3A_184 = vector.shape_cast %swap3A_183 : vector<1x16xi32> to vector<16xi32>
    %swap3A_185 = vector.shape_cast %and3A_179 : vector<16xi32> to vector<1x16xi32>
    tpu.vector_store %arg6[%swap3A_181, %swap3A_182], %swap3A_185 {strides = array<i32>} : memref<4x64xi32, #tpu.memory_space<vmem>>, vector<1x16xi32>,
    %get3A_186 = arith.constant 1 : i32
    %get3A_187 = arith.index_cast %get3A_186 : i32 to index
    %get3A_188 = arith.constant 16 : index
    %get3A_189 = tpu.vector_load %arg5[%get3A_187, %get3A_188] {strides = array<i32>} : memref<80x128xi32, #tpu.memory_space<vmem>>, vector<1x16xi32>,
    %get3A_190 = vector.shape_cast %get3A_189 : vector<1x16xi32> to vector<16xi32>
    %and3A_191 = arith.constant 16383 : i32
    %and3A_192 = vector.broadcast %and3A_191 : i32 to vector<16xi32>
    %and3A_193 = arith.andi %get3A_190, %and3A_192 : vector<16xi32>
    %swap3A_194 = arith.constant 2 : i32
    %swap3A_195 = arith.index_cast %swap3A_194 : i32 to index
    %swap3A_196 = arith.constant 16 : index
    %swap3A_197 = tpu.vector_load %arg6[%swap3A_195, %swap3A_196] {strides = array<i32>} : memref<4x64xi32, #tpu.memory_space<vmem>>, vector<1x16xi32>,
    %swap3A_198 = vector.shape_cast %swap3A_197 : vector<1x16xi32> to vector<16xi32>
    %swap3A_199 = vector.shape_cast %and3A_193 : vector<16xi32> to vector<1x16xi32>
    tpu.vector_store %arg6[%swap3A_195, %swap3A_196], %swap3A_199 {strides = array<i32>} : memref<4x64xi32, #tpu.memory_space<vmem>>, vector<1x16xi32>,
    %get3A_200 = arith.constant 1 : i32
    %get3A_201 = arith.index_cast %get3A_200 : i32 to index
    %get3A_202 = arith.constant 32 : index
    %get3A_203 = tpu.vector_load %arg5[%get3A_201, %get3A_202] {strides = array<i32>} : memref<80x128xi32, #tpu.memory_space<vmem>>, vector<1x16xi32>,
    %get3A_204 = vector.shape_cast %get3A_203 : vector<1x16xi32> to vector<16xi32>
    %and3A_205 = arith.constant 16383 : i32
    %and3A_206 = vector.broadcast %and3A_205 : i32 to vector<16xi32>
    %and3A_207 = arith.andi %get3A_204, %and3A_206 : vector<16xi32>
    %swap3A_208 = arith.constant 2 : i32
    %swap3A_209 = arith.index_cast %swap3A_208 : i32 to index
    %swap3A_210 = arith.constant 32 : index
    %swap3A_211 = tpu.vector_load %arg6[%swap3A_209, %swap3A_210] {strides = array<i32>} : memref<4x64xi32, #tpu.memory_space<vmem>>, vector<1x16xi32>,
    %swap3A_212 = vector.shape_cast %swap3A_211 : vector<1x16xi32> to vector<16xi32>
    %swap3A_213 = vector.shape_cast %and3A_207 : vector<16xi32> to vector<1x16xi32>
    tpu.vector_store %arg6[%swap3A_209, %swap3A_210], %swap3A_213 {strides = array<i32>} : memref<4x64xi32, #tpu.memory_space<vmem>>, vector<1x16xi32>,
    %get3A_214 = arith.constant 1 : i32
    %get3A_215 = arith.index_cast %get3A_214 : i32 to index
    %get3A_216 = arith.constant 48 : index
    %get3A_217 = tpu.vector_load %arg5[%get3A_215, %get3A_216] {strides = array<i32>} : memref<80x128xi32, #tpu.memory_space<vmem>>, vector<1x16xi32>,
    %get3A_218 = vector.shape_cast %get3A_217 : vector<1x16xi32> to vector<16xi32>
    %and3A_219 = arith.constant 16383 : i32
    %and3A_220 = vector.broadcast %and3A_219 : i32 to vector<16xi32>
    %and3A_221 = arith.andi %get3A_218, %and3A_220 : vector<16xi32>
    %swap3A_222 = arith.constant 2 : i32
    %swap3A_223 = arith.index_cast %swap3A_222 : i32 to index
    %swap3A_224 = arith.constant 48 : index
    %swap3A_225 = tpu.vector_load %arg6[%swap3A_223, %swap3A_224] {strides = array<i32>} : memref<4x64xi32, #tpu.memory_space<vmem>>, vector<1x16xi32>,
    %swap3A_226 = vector.shape_cast %swap3A_225 : vector<1x16xi32> to vector<16xi32>
    %swap3A_227 = vector.shape_cast %and3A_221 : vector<16xi32> to vector<1x16xi32>
    tpu.vector_store %arg6[%swap3A_223, %swap3A_224], %swap3A_227 {strides = array<i32>} : memref<4x64xi32, #tpu.memory_space<vmem>>, vector<1x16xi32>,
    %dma_start3A_228 = arith.constant 2 : i32
    %dma_start3A_229 = arith.constant 2 : i32
    %dma_start3A_230 = arith.constant 0 : i32
    %dma_start3A_231 = arith.constant 0 : i32
    %dma_start3A_232 = tpu.memref_slice %arg8[%dma_start3A_229, %dma_start3A_230, %dma_start3A_231] : memref<4x64x128xf32, #tpu.memory_space<vmem>> -> memref<1x64x128xf32, #tpu.memory_space<vmem>>
    %dma_start3A_233 = tpu.memref_squeeze %dma_start3A_232 : memref<1x64x128xf32, #tpu.memory_space<vmem>> -> memref<64x128xf32, #tpu.memory_space<vmem>>
    %dma_start3A_234 = arith.constant 0 : i32
    %dma_start3A_235 = tpu.memref_slice %arg6[%dma_start3A_228, %dma_start3A_234] : memref<4x64xi32, #tpu.memory_space<vmem>> -> memref<1x64xi32, #tpu.memory_space<vmem>>
    %dma_start3A_236 = tpu.memref_squeeze %dma_start3A_235 : memref<1x64xi32, #tpu.memory_space<vmem>> -> memref<64xi32, #tpu.memory_space<vmem>>
    %dma_start3A_237 = arith.constant 0 : i32
    %dma_start3A_238 = arith.constant 0 : i32
    %dma_start3A_239 = tpu.memref_slice %arg2[%dma_start3A_237, %dma_start3A_238] : memref<10000x128xf32, #tpu.memory_space<hbm>> -> memref<10000x128xf32, #tpu.memory_space<hbm>>
    tpu.enqueue_indirect_dma source(%dma_start3A_239 : memref<10000x128xf32, #tpu.memory_space<hbm>>) target(%dma_start3A_233 : memref<64x128xf32, #tpu.memory_space<vmem>>) offsets(%dma_start3A_236 : memref<64xi32, #tpu.memory_space<vmem>>) semaphore(%arg12 : memref<!tpu.dma_semaphore, #tpu.memory_space<semaphore_mem>>)
    %get3A_240 = arith.constant 1 : i32
    %get3A_241 = arith.index_cast %get3A_240 : i32 to index
    %get3A_242 = arith.constant 64 : index
    %get3A_243 = tpu.vector_load %arg5[%get3A_241, %get3A_242] {strides = array<i32>} : memref<80x128xi32, #tpu.memory_space<vmem>>, vector<1x16xi32>,
    %get3A_244 = vector.shape_cast %get3A_243 : vector<1x16xi32> to vector<16xi32>
    %and3A_245 = arith.constant 16383 : i32
    %and3A_246 = vector.broadcast %and3A_245 : i32 to vector<16xi32>
    %and3A_247 = arith.andi %get3A_244, %and3A_246 : vector<16xi32>
    %swap3A_248 = arith.constant 3 : i32
    %swap3A_249 = arith.index_cast %swap3A_248 : i32 to index
    %swap3A_250 = arith.constant 0 : index
    %swap3A_251 = tpu.vector_load %arg6[%swap3A_249, %swap3A_250] {strides = array<i32>} : memref<4x64xi32, #tpu.memory_space<vmem>>, vector<1x16xi32>,
    %swap3A_252 = vector.shape_cast %swap3A_251 : vector<1x16xi32> to vector<16xi32>
    %swap3A_253 = vector.shape_cast %and3A_247 : vector<16xi32> to vector<1x16xi32>
    tpu.vector_store %arg6[%swap3A_249, %swap3A_250], %swap3A_253 {strides = array<i32>} : memref<4x64xi32, #tpu.memory_space<vmem>>, vector<1x16xi32>,
    %get3A_254 = arith.constant 1 : i32
    %get3A_255 = arith.index_cast %get3A_254 : i32 to index
    %get3A_256 = arith.constant 80 : index
    %get3A_257 = tpu.vector_load %arg5[%get3A_255, %get3A_256] {strides = array<i32>} : memref<80x128xi32, #tpu.memory_space<vmem>>, vector<1x16xi32>,
    %get3A_258 = vector.shape_cast %get3A_257 : vector<1x16xi32> to vector<16xi32>
    %and3A_259 = arith.constant 16383 : i32
    %and3A_260 = vector.broadcast %and3A_259 : i32 to vector<16xi32>
    %and3A_261 = arith.andi %get3A_258, %and3A_260 : vector<16xi32>
    %swap3A_262 = arith.constant 3 : i32
    %swap3A_263 = arith.index_cast %swap3A_262 : i32 to index
    %swap3A_264 = arith.constant 16 : index
    %swap3A_265 = tpu.vector_load %arg6[%swap3A_263, %swap3A_264] {strides = array<i32>} : memref<4x64xi32, #tpu.memory_space<vmem>>, vector<1x16xi32>,
    %swap3A_266 = vector.shape_cast %swap3A_265 : vector<1x16xi32> to vector<16xi32>
    %swap3A_267 = vector.shape_cast %and3A_261 : vector<16xi32> to vector<1x16xi32>
    tpu.vector_store %arg6[%swap3A_263, %swap3A_264], %swap3A_267 {strides = array<i32>} : memref<4x64xi32, #tpu.memory_space<vmem>>, vector<1x16xi32>,
    %get3A_268 = arith.constant 1 : i32
    %get3A_269 = arith.index_cast %get3A_268 : i32 to index
    %get3A_270 = arith.constant 96 : index
    %get3A_271 = tpu.vector_load %arg5[%get3A_269, %get3A_270] {strides = array<i32>} : memref<80x128xi32, #tpu.memory_space<vmem>>, vector<1x16xi32>,
    %get3A_272 = vector.shape_cast %get3A_271 : vector<1x16xi32> to vector<16xi32>
    %and3A_273 = arith.constant 16383 : i32
    %and3A_274 = vector.broadcast %and3A_273 : i32 to vector<16xi32>
    %and3A_275 = arith.andi %get3A_272, %and3A_274 : vector<16xi32>
    %swap3A_276 = arith.constant 3 : i32
    %swap3A_277 = arith.index_cast %swap3A_276 : i32 to index
    %swap3A_278 = arith.constant 32 : index
    %swap3A_279 = tpu.vector_load %arg6[%swap3A_277, %swap3A_278] {strides = array<i32>} : memref<4x64xi32, #tpu.memory_space<vmem>>, vector<1x16xi32>,
    %swap3A_280 = vector.shape_cast %swap3A_279 : vector<1x16xi32> to vector<16xi32>
    %swap3A_281 = vector.shape_cast %and3A_275 : vector<16xi32> to vector<1x16xi32>
    tpu.vector_store %arg6[%swap3A_277, %swap3A_278], %swap3A_281 {strides = array<i32>} : memref<4x64xi32, #tpu.memory_space<vmem>>, vector<1x16xi32>,
    %get3A_282 = arith.constant 1 : i32
    %get3A_283 = arith.index_cast %get3A_282 : i32 to index
    %get3A_284 = arith.constant 112 : index
    %get3A_285 = tpu.vector_load %arg5[%get3A_283, %get3A_284] {strides = array<i32>} : memref<80x128xi32, #tpu.memory_space<vmem>>, vector<1x16xi32>,
    %get3A_286 = vector.shape_cast %get3A_285 : vector<1x16xi32> to vector<16xi32>
    %and3A_287 = arith.constant 16383 : i32
    %and3A_288 = vector.broadcast %and3A_287 : i32 to vector<16xi32>
    %and3A_289 = arith.andi %get3A_286, %and3A_288 : vector<16xi32>
    %swap3A_290 = arith.constant 3 : i32
    %swap3A_291 = arith.index_cast %swap3A_290 : i32 to index
    %swap3A_292 = arith.constant 48 : index
    %swap3A_293 = tpu.vector_load %arg6[%swap3A_291, %swap3A_292] {strides = array<i32>} : memref<4x64xi32, #tpu.memory_space<vmem>>, vector<1x16xi32>,
    %swap3A_294 = vector.shape_cast %swap3A_293 : vector<1x16xi32> to vector<16xi32>
    %swap3A_295 = vector.shape_cast %and3A_289 : vector<16xi32> to vector<1x16xi32>
    tpu.vector_store %arg6[%swap3A_291, %swap3A_292], %swap3A_295 {strides = array<i32>} : memref<4x64xi32, #tpu.memory_space<vmem>>, vector<1x16xi32>,
    %dma_start3A_296 = arith.constant 3 : i32
    %dma_start3A_297 = arith.constant 3 : i32
    %dma_start3A_298 = arith.constant 0 : i32
    %dma_start3A_299 = arith.constant 0 : i32
    %dma_start3A_300 = tpu.memref_slice %arg8[%dma_start3A_297, %dma_start3A_298, %dma_start3A_299] : memref<4x64x128xf32, #tpu.memory_space<vmem>> -> memref<1x64x128xf32, #tpu.memory_space<vmem>>
    %dma_start3A_301 = tpu.memref_squeeze %dma_start3A_300 : memref<1x64x128xf32, #tpu.memory_space<vmem>> -> memref<64x128xf32, #tpu.memory_space<vmem>>
    %dma_start3A_302 = arith.constant 0 : i32
    %dma_start3A_303 = tpu.memref_slice %arg6[%dma_start3A_296, %dma_start3A_302] : memref<4x64xi32, #tpu.memory_space<vmem>> -> memref<1x64xi32, #tpu.memory_space<vmem>>
    %dma_start3A_304 = tpu.memref_squeeze %dma_start3A_303 : memref<1x64xi32, #tpu.memory_space<vmem>> -> memref<64xi32, #tpu.memory_space<vmem>>
    %dma_start3A_305 = arith.constant 0 : i32
    %dma_start3A_306 = arith.constant 0 : i32
    %dma_start3A_307 = tpu.memref_slice %arg2[%dma_start3A_305, %dma_start3A_306] : memref<10000x128xf32, #tpu.memory_space<hbm>> -> memref<10000x128xf32, #tpu.memory_space<hbm>>
    tpu.enqueue_indirect_dma source(%dma_start3A_307 : memref<10000x128xf32, #tpu.memory_space<hbm>>) target(%dma_start3A_301 : memref<64x128xf32, #tpu.memory_space<vmem>>) offsets(%dma_start3A_304 : memref<64xi32, #tpu.memory_space<vmem>>) semaphore(%arg13 : memref<!tpu.dma_semaphore, #tpu.memory_space<semaphore_mem>>)
    %scan3A_308 = arith.constant 0 : i32
    %scan3A_309 = arith.constant 0 : i32
    %scan3A_310 = arith.constant 39 : i32
    %scan3A_311 = arith.addi %scan3A_309, %scan3A_310 : i32
    %scan3A_312 = arith.constant 1 : i32
    scf.for %scan3A_729 = %scan3A_309 to %scan3A_311 step %scan3A_312  : i32 {
      %mul3A_730 = arith.constant 4 : i32
      %mul3A_731 = arith.muli %scan3A_729, %mul3A_730 : i32
      %dma_wait3A_732 = arith.constant 0 : i32
      %dma_wait3A_733 = arith.constant 0 : i32
      %dma_wait3A_734 = arith.constant 0 : i32
      %dma_wait3A_735 = arith.constant 0 : i32
      %dma_wait3A_736 = tpu.memref_slice %arg8[%dma_wait3A_733, %dma_wait3A_734, %dma_wait3A_735] : memref<4x64x128xf32, #tpu.memory_space<vmem>> -> memref<1x64x128xf32, #tpu.memory_space<vmem>>
      %dma_wait3A_737 = tpu.memref_squeeze %dma_wait3A_736 : memref<1x64x128xf32, #tpu.memory_space<vmem>> -> memref<64x128xf32, #tpu.memory_space<vmem>>
      %dma_wait3A_738 = arith.constant 0 : i32
      %dma_wait3A_739 = tpu.memref_slice %arg6[%dma_wait3A_732, %dma_wait3A_738] : memref<4x64xi32, #tpu.memory_space<vmem>> -> memref<1x64xi32, #tpu.memory_space<vmem>>
      %dma_wait3A_740 = tpu.memref_squeeze %dma_wait3A_739 : memref<1x64xi32, #tpu.memory_space<vmem>> -> memref<64xi32, #tpu.memory_space<vmem>>
      %dma_wait3A_741 = arith.constant 0 : i32
      %dma_wait3A_742 = arith.constant 0 : i32
      %dma_wait3A_743 = tpu.memref_slice %arg2[%dma_wait3A_741, %dma_wait3A_742] : memref<10000x128xf32, #tpu.memory_space<hbm>> -> memref<10000x128xf32, #tpu.memory_space<hbm>>
      tpu.wait_indirect_dma semaphore(%arg10 : memref<!tpu.dma_semaphore, #tpu.memory_space<semaphore_mem>>) src(%dma_wait3A_743 : memref<10000x128xf32, #tpu.memory_space<hbm>>) dst(%dma_wait3A_737 : memref<64x128xf32, #tpu.memory_space<vmem>>)
      %add3A_744 = arith.constant 0 : i32
      %add3A_745 = arith.addi %mul3A_731, %add3A_744 : i32
      %jit3A = arith.constant 2 : i32
      %div3A = arith.divsi %add3A_745, %jit3A : i32
      %sign3A = arith.constant 0 : i32
      %sign3A_746 = arith.cmpi sgt, %add3A_745, %sign3A : i32
      %sign3A_747 = arith.extui %sign3A_746 : i1 to i32
      %sign3A_748 = arith.constant 0 : i32
      %sign3A_749 = arith.cmpi slt, %add3A_745, %sign3A_748 : i32
      %sign3A_750 = arith.extui %sign3A_749 : i1 to i32
      %sign3A_751 = arith.subi %sign3A_747, %sign3A_750 : i32
      %sign3A_752 = arith.constant 0 : i32
      %sign3A_753 = arith.cmpi sgt, %jit3A, %sign3A_752 : i32
      %sign3A_754 = arith.extui %sign3A_753 : i1 to i32
      %sign3A_755 = arith.constant 0 : i32
      %sign3A_756 = arith.cmpi slt, %jit3A, %sign3A_755 : i32
      %sign3A_757 = arith.extui %sign3A_756 : i1 to i32
      %sign3A_758 = arith.subi %sign3A_754, %sign3A_757 : i32
      %ne3A = arith.cmpi ne, %sign3A_751, %sign3A_758 : i32
      %rem3A = arith.remsi %add3A_745, %jit3A : i32
      %ne3A_759 = arith.constant 0 : i32
      %ne3A_760 = arith.cmpi ne, %rem3A, %ne3A_759 : i32
      %and3A_761 = arith.andi %ne3A, %ne3A_760 : i1
      %sub3A = arith.constant 1 : i32
      %sub3A_762 = arith.subi %div3A, %sub3A : i32
      %select_n3A = arith.select %and3A_761, %sub3A_762, %div3A : i32
      %get3A_763 = arith.index_cast %select_n3A : i32 to index
      %get3A_764 = arith.constant 0 : index
      %get3A_765 = tpu.vector_load %arg5[%get3A_763, %get3A_764] {strides = array<i32>} : memref<80x128xi32, #tpu.memory_space<vmem>>, vector<1x16xi32>,
      %get3A_766 = vector.shape_cast %get3A_765 : vector<1x16xi32> to vector<16xi32>
      %shift_right_logical3A_767 = arith.constant 14 : i32
      %shift_right_logical3A_768 = vector.broadcast %shift_right_logical3A_767 : i32 to vector<16xi32>
      %shift_right_logical3A_769 = arith.shrui %get3A_766, %shift_right_logical3A_768 : vector<16xi32>
      %and3A_770 = arith.constant 16383 : i32
      %and3A_771 = vector.broadcast %and3A_770 : i32 to vector<16xi32>
      %and3A_772 = arith.andi %shift_right_logical3A_769, %and3A_771 : vector<16xi32>
      %swap3A_773 = arith.constant 0 : i32
      %swap3A_774 = arith.index_cast %swap3A_773 : i32 to index
      %swap3A_775 = arith.constant 0 : index
      %swap3A_776 = tpu.vector_load %arg7[%swap3A_774, %swap3A_775] {strides = array<i32>} : memref<4x64xi32, #tpu.memory_space<vmem>>, vector<1x16xi32>,
      %swap3A_777 = vector.shape_cast %swap3A_776 : vector<1x16xi32> to vector<16xi32>
      %swap3A_778 = vector.shape_cast %and3A_772 : vector<16xi32> to vector<1x16xi32>
      tpu.vector_store %arg7[%swap3A_774, %swap3A_775], %swap3A_778 {strides = array<i32>} : memref<4x64xi32, #tpu.memory_space<vmem>>, vector<1x16xi32>,
      %jit3A_779 = arith.constant 2 : i32
      %div3A_780 = arith.divsi %add3A_745, %jit3A_779 : i32
      %sign3A_781 = arith.constant 0 : i32
      %sign3A_782 = arith.cmpi sgt, %add3A_745, %sign3A_781 : i32
      %sign3A_783 = arith.extui %sign3A_782 : i1 to i32
      %sign3A_784 = arith.constant 0 : i32
      %sign3A_785 = arith.cmpi slt, %add3A_745, %sign3A_784 : i32
      %sign3A_786 = arith.extui %sign3A_785 : i1 to i32
      %sign3A_787 = arith.subi %sign3A_783, %sign3A_786 : i32
      %sign3A_788 = arith.constant 0 : i32
      %sign3A_789 = arith.cmpi sgt, %jit3A_779, %sign3A_788 : i32
      %sign3A_790 = arith.extui %sign3A_789 : i1 to i32
      %sign3A_791 = arith.constant 0 : i32
      %sign3A_792 = arith.cmpi slt, %jit3A_779, %sign3A_791 : i32
      %sign3A_793 = arith.extui %sign3A_792 : i1 to i32
      %sign3A_794 = arith.subi %sign3A_790, %sign3A_793 : i32
      %ne3A_795 = arith.cmpi ne, %sign3A_787, %sign3A_794 : i32
      %rem3A_796 = arith.remsi %add3A_745, %jit3A_779 : i32
      %ne3A_797 = arith.constant 0 : i32
      %ne3A_798 = arith.cmpi ne, %rem3A_796, %ne3A_797 : i32
      %and3A_799 = arith.andi %ne3A_795, %ne3A_798 : i1
      %sub3A_800 = arith.constant 1 : i32
      %sub3A_801 = arith.subi %div3A_780, %sub3A_800 : i32
      %select_n3A_802 = arith.select %and3A_799, %sub3A_801, %div3A_780 : i32
      %get3A_803 = arith.index_cast %select_n3A_802 : i32 to index
      %get3A_804 = arith.constant 16 : index
      %get3A_805 = tpu.vector_load %arg5[%get3A_803, %get3A_804] {strides = array<i32>} : memref<80x128xi32, #tpu.memory_space<vmem>>, vector<1x16xi32>,
      %get3A_806 = vector.shape_cast %get3A_805 : vector<1x16xi32> to vector<16xi32>
      %shift_right_logical3A_807 = arith.constant 14 : i32
      %shift_right_logical3A_808 = vector.broadcast %shift_right_logical3A_807 : i32 to vector<16xi32>
      %shift_right_logical3A_809 = arith.shrui %get3A_806, %shift_right_logical3A_808 : vector<16xi32>
      %and3A_810 = arith.constant 16383 : i32
      %and3A_811 = vector.broadcast %and3A_810 : i32 to vector<16xi32>
      %and3A_812 = arith.andi %shift_right_logical3A_809, %and3A_811 : vector<16xi32>
      %swap3A_813 = arith.constant 0 : i32
      %swap3A_814 = arith.index_cast %swap3A_813 : i32 to index
      %swap3A_815 = arith.constant 16 : index
      %swap3A_816 = tpu.vector_load %arg7[%swap3A_814, %swap3A_815] {strides = array<i32>} : memref<4x64xi32, #tpu.memory_space<vmem>>, vector<1x16xi32>,
      %swap3A_817 = vector.shape_cast %swap3A_816 : vector<1x16xi32> to vector<16xi32>
      %swap3A_818 = vector.shape_cast %and3A_812 : vector<16xi32> to vector<1x16xi32>
      tpu.vector_store %arg7[%swap3A_814, %swap3A_815], %swap3A_818 {strides = array<i32>} : memref<4x64xi32, #tpu.memory_space<vmem>>, vector<1x16xi32>,
      %jit3A_819 = arith.constant 2 : i32
      %div3A_820 = arith.divsi %add3A_745, %jit3A_819 : i32
      %sign3A_821 = arith.constant 0 : i32
      %sign3A_822 = arith.cmpi sgt, %add3A_745, %sign3A_821 : i32
      %sign3A_823 = arith.extui %sign3A_822 : i1 to i32
      %sign3A_824 = arith.constant 0 : i32
      %sign3A_825 = arith.cmpi slt, %add3A_745, %sign3A_824 : i32
      %sign3A_826 = arith.extui %sign3A_825 : i1 to i32
      %sign3A_827 = arith.subi %sign3A_823, %sign3A_826 : i32
      %sign3A_828 = arith.constant 0 : i32
      %sign3A_829 = arith.cmpi sgt, %jit3A_819, %sign3A_828 : i32
      %sign3A_830 = arith.extui %sign3A_829 : i1 to i32
      %sign3A_831 = arith.constant 0 : i32
      %sign3A_832 = arith.cmpi slt, %jit3A_819, %sign3A_831 : i32
      %sign3A_833 = arith.extui %sign3A_832 : i1 to i32
      %sign3A_834 = arith.subi %sign3A_830, %sign3A_833 : i32
      %ne3A_835 = arith.cmpi ne, %sign3A_827, %sign3A_834 : i32
      %rem3A_836 = arith.remsi %add3A_745, %jit3A_819 : i32
      %ne3A_837 = arith.constant 0 : i32
      %ne3A_838 = arith.cmpi ne, %rem3A_836, %ne3A_837 : i32
      %and3A_839 = arith.andi %ne3A_835, %ne3A_838 : i1
      %sub3A_840 = arith.constant 1 : i32
      %sub3A_841 = arith.subi %div3A_820, %sub3A_840 : i32
      %select_n3A_842 = arith.select %and3A_839, %sub3A_841, %div3A_820 : i32
      %get3A_843 = arith.index_cast %select_n3A_842 : i32 to index
      %get3A_844 = arith.constant 32 : index
      %get3A_845 = tpu.vector_load %arg5[%get3A_843, %get3A_844] {strides = array<i32>} : memref<80x128xi32, #tpu.memory_space<vmem>>, vector<1x16xi32>,
      %get3A_846 = vector.shape_cast %get3A_845 : vector<1x16xi32> to vector<16xi32>
      %shift_right_logical3A_847 = arith.constant 14 : i32
      %shift_right_logical3A_848 = vector.broadcast %shift_right_logical3A_847 : i32 to vector<16xi32>
      %shift_right_logical3A_849 = arith.shrui %get3A_846, %shift_right_logical3A_848 : vector<16xi32>
      %and3A_850 = arith.constant 16383 : i32
      %and3A_851 = vector.broadcast %and3A_850 : i32 to vector<16xi32>
      %and3A_852 = arith.andi %shift_right_logical3A_849, %and3A_851 : vector<16xi32>
      %swap3A_853 = arith.constant 0 : i32
      %swap3A_854 = arith.index_cast %swap3A_853 : i32 to index
      %swap3A_855 = arith.constant 32 : index
      %swap3A_856 = tpu.vector_load %arg7[%swap3A_854, %swap3A_855] {strides = array<i32>} : memref<4x64xi32, #tpu.memory_space<vmem>>, vector<1x16xi32>,
      %swap3A_857 = vector.shape_cast %swap3A_856 : vector<1x16xi32> to vector<16xi32>
      %swap3A_858 = vector.shape_cast %and3A_852 : vector<16xi32> to vector<1x16xi32>
      tpu.vector_store %arg7[%swap3A_854, %swap3A_855], %swap3A_858 {strides = array<i32>} : memref<4x64xi32, #tpu.memory_space<vmem>>, vector<1x16xi32>,
      %jit3A_859 = arith.constant 2 : i32
      %div3A_860 = arith.divsi %add3A_745, %jit3A_859 : i32
      %sign3A_861 = arith.constant 0 : i32
      %sign3A_862 = arith.cmpi sgt, %add3A_745, %sign3A_861 : i32
      %sign3A_863 = arith.extui %sign3A_862 : i1 to i32
      %sign3A_864 = arith.constant 0 : i32
      %sign3A_865 = arith.cmpi slt, %add3A_745, %sign3A_864 : i32
      %sign3A_866 = arith.extui %sign3A_865 : i1 to i32
      %sign3A_867 = arith.subi %sign3A_863, %sign3A_866 : i32
      %sign3A_868 = arith.constant 0 : i32
      %sign3A_869 = arith.cmpi sgt, %jit3A_859, %sign3A_868 : i32
      %sign3A_870 = arith.extui %sign3A_869 : i1 to i32
      %sign3A_871 = arith.constant 0 : i32
      %sign3A_872 = arith.cmpi slt, %jit3A_859, %sign3A_871 : i32
      %sign3A_873 = arith.extui %sign3A_872 : i1 to i32
      %sign3A_874 = arith.subi %sign3A_870, %sign3A_873 : i32
      %ne3A_875 = arith.cmpi ne, %sign3A_867, %sign3A_874 : i32
      %rem3A_876 = arith.remsi %add3A_745, %jit3A_859 : i32
      %ne3A_877 = arith.constant 0 : i32
      %ne3A_878 = arith.cmpi ne, %rem3A_876, %ne3A_877 : i32
      %and3A_879 = arith.andi %ne3A_875, %ne3A_878 : i1
      %sub3A_880 = arith.constant 1 : i32
      %sub3A_881 = arith.subi %div3A_860, %sub3A_880 : i32
      %select_n3A_882 = arith.select %and3A_879, %sub3A_881, %div3A_860 : i32
      %get3A_883 = arith.index_cast %select_n3A_882 : i32 to index
      %get3A_884 = arith.constant 48 : index
      %get3A_885 = tpu.vector_load %arg5[%get3A_883, %get3A_884] {strides = array<i32>} : memref<80x128xi32, #tpu.memory_space<vmem>>, vector<1x16xi32>,
      %get3A_886 = vector.shape_cast %get3A_885 : vector<1x16xi32> to vector<16xi32>
      %shift_right_logical3A_887 = arith.constant 14 : i32
      %shift_right_logical3A_888 = vector.broadcast %shift_right_logical3A_887 : i32 to vector<16xi32>
      %shift_right_logical3A_889 = arith.shrui %get3A_886, %shift_right_logical3A_888 : vector<16xi32>
      %and3A_890 = arith.constant 16383 : i32
      %and3A_891 = vector.broadcast %and3A_890 : i32 to vector<16xi32>
      %and3A_892 = arith.andi %shift_right_logical3A_889, %and3A_891 : vector<16xi32>
      %swap3A_893 = arith.constant 0 : i32
      %swap3A_894 = arith.index_cast %swap3A_893 : i32 to index
      %swap3A_895 = arith.constant 48 : index
      %swap3A_896 = tpu.vector_load %arg7[%swap3A_894, %swap3A_895] {strides = array<i32>} : memref<4x64xi32, #tpu.memory_space<vmem>>, vector<1x16xi32>,
      %swap3A_897 = vector.shape_cast %swap3A_896 : vector<1x16xi32> to vector<16xi32>
      %swap3A_898 = vector.shape_cast %and3A_892 : vector<16xi32> to vector<1x16xi32>
      tpu.vector_store %arg7[%swap3A_894, %swap3A_895], %swap3A_898 {strides = array<i32>} : memref<4x64xi32, #tpu.memory_space<vmem>>, vector<1x16xi32>,
      %dma_start3A_899 = arith.constant 0 : i32
      %dma_start3A_900 = arith.constant 0 : i32
      %dma_start3A_901 = arith.constant 0 : i32
      %dma_start3A_902 = arith.constant 0 : i32
      %dma_start3A_903 = tpu.memref_slice %arg8[%dma_start3A_899, %dma_start3A_901, %dma_start3A_902] : memref<4x64x128xf32, #tpu.memory_space<vmem>> -> memref<1x64x128xf32, #tpu.memory_space<vmem>>
      %dma_start3A_904 = tpu.memref_squeeze %dma_start3A_903 : memref<1x64x128xf32, #tpu.memory_space<vmem>> -> memref<64x128xf32, #tpu.memory_space<vmem>>
      %dma_start3A_905 = arith.constant 0 : i32
      %dma_start3A_906 = tpu.memref_slice %arg7[%dma_start3A_900, %dma_start3A_905] : memref<4x64xi32, #tpu.memory_space<vmem>> -> memref<1x64xi32, #tpu.memory_space<vmem>>
      %dma_start3A_907 = tpu.memref_squeeze %dma_start3A_906 : memref<1x64xi32, #tpu.memory_space<vmem>> -> memref<64xi32, #tpu.memory_space<vmem>>
      %dma_start3A_908 = arith.constant 0 : i32
      %dma_start3A_909 = arith.constant 0 : i32
      %dma_start3A_910 = tpu.memref_slice %arg9[%dma_start3A_908, %dma_start3A_909] : memref<10112x128xf32, #tpu.memory_space<vmem_shared>> -> memref<10112x128xf32, #tpu.memory_space<vmem_shared>>
      tpu.enqueue_indirect_dma source(%dma_start3A_904 : memref<64x128xf32, #tpu.memory_space<vmem>>) target(%dma_start3A_910 : memref<10112x128xf32, #tpu.memory_space<vmem_shared>>) offsets(%dma_start3A_907 : memref<64xi32, #tpu.memory_space<vmem>>) semaphore(%arg14 : memref<!tpu.dma_semaphore, #tpu.memory_space<semaphore_mem>>) {add = true}
      %dma_wait3A_911 = arith.constant 1 : i32
      %dma_wait3A_912 = arith.constant 1 : i32
      %dma_wait3A_913 = arith.constant 0 : i32
      %dma_wait3A_914 = arith.constant 0 : i32
      %dma_wait3A_915 = tpu.memref_slice %arg8[%dma_wait3A_912, %dma_wait3A_913, %dma_wait3A_914] : memref<4x64x128xf32, #tpu.memory_space<vmem>> -> memref<1x64x128xf32, #tpu.memory_space<vmem>>
      %dma_wait3A_916 = tpu.memref_squeeze %dma_wait3A_915 : memref<1x64x128xf32, #tpu.memory_space<vmem>> -> memref<64x128xf32, #tpu.memory_space<vmem>>
      %dma_wait3A_917 = arith.constant 0 : i32
      %dma_wait3A_918 = tpu.memref_slice %arg6[%dma_wait3A_911, %dma_wait3A_917] : memref<4x64xi32, #tpu.memory_space<vmem>> -> memref<1x64xi32, #tpu.memory_space<vmem>>
      %dma_wait3A_919 = tpu.memref_squeeze %dma_wait3A_918 : memref<1x64xi32, #tpu.memory_space<vmem>> -> memref<64xi32, #tpu.memory_space<vmem>>
      %dma_wait3A_920 = arith.constant 0 : i32
      %dma_wait3A_921 = arith.constant 0 : i32
      %dma_wait3A_922 = tpu.memref_slice %arg2[%dma_wait3A_920, %dma_wait3A_921] : memref<10000x128xf32, #tpu.memory_space<hbm>> -> memref<10000x128xf32, #tpu.memory_space<hbm>>
      tpu.wait_indirect_dma semaphore(%arg11 : memref<!tpu.dma_semaphore, #tpu.memory_space<semaphore_mem>>) src(%dma_wait3A_922 : memref<10000x128xf32, #tpu.memory_space<hbm>>) dst(%dma_wait3A_916 : memref<64x128xf32, #tpu.memory_space<vmem>>)
      %add3A_923 = arith.constant 1 : i32
      %add3A_924 = arith.addi %mul3A_731, %add3A_923 : i32
      %jit3A_925 = arith.constant 2 : i32
      %div3A_926 = arith.divsi %add3A_924, %jit3A_925 : i32
      %sign3A_927 = arith.constant 0 : i32
      %sign3A_928 = arith.cmpi sgt, %add3A_924, %sign3A_927 : i32
      %sign3A_929 = arith.extui %sign3A_928 : i1 to i32
      %sign3A_930 = arith.constant 0 : i32
      %sign3A_931 = arith.cmpi slt, %add3A_924, %sign3A_930 : i32
      %sign3A_932 = arith.extui %sign3A_931 : i1 to i32
      %sign3A_933 = arith.subi %sign3A_929, %sign3A_932 : i32
      %sign3A_934 = arith.constant 0 : i32
      %sign3A_935 = arith.cmpi sgt, %jit3A_925, %sign3A_934 : i32
      %sign3A_936 = arith.extui %sign3A_935 : i1 to i32
      %sign3A_937 = arith.constant 0 : i32
      %sign3A_938 = arith.cmpi slt, %jit3A_925, %sign3A_937 : i32
      %sign3A_939 = arith.extui %sign3A_938 : i1 to i32
      %sign3A_940 = arith.subi %sign3A_936, %sign3A_939 : i32
      %ne3A_941 = arith.cmpi ne, %sign3A_933, %sign3A_940 : i32
      %rem3A_942 = arith.remsi %add3A_924, %jit3A_925 : i32
      %ne3A_943 = arith.constant 0 : i32
      %ne3A_944 = arith.cmpi ne, %rem3A_942, %ne3A_943 : i32
      %and3A_945 = arith.andi %ne3A_941, %ne3A_944 : i1
      %sub3A_946 = arith.constant 1 : i32
      %sub3A_947 = arith.subi %div3A_926, %sub3A_946 : i32
      %select_n3A_948 = arith.select %and3A_945, %sub3A_947, %div3A_926 : i32
      %get3A_949 = arith.index_cast %select_n3A_948 : i32 to index
      %get3A_950 = arith.constant 64 : index
      %get3A_951 = tpu.vector_load %arg5[%get3A_949, %get3A_950] {strides = array<i32>} : memref<80x128xi32, #tpu.memory_space<vmem>>, vector<1x16xi32>,
      %get3A_952 = vector.shape_cast %get3A_951 : vector<1x16xi32> to vector<16xi32>
      %shift_right_logical3A_953 = arith.constant 14 : i32
      %shift_right_logical3A_954 = vector.broadcast %shift_right_logical3A_953 : i32 to vector<16xi32>
      %shift_right_logical3A_955 = arith.shrui %get3A_952, %shift_right_logical3A_954 : vector<16xi32>
      %and3A_956 = arith.constant 16383 : i32
      %and3A_957 = vector.broadcast %and3A_956 : i32 to vector<16xi32>
      %and3A_958 = arith.andi %shift_right_logical3A_955, %and3A_957 : vector<16xi32>
      %swap3A_959 = arith.constant 1 : i32
      %swap3A_960 = arith.index_cast %swap3A_959 : i32 to index
      %swap3A_961 = arith.constant 0 : index
      %swap3A_962 = tpu.vector_load %arg7[%swap3A_960, %swap3A_961] {strides = array<i32>} : memref<4x64xi32, #tpu.memory_space<vmem>>, vector<1x16xi32>,
      %swap3A_963 = vector.shape_cast %swap3A_962 : vector<1x16xi32> to vector<16xi32>
      %swap3A_964 = vector.shape_cast %and3A_958 : vector<16xi32> to vector<1x16xi32>
      tpu.vector_store %arg7[%swap3A_960, %swap3A_961], %swap3A_964 {strides = array<i32>} : memref<4x64xi32, #tpu.memory_space<vmem>>, vector<1x16xi32>,
      %jit3A_965 = arith.constant 2 : i32
      %div3A_966 = arith.divsi %add3A_924, %jit3A_965 : i32
      %sign3A_967 = arith.constant 0 : i32
      %sign3A_968 = arith.cmpi sgt, %add3A_924, %sign3A_967 : i32
      %sign3A_969 = arith.extui %sign3A_968 : i1 to i32
      %sign3A_970 = arith.constant 0 : i32
      %sign3A_971 = arith.cmpi slt, %add3A_924, %sign3A_970 : i32
      %sign3A_972 = arith.extui %sign3A_971 : i1 to i32
      %sign3A_973 = arith.subi %sign3A_969, %sign3A_972 : i32
      %sign3A_974 = arith.constant 0 : i32
      %sign3A_975 = arith.cmpi sgt, %jit3A_965, %sign3A_974 : i32
      %sign3A_976 = arith.extui %sign3A_975 : i1 to i32
      %sign3A_977 = arith.constant 0 : i32
      %sign3A_978 = arith.cmpi slt, %jit3A_965, %sign3A_977 : i32
      %sign3A_979 = arith.extui %sign3A_978 : i1 to i32
      %sign3A_980 = arith.subi %sign3A_976, %sign3A_979 : i32
      %ne3A_981 = arith.cmpi ne, %sign3A_973, %sign3A_980 : i32
      %rem3A_982 = arith.remsi %add3A_924, %jit3A_965 : i32
      %ne3A_983 = arith.constant 0 : i32
      %ne3A_984 = arith.cmpi ne, %rem3A_982, %ne3A_983 : i32
      %and3A_985 = arith.andi %ne3A_981, %ne3A_984 : i1
      %sub3A_986 = arith.constant 1 : i32
      %sub3A_987 = arith.subi %div3A_966, %sub3A_986 : i32
      %select_n3A_988 = arith.select %and3A_985, %sub3A_987, %div3A_966 : i32
      %get3A_989 = arith.index_cast %select_n3A_988 : i32 to index
      %get3A_990 = arith.constant 80 : index
      %get3A_991 = tpu.vector_load %arg5[%get3A_989, %get3A_990] {strides = array<i32>} : memref<80x128xi32, #tpu.memory_space<vmem>>, vector<1x16xi32>,
      %get3A_992 = vector.shape_cast %get3A_991 : vector<1x16xi32> to vector<16xi32>
      %shift_right_logical3A_993 = arith.constant 14 : i32
      %shift_right_logical3A_994 = vector.broadcast %shift_right_logical3A_993 : i32 to vector<16xi32>
      %shift_right_logical3A_995 = arith.shrui %get3A_992, %shift_right_logical3A_994 : vector<16xi32>
      %and3A_996 = arith.constant 16383 : i32
      %and3A_997 = vector.broadcast %and3A_996 : i32 to vector<16xi32>
      %and3A_998 = arith.andi %shift_right_logical3A_995, %and3A_997 : vector<16xi32>
      %swap3A_999 = arith.constant 1 : i32
      %swap3A_1000 = arith.index_cast %swap3A_999 : i32 to index
      %swap3A_1001 = arith.constant 16 : index
      %swap3A_1002 = tpu.vector_load %arg7[%swap3A_1000, %swap3A_1001] {strides = array<i32>} : memref<4x64xi32, #tpu.memory_space<vmem>>, vector<1x16xi32>,
      %swap3A_1003 = vector.shape_cast %swap3A_1002 : vector<1x16xi32> to vector<16xi32>
      %swap3A_1004 = vector.shape_cast %and3A_998 : vector<16xi32> to vector<1x16xi32>
      tpu.vector_store %arg7[%swap3A_1000, %swap3A_1001], %swap3A_1004 {strides = array<i32>} : memref<4x64xi32, #tpu.memory_space<vmem>>, vector<1x16xi32>,
      %jit3A_1005 = arith.constant 2 : i32
      %div3A_1006 = arith.divsi %add3A_924, %jit3A_1005 : i32
      %sign3A_1007 = arith.constant 0 : i32
      %sign3A_1008 = arith.cmpi sgt, %add3A_924, %sign3A_1007 : i32
      %sign3A_1009 = arith.extui %sign3A_1008 : i1 to i32
      %sign3A_1010 = arith.constant 0 : i32
      %sign3A_1011 = arith.cmpi slt, %add3A_924, %sign3A_1010 : i32
      %sign3A_1012 = arith.extui %sign3A_1011 : i1 to i32
      %sign3A_1013 = arith.subi %sign3A_1009, %sign3A_1012 : i32
      %sign3A_1014 = arith.constant 0 : i32
      %sign3A_1015 = arith.cmpi sgt, %jit3A_1005, %sign3A_1014 : i32
      %sign3A_1016 = arith.extui %sign3A_1015 : i1 to i32
      %sign3A_1017 = arith.constant 0 : i32
      %sign3A_1018 = arith.cmpi slt, %jit3A_1005, %sign3A_1017 : i32
      %sign3A_1019 = arith.extui %sign3A_1018 : i1 to i32
      %sign3A_1020 = arith.subi %sign3A_1016, %sign3A_1019 : i32
      %ne3A_1021 = arith.cmpi ne, %sign3A_1013, %sign3A_1020 : i32
      %rem3A_1022 = arith.remsi %add3A_924, %jit3A_1005 : i32
      %ne3A_1023 = arith.constant 0 : i32
      %ne3A_1024 = arith.cmpi ne, %rem3A_1022, %ne3A_1023 : i32
      %and3A_1025 = arith.andi %ne3A_1021, %ne3A_1024 : i1
      %sub3A_1026 = arith.constant 1 : i32
      %sub3A_1027 = arith.subi %div3A_1006, %sub3A_1026 : i32
      %select_n3A_1028 = arith.select %and3A_1025, %sub3A_1027, %div3A_1006 : i32
      %get3A_1029 = arith.index_cast %select_n3A_1028 : i32 to index
      %get3A_1030 = arith.constant 96 : index
      %get3A_1031 = tpu.vector_load %arg5[%get3A_1029, %get3A_1030] {strides = array<i32>} : memref<80x128xi32, #tpu.memory_space<vmem>>, vector<1x16xi32>,
      %get3A_1032 = vector.shape_cast %get3A_1031 : vector<1x16xi32> to vector<16xi32>
      %shift_right_logical3A_1033 = arith.constant 14 : i32
      %shift_right_logical3A_1034 = vector.broadcast %shift_right_logical3A_1033 : i32 to vector<16xi32>
      %shift_right_logical3A_1035 = arith.shrui %get3A_1032, %shift_right_logical3A_1034 : vector<16xi32>
      %and3A_1036 = arith.constant 16383 : i32
      %and3A_1037 = vector.broadcast %and3A_1036 : i32 to vector<16xi32>
      %and3A_1038 = arith.andi %shift_right_logical3A_1035, %and3A_1037 : vector<16xi32>
      %swap3A_1039 = arith.constant 1 : i32
      %swap3A_1040 = arith.index_cast %swap3A_1039 : i32 to index
      %swap3A_1041 = arith.constant 32 : index
      %swap3A_1042 = tpu.vector_load %arg7[%swap3A_1040, %swap3A_1041] {strides = array<i32>} : memref<4x64xi32, #tpu.memory_space<vmem>>, vector<1x16xi32>,
      %swap3A_1043 = vector.shape_cast %swap3A_1042 : vector<1x16xi32> to vector<16xi32>
      %swap3A_1044 = vector.shape_cast %and3A_1038 : vector<16xi32> to vector<1x16xi32>
      tpu.vector_store %arg7[%swap3A_1040, %swap3A_1041], %swap3A_1044 {strides = array<i32>} : memref<4x64xi32, #tpu.memory_space<vmem>>, vector<1x16xi32>,
      %jit3A_1045 = arith.constant 2 : i32
      %div3A_1046 = arith.divsi %add3A_924, %jit3A_1045 : i32
      %sign3A_1047 = arith.constant 0 : i32
      %sign3A_1048 = arith.cmpi sgt, %add3A_924, %sign3A_1047 : i32
      %sign3A_1049 = arith.extui %sign3A_1048 : i1 to i32
      %sign3A_1050 = arith.constant 0 : i32
      %sign3A_1051 = arith.cmpi slt, %add3A_924, %sign3A_1050 : i32
      %sign3A_1052 = arith.extui %sign3A_1051 : i1 to i32
      %sign3A_1053 = arith.subi %sign3A_1049, %sign3A_1052 : i32
      %sign3A_1054 = arith.constant 0 : i32
      %sign3A_1055 = arith.cmpi sgt, %jit3A_1045, %sign3A_1054 : i32
      %sign3A_1056 = arith.extui %sign3A_1055 : i1 to i32
      %sign3A_1057 = arith.constant 0 : i32
      %sign3A_1058 = arith.cmpi slt, %jit3A_1045, %sign3A_1057 : i32
      %sign3A_1059 = arith.extui %sign3A_1058 : i1 to i32
      %sign3A_1060 = arith.subi %sign3A_1056, %sign3A_1059 : i32
      %ne3A_1061 = arith.cmpi ne, %sign3A_1053, %sign3A_1060 : i32
      %rem3A_1062 = arith.remsi %add3A_924, %jit3A_1045 : i32
      %ne3A_1063 = arith.constant 0 : i32
      %ne3A_1064 = arith.cmpi ne, %rem3A_1062, %ne3A_1063 : i32
      %and3A_1065 = arith.andi %ne3A_1061, %ne3A_1064 : i1
      %sub3A_1066 = arith.constant 1 : i32
      %sub3A_1067 = arith.subi %div3A_1046, %sub3A_1066 : i32
      %select_n3A_1068 = arith.select %and3A_1065, %sub3A_1067, %div3A_1046 : i32
      %get3A_1069 = arith.index_cast %select_n3A_1068 : i32 to index
      %get3A_1070 = arith.constant 112 : index
      %get3A_1071 = tpu.vector_load %arg5[%get3A_1069, %get3A_1070] {strides = array<i32>} : memref<80x128xi32, #tpu.memory_space<vmem>>, vector<1x16xi32>,
      %get3A_1072 = vector.shape_cast %get3A_1071 : vector<1x16xi32> to vector<16xi32>
      %shift_right_logical3A_1073 = arith.constant 14 : i32
      %shift_right_logical3A_1074 = vector.broadcast %shift_right_logical3A_1073 : i32 to vector<16xi32>
      %shift_right_logical3A_1075 = arith.shrui %get3A_1072, %shift_right_logical3A_1074 : vector<16xi32>
      %and3A_1076 = arith.constant 16383 : i32
      %and3A_1077 = vector.broadcast %and3A_1076 : i32 to vector<16xi32>
      %and3A_1078 = arith.andi %shift_right_logical3A_1075, %and3A_1077 : vector<16xi32>
      %swap3A_1079 = arith.constant 1 : i32
      %swap3A_1080 = arith.index_cast %swap3A_1079 : i32 to index
      %swap3A_1081 = arith.constant 48 : index
      %swap3A_1082 = tpu.vector_load %arg7[%swap3A_1080, %swap3A_1081] {strides = array<i32>} : memref<4x64xi32, #tpu.memory_space<vmem>>, vector<1x16xi32>,
      %swap3A_1083 = vector.shape_cast %swap3A_1082 : vector<1x16xi32> to vector<16xi32>
      %swap3A_1084 = vector.shape_cast %and3A_1078 : vector<16xi32> to vector<1x16xi32>
      tpu.vector_store %arg7[%swap3A_1080, %swap3A_1081], %swap3A_1084 {strides = array<i32>} : memref<4x64xi32, #tpu.memory_space<vmem>>, vector<1x16xi32>,
      %dma_start3A_1085 = arith.constant 1 : i32
      %dma_start3A_1086 = arith.constant 1 : i32
      %dma_start3A_1087 = arith.constant 0 : i32
      %dma_start3A_1088 = arith.constant 0 : i32
      %dma_start3A_1089 = tpu.memref_slice %arg8[%dma_start3A_1085, %dma_start3A_1087, %dma_start3A_1088] : memref<4x64x128xf32, #tpu.memory_space<vmem>> -> memref<1x64x128xf32, #tpu.memory_space<vmem>>
      %dma_start3A_1090 = tpu.memref_squeeze %dma_start3A_1089 : memref<1x64x128xf32, #tpu.memory_space<vmem>> -> memref<64x128xf32, #tpu.memory_space<vmem>>
      %dma_start3A_1091 = arith.constant 0 : i32
      %dma_start3A_1092 = tpu.memref_slice %arg7[%dma_start3A_1086, %dma_start3A_1091] : memref<4x64xi32, #tpu.memory_space<vmem>> -> memref<1x64xi32, #tpu.memory_space<vmem>>
      %dma_start3A_1093 = tpu.memref_squeeze %dma_start3A_1092 : memref<1x64xi32, #tpu.memory_space<vmem>> -> memref<64xi32, #tpu.memory_space<vmem>>
      %dma_start3A_1094 = arith.constant 0 : i32
      %dma_start3A_1095 = arith.constant 0 : i32
      %dma_start3A_1096 = tpu.memref_slice %arg9[%dma_start3A_1094, %dma_start3A_1095] : memref<10112x128xf32, #tpu.memory_space<vmem_shared>> -> memref<10112x128xf32, #tpu.memory_space<vmem_shared>>
      tpu.enqueue_indirect_dma source(%dma_start3A_1090 : memref<64x128xf32, #tpu.memory_space<vmem>>) target(%dma_start3A_1096 : memref<10112x128xf32, #tpu.memory_space<vmem_shared>>) offsets(%dma_start3A_1093 : memref<64xi32, #tpu.memory_space<vmem>>) semaphore(%arg15 : memref<!tpu.dma_semaphore, #tpu.memory_space<semaphore_mem>>) {add = true}
      %dma_wait3A_1097 = arith.constant 2 : i32
      %dma_wait3A_1098 = arith.constant 2 : i32
      %dma_wait3A_1099 = arith.constant 0 : i32
      %dma_wait3A_1100 = arith.constant 0 : i32
      %dma_wait3A_1101 = tpu.memref_slice %arg8[%dma_wait3A_1098, %dma_wait3A_1099, %dma_wait3A_1100] : memref<4x64x128xf32, #tpu.memory_space<vmem>> -> memref<1x64x128xf32, #tpu.memory_space<vmem>>
      %dma_wait3A_1102 = tpu.memref_squeeze %dma_wait3A_1101 : memref<1x64x128xf32, #tpu.memory_space<vmem>> -> memref<64x128xf32, #tpu.memory_space<vmem>>
      %dma_wait3A_1103 = arith.constant 0 : i32
      %dma_wait3A_1104 = tpu.memref_slice %arg6[%dma_wait3A_1097, %dma_wait3A_1103] : memref<4x64xi32, #tpu.memory_space<vmem>> -> memref<1x64xi32, #tpu.memory_space<vmem>>
      %dma_wait3A_1105 = tpu.memref_squeeze %dma_wait3A_1104 : memref<1x64xi32, #tpu.memory_space<vmem>> -> memref<64xi32, #tpu.memory_space<vmem>>
      %dma_wait3A_1106 = arith.constant 0 : i32
      %dma_wait3A_1107 = arith.constant 0 : i32
      %dma_wait3A_1108 = tpu.memref_slice %arg2[%dma_wait3A_1106, %dma_wait3A_1107] : memref<10000x128xf32, #tpu.memory_space<hbm>> -> memref<10000x128xf32, #tpu.memory_space<hbm>>
      tpu.wait_indirect_dma semaphore(%arg12 : memref<!tpu.dma_semaphore, #tpu.memory_space<semaphore_mem>>) src(%dma_wait3A_1108 : memref<10000x128xf32, #tpu.memory_space<hbm>>) dst(%dma_wait3A_1102 : memref<64x128xf32, #tpu.memory_space<vmem>>)
      %add3A_1109 = arith.constant 2 : i32
      %add3A_1110 = arith.addi %mul3A_731, %add3A_1109 : i32
      %jit3A_1111 = arith.constant 2 : i32
      %div3A_1112 = arith.divsi %add3A_1110, %jit3A_1111 : i32
      %sign3A_1113 = arith.constant 0 : i32
      %sign3A_1114 = arith.cmpi sgt, %add3A_1110, %sign3A_1113 : i32
      %sign3A_1115 = arith.extui %sign3A_1114 : i1 to i32
      %sign3A_1116 = arith.constant 0 : i32
      %sign3A_1117 = arith.cmpi slt, %add3A_1110, %sign3A_1116 : i32
      %sign3A_1118 = arith.extui %sign3A_1117 : i1 to i32
      %sign3A_1119 = arith.subi %sign3A_1115, %sign3A_1118 : i32
      %sign3A_1120 = arith.constant 0 : i32
      %sign3A_1121 = arith.cmpi sgt, %jit3A_1111, %sign3A_1120 : i32
      %sign3A_1122 = arith.extui %sign3A_1121 : i1 to i32
      %sign3A_1123 = arith.constant 0 : i32
      %sign3A_1124 = arith.cmpi slt, %jit3A_1111, %sign3A_1123 : i32
      %sign3A_1125 = arith.extui %sign3A_1124 : i1 to i32
      %sign3A_1126 = arith.subi %sign3A_1122, %sign3A_1125 : i32
      %ne3A_1127 = arith.cmpi ne, %sign3A_1119, %sign3A_1126 : i32
      %rem3A_1128 = arith.remsi %add3A_1110, %jit3A_1111 : i32
      %ne3A_1129 = arith.constant 0 : i32
      %ne3A_1130 = arith.cmpi ne, %rem3A_1128, %ne3A_1129 : i32
      %and3A_1131 = arith.andi %ne3A_1127, %ne3A_1130 : i1
      %sub3A_1132 = arith.constant 1 : i32
      %sub3A_1133 = arith.subi %div3A_1112, %sub3A_1132 : i32
      %select_n3A_1134 = arith.select %and3A_1131, %sub3A_1133, %div3A_1112 : i32
      %get3A_1135 = arith.index_cast %select_n3A_1134 : i32 to index
      %get3A_1136 = arith.constant 0 : index
      %get3A_1137 = tpu.vector_load %arg5[%get3A_1135, %get3A_1136] {strides = array<i32>} : memref<80x128xi32, #tpu.memory_space<vmem>>, vector<1x16xi32>,
      %get3A_1138 = vector.shape_cast %get3A_1137 : vector<1x16xi32> to vector<16xi32>
      %shift_right_logical3A_1139 = arith.constant 14 : i32
      %shift_right_logical3A_1140 = vector.broadcast %shift_right_logical3A_1139 : i32 to vector<16xi32>
      %shift_right_logical3A_1141 = arith.shrui %get3A_1138, %shift_right_logical3A_1140 : vector<16xi32>
      %and3A_1142 = arith.constant 16383 : i32
      %and3A_1143 = vector.broadcast %and3A_1142 : i32 to vector<16xi32>
      %and3A_1144 = arith.andi %shift_right_logical3A_1141, %and3A_1143 : vector<16xi32>
      %swap3A_1145 = arith.constant 2 : i32
      %swap3A_1146 = arith.index_cast %swap3A_1145 : i32 to index
      %swap3A_1147 = arith.constant 0 : index
      %swap3A_1148 = tpu.vector_load %arg7[%swap3A_1146, %swap3A_1147] {strides = array<i32>} : memref<4x64xi32, #tpu.memory_space<vmem>>, vector<1x16xi32>,
      %swap3A_1149 = vector.shape_cast %swap3A_1148 : vector<1x16xi32> to vector<16xi32>
      %swap3A_1150 = vector.shape_cast %and3A_1144 : vector<16xi32> to vector<1x16xi32>
      tpu.vector_store %arg7[%swap3A_1146, %swap3A_1147], %swap3A_1150 {strides = array<i32>} : memref<4x64xi32, #tpu.memory_space<vmem>>, vector<1x16xi32>,
      %jit3A_1151 = arith.constant 2 : i32
      %div3A_1152 = arith.divsi %add3A_1110, %jit3A_1151 : i32
      %sign3A_1153 = arith.constant 0 : i32
      %sign3A_1154 = arith.cmpi sgt, %add3A_1110, %sign3A_1153 : i32
      %sign3A_1155 = arith.extui %sign3A_1154 : i1 to i32
      %sign3A_1156 = arith.constant 0 : i32
      %sign3A_1157 = arith.cmpi slt, %add3A_1110, %sign3A_1156 : i32
      %sign3A_1158 = arith.extui %sign3A_1157 : i1 to i32
      %sign3A_1159 = arith.subi %sign3A_1155, %sign3A_1158 : i32
      %sign3A_1160 = arith.constant 0 : i32
      %sign3A_1161 = arith.cmpi sgt, %jit3A_1151, %sign3A_1160 : i32
      %sign3A_1162 = arith.extui %sign3A_1161 : i1 to i32
      %sign3A_1163 = arith.constant 0 : i32
      %sign3A_1164 = arith.cmpi slt, %jit3A_1151, %sign3A_1163 : i32
      %sign3A_1165 = arith.extui %sign3A_1164 : i1 to i32
      %sign3A_1166 = arith.subi %sign3A_1162, %sign3A_1165 : i32
      %ne3A_1167 = arith.cmpi ne, %sign3A_1159, %sign3A_1166 : i32
      %rem3A_1168 = arith.remsi %add3A_1110, %jit3A_1151 : i32
      %ne3A_1169 = arith.constant 0 : i32
      %ne3A_1170 = arith.cmpi ne, %rem3A_1168, %ne3A_1169 : i32
      %and3A_1171 = arith.andi %ne3A_1167, %ne3A_1170 : i1
      %sub3A_1172 = arith.constant 1 : i32
      %sub3A_1173 = arith.subi %div3A_1152, %sub3A_1172 : i32
      %select_n3A_1174 = arith.select %and3A_1171, %sub3A_1173, %div3A_1152 : i32
      %get3A_1175 = arith.index_cast %select_n3A_1174 : i32 to index
      %get3A_1176 = arith.constant 16 : index
      %get3A_1177 = tpu.vector_load %arg5[%get3A_1175, %get3A_1176] {strides = array<i32>} : memref<80x128xi32, #tpu.memory_space<vmem>>, vector<1x16xi32>,
      %get3A_1178 = vector.shape_cast %get3A_1177 : vector<1x16xi32> to vector<16xi32>
      %shift_right_logical3A_1179 = arith.constant 14 : i32
      %shift_right_logical3A_1180 = vector.broadcast %shift_right_logical3A_1179 : i32 to vector<16xi32>
      %shift_right_logical3A_1181 = arith.shrui %get3A_1178, %shift_right_logical3A_1180 : vector<16xi32>
      %and3A_1182 = arith.constant 16383 : i32
      %and3A_1183 = vector.broadcast %and3A_1182 : i32 to vector<16xi32>
      %and3A_1184 = arith.andi %shift_right_logical3A_1181, %and3A_1183 : vector<16xi32>
      %swap3A_1185 = arith.constant 2 : i32
      %swap3A_1186 = arith.index_cast %swap3A_1185 : i32 to index
      %swap3A_1187 = arith.constant 16 : index
      %swap3A_1188 = tpu.vector_load %arg7[%swap3A_1186, %swap3A_1187] {strides = array<i32>} : memref<4x64xi32, #tpu.memory_space<vmem>>, vector<1x16xi32>,
      %swap3A_1189 = vector.shape_cast %swap3A_1188 : vector<1x16xi32> to vector<16xi32>
      %swap3A_1190 = vector.shape_cast %and3A_1184 : vector<16xi32> to vector<1x16xi32>
      tpu.vector_store %arg7[%swap3A_1186, %swap3A_1187], %swap3A_1190 {strides = array<i32>} : memref<4x64xi32, #tpu.memory_space<vmem>>, vector<1x16xi32>,
      %jit3A_1191 = arith.constant 2 : i32
      %div3A_1192 = arith.divsi %add3A_1110, %jit3A_1191 : i32
      %sign3A_1193 = arith.constant 0 : i32
      %sign3A_1194 = arith.cmpi sgt, %add3A_1110, %sign3A_1193 : i32
      %sign3A_1195 = arith.extui %sign3A_1194 : i1 to i32
      %sign3A_1196 = arith.constant 0 : i32
      %sign3A_1197 = arith.cmpi slt, %add3A_1110, %sign3A_1196 : i32
      %sign3A_1198 = arith.extui %sign3A_1197 : i1 to i32
      %sign3A_1199 = arith.subi %sign3A_1195, %sign3A_1198 : i32
      %sign3A_1200 = arith.constant 0 : i32
      %sign3A_1201 = arith.cmpi sgt, %jit3A_1191, %sign3A_1200 : i32
      %sign3A_1202 = arith.extui %sign3A_1201 : i1 to i32
      %sign3A_1203 = arith.constant 0 : i32
      %sign3A_1204 = arith.cmpi slt, %jit3A_1191, %sign3A_1203 : i32
      %sign3A_1205 = arith.extui %sign3A_1204 : i1 to i32
      %sign3A_1206 = arith.subi %sign3A_1202, %sign3A_1205 : i32
      %ne3A_1207 = arith.cmpi ne, %sign3A_1199, %sign3A_1206 : i32
      %rem3A_1208 = arith.remsi %add3A_1110, %jit3A_1191 : i32
      %ne3A_1209 = arith.constant 0 : i32
      %ne3A_1210 = arith.cmpi ne, %rem3A_1208, %ne3A_1209 : i32
      %and3A_1211 = arith.andi %ne3A_1207, %ne3A_1210 : i1
      %sub3A_1212 = arith.constant 1 : i32
      %sub3A_1213 = arith.subi %div3A_1192, %sub3A_1212 : i32
      %select_n3A_1214 = arith.select %and3A_1211, %sub3A_1213, %div3A_1192 : i32
      %get3A_1215 = arith.index_cast %select_n3A_1214 : i32 to index
      %get3A_1216 = arith.constant 32 : index
      %get3A_1217 = tpu.vector_load %arg5[%get3A_1215, %get3A_1216] {strides = array<i32>} : memref<80x128xi32, #tpu.memory_space<vmem>>, vector<1x16xi32>,
      %get3A_1218 = vector.shape_cast %get3A_1217 : vector<1x16xi32> to vector<16xi32>
      %shift_right_logical3A_1219 = arith.constant 14 : i32
      %shift_right_logical3A_1220 = vector.broadcast %shift_right_logical3A_1219 : i32 to vector<16xi32>
      %shift_right_logical3A_1221 = arith.shrui %get3A_1218, %shift_right_logical3A_1220 : vector<16xi32>
      %and3A_1222 = arith.constant 16383 : i32
      %and3A_1223 = vector.broadcast %and3A_1222 : i32 to vector<16xi32>
      %and3A_1224 = arith.andi %shift_right_logical3A_1221, %and3A_1223 : vector<16xi32>
      %swap3A_1225 = arith.constant 2 : i32
      %swap3A_1226 = arith.index_cast %swap3A_1225 : i32 to index
      %swap3A_1227 = arith.constant 32 : index
      %swap3A_1228 = tpu.vector_load %arg7[%swap3A_1226, %swap3A_1227] {strides = array<i32>} : memref<4x64xi32, #tpu.memory_space<vmem>>, vector<1x16xi32>,
      %swap3A_1229 = vector.shape_cast %swap3A_1228 : vector<1x16xi32> to vector<16xi32>
      %swap3A_1230 = vector.shape_cast %and3A_1224 : vector<16xi32> to vector<1x16xi32>
      tpu.vector_store %arg7[%swap3A_1226, %swap3A_1227], %swap3A_1230 {strides = array<i32>} : memref<4x64xi32, #tpu.memory_space<vmem>>, vector<1x16xi32>,
      %jit3A_1231 = arith.constant 2 : i32
      %div3A_1232 = arith.divsi %add3A_1110, %jit3A_1231 : i32
      %sign3A_1233 = arith.constant 0 : i32
      %sign3A_1234 = arith.cmpi sgt, %add3A_1110, %sign3A_1233 : i32
      %sign3A_1235 = arith.extui %sign3A_1234 : i1 to i32
      %sign3A_1236 = arith.constant 0 : i32
      %sign3A_1237 = arith.cmpi slt, %add3A_1110, %sign3A_1236 : i32
      %sign3A_1238 = arith.extui %sign3A_1237 : i1 to i32
      %sign3A_1239 = arith.subi %sign3A_1235, %sign3A_1238 : i32
      %sign3A_1240 = arith.constant 0 : i32
      %sign3A_1241 = arith.cmpi sgt, %jit3A_1231, %sign3A_1240 : i32
      %sign3A_1242 = arith.extui %sign3A_1241 : i1 to i32
      %sign3A_1243 = arith.constant 0 : i32
      %sign3A_1244 = arith.cmpi slt, %jit3A_1231, %sign3A_1243 : i32
      %sign3A_1245 = arith.extui %sign3A_1244 : i1 to i32
      %sign3A_1246 = arith.subi %sign3A_1242, %sign3A_1245 : i32
      %ne3A_1247 = arith.cmpi ne, %sign3A_1239, %sign3A_1246 : i32
      %rem3A_1248 = arith.remsi %add3A_1110, %jit3A_1231 : i32
      %ne3A_1249 = arith.constant 0 : i32
      %ne3A_1250 = arith.cmpi ne, %rem3A_1248, %ne3A_1249 : i32
      %and3A_1251 = arith.andi %ne3A_1247, %ne3A_1250 : i1
      %sub3A_1252 = arith.constant 1 : i32
      %sub3A_1253 = arith.subi %div3A_1232, %sub3A_1252 : i32
      %select_n3A_1254 = arith.select %and3A_1251, %sub3A_1253, %div3A_1232 : i32
      %get3A_1255 = arith.index_cast %select_n3A_1254 : i32 to index
      %get3A_1256 = arith.constant 48 : index
      %get3A_1257 = tpu.vector_load %arg5[%get3A_1255, %get3A_1256] {strides = array<i32>} : memref<80x128xi32, #tpu.memory_space<vmem>>, vector<1x16xi32>,
      %get3A_1258 = vector.shape_cast %get3A_1257 : vector<1x16xi32> to vector<16xi32>
      %shift_right_logical3A_1259 = arith.constant 14 : i32
      %shift_right_logical3A_1260 = vector.broadcast %shift_right_logical3A_1259 : i32 to vector<16xi32>
      %shift_right_logical3A_1261 = arith.shrui %get3A_1258, %shift_right_logical3A_1260 : vector<16xi32>
      %and3A_1262 = arith.constant 16383 : i32
      %and3A_1263 = vector.broadcast %and3A_1262 : i32 to vector<16xi32>
      %and3A_1264 = arith.andi %shift_right_logical3A_1261, %and3A_1263 : vector<16xi32>
      %swap3A_1265 = arith.constant 2 : i32
      %swap3A_1266 = arith.index_cast %swap3A_1265 : i32 to index
      %swap3A_1267 = arith.constant 48 : index
      %swap3A_1268 = tpu.vector_load %arg7[%swap3A_1266, %swap3A_1267] {strides = array<i32>} : memref<4x64xi32, #tpu.memory_space<vmem>>, vector<1x16xi32>,
      %swap3A_1269 = vector.shape_cast %swap3A_1268 : vector<1x16xi32> to vector<16xi32>
      %swap3A_1270 = vector.shape_cast %and3A_1264 : vector<16xi32> to vector<1x16xi32>
      tpu.vector_store %arg7[%swap3A_1266, %swap3A_1267], %swap3A_1270 {strides = array<i32>} : memref<4x64xi32, #tpu.memory_space<vmem>>, vector<1x16xi32>,
      %dma_start3A_1271 = arith.constant 2 : i32
      %dma_start3A_1272 = arith.constant 2 : i32
      %dma_start3A_1273 = arith.constant 0 : i32
      %dma_start3A_1274 = arith.constant 0 : i32
      %dma_start3A_1275 = tpu.memref_slice %arg8[%dma_start3A_1271, %dma_start3A_1273, %dma_start3A_1274] : memref<4x64x128xf32, #tpu.memory_space<vmem>> -> memref<1x64x128xf32, #tpu.memory_space<vmem>>
      %dma_start3A_1276 = tpu.memref_squeeze %dma_start3A_1275 : memref<1x64x128xf32, #tpu.memory_space<vmem>> -> memref<64x128xf32, #tpu.memory_space<vmem>>
      %dma_start3A_1277 = arith.constant 0 : i32
      %dma_start3A_1278 = tpu.memref_slice %arg7[%dma_start3A_1272, %dma_start3A_1277] : memref<4x64xi32, #tpu.memory_space<vmem>> -> memref<1x64xi32, #tpu.memory_space<vmem>>
      %dma_start3A_1279 = tpu.memref_squeeze %dma_start3A_1278 : memref<1x64xi32, #tpu.memory_space<vmem>> -> memref<64xi32, #tpu.memory_space<vmem>>
      %dma_start3A_1280 = arith.constant 0 : i32
      %dma_start3A_1281 = arith.constant 0 : i32
      %dma_start3A_1282 = tpu.memref_slice %arg9[%dma_start3A_1280, %dma_start3A_1281] : memref<10112x128xf32, #tpu.memory_space<vmem_shared>> -> memref<10112x128xf32, #tpu.memory_space<vmem_shared>>
      tpu.enqueue_indirect_dma source(%dma_start3A_1276 : memref<64x128xf32, #tpu.memory_space<vmem>>) target(%dma_start3A_1282 : memref<10112x128xf32, #tpu.memory_space<vmem_shared>>) offsets(%dma_start3A_1279 : memref<64xi32, #tpu.memory_space<vmem>>) semaphore(%arg16 : memref<!tpu.dma_semaphore, #tpu.memory_space<semaphore_mem>>) {add = true}
      %dma_wait3A_1283 = arith.constant 3 : i32
      %dma_wait3A_1284 = arith.constant 3 : i32
      %dma_wait3A_1285 = arith.constant 0 : i32
      %dma_wait3A_1286 = arith.constant 0 : i32
      %dma_wait3A_1287 = tpu.memref_slice %arg8[%dma_wait3A_1284, %dma_wait3A_1285, %dma_wait3A_1286] : memref<4x64x128xf32, #tpu.memory_space<vmem>> -> memref<1x64x128xf32, #tpu.memory_space<vmem>>
      %dma_wait3A_1288 = tpu.memref_squeeze %dma_wait3A_1287 : memref<1x64x128xf32, #tpu.memory_space<vmem>> -> memref<64x128xf32, #tpu.memory_space<vmem>>
      %dma_wait3A_1289 = arith.constant 0 : i32
      %dma_wait3A_1290 = tpu.memref_slice %arg6[%dma_wait3A_1283, %dma_wait3A_1289] : memref<4x64xi32, #tpu.memory_space<vmem>> -> memref<1x64xi32, #tpu.memory_space<vmem>>
      %dma_wait3A_1291 = tpu.memref_squeeze %dma_wait3A_1290 : memref<1x64xi32, #tpu.memory_space<vmem>> -> memref<64xi32, #tpu.memory_space<vmem>>
      %dma_wait3A_1292 = arith.constant 0 : i32
      %dma_wait3A_1293 = arith.constant 0 : i32
      %dma_wait3A_1294 = tpu.memref_slice %arg2[%dma_wait3A_1292, %dma_wait3A_1293] : memref<10000x128xf32, #tpu.memory_space<hbm>> -> memref<10000x128xf32, #tpu.memory_space<hbm>>
      tpu.wait_indirect_dma semaphore(%arg13 : memref<!tpu.dma_semaphore, #tpu.memory_space<semaphore_mem>>) src(%dma_wait3A_1294 : memref<10000x128xf32, #tpu.memory_space<hbm>>) dst(%dma_wait3A_1288 : memref<64x128xf32, #tpu.memory_space<vmem>>)
      %add3A_1295 = arith.constant 3 : i32
      %add3A_1296 = arith.addi %mul3A_731, %add3A_1295 : i32
      %jit3A_1297 = arith.constant 2 : i32
      %div3A_1298 = arith.divsi %add3A_1296, %jit3A_1297 : i32
      %sign3A_1299 = arith.constant 0 : i32
      %sign3A_1300 = arith.cmpi sgt, %add3A_1296, %sign3A_1299 : i32
      %sign3A_1301 = arith.extui %sign3A_1300 : i1 to i32
      %sign3A_1302 = arith.constant 0 : i32
      %sign3A_1303 = arith.cmpi slt, %add3A_1296, %sign3A_1302 : i32
      %sign3A_1304 = arith.extui %sign3A_1303 : i1 to i32
      %sign3A_1305 = arith.subi %sign3A_1301, %sign3A_1304 : i32
      %sign3A_1306 = arith.constant 0 : i32
      %sign3A_1307 = arith.cmpi sgt, %jit3A_1297, %sign3A_1306 : i32
      %sign3A_1308 = arith.extui %sign3A_1307 : i1 to i32
      %sign3A_1309 = arith.constant 0 : i32
      %sign3A_1310 = arith.cmpi slt, %jit3A_1297, %sign3A_1309 : i32
      %sign3A_1311 = arith.extui %sign3A_1310 : i1 to i32
      %sign3A_1312 = arith.subi %sign3A_1308, %sign3A_1311 : i32
      %ne3A_1313 = arith.cmpi ne, %sign3A_1305, %sign3A_1312 : i32
      %rem3A_1314 = arith.remsi %add3A_1296, %jit3A_1297 : i32
      %ne3A_1315 = arith.constant 0 : i32
      %ne3A_1316 = arith.cmpi ne, %rem3A_1314, %ne3A_1315 : i32
      %and3A_1317 = arith.andi %ne3A_1313, %ne3A_1316 : i1
      %sub3A_1318 = arith.constant 1 : i32
      %sub3A_1319 = arith.subi %div3A_1298, %sub3A_1318 : i32
      %select_n3A_1320 = arith.select %and3A_1317, %sub3A_1319, %div3A_1298 : i32
      %get3A_1321 = arith.index_cast %select_n3A_1320 : i32 to index
      %get3A_1322 = arith.constant 64 : index
      %get3A_1323 = tpu.vector_load %arg5[%get3A_1321, %get3A_1322] {strides = array<i32>} : memref<80x128xi32, #tpu.memory_space<vmem>>, vector<1x16xi32>,
      %get3A_1324 = vector.shape_cast %get3A_1323 : vector<1x16xi32> to vector<16xi32>
      %shift_right_logical3A_1325 = arith.constant 14 : i32
      %shift_right_logical3A_1326 = vector.broadcast %shift_right_logical3A_1325 : i32 to vector<16xi32>
      %shift_right_logical3A_1327 = arith.shrui %get3A_1324, %shift_right_logical3A_1326 : vector<16xi32>
      %and3A_1328 = arith.constant 16383 : i32
      %and3A_1329 = vector.broadcast %and3A_1328 : i32 to vector<16xi32>
      %and3A_1330 = arith.andi %shift_right_logical3A_1327, %and3A_1329 : vector<16xi32>
      %swap3A_1331 = arith.constant 3 : i32
      %swap3A_1332 = arith.index_cast %swap3A_1331 : i32 to index
      %swap3A_1333 = arith.constant 0 : index
      %swap3A_1334 = tpu.vector_load %arg7[%swap3A_1332, %swap3A_1333] {strides = array<i32>} : memref<4x64xi32, #tpu.memory_space<vmem>>, vector<1x16xi32>,
      %swap3A_1335 = vector.shape_cast %swap3A_1334 : vector<1x16xi32> to vector<16xi32>
      %swap3A_1336 = vector.shape_cast %and3A_1330 : vector<16xi32> to vector<1x16xi32>
      tpu.vector_store %arg7[%swap3A_1332, %swap3A_1333], %swap3A_1336 {strides = array<i32>} : memref<4x64xi32, #tpu.memory_space<vmem>>, vector<1x16xi32>,
      %jit3A_1337 = arith.constant 2 : i32
      %div3A_1338 = arith.divsi %add3A_1296, %jit3A_1337 : i32
      %sign3A_1339 = arith.constant 0 : i32
      %sign3A_1340 = arith.cmpi sgt, %add3A_1296, %sign3A_1339 : i32
      %sign3A_1341 = arith.extui %sign3A_1340 : i1 to i32
      %sign3A_1342 = arith.constant 0 : i32
      %sign3A_1343 = arith.cmpi slt, %add3A_1296, %sign3A_1342 : i32
      %sign3A_1344 = arith.extui %sign3A_1343 : i1 to i32
      %sign3A_1345 = arith.subi %sign3A_1341, %sign3A_1344 : i32
      %sign3A_1346 = arith.constant 0 : i32
      %sign3A_1347 = arith.cmpi sgt, %jit3A_1337, %sign3A_1346 : i32
      %sign3A_1348 = arith.extui %sign3A_1347 : i1 to i32
      %sign3A_1349 = arith.constant 0 : i32
      %sign3A_1350 = arith.cmpi slt, %jit3A_1337, %sign3A_1349 : i32
      %sign3A_1351 = arith.extui %sign3A_1350 : i1 to i32
      %sign3A_1352 = arith.subi %sign3A_1348, %sign3A_1351 : i32
      %ne3A_1353 = arith.cmpi ne, %sign3A_1345, %sign3A_1352 : i32
      %rem3A_1354 = arith.remsi %add3A_1296, %jit3A_1337 : i32
      %ne3A_1355 = arith.constant 0 : i32
      %ne3A_1356 = arith.cmpi ne, %rem3A_1354, %ne3A_1355 : i32
      %and3A_1357 = arith.andi %ne3A_1353, %ne3A_1356 : i1
      %sub3A_1358 = arith.constant 1 : i32
      %sub3A_1359 = arith.subi %div3A_1338, %sub3A_1358 : i32
      %select_n3A_1360 = arith.select %and3A_1357, %sub3A_1359, %div3A_1338 : i32
      %get3A_1361 = arith.index_cast %select_n3A_1360 : i32 to index
      %get3A_1362 = arith.constant 80 : index
      %get3A_1363 = tpu.vector_load %arg5[%get3A_1361, %get3A_1362] {strides = array<i32>} : memref<80x128xi32, #tpu.memory_space<vmem>>, vector<1x16xi32>,
      %get3A_1364 = vector.shape_cast %get3A_1363 : vector<1x16xi32> to vector<16xi32>
      %shift_right_logical3A_1365 = arith.constant 14 : i32
      %shift_right_logical3A_1366 = vector.broadcast %shift_right_logical3A_1365 : i32 to vector<16xi32>
      %shift_right_logical3A_1367 = arith.shrui %get3A_1364, %shift_right_logical3A_1366 : vector<16xi32>
      %and3A_1368 = arith.constant 16383 : i32
      %and3A_1369 = vector.broadcast %and3A_1368 : i32 to vector<16xi32>
      %and3A_1370 = arith.andi %shift_right_logical3A_1367, %and3A_1369 : vector<16xi32>
      %swap3A_1371 = arith.constant 3 : i32
      %swap3A_1372 = arith.index_cast %swap3A_1371 : i32 to index
      %swap3A_1373 = arith.constant 16 : index
      %swap3A_1374 = tpu.vector_load %arg7[%swap3A_1372, %swap3A_1373] {strides = array<i32>} : memref<4x64xi32, #tpu.memory_space<vmem>>, vector<1x16xi32>,
      %swap3A_1375 = vector.shape_cast %swap3A_1374 : vector<1x16xi32> to vector<16xi32>
      %swap3A_1376 = vector.shape_cast %and3A_1370 : vector<16xi32> to vector<1x16xi32>
      tpu.vector_store %arg7[%swap3A_1372, %swap3A_1373], %swap3A_1376 {strides = array<i32>} : memref<4x64xi32, #tpu.memory_space<vmem>>, vector<1x16xi32>,
      %jit3A_1377 = arith.constant 2 : i32
      %div3A_1378 = arith.divsi %add3A_1296, %jit3A_1377 : i32
      %sign3A_1379 = arith.constant 0 : i32
      %sign3A_1380 = arith.cmpi sgt, %add3A_1296, %sign3A_1379 : i32
      %sign3A_1381 = arith.extui %sign3A_1380 : i1 to i32
      %sign3A_1382 = arith.constant 0 : i32
      %sign3A_1383 = arith.cmpi slt, %add3A_1296, %sign3A_1382 : i32
      %sign3A_1384 = arith.extui %sign3A_1383 : i1 to i32
      %sign3A_1385 = arith.subi %sign3A_1381, %sign3A_1384 : i32
      %sign3A_1386 = arith.constant 0 : i32
      %sign3A_1387 = arith.cmpi sgt, %jit3A_1377, %sign3A_1386 : i32
      %sign3A_1388 = arith.extui %sign3A_1387 : i1 to i32
      %sign3A_1389 = arith.constant 0 : i32
      %sign3A_1390 = arith.cmpi slt, %jit3A_1377, %sign3A_1389 : i32
      %sign3A_1391 = arith.extui %sign3A_1390 : i1 to i32
      %sign3A_1392 = arith.subi %sign3A_1388, %sign3A_1391 : i32
      %ne3A_1393 = arith.cmpi ne, %sign3A_1385, %sign3A_1392 : i32
      %rem3A_1394 = arith.remsi %add3A_1296, %jit3A_1377 : i32
      %ne3A_1395 = arith.constant 0 : i32
      %ne3A_1396 = arith.cmpi ne, %rem3A_1394, %ne3A_1395 : i32
      %and3A_1397 = arith.andi %ne3A_1393, %ne3A_1396 : i1
      %sub3A_1398 = arith.constant 1 : i32
      %sub3A_1399 = arith.subi %div3A_1378, %sub3A_1398 : i32
      %select_n3A_1400 = arith.select %and3A_1397, %sub3A_1399, %div3A_1378 : i32
      %get3A_1401 = arith.index_cast %select_n3A_1400 : i32 to index
      %get3A_1402 = arith.constant 96 : index
      %get3A_1403 = tpu.vector_load %arg5[%get3A_1401, %get3A_1402] {strides = array<i32>} : memref<80x128xi32, #tpu.memory_space<vmem>>, vector<1x16xi32>,
      %get3A_1404 = vector.shape_cast %get3A_1403 : vector<1x16xi32> to vector<16xi32>
      %shift_right_logical3A_1405 = arith.constant 14 : i32
      %shift_right_logical3A_1406 = vector.broadcast %shift_right_logical3A_1405 : i32 to vector<16xi32>
      %shift_right_logical3A_1407 = arith.shrui %get3A_1404, %shift_right_logical3A_1406 : vector<16xi32>
      %and3A_1408 = arith.constant 16383 : i32
      %and3A_1409 = vector.broadcast %and3A_1408 : i32 to vector<16xi32>
      %and3A_1410 = arith.andi %shift_right_logical3A_1407, %and3A_1409 : vector<16xi32>
      %swap3A_1411 = arith.constant 3 : i32
      %swap3A_1412 = arith.index_cast %swap3A_1411 : i32 to index
      %swap3A_1413 = arith.constant 32 : index
      %swap3A_1414 = tpu.vector_load %arg7[%swap3A_1412, %swap3A_1413] {strides = array<i32>} : memref<4x64xi32, #tpu.memory_space<vmem>>, vector<1x16xi32>,
      %swap3A_1415 = vector.shape_cast %swap3A_1414 : vector<1x16xi32> to vector<16xi32>
      %swap3A_1416 = vector.shape_cast %and3A_1410 : vector<16xi32> to vector<1x16xi32>
      tpu.vector_store %arg7[%swap3A_1412, %swap3A_1413], %swap3A_1416 {strides = array<i32>} : memref<4x64xi32, #tpu.memory_space<vmem>>, vector<1x16xi32>,
      %jit3A_1417 = arith.constant 2 : i32
      %div3A_1418 = arith.divsi %add3A_1296, %jit3A_1417 : i32
      %sign3A_1419 = arith.constant 0 : i32
      %sign3A_1420 = arith.cmpi sgt, %add3A_1296, %sign3A_1419 : i32
      %sign3A_1421 = arith.extui %sign3A_1420 : i1 to i32
      %sign3A_1422 = arith.constant 0 : i32
      %sign3A_1423 = arith.cmpi slt, %add3A_1296, %sign3A_1422 : i32
      %sign3A_1424 = arith.extui %sign3A_1423 : i1 to i32
      %sign3A_1425 = arith.subi %sign3A_1421, %sign3A_1424 : i32
      %sign3A_1426 = arith.constant 0 : i32
      %sign3A_1427 = arith.cmpi sgt, %jit3A_1417, %sign3A_1426 : i32
      %sign3A_1428 = arith.extui %sign3A_1427 : i1 to i32
      %sign3A_1429 = arith.constant 0 : i32
      %sign3A_1430 = arith.cmpi slt, %jit3A_1417, %sign3A_1429 : i32
      %sign3A_1431 = arith.extui %sign3A_1430 : i1 to i32
      %sign3A_1432 = arith.subi %sign3A_1428, %sign3A_1431 : i32
      %ne3A_1433 = arith.cmpi ne, %sign3A_1425, %sign3A_1432 : i32
      %rem3A_1434 = arith.remsi %add3A_1296, %jit3A_1417 : i32
      %ne3A_1435 = arith.constant 0 : i32
      %ne3A_1436 = arith.cmpi ne, %rem3A_1434, %ne3A_1435 : i32
      %and3A_1437 = arith.andi %ne3A_1433, %ne3A_1436 : i1
      %sub3A_1438 = arith.constant 1 : i32
      %sub3A_1439 = arith.subi %div3A_1418, %sub3A_1438 : i32
      %select_n3A_1440 = arith.select %and3A_1437, %sub3A_1439, %div3A_1418 : i32
      %get3A_1441 = arith.index_cast %select_n3A_1440 : i32 to index
      %get3A_1442 = arith.constant 112 : index
      %get3A_1443 = tpu.vector_load %arg5[%get3A_1441, %get3A_1442] {strides = array<i32>} : memref<80x128xi32, #tpu.memory_space<vmem>>, vector<1x16xi32>,
      %get3A_1444 = vector.shape_cast %get3A_1443 : vector<1x16xi32> to vector<16xi32>
      %shift_right_logical3A_1445 = arith.constant 14 : i32
      %shift_right_logical3A_1446 = vector.broadcast %shift_right_logical3A_1445 : i32 to vector<16xi32>
      %shift_right_logical3A_1447 = arith.shrui %get3A_1444, %shift_right_logical3A_1446 : vector<16xi32>
      %and3A_1448 = arith.constant 16383 : i32
      %and3A_1449 = vector.broadcast %and3A_1448 : i32 to vector<16xi32>
      %and3A_1450 = arith.andi %shift_right_logical3A_1447, %and3A_1449 : vector<16xi32>
      %swap3A_1451 = arith.constant 3 : i32
      %swap3A_1452 = arith.index_cast %swap3A_1451 : i32 to index
      %swap3A_1453 = arith.constant 48 : index
      %swap3A_1454 = tpu.vector_load %arg7[%swap3A_1452, %swap3A_1453] {strides = array<i32>} : memref<4x64xi32, #tpu.memory_space<vmem>>, vector<1x16xi32>,
      %swap3A_1455 = vector.shape_cast %swap3A_1454 : vector<1x16xi32> to vector<16xi32>
      %swap3A_1456 = vector.shape_cast %and3A_1450 : vector<16xi32> to vector<1x16xi32>
      tpu.vector_store %arg7[%swap3A_1452, %swap3A_1453], %swap3A_1456 {strides = array<i32>} : memref<4x64xi32, #tpu.memory_space<vmem>>, vector<1x16xi32>,
      %dma_start3A_1457 = arith.constant 3 : i32
      %dma_start3A_1458 = arith.constant 3 : i32
      %dma_start3A_1459 = arith.constant 0 : i32
      %dma_start3A_1460 = arith.constant 0 : i32
      %dma_start3A_1461 = tpu.memref_slice %arg8[%dma_start3A_1457, %dma_start3A_1459, %dma_start3A_1460] : memref<4x64x128xf32, #tpu.memory_space<vmem>> -> memref<1x64x128xf32, #tpu.memory_space<vmem>>
      %dma_start3A_1462 = tpu.memref_squeeze %dma_start3A_1461 : memref<1x64x128xf32, #tpu.memory_space<vmem>> -> memref<64x128xf32, #tpu.memory_space<vmem>>
      %dma_start3A_1463 = arith.constant 0 : i32
      %dma_start3A_1464 = tpu.memref_slice %arg7[%dma_start3A_1458, %dma_start3A_1463] : memref<4x64xi32, #tpu.memory_space<vmem>> -> memref<1x64xi32, #tpu.memory_space<vmem>>
      %dma_start3A_1465 = tpu.memref_squeeze %dma_start3A_1464 : memref<1x64xi32, #tpu.memory_space<vmem>> -> memref<64xi32, #tpu.memory_space<vmem>>
      %dma_start3A_1466 = arith.constant 0 : i32
      %dma_start3A_1467 = arith.constant 0 : i32
      %dma_start3A_1468 = tpu.memref_slice %arg9[%dma_start3A_1466, %dma_start3A_1467] : memref<10112x128xf32, #tpu.memory_space<vmem_shared>> -> memref<10112x128xf32, #tpu.memory_space<vmem_shared>>
      tpu.enqueue_indirect_dma source(%dma_start3A_1462 : memref<64x128xf32, #tpu.memory_space<vmem>>) target(%dma_start3A_1468 : memref<10112x128xf32, #tpu.memory_space<vmem_shared>>) offsets(%dma_start3A_1465 : memref<64xi32, #tpu.memory_space<vmem>>) semaphore(%arg17 : memref<!tpu.dma_semaphore, #tpu.memory_space<semaphore_mem>>) {add = true}
      %dma_wait3A_1469 = arith.constant 0 : i32
      %dma_wait3A_1470 = arith.constant 0 : i32
      %dma_wait3A_1471 = arith.constant 0 : i32
      %dma_wait3A_1472 = arith.constant 0 : i32
      %dma_wait3A_1473 = tpu.memref_slice %arg8[%dma_wait3A_1469, %dma_wait3A_1471, %dma_wait3A_1472] : memref<4x64x128xf32, #tpu.memory_space<vmem>> -> memref<1x64x128xf32, #tpu.memory_space<vmem>>
      %dma_wait3A_1474 = tpu.memref_squeeze %dma_wait3A_1473 : memref<1x64x128xf32, #tpu.memory_space<vmem>> -> memref<64x128xf32, #tpu.memory_space<vmem>>
      %dma_wait3A_1475 = arith.constant 0 : i32
      %dma_wait3A_1476 = tpu.memref_slice %arg7[%dma_wait3A_1470, %dma_wait3A_1475] : memref<4x64xi32, #tpu.memory_space<vmem>> -> memref<1x64xi32, #tpu.memory_space<vmem>>
      %dma_wait3A_1477 = tpu.memref_squeeze %dma_wait3A_1476 : memref<1x64xi32, #tpu.memory_space<vmem>> -> memref<64xi32, #tpu.memory_space<vmem>>
      %dma_wait3A_1478 = arith.constant 0 : i32
      %dma_wait3A_1479 = arith.constant 0 : i32
      %dma_wait3A_1480 = tpu.memref_slice %arg9[%dma_wait3A_1478, %dma_wait3A_1479] : memref<10112x128xf32, #tpu.memory_space<vmem_shared>> -> memref<10112x128xf32, #tpu.memory_space<vmem_shared>>
      tpu.wait_indirect_dma semaphore(%arg14 : memref<!tpu.dma_semaphore, #tpu.memory_space<semaphore_mem>>) src(%dma_wait3A_1474 : memref<64x128xf32, #tpu.memory_space<vmem>>) dst(%dma_wait3A_1480 : memref<10112x128xf32, #tpu.memory_space<vmem_shared>>)
      %add3A_1481 = arith.constant 4 : i32
      %add3A_1482 = arith.addi %mul3A_731, %add3A_1481 : i32
      %add3A_1483 = arith.constant 0 : i32
      %add3A_1484 = arith.addi %add3A_1482, %add3A_1483 : i32
      %jit3A_1485 = arith.constant 2 : i32
      %div3A_1486 = arith.divsi %add3A_1484, %jit3A_1485 : i32
      %sign3A_1487 = arith.constant 0 : i32
      %sign3A_1488 = arith.cmpi sgt, %add3A_1484, %sign3A_1487 : i32
      %sign3A_1489 = arith.extui %sign3A_1488 : i1 to i32
      %sign3A_1490 = arith.constant 0 : i32
      %sign3A_1491 = arith.cmpi slt, %add3A_1484, %sign3A_1490 : i32
      %sign3A_1492 = arith.extui %sign3A_1491 : i1 to i32
      %sign3A_1493 = arith.subi %sign3A_1489, %sign3A_1492 : i32
      %sign3A_1494 = arith.constant 0 : i32
      %sign3A_1495 = arith.cmpi sgt, %jit3A_1485, %sign3A_1494 : i32
      %sign3A_1496 = arith.extui %sign3A_1495 : i1 to i32
      %sign3A_1497 = arith.constant 0 : i32
      %sign3A_1498 = arith.cmpi slt, %jit3A_1485, %sign3A_1497 : i32
      %sign3A_1499 = arith.extui %sign3A_1498 : i1 to i32
      %sign3A_1500 = arith.subi %sign3A_1496, %sign3A_1499 : i32
      %ne3A_1501 = arith.cmpi ne, %sign3A_1493, %sign3A_1500 : i32
      %rem3A_1502 = arith.remsi %add3A_1484, %jit3A_1485 : i32
      %ne3A_1503 = arith.constant 0 : i32
      %ne3A_1504 = arith.cmpi ne, %rem3A_1502, %ne3A_1503 : i32
      %and3A_1505 = arith.andi %ne3A_1501, %ne3A_1504 : i1
      %sub3A_1506 = arith.constant 1 : i32
      %sub3A_1507 = arith.subi %div3A_1486, %sub3A_1506 : i32
      %select_n3A_1508 = arith.select %and3A_1505, %sub3A_1507, %div3A_1486 : i32
      %get3A_1509 = arith.index_cast %select_n3A_1508 : i32 to index
      %get3A_1510 = arith.constant 0 : index
      %get3A_1511 = tpu.vector_load %arg5[%get3A_1509, %get3A_1510] {strides = array<i32>} : memref<80x128xi32, #tpu.memory_space<vmem>>, vector<1x16xi32>,
      %get3A_1512 = vector.shape_cast %get3A_1511 : vector<1x16xi32> to vector<16xi32>
      %and3A_1513 = arith.constant 16383 : i32
      %and3A_1514 = vector.broadcast %and3A_1513 : i32 to vector<16xi32>
      %and3A_1515 = arith.andi %get3A_1512, %and3A_1514 : vector<16xi32>
      %swap3A_1516 = arith.constant 0 : i32
      %swap3A_1517 = arith.index_cast %swap3A_1516 : i32 to index
      %swap3A_1518 = arith.constant 0 : index
      %swap3A_1519 = tpu.vector_load %arg6[%swap3A_1517, %swap3A_1518] {strides = array<i32>} : memref<4x64xi32, #tpu.memory_space<vmem>>, vector<1x16xi32>,
      %swap3A_1520 = vector.shape_cast %swap3A_1519 : vector<1x16xi32> to vector<16xi32>
      %swap3A_1521 = vector.shape_cast %and3A_1515 : vector<16xi32> to vector<1x16xi32>
      tpu.vector_store %arg6[%swap3A_1517, %swap3A_1518], %swap3A_1521 {strides = array<i32>} : memref<4x64xi32, #tpu.memory_space<vmem>>, vector<1x16xi32>,
      %jit3A_1522 = arith.constant 2 : i32
      %div3A_1523 = arith.divsi %add3A_1484, %jit3A_1522 : i32
      %sign3A_1524 = arith.constant 0 : i32
      %sign3A_1525 = arith.cmpi sgt, %add3A_1484, %sign3A_1524 : i32
      %sign3A_1526 = arith.extui %sign3A_1525 : i1 to i32
      %sign3A_1527 = arith.constant 0 : i32
      %sign3A_1528 = arith.cmpi slt, %add3A_1484, %sign3A_1527 : i32
      %sign3A_1529 = arith.extui %sign3A_1528 : i1 to i32
      %sign3A_1530 = arith.subi %sign3A_1526, %sign3A_1529 : i32
      %sign3A_1531 = arith.constant 0 : i32
      %sign3A_1532 = arith.cmpi sgt, %jit3A_1522, %sign3A_1531 : i32
      %sign3A_1533 = arith.extui %sign3A_1532 : i1 to i32
      %sign3A_1534 = arith.constant 0 : i32
      %sign3A_1535 = arith.cmpi slt, %jit3A_1522, %sign3A_1534 : i32
      %sign3A_1536 = arith.extui %sign3A_1535 : i1 to i32
      %sign3A_1537 = arith.subi %sign3A_1533, %sign3A_1536 : i32
      %ne3A_1538 = arith.cmpi ne, %sign3A_1530, %sign3A_1537 : i32
      %rem3A_1539 = arith.remsi %add3A_1484, %jit3A_1522 : i32
      %ne3A_1540 = arith.constant 0 : i32
      %ne3A_1541 = arith.cmpi ne, %rem3A_1539, %ne3A_1540 : i32
      %and3A_1542 = arith.andi %ne3A_1538, %ne3A_1541 : i1
      %sub3A_1543 = arith.constant 1 : i32
      %sub3A_1544 = arith.subi %div3A_1523, %sub3A_1543 : i32
      %select_n3A_1545 = arith.select %and3A_1542, %sub3A_1544, %div3A_1523 : i32
      %get3A_1546 = arith.index_cast %select_n3A_1545 : i32 to index
      %get3A_1547 = arith.constant 16 : index
      %get3A_1548 = tpu.vector_load %arg5[%get3A_1546, %get3A_1547] {strides = array<i32>} : memref<80x128xi32, #tpu.memory_space<vmem>>, vector<1x16xi32>,
      %get3A_1549 = vector.shape_cast %get3A_1548 : vector<1x16xi32> to vector<16xi32>
      %and3A_1550 = arith.constant 16383 : i32
      %and3A_1551 = vector.broadcast %and3A_1550 : i32 to vector<16xi32>
      %and3A_1552 = arith.andi %get3A_1549, %and3A_1551 : vector<16xi32>
      %swap3A_1553 = arith.constant 0 : i32
      %swap3A_1554 = arith.index_cast %swap3A_1553 : i32 to index
      %swap3A_1555 = arith.constant 16 : index
      %swap3A_1556 = tpu.vector_load %arg6[%swap3A_1554, %swap3A_1555] {strides = array<i32>} : memref<4x64xi32, #tpu.memory_space<vmem>>, vector<1x16xi32>,
      %swap3A_1557 = vector.shape_cast %swap3A_1556 : vector<1x16xi32> to vector<16xi32>
      %swap3A_1558 = vector.shape_cast %and3A_1552 : vector<16xi32> to vector<1x16xi32>
      tpu.vector_store %arg6[%swap3A_1554, %swap3A_1555], %swap3A_1558 {strides = array<i32>} : memref<4x64xi32, #tpu.memory_space<vmem>>, vector<1x16xi32>,
      %jit3A_1559 = arith.constant 2 : i32
      %div3A_1560 = arith.divsi %add3A_1484, %jit3A_1559 : i32
      %sign3A_1561 = arith.constant 0 : i32
      %sign3A_1562 = arith.cmpi sgt, %add3A_1484, %sign3A_1561 : i32
      %sign3A_1563 = arith.extui %sign3A_1562 : i1 to i32
      %sign3A_1564 = arith.constant 0 : i32
      %sign3A_1565 = arith.cmpi slt, %add3A_1484, %sign3A_1564 : i32
      %sign3A_1566 = arith.extui %sign3A_1565 : i1 to i32
      %sign3A_1567 = arith.subi %sign3A_1563, %sign3A_1566 : i32
      %sign3A_1568 = arith.constant 0 : i32
      %sign3A_1569 = arith.cmpi sgt, %jit3A_1559, %sign3A_1568 : i32
      %sign3A_1570 = arith.extui %sign3A_1569 : i1 to i32
      %sign3A_1571 = arith.constant 0 : i32
      %sign3A_1572 = arith.cmpi slt, %jit3A_1559, %sign3A_1571 : i32
      %sign3A_1573 = arith.extui %sign3A_1572 : i1 to i32
      %sign3A_1574 = arith.subi %sign3A_1570, %sign3A_1573 : i32
      %ne3A_1575 = arith.cmpi ne, %sign3A_1567, %sign3A_1574 : i32
      %rem3A_1576 = arith.remsi %add3A_1484, %jit3A_1559 : i32
      %ne3A_1577 = arith.constant 0 : i32
      %ne3A_1578 = arith.cmpi ne, %rem3A_1576, %ne3A_1577 : i32
      %and3A_1579 = arith.andi %ne3A_1575, %ne3A_1578 : i1
      %sub3A_1580 = arith.constant 1 : i32
      %sub3A_1581 = arith.subi %div3A_1560, %sub3A_1580 : i32
      %select_n3A_1582 = arith.select %and3A_1579, %sub3A_1581, %div3A_1560 : i32
      %get3A_1583 = arith.index_cast %select_n3A_1582 : i32 to index
      %get3A_1584 = arith.constant 32 : index
      %get3A_1585 = tpu.vector_load %arg5[%get3A_1583, %get3A_1584] {strides = array<i32>} : memref<80x128xi32, #tpu.memory_space<vmem>>, vector<1x16xi32>,
      %get3A_1586 = vector.shape_cast %get3A_1585 : vector<1x16xi32> to vector<16xi32>
      %and3A_1587 = arith.constant 16383 : i32
      %and3A_1588 = vector.broadcast %and3A_1587 : i32 to vector<16xi32>
      %and3A_1589 = arith.andi %get3A_1586, %and3A_1588 : vector<16xi32>
      %swap3A_1590 = arith.constant 0 : i32
      %swap3A_1591 = arith.index_cast %swap3A_1590 : i32 to index
      %swap3A_1592 = arith.constant 32 : index
      %swap3A_1593 = tpu.vector_load %arg6[%swap3A_1591, %swap3A_1592] {strides = array<i32>} : memref<4x64xi32, #tpu.memory_space<vmem>>, vector<1x16xi32>,
      %swap3A_1594 = vector.shape_cast %swap3A_1593 : vector<1x16xi32> to vector<16xi32>
      %swap3A_1595 = vector.shape_cast %and3A_1589 : vector<16xi32> to vector<1x16xi32>
      tpu.vector_store %arg6[%swap3A_1591, %swap3A_1592], %swap3A_1595 {strides = array<i32>} : memref<4x64xi32, #tpu.memory_space<vmem>>, vector<1x16xi32>,
      %jit3A_1596 = arith.constant 2 : i32
      %div3A_1597 = arith.divsi %add3A_1484, %jit3A_1596 : i32
      %sign3A_1598 = arith.constant 0 : i32
      %sign3A_1599 = arith.cmpi sgt, %add3A_1484, %sign3A_1598 : i32
      %sign3A_1600 = arith.extui %sign3A_1599 : i1 to i32
      %sign3A_1601 = arith.constant 0 : i32
      %sign3A_1602 = arith.cmpi slt, %add3A_1484, %sign3A_1601 : i32
      %sign3A_1603 = arith.extui %sign3A_1602 : i1 to i32
      %sign3A_1604 = arith.subi %sign3A_1600, %sign3A_1603 : i32
      %sign3A_1605 = arith.constant 0 : i32
      %sign3A_1606 = arith.cmpi sgt, %jit3A_1596, %sign3A_1605 : i32
      %sign3A_1607 = arith.extui %sign3A_1606 : i1 to i32
      %sign3A_1608 = arith.constant 0 : i32
      %sign3A_1609 = arith.cmpi slt, %jit3A_1596, %sign3A_1608 : i32
      %sign3A_1610 = arith.extui %sign3A_1609 : i1 to i32
      %sign3A_1611 = arith.subi %sign3A_1607, %sign3A_1610 : i32
      %ne3A_1612 = arith.cmpi ne, %sign3A_1604, %sign3A_1611 : i32
      %rem3A_1613 = arith.remsi %add3A_1484, %jit3A_1596 : i32
      %ne3A_1614 = arith.constant 0 : i32
      %ne3A_1615 = arith.cmpi ne, %rem3A_1613, %ne3A_1614 : i32
      %and3A_1616 = arith.andi %ne3A_1612, %ne3A_1615 : i1
      %sub3A_1617 = arith.constant 1 : i32
      %sub3A_1618 = arith.subi %div3A_1597, %sub3A_1617 : i32
      %select_n3A_1619 = arith.select %and3A_1616, %sub3A_1618, %div3A_1597 : i32
      %get3A_1620 = arith.index_cast %select_n3A_1619 : i32 to index
      %get3A_1621 = arith.constant 48 : index
      %get3A_1622 = tpu.vector_load %arg5[%get3A_1620, %get3A_1621] {strides = array<i32>} : memref<80x128xi32, #tpu.memory_space<vmem>>, vector<1x16xi32>,
      %get3A_1623 = vector.shape_cast %get3A_1622 : vector<1x16xi32> to vector<16xi32>
      %and3A_1624 = arith.constant 16383 : i32
      %and3A_1625 = vector.broadcast %and3A_1624 : i32 to vector<16xi32>
      %and3A_1626 = arith.andi %get3A_1623, %and3A_1625 : vector<16xi32>
      %swap3A_1627 = arith.constant 0 : i32
      %swap3A_1628 = arith.index_cast %swap3A_1627 : i32 to index
      %swap3A_1629 = arith.constant 48 : index
      %swap3A_1630 = tpu.vector_load %arg6[%swap3A_1628, %swap3A_1629] {strides = array<i32>} : memref<4x64xi32, #tpu.memory_space<vmem>>, vector<1x16xi32>,
      %swap3A_1631 = vector.shape_cast %swap3A_1630 : vector<1x16xi32> to vector<16xi32>
      %swap3A_1632 = vector.shape_cast %and3A_1626 : vector<16xi32> to vector<1x16xi32>
      tpu.vector_store %arg6[%swap3A_1628, %swap3A_1629], %swap3A_1632 {strides = array<i32>} : memref<4x64xi32, #tpu.memory_space<vmem>>, vector<1x16xi32>,
      %dma_start3A_1633 = arith.constant 0 : i32
      %dma_start3A_1634 = arith.constant 0 : i32
      %dma_start3A_1635 = arith.constant 0 : i32
      %dma_start3A_1636 = arith.constant 0 : i32
      %dma_start3A_1637 = tpu.memref_slice %arg8[%dma_start3A_1634, %dma_start3A_1635, %dma_start3A_1636] : memref<4x64x128xf32, #tpu.memory_space<vmem>> -> memref<1x64x128xf32, #tpu.memory_space<vmem>>
      %dma_start3A_1638 = tpu.memref_squeeze %dma_start3A_1637 : memref<1x64x128xf32, #tpu.memory_space<vmem>> -> memref<64x128xf32, #tpu.memory_space<vmem>>
      %dma_start3A_1639 = arith.constant 0 : i32
      %dma_start3A_1640 = tpu.memref_slice %arg6[%dma_start3A_1633, %dma_start3A_1639] : memref<4x64xi32, #tpu.memory_space<vmem>> -> memref<1x64xi32, #tpu.memory_space<vmem>>
      %dma_start3A_1641 = tpu.memref_squeeze %dma_start3A_1640 : memref<1x64xi32, #tpu.memory_space<vmem>> -> memref<64xi32, #tpu.memory_space<vmem>>
      %dma_start3A_1642 = arith.constant 0 : i32
      %dma_start3A_1643 = arith.constant 0 : i32
      %dma_start3A_1644 = tpu.memref_slice %arg2[%dma_start3A_1642, %dma_start3A_1643] : memref<10000x128xf32, #tpu.memory_space<hbm>> -> memref<10000x128xf32, #tpu.memory_space<hbm>>
      tpu.enqueue_indirect_dma source(%dma_start3A_1644 : memref<10000x128xf32, #tpu.memory_space<hbm>>) target(%dma_start3A_1638 : memref<64x128xf32, #tpu.memory_space<vmem>>) offsets(%dma_start3A_1641 : memref<64xi32, #tpu.memory_space<vmem>>) semaphore(%arg10 : memref<!tpu.dma_semaphore, #tpu.memory_space<semaphore_mem>>)
      %dma_wait3A_1645 = arith.constant 1 : i32
      %dma_wait3A_1646 = arith.constant 1 : i32
      %dma_wait3A_1647 = arith.constant 0 : i32
      %dma_wait3A_1648 = arith.constant 0 : i32
      %dma_wait3A_1649 = tpu.memref_slice %arg8[%dma_wait3A_1645, %dma_wait3A_1647, %dma_wait3A_1648] : memref<4x64x128xf32, #tpu.memory_space<vmem>> -> memref<1x64x128xf32, #tpu.memory_space<vmem>>
      %dma_wait3A_1650 = tpu.memref_squeeze %dma_wait3A_1649 : memref<1x64x128xf32, #tpu.memory_space<vmem>> -> memref<64x128xf32, #tpu.memory_space<vmem>>
      %dma_wait3A_1651 = arith.constant 0 : i32
      %dma_wait3A_1652 = tpu.memref_slice %arg7[%dma_wait3A_1646, %dma_wait3A_1651] : memref<4x64xi32, #tpu.memory_space<vmem>> -> memref<1x64xi32, #tpu.memory_space<vmem>>
      %dma_wait3A_1653 = tpu.memref_squeeze %dma_wait3A_1652 : memref<1x64xi32, #tpu.memory_space<vmem>> -> memref<64xi32, #tpu.memory_space<vmem>>
      %dma_wait3A_1654 = arith.constant 0 : i32
      %dma_wait3A_1655 = arith.constant 0 : i32
      %dma_wait3A_1656 = tpu.memref_slice %arg9[%dma_wait3A_1654, %dma_wait3A_1655] : memref<10112x128xf32, #tpu.memory_space<vmem_shared>> -> memref<10112x128xf32, #tpu.memory_space<vmem_shared>>
      tpu.wait_indirect_dma semaphore(%arg15 : memref<!tpu.dma_semaphore, #tpu.memory_space<semaphore_mem>>) src(%dma_wait3A_1650 : memref<64x128xf32, #tpu.memory_space<vmem>>) dst(%dma_wait3A_1656 : memref<10112x128xf32, #tpu.memory_space<vmem_shared>>)
      %add3A_1657 = arith.constant 4 : i32
      %add3A_1658 = arith.addi %mul3A_731, %add3A_1657 : i32
      %add3A_1659 = arith.constant 1 : i32
      %add3A_1660 = arith.addi %add3A_1658, %add3A_1659 : i32
      %jit3A_1661 = arith.constant 2 : i32
      %div3A_1662 = arith.divsi %add3A_1660, %jit3A_1661 : i32
      %sign3A_1663 = arith.constant 0 : i32
      %sign3A_1664 = arith.cmpi sgt, %add3A_1660, %sign3A_1663 : i32
      %sign3A_1665 = arith.extui %sign3A_1664 : i1 to i32
      %sign3A_1666 = arith.constant 0 : i32
      %sign3A_1667 = arith.cmpi slt, %add3A_1660, %sign3A_1666 : i32
      %sign3A_1668 = arith.extui %sign3A_1667 : i1 to i32
      %sign3A_1669 = arith.subi %sign3A_1665, %sign3A_1668 : i32
      %sign3A_1670 = arith.constant 0 : i32
      %sign3A_1671 = arith.cmpi sgt, %jit3A_1661, %sign3A_1670 : i32
      %sign3A_1672 = arith.extui %sign3A_1671 : i1 to i32
      %sign3A_1673 = arith.constant 0 : i32
      %sign3A_1674 = arith.cmpi slt, %jit3A_1661, %sign3A_1673 : i32
      %sign3A_1675 = arith.extui %sign3A_1674 : i1 to i32
      %sign3A_1676 = arith.subi %sign3A_1672, %sign3A_1675 : i32
      %ne3A_1677 = arith.cmpi ne, %sign3A_1669, %sign3A_1676 : i32
      %rem3A_1678 = arith.remsi %add3A_1660, %jit3A_1661 : i32
      %ne3A_1679 = arith.constant 0 : i32
      %ne3A_1680 = arith.cmpi ne, %rem3A_1678, %ne3A_1679 : i32
      %and3A_1681 = arith.andi %ne3A_1677, %ne3A_1680 : i1
      %sub3A_1682 = arith.constant 1 : i32
      %sub3A_1683 = arith.subi %div3A_1662, %sub3A_1682 : i32
      %select_n3A_1684 = arith.select %and3A_1681, %sub3A_1683, %div3A_1662 : i32
      %get3A_1685 = arith.index_cast %select_n3A_1684 : i32 to index
      %get3A_1686 = arith.constant 64 : index
      %get3A_1687 = tpu.vector_load %arg5[%get3A_1685, %get3A_1686] {strides = array<i32>} : memref<80x128xi32, #tpu.memory_space<vmem>>, vector<1x16xi32>,
      %get3A_1688 = vector.shape_cast %get3A_1687 : vector<1x16xi32> to vector<16xi32>
      %and3A_1689 = arith.constant 16383 : i32
      %and3A_1690 = vector.broadcast %and3A_1689 : i32 to vector<16xi32>
      %and3A_1691 = arith.andi %get3A_1688, %and3A_1690 : vector<16xi32>
      %swap3A_1692 = arith.constant 1 : i32
      %swap3A_1693 = arith.index_cast %swap3A_1692 : i32 to index
      %swap3A_1694 = arith.constant 0 : index
      %swap3A_1695 = tpu.vector_load %arg6[%swap3A_1693, %swap3A_1694] {strides = array<i32>} : memref<4x64xi32, #tpu.memory_space<vmem>>, vector<1x16xi32>,
      %swap3A_1696 = vector.shape_cast %swap3A_1695 : vector<1x16xi32> to vector<16xi32>
      %swap3A_1697 = vector.shape_cast %and3A_1691 : vector<16xi32> to vector<1x16xi32>
      tpu.vector_store %arg6[%swap3A_1693, %swap3A_1694], %swap3A_1697 {strides = array<i32>} : memref<4x64xi32, #tpu.memory_space<vmem>>, vector<1x16xi32>,
      %jit3A_1698 = arith.constant 2 : i32
      %div3A_1699 = arith.divsi %add3A_1660, %jit3A_1698 : i32
      %sign3A_1700 = arith.constant 0 : i32
      %sign3A_1701 = arith.cmpi sgt, %add3A_1660, %sign3A_1700 : i32
      %sign3A_1702 = arith.extui %sign3A_1701 : i1 to i32
      %sign3A_1703 = arith.constant 0 : i32
      %sign3A_1704 = arith.cmpi slt, %add3A_1660, %sign3A_1703 : i32
      %sign3A_1705 = arith.extui %sign3A_1704 : i1 to i32
      %sign3A_1706 = arith.subi %sign3A_1702, %sign3A_1705 : i32
      %sign3A_1707 = arith.constant 0 : i32
      %sign3A_1708 = arith.cmpi sgt, %jit3A_1698, %sign3A_1707 : i32
      %sign3A_1709 = arith.extui %sign3A_1708 : i1 to i32
      %sign3A_1710 = arith.constant 0 : i32
      %sign3A_1711 = arith.cmpi slt, %jit3A_1698, %sign3A_1710 : i32
      %sign3A_1712 = arith.extui %sign3A_1711 : i1 to i32
      %sign3A_1713 = arith.subi %sign3A_1709, %sign3A_1712 : i32
      %ne3A_1714 = arith.cmpi ne, %sign3A_1706, %sign3A_1713 : i32
      %rem3A_1715 = arith.remsi %add3A_1660, %jit3A_1698 : i32
      %ne3A_1716 = arith.constant 0 : i32
      %ne3A_1717 = arith.cmpi ne, %rem3A_1715, %ne3A_1716 : i32
      %and3A_1718 = arith.andi %ne3A_1714, %ne3A_1717 : i1
      %sub3A_1719 = arith.constant 1 : i32
      %sub3A_1720 = arith.subi %div3A_1699, %sub3A_1719 : i32
      %select_n3A_1721 = arith.select %and3A_1718, %sub3A_1720, %div3A_1699 : i32
      %get3A_1722 = arith.index_cast %select_n3A_1721 : i32 to index
      %get3A_1723 = arith.constant 80 : index
      %get3A_1724 = tpu.vector_load %arg5[%get3A_1722, %get3A_1723] {strides = array<i32>} : memref<80x128xi32, #tpu.memory_space<vmem>>, vector<1x16xi32>,
      %get3A_1725 = vector.shape_cast %get3A_1724 : vector<1x16xi32> to vector<16xi32>
      %and3A_1726 = arith.constant 16383 : i32
      %and3A_1727 = vector.broadcast %and3A_1726 : i32 to vector<16xi32>
      %and3A_1728 = arith.andi %get3A_1725, %and3A_1727 : vector<16xi32>
      %swap3A_1729 = arith.constant 1 : i32
      %swap3A_1730 = arith.index_cast %swap3A_1729 : i32 to index
      %swap3A_1731 = arith.constant 16 : index
      %swap3A_1732 = tpu.vector_load %arg6[%swap3A_1730, %swap3A_1731] {strides = array<i32>} : memref<4x64xi32, #tpu.memory_space<vmem>>, vector<1x16xi32>,
      %swap3A_1733 = vector.shape_cast %swap3A_1732 : vector<1x16xi32> to vector<16xi32>
      %swap3A_1734 = vector.shape_cast %and3A_1728 : vector<16xi32> to vector<1x16xi32>
      tpu.vector_store %arg6[%swap3A_1730, %swap3A_1731], %swap3A_1734 {strides = array<i32>} : memref<4x64xi32, #tpu.memory_space<vmem>>, vector<1x16xi32>,
      %jit3A_1735 = arith.constant 2 : i32
      %div3A_1736 = arith.divsi %add3A_1660, %jit3A_1735 : i32
      %sign3A_1737 = arith.constant 0 : i32
      %sign3A_1738 = arith.cmpi sgt, %add3A_1660, %sign3A_1737 : i32
      %sign3A_1739 = arith.extui %sign3A_1738 : i1 to i32
      %sign3A_1740 = arith.constant 0 : i32
      %sign3A_1741 = arith.cmpi slt, %add3A_1660, %sign3A_1740 : i32
      %sign3A_1742 = arith.extui %sign3A_1741 : i1 to i32
      %sign3A_1743 = arith.subi %sign3A_1739, %sign3A_1742 : i32
      %sign3A_1744 = arith.constant 0 : i32
      %sign3A_1745 = arith.cmpi sgt, %jit3A_1735, %sign3A_1744 : i32
      %sign3A_1746 = arith.extui %sign3A_1745 : i1 to i32
      %sign3A_1747 = arith.constant 0 : i32
      %sign3A_1748 = arith.cmpi slt, %jit3A_1735, %sign3A_1747 : i32
      %sign3A_1749 = arith.extui %sign3A_1748 : i1 to i32
      %sign3A_1750 = arith.subi %sign3A_1746, %sign3A_1749 : i32
      %ne3A_1751 = arith.cmpi ne, %sign3A_1743, %sign3A_1750 : i32
      %rem3A_1752 = arith.remsi %add3A_1660, %jit3A_1735 : i32
      %ne3A_1753 = arith.constant 0 : i32
      %ne3A_1754 = arith.cmpi ne, %rem3A_1752, %ne3A_1753 : i32
      %and3A_1755 = arith.andi %ne3A_1751, %ne3A_1754 : i1
      %sub3A_1756 = arith.constant 1 : i32
      %sub3A_1757 = arith.subi %div3A_1736, %sub3A_1756 : i32
      %select_n3A_1758 = arith.select %and3A_1755, %sub3A_1757, %div3A_1736 : i32
      %get3A_1759 = arith.index_cast %select_n3A_1758 : i32 to index
      %get3A_1760 = arith.constant 96 : index
      %get3A_1761 = tpu.vector_load %arg5[%get3A_1759, %get3A_1760] {strides = array<i32>} : memref<80x128xi32, #tpu.memory_space<vmem>>, vector<1x16xi32>,
      %get3A_1762 = vector.shape_cast %get3A_1761 : vector<1x16xi32> to vector<16xi32>
      %and3A_1763 = arith.constant 16383 : i32
      %and3A_1764 = vector.broadcast %and3A_1763 : i32 to vector<16xi32>
      %and3A_1765 = arith.andi %get3A_1762, %and3A_1764 : vector<16xi32>
      %swap3A_1766 = arith.constant 1 : i32
      %swap3A_1767 = arith.index_cast %swap3A_1766 : i32 to index
      %swap3A_1768 = arith.constant 32 : index
      %swap3A_1769 = tpu.vector_load %arg6[%swap3A_1767, %swap3A_1768] {strides = array<i32>} : memref<4x64xi32, #tpu.memory_space<vmem>>, vector<1x16xi32>,
      %swap3A_1770 = vector.shape_cast %swap3A_1769 : vector<1x16xi32> to vector<16xi32>
      %swap3A_1771 = vector.shape_cast %and3A_1765 : vector<16xi32> to vector<1x16xi32>
      tpu.vector_store %arg6[%swap3A_1767, %swap3A_1768], %swap3A_1771 {strides = array<i32>} : memref<4x64xi32, #tpu.memory_space<vmem>>, vector<1x16xi32>,
      %jit3A_1772 = arith.constant 2 : i32
      %div3A_1773 = arith.divsi %add3A_1660, %jit3A_1772 : i32
      %sign3A_1774 = arith.constant 0 : i32
      %sign3A_1775 = arith.cmpi sgt, %add3A_1660, %sign3A_1774 : i32
      %sign3A_1776 = arith.extui %sign3A_1775 : i1 to i32
      %sign3A_1777 = arith.constant 0 : i32
      %sign3A_1778 = arith.cmpi slt, %add3A_1660, %sign3A_1777 : i32
      %sign3A_1779 = arith.extui %sign3A_1778 : i1 to i32
      %sign3A_1780 = arith.subi %sign3A_1776, %sign3A_1779 : i32
      %sign3A_1781 = arith.constant 0 : i32
      %sign3A_1782 = arith.cmpi sgt, %jit3A_1772, %sign3A_1781 : i32
      %sign3A_1783 = arith.extui %sign3A_1782 : i1 to i32
      %sign3A_1784 = arith.constant 0 : i32
      %sign3A_1785 = arith.cmpi slt, %jit3A_1772, %sign3A_1784 : i32
      %sign3A_1786 = arith.extui %sign3A_1785 : i1 to i32
      %sign3A_1787 = arith.subi %sign3A_1783, %sign3A_1786 : i32
      %ne3A_1788 = arith.cmpi ne, %sign3A_1780, %sign3A_1787 : i32
      %rem3A_1789 = arith.remsi %add3A_1660, %jit3A_1772 : i32
      %ne3A_1790 = arith.constant 0 : i32
      %ne3A_1791 = arith.cmpi ne, %rem3A_1789, %ne3A_1790 : i32
      %and3A_1792 = arith.andi %ne3A_1788, %ne3A_1791 : i1
      %sub3A_1793 = arith.constant 1 : i32
      %sub3A_1794 = arith.subi %div3A_1773, %sub3A_1793 : i32
      %select_n3A_1795 = arith.select %and3A_1792, %sub3A_1794, %div3A_1773 : i32
      %get3A_1796 = arith.index_cast %select_n3A_1795 : i32 to index
      %get3A_1797 = arith.constant 112 : index
      %get3A_1798 = tpu.vector_load %arg5[%get3A_1796, %get3A_1797] {strides = array<i32>} : memref<80x128xi32, #tpu.memory_space<vmem>>, vector<1x16xi32>,
      %get3A_1799 = vector.shape_cast %get3A_1798 : vector<1x16xi32> to vector<16xi32>
      %and3A_1800 = arith.constant 16383 : i32
      %and3A_1801 = vector.broadcast %and3A_1800 : i32 to vector<16xi32>
      %and3A_1802 = arith.andi %get3A_1799, %and3A_1801 : vector<16xi32>
      %swap3A_1803 = arith.constant 1 : i32
      %swap3A_1804 = arith.index_cast %swap3A_1803 : i32 to index
      %swap3A_1805 = arith.constant 48 : index
      %swap3A_1806 = tpu.vector_load %arg6[%swap3A_1804, %swap3A_1805] {strides = array<i32>} : memref<4x64xi32, #tpu.memory_space<vmem>>, vector<1x16xi32>,
      %swap3A_1807 = vector.shape_cast %swap3A_1806 : vector<1x16xi32> to vector<16xi32>
      %swap3A_1808 = vector.shape_cast %and3A_1802 : vector<16xi32> to vector<1x16xi32>
      tpu.vector_store %arg6[%swap3A_1804, %swap3A_1805], %swap3A_1808 {strides = array<i32>} : memref<4x64xi32, #tpu.memory_space<vmem>>, vector<1x16xi32>,
      %dma_start3A_1809 = arith.constant 1 : i32
      %dma_start3A_1810 = arith.constant 1 : i32
      %dma_start3A_1811 = arith.constant 0 : i32
      %dma_start3A_1812 = arith.constant 0 : i32
      %dma_start3A_1813 = tpu.memref_slice %arg8[%dma_start3A_1810, %dma_start3A_1811, %dma_start3A_1812] : memref<4x64x128xf32, #tpu.memory_space<vmem>> -> memref<1x64x128xf32, #tpu.memory_space<vmem>>
      %dma_start3A_1814 = tpu.memref_squeeze %dma_start3A_1813 : memref<1x64x128xf32, #tpu.memory_space<vmem>> -> memref<64x128xf32, #tpu.memory_space<vmem>>
      %dma_start3A_1815 = arith.constant 0 : i32
      %dma_start3A_1816 = tpu.memref_slice %arg6[%dma_start3A_1809, %dma_start3A_1815] : memref<4x64xi32, #tpu.memory_space<vmem>> -> memref<1x64xi32, #tpu.memory_space<vmem>>
      %dma_start3A_1817 = tpu.memref_squeeze %dma_start3A_1816 : memref<1x64xi32, #tpu.memory_space<vmem>> -> memref<64xi32, #tpu.memory_space<vmem>>
      %dma_start3A_1818 = arith.constant 0 : i32
      %dma_start3A_1819 = arith.constant 0 : i32
      %dma_start3A_1820 = tpu.memref_slice %arg2[%dma_start3A_1818, %dma_start3A_1819] : memref<10000x128xf32, #tpu.memory_space<hbm>> -> memref<10000x128xf32, #tpu.memory_space<hbm>>
      tpu.enqueue_indirect_dma source(%dma_start3A_1820 : memref<10000x128xf32, #tpu.memory_space<hbm>>) target(%dma_start3A_1814 : memref<64x128xf32, #tpu.memory_space<vmem>>) offsets(%dma_start3A_1817 : memref<64xi32, #tpu.memory_space<vmem>>) semaphore(%arg11 : memref<!tpu.dma_semaphore, #tpu.memory_space<semaphore_mem>>)
      %dma_wait3A_1821 = arith.constant 2 : i32
      %dma_wait3A_1822 = arith.constant 2 : i32
      %dma_wait3A_1823 = arith.constant 0 : i32
      %dma_wait3A_1824 = arith.constant 0 : i32
      %dma_wait3A_1825 = tpu.memref_slice %arg8[%dma_wait3A_1821, %dma_wait3A_1823, %dma_wait3A_1824] : memref<4x64x128xf32, #tpu.memory_space<vmem>> -> memref<1x64x128xf32, #tpu.memory_space<vmem>>
      %dma_wait3A_1826 = tpu.memref_squeeze %dma_wait3A_1825 : memref<1x64x128xf32, #tpu.memory_space<vmem>> -> memref<64x128xf32, #tpu.memory_space<vmem>>
      %dma_wait3A_1827 = arith.constant 0 : i32
      %dma_wait3A_1828 = tpu.memref_slice %arg7[%dma_wait3A_1822, %dma_wait3A_1827] : memref<4x64xi32, #tpu.memory_space<vmem>> -> memref<1x64xi32, #tpu.memory_space<vmem>>
      %dma_wait3A_1829 = tpu.memref_squeeze %dma_wait3A_1828 : memref<1x64xi32, #tpu.memory_space<vmem>> -> memref<64xi32, #tpu.memory_space<vmem>>
      %dma_wait3A_1830 = arith.constant 0 : i32
      %dma_wait3A_1831 = arith.constant 0 : i32
      %dma_wait3A_1832 = tpu.memref_slice %arg9[%dma_wait3A_1830, %dma_wait3A_1831] : memref<10112x128xf32, #tpu.memory_space<vmem_shared>> -> memref<10112x128xf32, #tpu.memory_space<vmem_shared>>
      tpu.wait_indirect_dma semaphore(%arg16 : memref<!tpu.dma_semaphore, #tpu.memory_space<semaphore_mem>>) src(%dma_wait3A_1826 : memref<64x128xf32, #tpu.memory_space<vmem>>) dst(%dma_wait3A_1832 : memref<10112x128xf32, #tpu.memory_space<vmem_shared>>)
      %add3A_1833 = arith.constant 4 : i32
      %add3A_1834 = arith.addi %mul3A_731, %add3A_1833 : i32
      %add3A_1835 = arith.constant 2 : i32
      %add3A_1836 = arith.addi %add3A_1834, %add3A_1835 : i32
      %jit3A_1837 = arith.constant 2 : i32
      %div3A_1838 = arith.divsi %add3A_1836, %jit3A_1837 : i32
      %sign3A_1839 = arith.constant 0 : i32
      %sign3A_1840 = arith.cmpi sgt, %add3A_1836, %sign3A_1839 : i32
      %sign3A_1841 = arith.extui %sign3A_1840 : i1 to i32
      %sign3A_1842 = arith.constant 0 : i32
      %sign3A_1843 = arith.cmpi slt, %add3A_1836, %sign3A_1842 : i32
      %sign3A_1844 = arith.extui %sign3A_1843 : i1 to i32
      %sign3A_1845 = arith.subi %sign3A_1841, %sign3A_1844 : i32
      %sign3A_1846 = arith.constant 0 : i32
      %sign3A_1847 = arith.cmpi sgt, %jit3A_1837, %sign3A_1846 : i32
      %sign3A_1848 = arith.extui %sign3A_1847 : i1 to i32
      %sign3A_1849 = arith.constant 0 : i32
      %sign3A_1850 = arith.cmpi slt, %jit3A_1837, %sign3A_1849 : i32
      %sign3A_1851 = arith.extui %sign3A_1850 : i1 to i32
      %sign3A_1852 = arith.subi %sign3A_1848, %sign3A_1851 : i32
      %ne3A_1853 = arith.cmpi ne, %sign3A_1845, %sign3A_1852 : i32
      %rem3A_1854 = arith.remsi %add3A_1836, %jit3A_1837 : i32
      %ne3A_1855 = arith.constant 0 : i32
      %ne3A_1856 = arith.cmpi ne, %rem3A_1854, %ne3A_1855 : i32
      %and3A_1857 = arith.andi %ne3A_1853, %ne3A_1856 : i1
      %sub3A_1858 = arith.constant 1 : i32
      %sub3A_1859 = arith.subi %div3A_1838, %sub3A_1858 : i32
      %select_n3A_1860 = arith.select %and3A_1857, %sub3A_1859, %div3A_1838 : i32
      %get3A_1861 = arith.index_cast %select_n3A_1860 : i32 to index
      %get3A_1862 = arith.constant 0 : index
      %get3A_1863 = tpu.vector_load %arg5[%get3A_1861, %get3A_1862] {strides = array<i32>} : memref<80x128xi32, #tpu.memory_space<vmem>>, vector<1x16xi32>,
      %get3A_1864 = vector.shape_cast %get3A_1863 : vector<1x16xi32> to vector<16xi32>
      %and3A_1865 = arith.constant 16383 : i32
      %and3A_1866 = vector.broadcast %and3A_1865 : i32 to vector<16xi32>
      %and3A_1867 = arith.andi %get3A_1864, %and3A_1866 : vector<16xi32>
      %swap3A_1868 = arith.constant 2 : i32
      %swap3A_1869 = arith.index_cast %swap3A_1868 : i32 to index
      %swap3A_1870 = arith.constant 0 : index
      %swap3A_1871 = tpu.vector_load %arg6[%swap3A_1869, %swap3A_1870] {strides = array<i32>} : memref<4x64xi32, #tpu.memory_space<vmem>>, vector<1x16xi32>,
      %swap3A_1872 = vector.shape_cast %swap3A_1871 : vector<1x16xi32> to vector<16xi32>
      %swap3A_1873 = vector.shape_cast %and3A_1867 : vector<16xi32> to vector<1x16xi32>
      tpu.vector_store %arg6[%swap3A_1869, %swap3A_1870], %swap3A_1873 {strides = array<i32>} : memref<4x64xi32, #tpu.memory_space<vmem>>, vector<1x16xi32>,
      %jit3A_1874 = arith.constant 2 : i32
      %div3A_1875 = arith.divsi %add3A_1836, %jit3A_1874 : i32
      %sign3A_1876 = arith.constant 0 : i32
      %sign3A_1877 = arith.cmpi sgt, %add3A_1836, %sign3A_1876 : i32
      %sign3A_1878 = arith.extui %sign3A_1877 : i1 to i32
      %sign3A_1879 = arith.constant 0 : i32
      %sign3A_1880 = arith.cmpi slt, %add3A_1836, %sign3A_1879 : i32
      %sign3A_1881 = arith.extui %sign3A_1880 : i1 to i32
      %sign3A_1882 = arith.subi %sign3A_1878, %sign3A_1881 : i32
      %sign3A_1883 = arith.constant 0 : i32
      %sign3A_1884 = arith.cmpi sgt, %jit3A_1874, %sign3A_1883 : i32
      %sign3A_1885 = arith.extui %sign3A_1884 : i1 to i32
      %sign3A_1886 = arith.constant 0 : i32
      %sign3A_1887 = arith.cmpi slt, %jit3A_1874, %sign3A_1886 : i32
      %sign3A_1888 = arith.extui %sign3A_1887 : i1 to i32
      %sign3A_1889 = arith.subi %sign3A_1885, %sign3A_1888 : i32
      %ne3A_1890 = arith.cmpi ne, %sign3A_1882, %sign3A_1889 : i32
      %rem3A_1891 = arith.remsi %add3A_1836, %jit3A_1874 : i32
      %ne3A_1892 = arith.constant 0 : i32
      %ne3A_1893 = arith.cmpi ne, %rem3A_1891, %ne3A_1892 : i32
      %and3A_1894 = arith.andi %ne3A_1890, %ne3A_1893 : i1
      %sub3A_1895 = arith.constant 1 : i32
      %sub3A_1896 = arith.subi %div3A_1875, %sub3A_1895 : i32
      %select_n3A_1897 = arith.select %and3A_1894, %sub3A_1896, %div3A_1875 : i32
      %get3A_1898 = arith.index_cast %select_n3A_1897 : i32 to index
      %get3A_1899 = arith.constant 16 : index
      %get3A_1900 = tpu.vector_load %arg5[%get3A_1898, %get3A_1899] {strides = array<i32>} : memref<80x128xi32, #tpu.memory_space<vmem>>, vector<1x16xi32>,
      %get3A_1901 = vector.shape_cast %get3A_1900 : vector<1x16xi32> to vector<16xi32>
      %and3A_1902 = arith.constant 16383 : i32
      %and3A_1903 = vector.broadcast %and3A_1902 : i32 to vector<16xi32>
      %and3A_1904 = arith.andi %get3A_1901, %and3A_1903 : vector<16xi32>
      %swap3A_1905 = arith.constant 2 : i32
      %swap3A_1906 = arith.index_cast %swap3A_1905 : i32 to index
      %swap3A_1907 = arith.constant 16 : index
      %swap3A_1908 = tpu.vector_load %arg6[%swap3A_1906, %swap3A_1907] {strides = array<i32>} : memref<4x64xi32, #tpu.memory_space<vmem>>, vector<1x16xi32>,
      %swap3A_1909 = vector.shape_cast %swap3A_1908 : vector<1x16xi32> to vector<16xi32>
      %swap3A_1910 = vector.shape_cast %and3A_1904 : vector<16xi32> to vector<1x16xi32>
      tpu.vector_store %arg6[%swap3A_1906, %swap3A_1907], %swap3A_1910 {strides = array<i32>} : memref<4x64xi32, #tpu.memory_space<vmem>>, vector<1x16xi32>,
      %jit3A_1911 = arith.constant 2 : i32
      %div3A_1912 = arith.divsi %add3A_1836, %jit3A_1911 : i32
      %sign3A_1913 = arith.constant 0 : i32
      %sign3A_1914 = arith.cmpi sgt, %add3A_1836, %sign3A_1913 : i32
      %sign3A_1915 = arith.extui %sign3A_1914 : i1 to i32
      %sign3A_1916 = arith.constant 0 : i32
      %sign3A_1917 = arith.cmpi slt, %add3A_1836, %sign3A_1916 : i32
      %sign3A_1918 = arith.extui %sign3A_1917 : i1 to i32
      %sign3A_1919 = arith.subi %sign3A_1915, %sign3A_1918 : i32
      %sign3A_1920 = arith.constant 0 : i32
      %sign3A_1921 = arith.cmpi sgt, %jit3A_1911, %sign3A_1920 : i32
      %sign3A_1922 = arith.extui %sign3A_1921 : i1 to i32
      %sign3A_1923 = arith.constant 0 : i32
      %sign3A_1924 = arith.cmpi slt, %jit3A_1911, %sign3A_1923 : i32
      %sign3A_1925 = arith.extui %sign3A_1924 : i1 to i32
      %sign3A_1926 = arith.subi %sign3A_1922, %sign3A_1925 : i32
      %ne3A_1927 = arith.cmpi ne, %sign3A_1919, %sign3A_1926 : i32
      %rem3A_1928 = arith.remsi %add3A_1836, %jit3A_1911 : i32
      %ne3A_1929 = arith.constant 0 : i32
      %ne3A_1930 = arith.cmpi ne, %rem3A_1928, %ne3A_1929 : i32
      %and3A_1931 = arith.andi %ne3A_1927, %ne3A_1930 : i1
      %sub3A_1932 = arith.constant 1 : i32
      %sub3A_1933 = arith.subi %div3A_1912, %sub3A_1932 : i32
      %select_n3A_1934 = arith.select %and3A_1931, %sub3A_1933, %div3A_1912 : i32
      %get3A_1935 = arith.index_cast %select_n3A_1934 : i32 to index
      %get3A_1936 = arith.constant 32 : index
      %get3A_1937 = tpu.vector_load %arg5[%get3A_1935, %get3A_1936] {strides = array<i32>} : memref<80x128xi32, #tpu.memory_space<vmem>>, vector<1x16xi32>,
      %get3A_1938 = vector.shape_cast %get3A_1937 : vector<1x16xi32> to vector<16xi32>
      %and3A_1939 = arith.constant 16383 : i32
      %and3A_1940 = vector.broadcast %and3A_1939 : i32 to vector<16xi32>
      %and3A_1941 = arith.andi %get3A_1938, %and3A_1940 : vector<16xi32>
      %swap3A_1942 = arith.constant 2 : i32
      %swap3A_1943 = arith.index_cast %swap3A_1942 : i32 to index
      %swap3A_1944 = arith.constant 32 : index
      %swap3A_1945 = tpu.vector_load %arg6[%swap3A_1943, %swap3A_1944] {strides = array<i32>} : memref<4x64xi32, #tpu.memory_space<vmem>>, vector<1x16xi32>,
      %swap3A_1946 = vector.shape_cast %swap3A_1945 : vector<1x16xi32> to vector<16xi32>
      %swap3A_1947 = vector.shape_cast %and3A_1941 : vector<16xi32> to vector<1x16xi32>
      tpu.vector_store %arg6[%swap3A_1943, %swap3A_1944], %swap3A_1947 {strides = array<i32>} : memref<4x64xi32, #tpu.memory_space<vmem>>, vector<1x16xi32>,
      %jit3A_1948 = arith.constant 2 : i32
      %div3A_1949 = arith.divsi %add3A_1836, %jit3A_1948 : i32
      %sign3A_1950 = arith.constant 0 : i32
      %sign3A_1951 = arith.cmpi sgt, %add3A_1836, %sign3A_1950 : i32
      %sign3A_1952 = arith.extui %sign3A_1951 : i1 to i32
      %sign3A_1953 = arith.constant 0 : i32
      %sign3A_1954 = arith.cmpi slt, %add3A_1836, %sign3A_1953 : i32
      %sign3A_1955 = arith.extui %sign3A_1954 : i1 to i32
      %sign3A_1956 = arith.subi %sign3A_1952, %sign3A_1955 : i32
      %sign3A_1957 = arith.constant 0 : i32
      %sign3A_1958 = arith.cmpi sgt, %jit3A_1948, %sign3A_1957 : i32
      %sign3A_1959 = arith.extui %sign3A_1958 : i1 to i32
      %sign3A_1960 = arith.constant 0 : i32
      %sign3A_1961 = arith.cmpi slt, %jit3A_1948, %sign3A_1960 : i32
      %sign3A_1962 = arith.extui %sign3A_1961 : i1 to i32
      %sign3A_1963 = arith.subi %sign3A_1959, %sign3A_1962 : i32
      %ne3A_1964 = arith.cmpi ne, %sign3A_1956, %sign3A_1963 : i32
      %rem3A_1965 = arith.remsi %add3A_1836, %jit3A_1948 : i32
      %ne3A_1966 = arith.constant 0 : i32
      %ne3A_1967 = arith.cmpi ne, %rem3A_1965, %ne3A_1966 : i32
      %and3A_1968 = arith.andi %ne3A_1964, %ne3A_1967 : i1
      %sub3A_1969 = arith.constant 1 : i32
      %sub3A_1970 = arith.subi %div3A_1949, %sub3A_1969 : i32
      %select_n3A_1971 = arith.select %and3A_1968, %sub3A_1970, %div3A_1949 : i32
      %get3A_1972 = arith.index_cast %select_n3A_1971 : i32 to index
      %get3A_1973 = arith.constant 48 : index
      %get3A_1974 = tpu.vector_load %arg5[%get3A_1972, %get3A_1973] {strides = array<i32>} : memref<80x128xi32, #tpu.memory_space<vmem>>, vector<1x16xi32>,
      %get3A_1975 = vector.shape_cast %get3A_1974 : vector<1x16xi32> to vector<16xi32>
      %and3A_1976 = arith.constant 16383 : i32
      %and3A_1977 = vector.broadcast %and3A_1976 : i32 to vector<16xi32>
      %and3A_1978 = arith.andi %get3A_1975, %and3A_1977 : vector<16xi32>
      %swap3A_1979 = arith.constant 2 : i32
      %swap3A_1980 = arith.index_cast %swap3A_1979 : i32 to index
      %swap3A_1981 = arith.constant 48 : index
      %swap3A_1982 = tpu.vector_load %arg6[%swap3A_1980, %swap3A_1981] {strides = array<i32>} : memref<4x64xi32, #tpu.memory_space<vmem>>, vector<1x16xi32>,
      %swap3A_1983 = vector.shape_cast %swap3A_1982 : vector<1x16xi32> to vector<16xi32>
      %swap3A_1984 = vector.shape_cast %and3A_1978 : vector<16xi32> to vector<1x16xi32>
      tpu.vector_store %arg6[%swap3A_1980, %swap3A_1981], %swap3A_1984 {strides = array<i32>} : memref<4x64xi32, #tpu.memory_space<vmem>>, vector<1x16xi32>,
      %dma_start3A_1985 = arith.constant 2 : i32
      %dma_start3A_1986 = arith.constant 2 : i32
      %dma_start3A_1987 = arith.constant 0 : i32
      %dma_start3A_1988 = arith.constant 0 : i32
      %dma_start3A_1989 = tpu.memref_slice %arg8[%dma_start3A_1986, %dma_start3A_1987, %dma_start3A_1988] : memref<4x64x128xf32, #tpu.memory_space<vmem>> -> memref<1x64x128xf32, #tpu.memory_space<vmem>>
      %dma_start3A_1990 = tpu.memref_squeeze %dma_start3A_1989 : memref<1x64x128xf32, #tpu.memory_space<vmem>> -> memref<64x128xf32, #tpu.memory_space<vmem>>
      %dma_start3A_1991 = arith.constant 0 : i32
      %dma_start3A_1992 = tpu.memref_slice %arg6[%dma_start3A_1985, %dma_start3A_1991] : memref<4x64xi32, #tpu.memory_space<vmem>> -> memref<1x64xi32, #tpu.memory_space<vmem>>
      %dma_start3A_1993 = tpu.memref_squeeze %dma_start3A_1992 : memref<1x64xi32, #tpu.memory_space<vmem>> -> memref<64xi32, #tpu.memory_space<vmem>>
      %dma_start3A_1994 = arith.constant 0 : i32
      %dma_start3A_1995 = arith.constant 0 : i32
      %dma_start3A_1996 = tpu.memref_slice %arg2[%dma_start3A_1994, %dma_start3A_1995] : memref<10000x128xf32, #tpu.memory_space<hbm>> -> memref<10000x128xf32, #tpu.memory_space<hbm>>
      tpu.enqueue_indirect_dma source(%dma_start3A_1996 : memref<10000x128xf32, #tpu.memory_space<hbm>>) target(%dma_start3A_1990 : memref<64x128xf32, #tpu.memory_space<vmem>>) offsets(%dma_start3A_1993 : memref<64xi32, #tpu.memory_space<vmem>>) semaphore(%arg12 : memref<!tpu.dma_semaphore, #tpu.memory_space<semaphore_mem>>)
      %dma_wait3A_1997 = arith.constant 3 : i32
      %dma_wait3A_1998 = arith.constant 3 : i32
      %dma_wait3A_1999 = arith.constant 0 : i32
      %dma_wait3A_2000 = arith.constant 0 : i32
      %dma_wait3A_2001 = tpu.memref_slice %arg8[%dma_wait3A_1997, %dma_wait3A_1999, %dma_wait3A_2000] : memref<4x64x128xf32, #tpu.memory_space<vmem>> -> memref<1x64x128xf32, #tpu.memory_space<vmem>>
      %dma_wait3A_2002 = tpu.memref_squeeze %dma_wait3A_2001 : memref<1x64x128xf32, #tpu.memory_space<vmem>> -> memref<64x128xf32, #tpu.memory_space<vmem>>
      %dma_wait3A_2003 = arith.constant 0 : i32
      %dma_wait3A_2004 = tpu.memref_slice %arg7[%dma_wait3A_1998, %dma_wait3A_2003] : memref<4x64xi32, #tpu.memory_space<vmem>> -> memref<1x64xi32, #tpu.memory_space<vmem>>
      %dma_wait3A_2005 = tpu.memref_squeeze %dma_wait3A_2004 : memref<1x64xi32, #tpu.memory_space<vmem>> -> memref<64xi32, #tpu.memory_space<vmem>>
      %dma_wait3A_2006 = arith.constant 0 : i32
      %dma_wait3A_2007 = arith.constant 0 : i32
      %dma_wait3A_2008 = tpu.memref_slice %arg9[%dma_wait3A_2006, %dma_wait3A_2007] : memref<10112x128xf32, #tpu.memory_space<vmem_shared>> -> memref<10112x128xf32, #tpu.memory_space<vmem_shared>>
      tpu.wait_indirect_dma semaphore(%arg17 : memref<!tpu.dma_semaphore, #tpu.memory_space<semaphore_mem>>) src(%dma_wait3A_2002 : memref<64x128xf32, #tpu.memory_space<vmem>>) dst(%dma_wait3A_2008 : memref<10112x128xf32, #tpu.memory_space<vmem_shared>>)
      %add3A_2009 = arith.constant 4 : i32
      %add3A_2010 = arith.addi %mul3A_731, %add3A_2009 : i32
      %add3A_2011 = arith.constant 3 : i32
      %add3A_2012 = arith.addi %add3A_2010, %add3A_2011 : i32
      %jit3A_2013 = arith.constant 2 : i32
      %div3A_2014 = arith.divsi %add3A_2012, %jit3A_2013 : i32
      %sign3A_2015 = arith.constant 0 : i32
      %sign3A_2016 = arith.cmpi sgt, %add3A_2012, %sign3A_2015 : i32
      %sign3A_2017 = arith.extui %sign3A_2016 : i1 to i32
      %sign3A_2018 = arith.constant 0 : i32
      %sign3A_2019 = arith.cmpi slt, %add3A_2012, %sign3A_2018 : i32
      %sign3A_2020 = arith.extui %sign3A_2019 : i1 to i32
      %sign3A_2021 = arith.subi %sign3A_2017, %sign3A_2020 : i32
      %sign3A_2022 = arith.constant 0 : i32
      %sign3A_2023 = arith.cmpi sgt, %jit3A_2013, %sign3A_2022 : i32
      %sign3A_2024 = arith.extui %sign3A_2023 : i1 to i32
      %sign3A_2025 = arith.constant 0 : i32
      %sign3A_2026 = arith.cmpi slt, %jit3A_2013, %sign3A_2025 : i32
      %sign3A_2027 = arith.extui %sign3A_2026 : i1 to i32
      %sign3A_2028 = arith.subi %sign3A_2024, %sign3A_2027 : i32
      %ne3A_2029 = arith.cmpi ne, %sign3A_2021, %sign3A_2028 : i32
      %rem3A_2030 = arith.remsi %add3A_2012, %jit3A_2013 : i32
      %ne3A_2031 = arith.constant 0 : i32
      %ne3A_2032 = arith.cmpi ne, %rem3A_2030, %ne3A_2031 : i32
      %and3A_2033 = arith.andi %ne3A_2029, %ne3A_2032 : i1
      %sub3A_2034 = arith.constant 1 : i32
      %sub3A_2035 = arith.subi %div3A_2014, %sub3A_2034 : i32
      %select_n3A_2036 = arith.select %and3A_2033, %sub3A_2035, %div3A_2014 : i32
      %get3A_2037 = arith.index_cast %select_n3A_2036 : i32 to index
      %get3A_2038 = arith.constant 64 : index
      %get3A_2039 = tpu.vector_load %arg5[%get3A_2037, %get3A_2038] {strides = array<i32>} : memref<80x128xi32, #tpu.memory_space<vmem>>, vector<1x16xi32>,
      %get3A_2040 = vector.shape_cast %get3A_2039 : vector<1x16xi32> to vector<16xi32>
      %and3A_2041 = arith.constant 16383 : i32
      %and3A_2042 = vector.broadcast %and3A_2041 : i32 to vector<16xi32>
      %and3A_2043 = arith.andi %get3A_2040, %and3A_2042 : vector<16xi32>
      %swap3A_2044 = arith.constant 3 : i32
      %swap3A_2045 = arith.index_cast %swap3A_2044 : i32 to index
      %swap3A_2046 = arith.constant 0 : index
      %swap3A_2047 = tpu.vector_load %arg6[%swap3A_2045, %swap3A_2046] {strides = array<i32>} : memref<4x64xi32, #tpu.memory_space<vmem>>, vector<1x16xi32>,
      %swap3A_2048 = vector.shape_cast %swap3A_2047 : vector<1x16xi32> to vector<16xi32>
      %swap3A_2049 = vector.shape_cast %and3A_2043 : vector<16xi32> to vector<1x16xi32>
      tpu.vector_store %arg6[%swap3A_2045, %swap3A_2046], %swap3A_2049 {strides = array<i32>} : memref<4x64xi32, #tpu.memory_space<vmem>>, vector<1x16xi32>,
      %jit3A_2050 = arith.constant 2 : i32
      %div3A_2051 = arith.divsi %add3A_2012, %jit3A_2050 : i32
      %sign3A_2052 = arith.constant 0 : i32
      %sign3A_2053 = arith.cmpi sgt, %add3A_2012, %sign3A_2052 : i32
      %sign3A_2054 = arith.extui %sign3A_2053 : i1 to i32
      %sign3A_2055 = arith.constant 0 : i32
      %sign3A_2056 = arith.cmpi slt, %add3A_2012, %sign3A_2055 : i32
      %sign3A_2057 = arith.extui %sign3A_2056 : i1 to i32
      %sign3A_2058 = arith.subi %sign3A_2054, %sign3A_2057 : i32
      %sign3A_2059 = arith.constant 0 : i32
      %sign3A_2060 = arith.cmpi sgt, %jit3A_2050, %sign3A_2059 : i32
      %sign3A_2061 = arith.extui %sign3A_2060 : i1 to i32
      %sign3A_2062 = arith.constant 0 : i32
      %sign3A_2063 = arith.cmpi slt, %jit3A_2050, %sign3A_2062 : i32
      %sign3A_2064 = arith.extui %sign3A_2063 : i1 to i32
      %sign3A_2065 = arith.subi %sign3A_2061, %sign3A_2064 : i32
      %ne3A_2066 = arith.cmpi ne, %sign3A_2058, %sign3A_2065 : i32
      %rem3A_2067 = arith.remsi %add3A_2012, %jit3A_2050 : i32
      %ne3A_2068 = arith.constant 0 : i32
      %ne3A_2069 = arith.cmpi ne, %rem3A_2067, %ne3A_2068 : i32
      %and3A_2070 = arith.andi %ne3A_2066, %ne3A_2069 : i1
      %sub3A_2071 = arith.constant 1 : i32
      %sub3A_2072 = arith.subi %div3A_2051, %sub3A_2071 : i32
      %select_n3A_2073 = arith.select %and3A_2070, %sub3A_2072, %div3A_2051 : i32
      %get3A_2074 = arith.index_cast %select_n3A_2073 : i32 to index
      %get3A_2075 = arith.constant 80 : index
      %get3A_2076 = tpu.vector_load %arg5[%get3A_2074, %get3A_2075] {strides = array<i32>} : memref<80x128xi32, #tpu.memory_space<vmem>>, vector<1x16xi32>,
      %get3A_2077 = vector.shape_cast %get3A_2076 : vector<1x16xi32> to vector<16xi32>
      %and3A_2078 = arith.constant 16383 : i32
      %and3A_2079 = vector.broadcast %and3A_2078 : i32 to vector<16xi32>
      %and3A_2080 = arith.andi %get3A_2077, %and3A_2079 : vector<16xi32>
      %swap3A_2081 = arith.constant 3 : i32
      %swap3A_2082 = arith.index_cast %swap3A_2081 : i32 to index
      %swap3A_2083 = arith.constant 16 : index
      %swap3A_2084 = tpu.vector_load %arg6[%swap3A_2082, %swap3A_2083] {strides = array<i32>} : memref<4x64xi32, #tpu.memory_space<vmem>>, vector<1x16xi32>,
      %swap3A_2085 = vector.shape_cast %swap3A_2084 : vector<1x16xi32> to vector<16xi32>
      %swap3A_2086 = vector.shape_cast %and3A_2080 : vector<16xi32> to vector<1x16xi32>
      tpu.vector_store %arg6[%swap3A_2082, %swap3A_2083], %swap3A_2086 {strides = array<i32>} : memref<4x64xi32, #tpu.memory_space<vmem>>, vector<1x16xi32>,
      %jit3A_2087 = arith.constant 2 : i32
      %div3A_2088 = arith.divsi %add3A_2012, %jit3A_2087 : i32
      %sign3A_2089 = arith.constant 0 : i32
      %sign3A_2090 = arith.cmpi sgt, %add3A_2012, %sign3A_2089 : i32
      %sign3A_2091 = arith.extui %sign3A_2090 : i1 to i32
      %sign3A_2092 = arith.constant 0 : i32
      %sign3A_2093 = arith.cmpi slt, %add3A_2012, %sign3A_2092 : i32
      %sign3A_2094 = arith.extui %sign3A_2093 : i1 to i32
      %sign3A_2095 = arith.subi %sign3A_2091, %sign3A_2094 : i32
      %sign3A_2096 = arith.constant 0 : i32
      %sign3A_2097 = arith.cmpi sgt, %jit3A_2087, %sign3A_2096 : i32
      %sign3A_2098 = arith.extui %sign3A_2097 : i1 to i32
      %sign3A_2099 = arith.constant 0 : i32
      %sign3A_2100 = arith.cmpi slt, %jit3A_2087, %sign3A_2099 : i32
      %sign3A_2101 = arith.extui %sign3A_2100 : i1 to i32
      %sign3A_2102 = arith.subi %sign3A_2098, %sign3A_2101 : i32
      %ne3A_2103 = arith.cmpi ne, %sign3A_2095, %sign3A_2102 : i32
      %rem3A_2104 = arith.remsi %add3A_2012, %jit3A_2087 : i32
      %ne3A_2105 = arith.constant 0 : i32
      %ne3A_2106 = arith.cmpi ne, %rem3A_2104, %ne3A_2105 : i32
      %and3A_2107 = arith.andi %ne3A_2103, %ne3A_2106 : i1
      %sub3A_2108 = arith.constant 1 : i32
      %sub3A_2109 = arith.subi %div3A_2088, %sub3A_2108 : i32
      %select_n3A_2110 = arith.select %and3A_2107, %sub3A_2109, %div3A_2088 : i32
      %get3A_2111 = arith.index_cast %select_n3A_2110 : i32 to index
      %get3A_2112 = arith.constant 96 : index
      %get3A_2113 = tpu.vector_load %arg5[%get3A_2111, %get3A_2112] {strides = array<i32>} : memref<80x128xi32, #tpu.memory_space<vmem>>, vector<1x16xi32>,
      %get3A_2114 = vector.shape_cast %get3A_2113 : vector<1x16xi32> to vector<16xi32>
      %and3A_2115 = arith.constant 16383 : i32
      %and3A_2116 = vector.broadcast %and3A_2115 : i32 to vector<16xi32>
      %and3A_2117 = arith.andi %get3A_2114, %and3A_2116 : vector<16xi32>
      %swap3A_2118 = arith.constant 3 : i32
      %swap3A_2119 = arith.index_cast %swap3A_2118 : i32 to index
      %swap3A_2120 = arith.constant 32 : index
      %swap3A_2121 = tpu.vector_load %arg6[%swap3A_2119, %swap3A_2120] {strides = array<i32>} : memref<4x64xi32, #tpu.memory_space<vmem>>, vector<1x16xi32>,
      %swap3A_2122 = vector.shape_cast %swap3A_2121 : vector<1x16xi32> to vector<16xi32>
      %swap3A_2123 = vector.shape_cast %and3A_2117 : vector<16xi32> to vector<1x16xi32>
      tpu.vector_store %arg6[%swap3A_2119, %swap3A_2120], %swap3A_2123 {strides = array<i32>} : memref<4x64xi32, #tpu.memory_space<vmem>>, vector<1x16xi32>,
      %jit3A_2124 = arith.constant 2 : i32
      %div3A_2125 = arith.divsi %add3A_2012, %jit3A_2124 : i32
      %sign3A_2126 = arith.constant 0 : i32
      %sign3A_2127 = arith.cmpi sgt, %add3A_2012, %sign3A_2126 : i32
      %sign3A_2128 = arith.extui %sign3A_2127 : i1 to i32
      %sign3A_2129 = arith.constant 0 : i32
      %sign3A_2130 = arith.cmpi slt, %add3A_2012, %sign3A_2129 : i32
      %sign3A_2131 = arith.extui %sign3A_2130 : i1 to i32
      %sign3A_2132 = arith.subi %sign3A_2128, %sign3A_2131 : i32
      %sign3A_2133 = arith.constant 0 : i32
      %sign3A_2134 = arith.cmpi sgt, %jit3A_2124, %sign3A_2133 : i32
      %sign3A_2135 = arith.extui %sign3A_2134 : i1 to i32
      %sign3A_2136 = arith.constant 0 : i32
      %sign3A_2137 = arith.cmpi slt, %jit3A_2124, %sign3A_2136 : i32
      %sign3A_2138 = arith.extui %sign3A_2137 : i1 to i32
      %sign3A_2139 = arith.subi %sign3A_2135, %sign3A_2138 : i32
      %ne3A_2140 = arith.cmpi ne, %sign3A_2132, %sign3A_2139 : i32
      %rem3A_2141 = arith.remsi %add3A_2012, %jit3A_2124 : i32
      %ne3A_2142 = arith.constant 0 : i32
      %ne3A_2143 = arith.cmpi ne, %rem3A_2141, %ne3A_2142 : i32
      %and3A_2144 = arith.andi %ne3A_2140, %ne3A_2143 : i1
      %sub3A_2145 = arith.constant 1 : i32
      %sub3A_2146 = arith.subi %div3A_2125, %sub3A_2145 : i32
      %select_n3A_2147 = arith.select %and3A_2144, %sub3A_2146, %div3A_2125 : i32
      %get3A_2148 = arith.index_cast %select_n3A_2147 : i32 to index
      %get3A_2149 = arith.constant 112 : index
      %get3A_2150 = tpu.vector_load %arg5[%get3A_2148, %get3A_2149] {strides = array<i32>} : memref<80x128xi32, #tpu.memory_space<vmem>>, vector<1x16xi32>,
      %get3A_2151 = vector.shape_cast %get3A_2150 : vector<1x16xi32> to vector<16xi32>
      %and3A_2152 = arith.constant 16383 : i32
      %and3A_2153 = vector.broadcast %and3A_2152 : i32 to vector<16xi32>
      %and3A_2154 = arith.andi %get3A_2151, %and3A_2153 : vector<16xi32>
      %swap3A_2155 = arith.constant 3 : i32
      %swap3A_2156 = arith.index_cast %swap3A_2155 : i32 to index
      %swap3A_2157 = arith.constant 48 : index
      %swap3A_2158 = tpu.vector_load %arg6[%swap3A_2156, %swap3A_2157] {strides = array<i32>} : memref<4x64xi32, #tpu.memory_space<vmem>>, vector<1x16xi32>,
      %swap3A_2159 = vector.shape_cast %swap3A_2158 : vector<1x16xi32> to vector<16xi32>
      %swap3A_2160 = vector.shape_cast %and3A_2154 : vector<16xi32> to vector<1x16xi32>
      tpu.vector_store %arg6[%swap3A_2156, %swap3A_2157], %swap3A_2160 {strides = array<i32>} : memref<4x64xi32, #tpu.memory_space<vmem>>, vector<1x16xi32>,
      %dma_start3A_2161 = arith.constant 3 : i32
      %dma_start3A_2162 = arith.constant 3 : i32
      %dma_start3A_2163 = arith.constant 0 : i32
      %dma_start3A_2164 = arith.constant 0 : i32
      %dma_start3A_2165 = tpu.memref_slice %arg8[%dma_start3A_2162, %dma_start3A_2163, %dma_start3A_2164] : memref<4x64x128xf32, #tpu.memory_space<vmem>> -> memref<1x64x128xf32, #tpu.memory_space<vmem>>
      %dma_start3A_2166 = tpu.memref_squeeze %dma_start3A_2165 : memref<1x64x128xf32, #tpu.memory_space<vmem>> -> memref<64x128xf32, #tpu.memory_space<vmem>>
      %dma_start3A_2167 = arith.constant 0 : i32
      %dma_start3A_2168 = tpu.memref_slice %arg6[%dma_start3A_2161, %dma_start3A_2167] : memref<4x64xi32, #tpu.memory_space<vmem>> -> memref<1x64xi32, #tpu.memory_space<vmem>>
      %dma_start3A_2169 = tpu.memref_squeeze %dma_start3A_2168 : memref<1x64xi32, #tpu.memory_space<vmem>> -> memref<64xi32, #tpu.memory_space<vmem>>
      %dma_start3A_2170 = arith.constant 0 : i32
      %dma_start3A_2171 = arith.constant 0 : i32
      %dma_start3A_2172 = tpu.memref_slice %arg2[%dma_start3A_2170, %dma_start3A_2171] : memref<10000x128xf32, #tpu.memory_space<hbm>> -> memref<10000x128xf32, #tpu.memory_space<hbm>>
      tpu.enqueue_indirect_dma source(%dma_start3A_2172 : memref<10000x128xf32, #tpu.memory_space<hbm>>) target(%dma_start3A_2166 : memref<64x128xf32, #tpu.memory_space<vmem>>) offsets(%dma_start3A_2169 : memref<64xi32, #tpu.memory_space<vmem>>) semaphore(%arg13 : memref<!tpu.dma_semaphore, #tpu.memory_space<semaphore_mem>>)
    }
    %scan3A_313 = arith.constant 39 : i32
    %dma_wait3A = arith.constant 0 : i32
    %dma_wait3A_314 = arith.constant 0 : i32
    %dma_wait3A_315 = arith.constant 0 : i32
    %dma_wait3A_316 = arith.constant 0 : i32
    %dma_wait3A_317 = tpu.memref_slice %arg8[%dma_wait3A_314, %dma_wait3A_315, %dma_wait3A_316] : memref<4x64x128xf32, #tpu.memory_space<vmem>> -> memref<1x64x128xf32, #tpu.memory_space<vmem>>
    %dma_wait3A_318 = tpu.memref_squeeze %dma_wait3A_317 : memref<1x64x128xf32, #tpu.memory_space<vmem>> -> memref<64x128xf32, #tpu.memory_space<vmem>>
    %dma_wait3A_319 = arith.constant 0 : i32
    %dma_wait3A_320 = tpu.memref_slice %arg6[%dma_wait3A, %dma_wait3A_319] : memref<4x64xi32, #tpu.memory_space<vmem>> -> memref<1x64xi32, #tpu.memory_space<vmem>>
    %dma_wait3A_321 = tpu.memref_squeeze %dma_wait3A_320 : memref<1x64xi32, #tpu.memory_space<vmem>> -> memref<64xi32, #tpu.memory_space<vmem>>
    %dma_wait3A_322 = arith.constant 0 : i32
    %dma_wait3A_323 = arith.constant 0 : i32
    %dma_wait3A_324 = tpu.memref_slice %arg2[%dma_wait3A_322, %dma_wait3A_323] : memref<10000x128xf32, #tpu.memory_space<hbm>> -> memref<10000x128xf32, #tpu.memory_space<hbm>>
    tpu.wait_indirect_dma semaphore(%arg10 : memref<!tpu.dma_semaphore, #tpu.memory_space<semaphore_mem>>) src(%dma_wait3A_324 : memref<10000x128xf32, #tpu.memory_space<hbm>>) dst(%dma_wait3A_318 : memref<64x128xf32, #tpu.memory_space<vmem>>)
    %get3A_325 = arith.constant 78 : i32
    %get3A_326 = arith.index_cast %get3A_325 : i32 to index
    %get3A_327 = arith.constant 0 : index
    %get3A_328 = tpu.vector_load %arg5[%get3A_326, %get3A_327] {strides = array<i32>} : memref<80x128xi32, #tpu.memory_space<vmem>>, vector<1x16xi32>,
    %get3A_329 = vector.shape_cast %get3A_328 : vector<1x16xi32> to vector<16xi32>
    %shift_right_logical3A = arith.constant 14 : i32
    %shift_right_logical3A_330 = vector.broadcast %shift_right_logical3A : i32 to vector<16xi32>
    %shift_right_logical3A_331 = arith.shrui %get3A_329, %shift_right_logical3A_330 : vector<16xi32>
    %and3A_332 = arith.constant 16383 : i32
    %and3A_333 = vector.broadcast %and3A_332 : i32 to vector<16xi32>
    %and3A_334 = arith.andi %shift_right_logical3A_331, %and3A_333 : vector<16xi32>
    %swap3A_335 = arith.constant 0 : i32
    %swap3A_336 = arith.index_cast %swap3A_335 : i32 to index
    %swap3A_337 = arith.constant 0 : index
    %swap3A_338 = tpu.vector_load %arg7[%swap3A_336, %swap3A_337] {strides = array<i32>} : memref<4x64xi32, #tpu.memory_space<vmem>>, vector<1x16xi32>,
    %swap3A_339 = vector.shape_cast %swap3A_338 : vector<1x16xi32> to vector<16xi32>
    %swap3A_340 = vector.shape_cast %and3A_334 : vector<16xi32> to vector<1x16xi32>
    tpu.vector_store %arg7[%swap3A_336, %swap3A_337], %swap3A_340 {strides = array<i32>} : memref<4x64xi32, #tpu.memory_space<vmem>>, vector<1x16xi32>,
    %get3A_341 = arith.constant 78 : i32
    %get3A_342 = arith.index_cast %get3A_341 : i32 to index
    %get3A_343 = arith.constant 16 : index
    %get3A_344 = tpu.vector_load %arg5[%get3A_342, %get3A_343] {strides = array<i32>} : memref<80x128xi32, #tpu.memory_space<vmem>>, vector<1x16xi32>,
    %get3A_345 = vector.shape_cast %get3A_344 : vector<1x16xi32> to vector<16xi32>
    %shift_right_logical3A_346 = arith.constant 14 : i32
    %shift_right_logical3A_347 = vector.broadcast %shift_right_logical3A_346 : i32 to vector<16xi32>
    %shift_right_logical3A_348 = arith.shrui %get3A_345, %shift_right_logical3A_347 : vector<16xi32>
    %and3A_349 = arith.constant 16383 : i32
    %and3A_350 = vector.broadcast %and3A_349 : i32 to vector<16xi32>
    %and3A_351 = arith.andi %shift_right_logical3A_348, %and3A_350 : vector<16xi32>
    %swap3A_352 = arith.constant 0 : i32
    %swap3A_353 = arith.index_cast %swap3A_352 : i32 to index
    %swap3A_354 = arith.constant 16 : index
    %swap3A_355 = tpu.vector_load %arg7[%swap3A_353, %swap3A_354] {strides = array<i32>} : memref<4x64xi32, #tpu.memory_space<vmem>>, vector<1x16xi32>,
    %swap3A_356 = vector.shape_cast %swap3A_355 : vector<1x16xi32> to vector<16xi32>
    %swap3A_357 = vector.shape_cast %and3A_351 : vector<16xi32> to vector<1x16xi32>
    tpu.vector_store %arg7[%swap3A_353, %swap3A_354], %swap3A_357 {strides = array<i32>} : memref<4x64xi32, #tpu.memory_space<vmem>>, vector<1x16xi32>,
    %get3A_358 = arith.constant 78 : i32
    %get3A_359 = arith.index_cast %get3A_358 : i32 to index
    %get3A_360 = arith.constant 32 : index
    %get3A_361 = tpu.vector_load %arg5[%get3A_359, %get3A_360] {strides = array<i32>} : memref<80x128xi32, #tpu.memory_space<vmem>>, vector<1x16xi32>,
    %get3A_362 = vector.shape_cast %get3A_361 : vector<1x16xi32> to vector<16xi32>
    %shift_right_logical3A_363 = arith.constant 14 : i32
    %shift_right_logical3A_364 = vector.broadcast %shift_right_logical3A_363 : i32 to vector<16xi32>
    %shift_right_logical3A_365 = arith.shrui %get3A_362, %shift_right_logical3A_364 : vector<16xi32>
    %and3A_366 = arith.constant 16383 : i32
    %and3A_367 = vector.broadcast %and3A_366 : i32 to vector<16xi32>
    %and3A_368 = arith.andi %shift_right_logical3A_365, %and3A_367 : vector<16xi32>
    %swap3A_369 = arith.constant 0 : i32
    %swap3A_370 = arith.index_cast %swap3A_369 : i32 to index
    %swap3A_371 = arith.constant 32 : index
    %swap3A_372 = tpu.vector_load %arg7[%swap3A_370, %swap3A_371] {strides = array<i32>} : memref<4x64xi32, #tpu.memory_space<vmem>>, vector<1x16xi32>,
    %swap3A_373 = vector.shape_cast %swap3A_372 : vector<1x16xi32> to vector<16xi32>
    %swap3A_374 = vector.shape_cast %and3A_368 : vector<16xi32> to vector<1x16xi32>
    tpu.vector_store %arg7[%swap3A_370, %swap3A_371], %swap3A_374 {strides = array<i32>} : memref<4x64xi32, #tpu.memory_space<vmem>>, vector<1x16xi32>,
    %get3A_375 = arith.constant 78 : i32
    %get3A_376 = arith.index_cast %get3A_375 : i32 to index
    %get3A_377 = arith.constant 48 : index
    %get3A_378 = tpu.vector_load %arg5[%get3A_376, %get3A_377] {strides = array<i32>} : memref<80x128xi32, #tpu.memory_space<vmem>>, vector<1x16xi32>,
    %get3A_379 = vector.shape_cast %get3A_378 : vector<1x16xi32> to vector<16xi32>
    %shift_right_logical3A_380 = arith.constant 14 : i32
    %shift_right_logical3A_381 = vector.broadcast %shift_right_logical3A_380 : i32 to vector<16xi32>
    %shift_right_logical3A_382 = arith.shrui %get3A_379, %shift_right_logical3A_381 : vector<16xi32>
    %and3A_383 = arith.constant 16383 : i32
    %and3A_384 = vector.broadcast %and3A_383 : i32 to vector<16xi32>
    %and3A_385 = arith.andi %shift_right_logical3A_382, %and3A_384 : vector<16xi32>
    %swap3A_386 = arith.constant 0 : i32
    %swap3A_387 = arith.index_cast %swap3A_386 : i32 to index
    %swap3A_388 = arith.constant 48 : index
    %swap3A_389 = tpu.vector_load %arg7[%swap3A_387, %swap3A_388] {strides = array<i32>} : memref<4x64xi32, #tpu.memory_space<vmem>>, vector<1x16xi32>,
    %swap3A_390 = vector.shape_cast %swap3A_389 : vector<1x16xi32> to vector<16xi32>
    %swap3A_391 = vector.shape_cast %and3A_385 : vector<16xi32> to vector<1x16xi32>
    tpu.vector_store %arg7[%swap3A_387, %swap3A_388], %swap3A_391 {strides = array<i32>} : memref<4x64xi32, #tpu.memory_space<vmem>>, vector<1x16xi32>,
    %dma_start3A_392 = arith.constant 0 : i32
    %dma_start3A_393 = arith.constant 0 : i32
    %dma_start3A_394 = arith.constant 0 : i32
    %dma_start3A_395 = arith.constant 0 : i32
    %dma_start3A_396 = tpu.memref_slice %arg8[%dma_start3A_392, %dma_start3A_394, %dma_start3A_395] : memref<4x64x128xf32, #tpu.memory_space<vmem>> -> memref<1x64x128xf32, #tpu.memory_space<vmem>>
    %dma_start3A_397 = tpu.memref_squeeze %dma_start3A_396 : memref<1x64x128xf32, #tpu.memory_space<vmem>> -> memref<64x128xf32, #tpu.memory_space<vmem>>
    %dma_start3A_398 = arith.constant 0 : i32
    %dma_start3A_399 = tpu.memref_slice %arg7[%dma_start3A_393, %dma_start3A_398] : memref<4x64xi32, #tpu.memory_space<vmem>> -> memref<1x64xi32, #tpu.memory_space<vmem>>
    %dma_start3A_400 = tpu.memref_squeeze %dma_start3A_399 : memref<1x64xi32, #tpu.memory_space<vmem>> -> memref<64xi32, #tpu.memory_space<vmem>>
    %dma_start3A_401 = arith.constant 0 : i32
    %dma_start3A_402 = arith.constant 0 : i32
    %dma_start3A_403 = tpu.memref_slice %arg9[%dma_start3A_401, %dma_start3A_402] : memref<10112x128xf32, #tpu.memory_space<vmem_shared>> -> memref<10112x128xf32, #tpu.memory_space<vmem_shared>>
    tpu.enqueue_indirect_dma source(%dma_start3A_397 : memref<64x128xf32, #tpu.memory_space<vmem>>) target(%dma_start3A_403 : memref<10112x128xf32, #tpu.memory_space<vmem_shared>>) offsets(%dma_start3A_400 : memref<64xi32, #tpu.memory_space<vmem>>) semaphore(%arg14 : memref<!tpu.dma_semaphore, #tpu.memory_space<semaphore_mem>>) {add = true}
    %dma_wait3A_404 = arith.constant 1 : i32
    %dma_wait3A_405 = arith.constant 1 : i32
    %dma_wait3A_406 = arith.constant 0 : i32
    %dma_wait3A_407 = arith.constant 0 : i32
    %dma_wait3A_408 = tpu.memref_slice %arg8[%dma_wait3A_405, %dma_wait3A_406, %dma_wait3A_407] : memref<4x64x128xf32, #tpu.memory_space<vmem>> -> memref<1x64x128xf32, #tpu.memory_space<vmem>>
    %dma_wait3A_409 = tpu.memref_squeeze %dma_wait3A_408 : memref<1x64x128xf32, #tpu.memory_space<vmem>> -> memref<64x128xf32, #tpu.memory_space<vmem>>
    %dma_wait3A_410 = arith.constant 0 : i32
    %dma_wait3A_411 = tpu.memref_slice %arg6[%dma_wait3A_404, %dma_wait3A_410] : memref<4x64xi32, #tpu.memory_space<vmem>> -> memref<1x64xi32, #tpu.memory_space<vmem>>
    %dma_wait3A_412 = tpu.memref_squeeze %dma_wait3A_411 : memref<1x64xi32, #tpu.memory_space<vmem>> -> memref<64xi32, #tpu.memory_space<vmem>>
    %dma_wait3A_413 = arith.constant 0 : i32
    %dma_wait3A_414 = arith.constant 0 : i32
    %dma_wait3A_415 = tpu.memref_slice %arg2[%dma_wait3A_413, %dma_wait3A_414] : memref<10000x128xf32, #tpu.memory_space<hbm>> -> memref<10000x128xf32, #tpu.memory_space<hbm>>
    tpu.wait_indirect_dma semaphore(%arg11 : memref<!tpu.dma_semaphore, #tpu.memory_space<semaphore_mem>>) src(%dma_wait3A_415 : memref<10000x128xf32, #tpu.memory_space<hbm>>) dst(%dma_wait3A_409 : memref<64x128xf32, #tpu.memory_space<vmem>>)
    %get3A_416 = arith.constant 78 : i32
    %get3A_417 = arith.index_cast %get3A_416 : i32 to index
    %get3A_418 = arith.constant 64 : index
    %get3A_419 = tpu.vector_load %arg5[%get3A_417, %get3A_418] {strides = array<i32>} : memref<80x128xi32, #tpu.memory_space<vmem>>, vector<1x16xi32>,
    %get3A_420 = vector.shape_cast %get3A_419 : vector<1x16xi32> to vector<16xi32>
    %shift_right_logical3A_421 = arith.constant 14 : i32
    %shift_right_logical3A_422 = vector.broadcast %shift_right_logical3A_421 : i32 to vector<16xi32>
    %shift_right_logical3A_423 = arith.shrui %get3A_420, %shift_right_logical3A_422 : vector<16xi32>
    %and3A_424 = arith.constant 16383 : i32
    %and3A_425 = vector.broadcast %and3A_424 : i32 to vector<16xi32>
    %and3A_426 = arith.andi %shift_right_logical3A_423, %and3A_425 : vector<16xi32>
    %swap3A_427 = arith.constant 1 : i32
    %swap3A_428 = arith.index_cast %swap3A_427 : i32 to index
    %swap3A_429 = arith.constant 0 : index
    %swap3A_430 = tpu.vector_load %arg7[%swap3A_428, %swap3A_429] {strides = array<i32>} : memref<4x64xi32, #tpu.memory_space<vmem>>, vector<1x16xi32>,
    %swap3A_431 = vector.shape_cast %swap3A_430 : vector<1x16xi32> to vector<16xi32>
    %swap3A_432 = vector.shape_cast %and3A_426 : vector<16xi32> to vector<1x16xi32>
    tpu.vector_store %arg7[%swap3A_428, %swap3A_429], %swap3A_432 {strides = array<i32>} : memref<4x64xi32, #tpu.memory_space<vmem>>, vector<1x16xi32>,
    %get3A_433 = arith.constant 78 : i32
    %get3A_434 = arith.index_cast %get3A_433 : i32 to index
    %get3A_435 = arith.constant 80 : index
    %get3A_436 = tpu.vector_load %arg5[%get3A_434, %get3A_435] {strides = array<i32>} : memref<80x128xi32, #tpu.memory_space<vmem>>, vector<1x16xi32>,
    %get3A_437 = vector.shape_cast %get3A_436 : vector<1x16xi32> to vector<16xi32>
    %shift_right_logical3A_438 = arith.constant 14 : i32
    %shift_right_logical3A_439 = vector.broadcast %shift_right_logical3A_438 : i32 to vector<16xi32>
    %shift_right_logical3A_440 = arith.shrui %get3A_437, %shift_right_logical3A_439 : vector<16xi32>
    %and3A_441 = arith.constant 16383 : i32
    %and3A_442 = vector.broadcast %and3A_441 : i32 to vector<16xi32>
    %and3A_443 = arith.andi %shift_right_logical3A_440, %and3A_442 : vector<16xi32>
    %swap3A_444 = arith.constant 1 : i32
    %swap3A_445 = arith.index_cast %swap3A_444 : i32 to index
    %swap3A_446 = arith.constant 16 : index
    %swap3A_447 = tpu.vector_load %arg7[%swap3A_445, %swap3A_446] {strides = array<i32>} : memref<4x64xi32, #tpu.memory_space<vmem>>, vector<1x16xi32>,
    %swap3A_448 = vector.shape_cast %swap3A_447 : vector<1x16xi32> to vector<16xi32>
    %swap3A_449 = vector.shape_cast %and3A_443 : vector<16xi32> to vector<1x16xi32>
    tpu.vector_store %arg7[%swap3A_445, %swap3A_446], %swap3A_449 {strides = array<i32>} : memref<4x64xi32, #tpu.memory_space<vmem>>, vector<1x16xi32>,
    %get3A_450 = arith.constant 78 : i32
    %get3A_451 = arith.index_cast %get3A_450 : i32 to index
    %get3A_452 = arith.constant 96 : index
    %get3A_453 = tpu.vector_load %arg5[%get3A_451, %get3A_452] {strides = array<i32>} : memref<80x128xi32, #tpu.memory_space<vmem>>, vector<1x16xi32>,
    %get3A_454 = vector.shape_cast %get3A_453 : vector<1x16xi32> to vector<16xi32>
    %shift_right_logical3A_455 = arith.constant 14 : i32
    %shift_right_logical3A_456 = vector.broadcast %shift_right_logical3A_455 : i32 to vector<16xi32>
    %shift_right_logical3A_457 = arith.shrui %get3A_454, %shift_right_logical3A_456 : vector<16xi32>
    %and3A_458 = arith.constant 16383 : i32
    %and3A_459 = vector.broadcast %and3A_458 : i32 to vector<16xi32>
    %and3A_460 = arith.andi %shift_right_logical3A_457, %and3A_459 : vector<16xi32>
    %swap3A_461 = arith.constant 1 : i32
    %swap3A_462 = arith.index_cast %swap3A_461 : i32 to index
    %swap3A_463 = arith.constant 32 : index
    %swap3A_464 = tpu.vector_load %arg7[%swap3A_462, %swap3A_463] {strides = array<i32>} : memref<4x64xi32, #tpu.memory_space<vmem>>, vector<1x16xi32>,
    %swap3A_465 = vector.shape_cast %swap3A_464 : vector<1x16xi32> to vector<16xi32>
    %swap3A_466 = vector.shape_cast %and3A_460 : vector<16xi32> to vector<1x16xi32>
    tpu.vector_store %arg7[%swap3A_462, %swap3A_463], %swap3A_466 {strides = array<i32>} : memref<4x64xi32, #tpu.memory_space<vmem>>, vector<1x16xi32>,
    %get3A_467 = arith.constant 78 : i32
    %get3A_468 = arith.index_cast %get3A_467 : i32 to index
    %get3A_469 = arith.constant 112 : index
    %get3A_470 = tpu.vector_load %arg5[%get3A_468, %get3A_469] {strides = array<i32>} : memref<80x128xi32, #tpu.memory_space<vmem>>, vector<1x16xi32>,
    %get3A_471 = vector.shape_cast %get3A_470 : vector<1x16xi32> to vector<16xi32>
    %shift_right_logical3A_472 = arith.constant 14 : i32
    %shift_right_logical3A_473 = vector.broadcast %shift_right_logical3A_472 : i32 to vector<16xi32>
    %shift_right_logical3A_474 = arith.shrui %get3A_471, %shift_right_logical3A_473 : vector<16xi32>
    %and3A_475 = arith.constant 16383 : i32
    %and3A_476 = vector.broadcast %and3A_475 : i32 to vector<16xi32>
    %and3A_477 = arith.andi %shift_right_logical3A_474, %and3A_476 : vector<16xi32>
    %swap3A_478 = arith.constant 1 : i32
    %swap3A_479 = arith.index_cast %swap3A_478 : i32 to index
    %swap3A_480 = arith.constant 48 : index
    %swap3A_481 = tpu.vector_load %arg7[%swap3A_479, %swap3A_480] {strides = array<i32>} : memref<4x64xi32, #tpu.memory_space<vmem>>, vector<1x16xi32>,
    %swap3A_482 = vector.shape_cast %swap3A_481 : vector<1x16xi32> to vector<16xi32>
    %swap3A_483 = vector.shape_cast %and3A_477 : vector<16xi32> to vector<1x16xi32>
    tpu.vector_store %arg7[%swap3A_479, %swap3A_480], %swap3A_483 {strides = array<i32>} : memref<4x64xi32, #tpu.memory_space<vmem>>, vector<1x16xi32>,
    %dma_start3A_484 = arith.constant 1 : i32
    %dma_start3A_485 = arith.constant 1 : i32
    %dma_start3A_486 = arith.constant 0 : i32
    %dma_start3A_487 = arith.constant 0 : i32
    %dma_start3A_488 = tpu.memref_slice %arg8[%dma_start3A_484, %dma_start3A_486, %dma_start3A_487] : memref<4x64x128xf32, #tpu.memory_space<vmem>> -> memref<1x64x128xf32, #tpu.memory_space<vmem>>
    %dma_start3A_489 = tpu.memref_squeeze %dma_start3A_488 : memref<1x64x128xf32, #tpu.memory_space<vmem>> -> memref<64x128xf32, #tpu.memory_space<vmem>>
    %dma_start3A_490 = arith.constant 0 : i32
    %dma_start3A_491 = tpu.memref_slice %arg7[%dma_start3A_485, %dma_start3A_490] : memref<4x64xi32, #tpu.memory_space<vmem>> -> memref<1x64xi32, #tpu.memory_space<vmem>>
    %dma_start3A_492 = tpu.memref_squeeze %dma_start3A_491 : memref<1x64xi32, #tpu.memory_space<vmem>> -> memref<64xi32, #tpu.memory_space<vmem>>
    %dma_start3A_493 = arith.constant 0 : i32
    %dma_start3A_494 = arith.constant 0 : i32
    %dma_start3A_495 = tpu.memref_slice %arg9[%dma_start3A_493, %dma_start3A_494] : memref<10112x128xf32, #tpu.memory_space<vmem_shared>> -> memref<10112x128xf32, #tpu.memory_space<vmem_shared>>
    tpu.enqueue_indirect_dma source(%dma_start3A_489 : memref<64x128xf32, #tpu.memory_space<vmem>>) target(%dma_start3A_495 : memref<10112x128xf32, #tpu.memory_space<vmem_shared>>) offsets(%dma_start3A_492 : memref<64xi32, #tpu.memory_space<vmem>>) semaphore(%arg15 : memref<!tpu.dma_semaphore, #tpu.memory_space<semaphore_mem>>) {add = true}
    %dma_wait3A_496 = arith.constant 2 : i32
    %dma_wait3A_497 = arith.constant 2 : i32
    %dma_wait3A_498 = arith.constant 0 : i32
    %dma_wait3A_499 = arith.constant 0 : i32
    %dma_wait3A_500 = tpu.memref_slice %arg8[%dma_wait3A_497, %dma_wait3A_498, %dma_wait3A_499] : memref<4x64x128xf32, #tpu.memory_space<vmem>> -> memref<1x64x128xf32, #tpu.memory_space<vmem>>
    %dma_wait3A_501 = tpu.memref_squeeze %dma_wait3A_500 : memref<1x64x128xf32, #tpu.memory_space<vmem>> -> memref<64x128xf32, #tpu.memory_space<vmem>>
    %dma_wait3A_502 = arith.constant 0 : i32
    %dma_wait3A_503 = tpu.memref_slice %arg6[%dma_wait3A_496, %dma_wait3A_502] : memref<4x64xi32, #tpu.memory_space<vmem>> -> memref<1x64xi32, #tpu.memory_space<vmem>>
    %dma_wait3A_504 = tpu.memref_squeeze %dma_wait3A_503 : memref<1x64xi32, #tpu.memory_space<vmem>> -> memref<64xi32, #tpu.memory_space<vmem>>
    %dma_wait3A_505 = arith.constant 0 : i32
    %dma_wait3A_506 = arith.constant 0 : i32
    %dma_wait3A_507 = tpu.memref_slice %arg2[%dma_wait3A_505, %dma_wait3A_506] : memref<10000x128xf32, #tpu.memory_space<hbm>> -> memref<10000x128xf32, #tpu.memory_space<hbm>>
    tpu.wait_indirect_dma semaphore(%arg12 : memref<!tpu.dma_semaphore, #tpu.memory_space<semaphore_mem>>) src(%dma_wait3A_507 : memref<10000x128xf32, #tpu.memory_space<hbm>>) dst(%dma_wait3A_501 : memref<64x128xf32, #tpu.memory_space<vmem>>)
    %get3A_508 = arith.constant 79 : i32
    %get3A_509 = arith.index_cast %get3A_508 : i32 to index
    %get3A_510 = arith.constant 0 : index
    %get3A_511 = tpu.vector_load %arg5[%get3A_509, %get3A_510] {strides = array<i32>} : memref<80x128xi32, #tpu.memory_space<vmem>>, vector<1x16xi32>,
    %get3A_512 = vector.shape_cast %get3A_511 : vector<1x16xi32> to vector<16xi32>
    %shift_right_logical3A_513 = arith.constant 14 : i32
    %shift_right_logical3A_514 = vector.broadcast %shift_right_logical3A_513 : i32 to vector<16xi32>
    %shift_right_logical3A_515 = arith.shrui %get3A_512, %shift_right_logical3A_514 : vector<16xi32>
    %and3A_516 = arith.constant 16383 : i32
    %and3A_517 = vector.broadcast %and3A_516 : i32 to vector<16xi32>
    %and3A_518 = arith.andi %shift_right_logical3A_515, %and3A_517 : vector<16xi32>
    %swap3A_519 = arith.constant 2 : i32
    %swap3A_520 = arith.index_cast %swap3A_519 : i32 to index
    %swap3A_521 = arith.constant 0 : index
    %swap3A_522 = tpu.vector_load %arg7[%swap3A_520, %swap3A_521] {strides = array<i32>} : memref<4x64xi32, #tpu.memory_space<vmem>>, vector<1x16xi32>,
    %swap3A_523 = vector.shape_cast %swap3A_522 : vector<1x16xi32> to vector<16xi32>
    %swap3A_524 = vector.shape_cast %and3A_518 : vector<16xi32> to vector<1x16xi32>
    tpu.vector_store %arg7[%swap3A_520, %swap3A_521], %swap3A_524 {strides = array<i32>} : memref<4x64xi32, #tpu.memory_space<vmem>>, vector<1x16xi32>,
    %get3A_525 = arith.constant 79 : i32
    %get3A_526 = arith.index_cast %get3A_525 : i32 to index
    %get3A_527 = arith.constant 16 : index
    %get3A_528 = tpu.vector_load %arg5[%get3A_526, %get3A_527] {strides = array<i32>} : memref<80x128xi32, #tpu.memory_space<vmem>>, vector<1x16xi32>,
    %get3A_529 = vector.shape_cast %get3A_528 : vector<1x16xi32> to vector<16xi32>
    %shift_right_logical3A_530 = arith.constant 14 : i32
    %shift_right_logical3A_531 = vector.broadcast %shift_right_logical3A_530 : i32 to vector<16xi32>
    %shift_right_logical3A_532 = arith.shrui %get3A_529, %shift_right_logical3A_531 : vector<16xi32>
    %and3A_533 = arith.constant 16383 : i32
    %and3A_534 = vector.broadcast %and3A_533 : i32 to vector<16xi32>
    %and3A_535 = arith.andi %shift_right_logical3A_532, %and3A_534 : vector<16xi32>
    %swap3A_536 = arith.constant 2 : i32
    %swap3A_537 = arith.index_cast %swap3A_536 : i32 to index
    %swap3A_538 = arith.constant 16 : index
    %swap3A_539 = tpu.vector_load %arg7[%swap3A_537, %swap3A_538] {strides = array<i32>} : memref<4x64xi32, #tpu.memory_space<vmem>>, vector<1x16xi32>,
    %swap3A_540 = vector.shape_cast %swap3A_539 : vector<1x16xi32> to vector<16xi32>
    %swap3A_541 = vector.shape_cast %and3A_535 : vector<16xi32> to vector<1x16xi32>
    tpu.vector_store %arg7[%swap3A_537, %swap3A_538], %swap3A_541 {strides = array<i32>} : memref<4x64xi32, #tpu.memory_space<vmem>>, vector<1x16xi32>,
    %get3A_542 = arith.constant 79 : i32
    %get3A_543 = arith.index_cast %get3A_542 : i32 to index
    %get3A_544 = arith.constant 32 : index
    %get3A_545 = tpu.vector_load %arg5[%get3A_543, %get3A_544] {strides = array<i32>} : memref<80x128xi32, #tpu.memory_space<vmem>>, vector<1x16xi32>,
    %get3A_546 = vector.shape_cast %get3A_545 : vector<1x16xi32> to vector<16xi32>
    %shift_right_logical3A_547 = arith.constant 14 : i32
    %shift_right_logical3A_548 = vector.broadcast %shift_right_logical3A_547 : i32 to vector<16xi32>
    %shift_right_logical3A_549 = arith.shrui %get3A_546, %shift_right_logical3A_548 : vector<16xi32>
    %and3A_550 = arith.constant 16383 : i32
    %and3A_551 = vector.broadcast %and3A_550 : i32 to vector<16xi32>
    %and3A_552 = arith.andi %shift_right_logical3A_549, %and3A_551 : vector<16xi32>
    %swap3A_553 = arith.constant 2 : i32
    %swap3A_554 = arith.index_cast %swap3A_553 : i32 to index
    %swap3A_555 = arith.constant 32 : index
    %swap3A_556 = tpu.vector_load %arg7[%swap3A_554, %swap3A_555] {strides = array<i32>} : memref<4x64xi32, #tpu.memory_space<vmem>>, vector<1x16xi32>,
    %swap3A_557 = vector.shape_cast %swap3A_556 : vector<1x16xi32> to vector<16xi32>
    %swap3A_558 = vector.shape_cast %and3A_552 : vector<16xi32> to vector<1x16xi32>
    tpu.vector_store %arg7[%swap3A_554, %swap3A_555], %swap3A_558 {strides = array<i32>} : memref<4x64xi32, #tpu.memory_space<vmem>>, vector<1x16xi32>,
    %get3A_559 = arith.constant 79 : i32
    %get3A_560 = arith.index_cast %get3A_559 : i32 to index
    %get3A_561 = arith.constant 48 : index
    %get3A_562 = tpu.vector_load %arg5[%get3A_560, %get3A_561] {strides = array<i32>} : memref<80x128xi32, #tpu.memory_space<vmem>>, vector<1x16xi32>,
    %get3A_563 = vector.shape_cast %get3A_562 : vector<1x16xi32> to vector<16xi32>
    %shift_right_logical3A_564 = arith.constant 14 : i32
    %shift_right_logical3A_565 = vector.broadcast %shift_right_logical3A_564 : i32 to vector<16xi32>
    %shift_right_logical3A_566 = arith.shrui %get3A_563, %shift_right_logical3A_565 : vector<16xi32>
    %and3A_567 = arith.constant 16383 : i32
    %and3A_568 = vector.broadcast %and3A_567 : i32 to vector<16xi32>
    %and3A_569 = arith.andi %shift_right_logical3A_566, %and3A_568 : vector<16xi32>
    %swap3A_570 = arith.constant 2 : i32
    %swap3A_571 = arith.index_cast %swap3A_570 : i32 to index
    %swap3A_572 = arith.constant 48 : index
    %swap3A_573 = tpu.vector_load %arg7[%swap3A_571, %swap3A_572] {strides = array<i32>} : memref<4x64xi32, #tpu.memory_space<vmem>>, vector<1x16xi32>,
    %swap3A_574 = vector.shape_cast %swap3A_573 : vector<1x16xi32> to vector<16xi32>
    %swap3A_575 = vector.shape_cast %and3A_569 : vector<16xi32> to vector<1x16xi32>
    tpu.vector_store %arg7[%swap3A_571, %swap3A_572], %swap3A_575 {strides = array<i32>} : memref<4x64xi32, #tpu.memory_space<vmem>>, vector<1x16xi32>,
    %dma_start3A_576 = arith.constant 2 : i32
    %dma_start3A_577 = arith.constant 2 : i32
    %dma_start3A_578 = arith.constant 0 : i32
    %dma_start3A_579 = arith.constant 0 : i32
    %dma_start3A_580 = tpu.memref_slice %arg8[%dma_start3A_576, %dma_start3A_578, %dma_start3A_579] : memref<4x64x128xf32, #tpu.memory_space<vmem>> -> memref<1x64x128xf32, #tpu.memory_space<vmem>>
    %dma_start3A_581 = tpu.memref_squeeze %dma_start3A_580 : memref<1x64x128xf32, #tpu.memory_space<vmem>> -> memref<64x128xf32, #tpu.memory_space<vmem>>
    %dma_start3A_582 = arith.constant 0 : i32
    %dma_start3A_583 = tpu.memref_slice %arg7[%dma_start3A_577, %dma_start3A_582] : memref<4x64xi32, #tpu.memory_space<vmem>> -> memref<1x64xi32, #tpu.memory_space<vmem>>
    %dma_start3A_584 = tpu.memref_squeeze %dma_start3A_583 : memref<1x64xi32, #tpu.memory_space<vmem>> -> memref<64xi32, #tpu.memory_space<vmem>>
    %dma_start3A_585 = arith.constant 0 : i32
    %dma_start3A_586 = arith.constant 0 : i32
    %dma_start3A_587 = tpu.memref_slice %arg9[%dma_start3A_585, %dma_start3A_586] : memref<10112x128xf32, #tpu.memory_space<vmem_shared>> -> memref<10112x128xf32, #tpu.memory_space<vmem_shared>>
    tpu.enqueue_indirect_dma source(%dma_start3A_581 : memref<64x128xf32, #tpu.memory_space<vmem>>) target(%dma_start3A_587 : memref<10112x128xf32, #tpu.memory_space<vmem_shared>>) offsets(%dma_start3A_584 : memref<64xi32, #tpu.memory_space<vmem>>) semaphore(%arg16 : memref<!tpu.dma_semaphore, #tpu.memory_space<semaphore_mem>>) {add = true}
    %dma_wait3A_588 = arith.constant 3 : i32
    %dma_wait3A_589 = arith.constant 3 : i32
    %dma_wait3A_590 = arith.constant 0 : i32
    %dma_wait3A_591 = arith.constant 0 : i32
    %dma_wait3A_592 = tpu.memref_slice %arg8[%dma_wait3A_589, %dma_wait3A_590, %dma_wait3A_591] : memref<4x64x128xf32, #tpu.memory_space<vmem>> -> memref<1x64x128xf32, #tpu.memory_space<vmem>>
    %dma_wait3A_593 = tpu.memref_squeeze %dma_wait3A_592 : memref<1x64x128xf32, #tpu.memory_space<vmem>> -> memref<64x128xf32, #tpu.memory_space<vmem>>
    %dma_wait3A_594 = arith.constant 0 : i32
    %dma_wait3A_595 = tpu.memref_slice %arg6[%dma_wait3A_588, %dma_wait3A_594] : memref<4x64xi32, #tpu.memory_space<vmem>> -> memref<1x64xi32, #tpu.memory_space<vmem>>
    %dma_wait3A_596 = tpu.memref_squeeze %dma_wait3A_595 : memref<1x64xi32, #tpu.memory_space<vmem>> -> memref<64xi32, #tpu.memory_space<vmem>>
    %dma_wait3A_597 = arith.constant 0 : i32
    %dma_wait3A_598 = arith.constant 0 : i32
    %dma_wait3A_599 = tpu.memref_slice %arg2[%dma_wait3A_597, %dma_wait3A_598] : memref<10000x128xf32, #tpu.memory_space<hbm>> -> memref<10000x128xf32, #tpu.memory_space<hbm>>
    tpu.wait_indirect_dma semaphore(%arg13 : memref<!tpu.dma_semaphore, #tpu.memory_space<semaphore_mem>>) src(%dma_wait3A_599 : memref<10000x128xf32, #tpu.memory_space<hbm>>) dst(%dma_wait3A_593 : memref<64x128xf32, #tpu.memory_space<vmem>>)
    %get3A_600 = arith.constant 79 : i32
    %get3A_601 = arith.index_cast %get3A_600 : i32 to index
    %get3A_602 = arith.constant 64 : index
    %get3A_603 = tpu.vector_load %arg5[%get3A_601, %get3A_602] {strides = array<i32>} : memref<80x128xi32, #tpu.memory_space<vmem>>, vector<1x16xi32>,
    %get3A_604 = vector.shape_cast %get3A_603 : vector<1x16xi32> to vector<16xi32>
    %shift_right_logical3A_605 = arith.constant 14 : i32
    %shift_right_logical3A_606 = vector.broadcast %shift_right_logical3A_605 : i32 to vector<16xi32>
    %shift_right_logical3A_607 = arith.shrui %get3A_604, %shift_right_logical3A_606 : vector<16xi32>
    %and3A_608 = arith.constant 16383 : i32
    %and3A_609 = vector.broadcast %and3A_608 : i32 to vector<16xi32>
    %and3A_610 = arith.andi %shift_right_logical3A_607, %and3A_609 : vector<16xi32>
    %swap3A_611 = arith.constant 3 : i32
    %swap3A_612 = arith.index_cast %swap3A_611 : i32 to index
    %swap3A_613 = arith.constant 0 : index
    %swap3A_614 = tpu.vector_load %arg7[%swap3A_612, %swap3A_613] {strides = array<i32>} : memref<4x64xi32, #tpu.memory_space<vmem>>, vector<1x16xi32>,
    %swap3A_615 = vector.shape_cast %swap3A_614 : vector<1x16xi32> to vector<16xi32>
    %swap3A_616 = vector.shape_cast %and3A_610 : vector<16xi32> to vector<1x16xi32>
    tpu.vector_store %arg7[%swap3A_612, %swap3A_613], %swap3A_616 {strides = array<i32>} : memref<4x64xi32, #tpu.memory_space<vmem>>, vector<1x16xi32>,
    %get3A_617 = arith.constant 79 : i32
    %get3A_618 = arith.index_cast %get3A_617 : i32 to index
    %get3A_619 = arith.constant 80 : index
    %get3A_620 = tpu.vector_load %arg5[%get3A_618, %get3A_619] {strides = array<i32>} : memref<80x128xi32, #tpu.memory_space<vmem>>, vector<1x16xi32>,
    %get3A_621 = vector.shape_cast %get3A_620 : vector<1x16xi32> to vector<16xi32>
    %shift_right_logical3A_622 = arith.constant 14 : i32
    %shift_right_logical3A_623 = vector.broadcast %shift_right_logical3A_622 : i32 to vector<16xi32>
    %shift_right_logical3A_624 = arith.shrui %get3A_621, %shift_right_logical3A_623 : vector<16xi32>
    %and3A_625 = arith.constant 16383 : i32
    %and3A_626 = vector.broadcast %and3A_625 : i32 to vector<16xi32>
    %and3A_627 = arith.andi %shift_right_logical3A_624, %and3A_626 : vector<16xi32>
    %swap3A_628 = arith.constant 3 : i32
    %swap3A_629 = arith.index_cast %swap3A_628 : i32 to index
    %swap3A_630 = arith.constant 16 : index
    %swap3A_631 = tpu.vector_load %arg7[%swap3A_629, %swap3A_630] {strides = array<i32>} : memref<4x64xi32, #tpu.memory_space<vmem>>, vector<1x16xi32>,
    %swap3A_632 = vector.shape_cast %swap3A_631 : vector<1x16xi32> to vector<16xi32>
    %swap3A_633 = vector.shape_cast %and3A_627 : vector<16xi32> to vector<1x16xi32>
    tpu.vector_store %arg7[%swap3A_629, %swap3A_630], %swap3A_633 {strides = array<i32>} : memref<4x64xi32, #tpu.memory_space<vmem>>, vector<1x16xi32>,
    %get3A_634 = arith.constant 79 : i32
    %get3A_635 = arith.index_cast %get3A_634 : i32 to index
    %get3A_636 = arith.constant 96 : index
    %get3A_637 = tpu.vector_load %arg5[%get3A_635, %get3A_636] {strides = array<i32>} : memref<80x128xi32, #tpu.memory_space<vmem>>, vector<1x16xi32>,
    %get3A_638 = vector.shape_cast %get3A_637 : vector<1x16xi32> to vector<16xi32>
    %shift_right_logical3A_639 = arith.constant 14 : i32
    %shift_right_logical3A_640 = vector.broadcast %shift_right_logical3A_639 : i32 to vector<16xi32>
    %shift_right_logical3A_641 = arith.shrui %get3A_638, %shift_right_logical3A_640 : vector<16xi32>
    %and3A_642 = arith.constant 16383 : i32
    %and3A_643 = vector.broadcast %and3A_642 : i32 to vector<16xi32>
    %and3A_644 = arith.andi %shift_right_logical3A_641, %and3A_643 : vector<16xi32>
    %swap3A_645 = arith.constant 3 : i32
    %swap3A_646 = arith.index_cast %swap3A_645 : i32 to index
    %swap3A_647 = arith.constant 32 : index
    %swap3A_648 = tpu.vector_load %arg7[%swap3A_646, %swap3A_647] {strides = array<i32>} : memref<4x64xi32, #tpu.memory_space<vmem>>, vector<1x16xi32>,
    %swap3A_649 = vector.shape_cast %swap3A_648 : vector<1x16xi32> to vector<16xi32>
    %swap3A_650 = vector.shape_cast %and3A_644 : vector<16xi32> to vector<1x16xi32>
    tpu.vector_store %arg7[%swap3A_646, %swap3A_647], %swap3A_650 {strides = array<i32>} : memref<4x64xi32, #tpu.memory_space<vmem>>, vector<1x16xi32>,
    %get3A_651 = arith.constant 79 : i32
    %get3A_652 = arith.index_cast %get3A_651 : i32 to index
    %get3A_653 = arith.constant 112 : index
    %get3A_654 = tpu.vector_load %arg5[%get3A_652, %get3A_653] {strides = array<i32>} : memref<80x128xi32, #tpu.memory_space<vmem>>, vector<1x16xi32>,
    %get3A_655 = vector.shape_cast %get3A_654 : vector<1x16xi32> to vector<16xi32>
    %shift_right_logical3A_656 = arith.constant 14 : i32
    %shift_right_logical3A_657 = vector.broadcast %shift_right_logical3A_656 : i32 to vector<16xi32>
    %shift_right_logical3A_658 = arith.shrui %get3A_655, %shift_right_logical3A_657 : vector<16xi32>
    %and3A_659 = arith.constant 16383 : i32
    %and3A_660 = vector.broadcast %and3A_659 : i32 to vector<16xi32>
    %and3A_661 = arith.andi %shift_right_logical3A_658, %and3A_660 : vector<16xi32>
    %swap3A_662 = arith.constant 3 : i32
    %swap3A_663 = arith.index_cast %swap3A_662 : i32 to index
    %swap3A_664 = arith.constant 48 : index
    %swap3A_665 = tpu.vector_load %arg7[%swap3A_663, %swap3A_664] {strides = array<i32>} : memref<4x64xi32, #tpu.memory_space<vmem>>, vector<1x16xi32>,
    %swap3A_666 = vector.shape_cast %swap3A_665 : vector<1x16xi32> to vector<16xi32>
    %swap3A_667 = vector.shape_cast %and3A_661 : vector<16xi32> to vector<1x16xi32>
    tpu.vector_store %arg7[%swap3A_663, %swap3A_664], %swap3A_667 {strides = array<i32>} : memref<4x64xi32, #tpu.memory_space<vmem>>, vector<1x16xi32>,
    %dma_start3A_668 = arith.constant 3 : i32
    %dma_start3A_669 = arith.constant 3 : i32
    %dma_start3A_670 = arith.constant 0 : i32
    %dma_start3A_671 = arith.constant 0 : i32
    %dma_start3A_672 = tpu.memref_slice %arg8[%dma_start3A_668, %dma_start3A_670, %dma_start3A_671] : memref<4x64x128xf32, #tpu.memory_space<vmem>> -> memref<1x64x128xf32, #tpu.memory_space<vmem>>
    %dma_start3A_673 = tpu.memref_squeeze %dma_start3A_672 : memref<1x64x128xf32, #tpu.memory_space<vmem>> -> memref<64x128xf32, #tpu.memory_space<vmem>>
    %dma_start3A_674 = arith.constant 0 : i32
    %dma_start3A_675 = tpu.memref_slice %arg7[%dma_start3A_669, %dma_start3A_674] : memref<4x64xi32, #tpu.memory_space<vmem>> -> memref<1x64xi32, #tpu.memory_space<vmem>>
    %dma_start3A_676 = tpu.memref_squeeze %dma_start3A_675 : memref<1x64xi32, #tpu.memory_space<vmem>> -> memref<64xi32, #tpu.memory_space<vmem>>
    %dma_start3A_677 = arith.constant 0 : i32
    %dma_start3A_678 = arith.constant 0 : i32
    %dma_start3A_679 = tpu.memref_slice %arg9[%dma_start3A_677, %dma_start3A_678] : memref<10112x128xf32, #tpu.memory_space<vmem_shared>> -> memref<10112x128xf32, #tpu.memory_space<vmem_shared>>
    tpu.enqueue_indirect_dma source(%dma_start3A_673 : memref<64x128xf32, #tpu.memory_space<vmem>>) target(%dma_start3A_679 : memref<10112x128xf32, #tpu.memory_space<vmem_shared>>) offsets(%dma_start3A_676 : memref<64xi32, #tpu.memory_space<vmem>>) semaphore(%arg17 : memref<!tpu.dma_semaphore, #tpu.memory_space<semaphore_mem>>) {add = true}
    %dma_wait3A_680 = arith.constant 0 : i32
    %dma_wait3A_681 = arith.constant 0 : i32
    %dma_wait3A_682 = arith.constant 0 : i32
    %dma_wait3A_683 = arith.constant 0 : i32
    %dma_wait3A_684 = tpu.memref_slice %arg8[%dma_wait3A_680, %dma_wait3A_682, %dma_wait3A_683] : memref<4x64x128xf32, #tpu.memory_space<vmem>> -> memref<1x64x128xf32, #tpu.memory_space<vmem>>
    %dma_wait3A_685 = tpu.memref_squeeze %dma_wait3A_684 : memref<1x64x128xf32, #tpu.memory_space<vmem>> -> memref<64x128xf32, #tpu.memory_space<vmem>>
    %dma_wait3A_686 = arith.constant 0 : i32
    %dma_wait3A_687 = tpu.memref_slice %arg7[%dma_wait3A_681, %dma_wait3A_686] : memref<4x64xi32, #tpu.memory_space<vmem>> -> memref<1x64xi32, #tpu.memory_space<vmem>>
    %dma_wait3A_688 = tpu.memref_squeeze %dma_wait3A_687 : memref<1x64xi32, #tpu.memory_space<vmem>> -> memref<64xi32, #tpu.memory_space<vmem>>
    %dma_wait3A_689 = arith.constant 0 : i32
    %dma_wait3A_690 = arith.constant 0 : i32
    %dma_wait3A_691 = tpu.memref_slice %arg9[%dma_wait3A_689, %dma_wait3A_690] : memref<10112x128xf32, #tpu.memory_space<vmem_shared>> -> memref<10112x128xf32, #tpu.memory_space<vmem_shared>>
    tpu.wait_indirect_dma semaphore(%arg14 : memref<!tpu.dma_semaphore, #tpu.memory_space<semaphore_mem>>) src(%dma_wait3A_685 : memref<64x128xf32, #tpu.memory_space<vmem>>) dst(%dma_wait3A_691 : memref<10112x128xf32, #tpu.memory_space<vmem_shared>>)
    %dma_wait3A_692 = arith.constant 1 : i32
    %dma_wait3A_693 = arith.constant 1 : i32
    %dma_wait3A_694 = arith.constant 0 : i32
    %dma_wait3A_695 = arith.constant 0 : i32
    %dma_wait3A_696 = tpu.memref_slice %arg8[%dma_wait3A_692, %dma_wait3A_694, %dma_wait3A_695] : memref<4x64x128xf32, #tpu.memory_space<vmem>> -> memref<1x64x128xf32, #tpu.memory_space<vmem>>
    %dma_wait3A_697 = tpu.memref_squeeze %dma_wait3A_696 : memref<1x64x128xf32, #tpu.memory_space<vmem>> -> memref<64x128xf32, #tpu.memory_space<vmem>>
    %dma_wait3A_698 = arith.constant 0 : i32
    %dma_wait3A_699 = tpu.memref_slice %arg7[%dma_wait3A_693, %dma_wait3A_698] : memref<4x64xi32, #tpu.memory_space<vmem>> -> memref<1x64xi32, #tpu.memory_space<vmem>>
    %dma_wait3A_700 = tpu.memref_squeeze %dma_wait3A_699 : memref<1x64xi32, #tpu.memory_space<vmem>> -> memref<64xi32, #tpu.memory_space<vmem>>
    %dma_wait3A_701 = arith.constant 0 : i32
    %dma_wait3A_702 = arith.constant 0 : i32
    %dma_wait3A_703 = tpu.memref_slice %arg9[%dma_wait3A_701, %dma_wait3A_702] : memref<10112x128xf32, #tpu.memory_space<vmem_shared>> -> memref<10112x128xf32, #tpu.memory_space<vmem_shared>>
    tpu.wait_indirect_dma semaphore(%arg15 : memref<!tpu.dma_semaphore, #tpu.memory_space<semaphore_mem>>) src(%dma_wait3A_697 : memref<64x128xf32, #tpu.memory_space<vmem>>) dst(%dma_wait3A_703 : memref<10112x128xf32, #tpu.memory_space<vmem_shared>>)
    %dma_wait3A_704 = arith.constant 2 : i32
    %dma_wait3A_705 = arith.constant 2 : i32
    %dma_wait3A_706 = arith.constant 0 : i32
    %dma_wait3A_707 = arith.constant 0 : i32
    %dma_wait3A_708 = tpu.memref_slice %arg8[%dma_wait3A_704, %dma_wait3A_706, %dma_wait3A_707] : memref<4x64x128xf32, #tpu.memory_space<vmem>> -> memref<1x64x128xf32, #tpu.memory_space<vmem>>
    %dma_wait3A_709 = tpu.memref_squeeze %dma_wait3A_708 : memref<1x64x128xf32, #tpu.memory_space<vmem>> -> memref<64x128xf32, #tpu.memory_space<vmem>>
    %dma_wait3A_710 = arith.constant 0 : i32
    %dma_wait3A_711 = tpu.memref_slice %arg7[%dma_wait3A_705, %dma_wait3A_710] : memref<4x64xi32, #tpu.memory_space<vmem>> -> memref<1x64xi32, #tpu.memory_space<vmem>>
    %dma_wait3A_712 = tpu.memref_squeeze %dma_wait3A_711 : memref<1x64xi32, #tpu.memory_space<vmem>> -> memref<64xi32, #tpu.memory_space<vmem>>
    %dma_wait3A_713 = arith.constant 0 : i32
    %dma_wait3A_714 = arith.constant 0 : i32
    %dma_wait3A_715 = tpu.memref_slice %arg9[%dma_wait3A_713, %dma_wait3A_714] : memref<10112x128xf32, #tpu.memory_space<vmem_shared>> -> memref<10112x128xf32, #tpu.memory_space<vmem_shared>>
    tpu.wait_indirect_dma semaphore(%arg16 : memref<!tpu.dma_semaphore, #tpu.memory_space<semaphore_mem>>) src(%dma_wait3A_709 : memref<64x128xf32, #tpu.memory_space<vmem>>) dst(%dma_wait3A_715 : memref<10112x128xf32, #tpu.memory_space<vmem_shared>>)
    %dma_wait3A_716 = arith.constant 3 : i32
    %dma_wait3A_717 = arith.constant 3 : i32
    %dma_wait3A_718 = arith.constant 0 : i32
    %dma_wait3A_719 = arith.constant 0 : i32
    %dma_wait3A_720 = tpu.memref_slice %arg8[%dma_wait3A_716, %dma_wait3A_718, %dma_wait3A_719] : memref<4x64x128xf32, #tpu.memory_space<vmem>> -> memref<1x64x128xf32, #tpu.memory_space<vmem>>
    %dma_wait3A_721 = tpu.memref_squeeze %dma_wait3A_720 : memref<1x64x128xf32, #tpu.memory_space<vmem>> -> memref<64x128xf32, #tpu.memory_space<vmem>>
    %dma_wait3A_722 = arith.constant 0 : i32
    %dma_wait3A_723 = tpu.memref_slice %arg7[%dma_wait3A_717, %dma_wait3A_722] : memref<4x64xi32, #tpu.memory_space<vmem>> -> memref<1x64xi32, #tpu.memory_space<vmem>>
    %dma_wait3A_724 = tpu.memref_squeeze %dma_wait3A_723 : memref<1x64xi32, #tpu.memory_space<vmem>> -> memref<64xi32, #tpu.memory_space<vmem>>
    %dma_wait3A_725 = arith.constant 0 : i32
    %dma_wait3A_726 = arith.constant 0 : i32
    %dma_wait3A_727 = tpu.memref_slice %arg9[%dma_wait3A_725, %dma_wait3A_726] : memref<10112x128xf32, #tpu.memory_space<vmem_shared>> -> memref<10112x128xf32, #tpu.memory_space<vmem_shared>>
    tpu.wait_indirect_dma semaphore(%arg17 : memref<!tpu.dma_semaphore, #tpu.memory_space<semaphore_mem>>) src(%dma_wait3A_721 : memref<64x128xf32, #tpu.memory_space<vmem>>) dst(%dma_wait3A_727 : memref<10112x128xf32, #tpu.memory_space<vmem_shared>>)
    %barrier3A_728 = arith.constant 0 : index
    tpu.barrier barrier_id(%barrier3A_728)
    "tpu.region"() ({
      %run_scoped3A_729 = tpu.sem_alloc : memref<!tpu.dma_semaphore, #tpu.memory_space<semaphore_mem>>
      %dma_start3A_730 = arith.constant 0 : i32
      %dma_start3A_731 = tpu.memref_slice %arg4[%arg0, %mul3A_10, %dma_start3A_730] : memref<2x10112x128xf32, #tpu.memory_space<hbm>> -> memref<1x632x128xf32, #tpu.memory_space<hbm>>
      %dma_start3A_732 = tpu.memref_squeeze %dma_start3A_731 : memref<1x632x128xf32, #tpu.memory_space<hbm>> -> memref<632x128xf32, #tpu.memory_space<hbm>>
      %dma_start3A_733 = arith.constant 0 : i32
      %dma_start3A_734 = tpu.memref_slice %arg9[%mul3A_10, %dma_start3A_733] : memref<10112x128xf32, #tpu.memory_space<vmem_shared>> -> memref<632x128xf32, #tpu.memory_space<vmem_shared>>
      tpu.enqueue_dma source(%dma_start3A_734 : memref<632x128xf32, #tpu.memory_space<vmem_shared>>) target(%dma_start3A_732 : memref<632x128xf32, #tpu.memory_space<hbm>>) target_semaphore(%run_scoped3A_729 : memref<!tpu.dma_semaphore, #tpu.memory_space<semaphore_mem>>)
      %dma_wait3A_735 = arith.constant 0 : i32
      %dma_wait3A_736 = tpu.memref_slice %arg4[%arg0, %mul3A_10, %dma_wait3A_735] : memref<2x10112x128xf32, #tpu.memory_space<hbm>> -> memref<1x632x128xf32, #tpu.memory_space<hbm>>
      %dma_wait3A_737 = tpu.memref_squeeze %dma_wait3A_736 : memref<1x632x128xf32, #tpu.memory_space<hbm>> -> memref<632x128xf32, #tpu.memory_space<hbm>>
      %dma_wait3A_738 = arith.constant 0 : i32
      %dma_wait3A_739 = tpu.memref_slice %arg9[%mul3A_10, %dma_wait3A_738] : memref<10112x128xf32, #tpu.memory_space<vmem_shared>> -> memref<632x128xf32, #tpu.memory_space<vmem_shared>>
      tpu.wait_dma2 semaphore(%run_scoped3A_729 : memref<!tpu.dma_semaphore, #tpu.memory_space<semaphore_mem>>) src(%dma_wait3A_739 : memref<632x128xf32, #tpu.memory_space<vmem_shared>>) dst(%dma_wait3A_737 : memref<632x128xf32, #tpu.memory_space<hbm>>)
      tpu.yield
    }) : () -> ()
    return
  }
}

module attributes {stable_mosaic.version = 14 : i64} {
  func.func @_linear_body(%arg0: i32, %arg1: memref<2000x128xf32, #tpu.memory_space<vmem>>, %arg2: memref<128x128xf32, #tpu.memory_space<vmem>>, %arg3: memref<1x128xf32, #tpu.memory_space<vmem>>, %arg4: memref<2000x128xf32, #tpu.memory_space<vmem>>) attributes {dimension_semantics = [#tpu.dimension_semantics<arbitrary>], iteration_bounds = array<i64: 5>, scalar_prefetch = 0 : i64, scratch_operands = 0 : i64, tpu.core_type = #tpu.core_type<tc>, window_params = [{transform_indices = @transform_0, window_bounds = array<i64: 2000, 128>}, {pipeline_mode = #tpu.pipeline_mode<synchronous>, transform_indices = @transform_1, window_bounds = array<i64: 128, 128>}, {pipeline_mode = #tpu.pipeline_mode<synchronous>, transform_indices = @transform_2, window_bounds = array<i64: 1, 128>}, {transform_indices = @transform_3, window_bounds = array<i64: 2000, 128>}]} {
    %get3A = arith.constant 0 : index
    %get3A_0 = arith.constant 0 : index
    %get3A_1 = vector.load %arg1[%get3A, %get3A_0] : memref<2000x128xf32, #tpu.memory_space<vmem>>, vector<2000x128xf32>
    %get3A_2 = arith.constant 0 : index
    %get3A_3 = arith.constant 0 : index
    %get3A_4 = vector.load %arg2[%get3A_2, %get3A_3] : memref<128x128xf32, #tpu.memory_space<vmem>>, vector<128x128xf32>
    %dot_general3A = arith.constant dense<0.000000e+00> : vector<2000x128xf32>
    %dot_general3A_5 = tpu.matmul %get3A_1, %get3A_4, %dot_general3A {dimension_numbers = #tpu.dot_dimension_numbers<[1], [0], [0], [1], [0, 0, 1, 1], [], []>, transpose_lhs_hint = false} : vector<2000x128xf32>, vector<128x128xf32>, vector<2000x128xf32> -> vector<2000x128xf32>
    %get3A_6 = arith.constant 0 : index
    %get3A_7 = arith.constant 0 : index
    %get3A_8 = vector.load %arg3[%get3A_6, %get3A_7] : memref<1x128xf32, #tpu.memory_space<vmem>>, vector<1x128xf32>
    %add3A = vector.broadcast %get3A_8 : vector<1x128xf32> to vector<2000x128xf32>
    %add3A_9 = arith.addf %dot_general3A_5, %add3A : vector<2000x128xf32>
    %swap3A = arith.constant 0 : index
    %swap3A_10 = arith.constant 0 : index
    %swap3A_11 = vector.load %arg4[%swap3A, %swap3A_10] : memref<2000x128xf32, #tpu.memory_space<vmem>>, vector<2000x128xf32>
    tpu.vector_store %arg4[%swap3A, %swap3A_10], %add3A_9 {strides = array<i32>} : memref<2000x128xf32, #tpu.memory_space<vmem>>, vector<2000x128xf32>,
    return
  }
  func.func @transform_0(%arg0: i32) -> (i32, i32) {
    %c0_i32 = arith.constant 0 : i32
    %c0_i32_0 = arith.constant 0 : i32
    return %arg0, %c0_i32 : i32, i32
  }
  func.func @transform_1(%arg0: i32) -> (i32, i32) {
    %c0_i32 = arith.constant 0 : i32
    %c0_i32_0 = arith.constant 0 : i32
    %c0_i32_1 = arith.constant 0 : i32
    return %c0_i32, %c0_i32_0 : i32, i32
  }
  func.func @transform_2(%arg0: i32) -> (i32, i32) {
    %c0_i32 = arith.constant 0 : i32
    %c0_i32_0 = arith.constant 0 : i32
    %c0_i32_1 = arith.constant 0 : i32
    return %c0_i32, %c0_i32_0 : i32, i32
  }
  func.func @transform_3(%arg0: i32) -> (i32, i32) {
    %c0_i32 = arith.constant 0 : i32
    %c0_i32_0 = arith.constant 0 : i32
    return %arg0, %c0_i32 : i32, i32
  }
}

module attributes {stable_mosaic.version = 14 : i64} {
  func.func @_combine_body(%arg0: i32, %arg1: memref<2000x128xf32, #tpu.memory_space<vmem>>, %arg2: memref<2x2000x128xf32, #tpu.memory_space<vmem>>, %arg3: memref<2x2000x16xf32, #tpu.memory_space<vmem>>, %arg4: memref<16x128xf32, #tpu.memory_space<vmem>>, %arg5: memref<2000x128xf32, #tpu.memory_space<vmem>>) attributes {dimension_semantics = [#tpu.dimension_semantics<arbitrary>], iteration_bounds = array<i64: 5>, scalar_prefetch = 0 : i64, scratch_operands = 0 : i64, tpu.core_type = #tpu.core_type<tc>, window_params = [{transform_indices = @transform_0, window_bounds = array<i64: 2000, 128>}, {transform_indices = @transform_1, window_bounds = array<i64: 2, 2000, 128>}, {transform_indices = @transform_2, window_bounds = array<i64: 2, 2000, 16>}, {pipeline_mode = #tpu.pipeline_mode<synchronous>, transform_indices = @transform_3, window_bounds = array<i64: 16, 128>}, {transform_indices = @transform_4, window_bounds = array<i64: 2000, 128>}]} {
    %get3A = arith.constant 0 : index
    %get3A_0 = arith.constant 0 : index
    %get3A_1 = arith.constant 0 : index
    %get3A_2 = vector.load %arg3[%get3A, %get3A_0, %get3A_1] : memref<2x2000x16xf32, #tpu.memory_space<vmem>>, vector<1x2000x16xf32>
    %get3A_3 = vector.shape_cast %get3A_2 : vector<1x2000x16xf32> to vector<2000x16xf32>
    %get3A_4 = arith.constant 1 : index
    %get3A_5 = arith.constant 0 : index
    %get3A_6 = arith.constant 0 : index
    %get3A_7 = vector.load %arg3[%get3A_4, %get3A_5, %get3A_6] : memref<2x2000x16xf32, #tpu.memory_space<vmem>>, vector<1x2000x16xf32>
    %get3A_8 = vector.shape_cast %get3A_7 : vector<1x2000x16xf32> to vector<2000x16xf32>
    %add3A = arith.addf %get3A_3, %get3A_8 : vector<2000x16xf32>
    %get3A_9 = arith.constant 0 : index
    %get3A_10 = arith.constant 0 : index
    %get3A_11 = vector.load %arg4[%get3A_9, %get3A_10] : memref<16x128xf32, #tpu.memory_space<vmem>>, vector<16x128xf32>
    %dot_general3A = arith.constant dense<0.000000e+00> : vector<2000x128xf32>
    %dot_general3A_12 = tpu.matmul %add3A, %get3A_11, %dot_general3A {dimension_numbers = #tpu.dot_dimension_numbers<[1], [0], [0], [1], [0, 0, 1, 1], [], []>, transpose_lhs_hint = false} : vector<2000x16xf32>, vector<16x128xf32>, vector<2000x128xf32> -> vector<2000x128xf32>
    %get3A_13 = arith.constant 0 : index
    %get3A_14 = arith.constant 0 : index
    %get3A_15 = arith.constant 0 : index
    %get3A_16 = vector.load %arg2[%get3A_13, %get3A_14, %get3A_15] : memref<2x2000x128xf32, #tpu.memory_space<vmem>>, vector<1x2000x128xf32>
    %get3A_17 = vector.shape_cast %get3A_16 : vector<1x2000x128xf32> to vector<2000x128xf32>
    %get3A_18 = arith.constant 1 : index
    %get3A_19 = arith.constant 0 : index
    %get3A_20 = arith.constant 0 : index
    %get3A_21 = vector.load %arg2[%get3A_18, %get3A_19, %get3A_20] : memref<2x2000x128xf32, #tpu.memory_space<vmem>>, vector<1x2000x128xf32>
    %get3A_22 = vector.shape_cast %get3A_21 : vector<1x2000x128xf32> to vector<2000x128xf32>
    %add3A_23 = arith.addf %get3A_17, %get3A_22 : vector<2000x128xf32>
    %get3A_24 = arith.constant 0 : index
    %get3A_25 = arith.constant 0 : index
    %get3A_26 = vector.load %arg1[%get3A_24, %get3A_25] : memref<2000x128xf32, #tpu.memory_space<vmem>>, vector<2000x128xf32>
    %add3A_27 = arith.addf %add3A_23, %get3A_26 : vector<2000x128xf32>
    %add3A_28 = arith.addf %add3A_27, %dot_general3A_12 : vector<2000x128xf32>
    %max3A = arith.constant 0.000000e+00 : f32
    %max3A_29 = vector.broadcast %max3A : f32 to vector<2000x128xf32>
    %max3A_30 = arith.maximumf %add3A_28, %max3A_29 : vector<2000x128xf32>
    %swap3A = arith.constant 0 : index
    %swap3A_31 = arith.constant 0 : index
    %swap3A_32 = vector.load %arg5[%swap3A, %swap3A_31] : memref<2000x128xf32, #tpu.memory_space<vmem>>, vector<2000x128xf32>
    tpu.vector_store %arg5[%swap3A, %swap3A_31], %max3A_30 {strides = array<i32>} : memref<2000x128xf32, #tpu.memory_space<vmem>>, vector<2000x128xf32>,
    return
  }
  func.func @transform_0(%arg0: i32) -> (i32, i32) {
    %c0_i32 = arith.constant 0 : i32
    %c0_i32_0 = arith.constant 0 : i32
    return %arg0, %c0_i32 : i32, i32
  }
  func.func @transform_1(%arg0: i32) -> (i32, i32, i32) {
    %c0_i32 = arith.constant 0 : i32
    %c0_i32_0 = arith.constant 0 : i32
    %c0_i32_1 = arith.constant 0 : i32
    return %c0_i32, %arg0, %c0_i32_0 : i32, i32, i32
  }
  func.func @transform_2(%arg0: i32) -> (i32, i32, i32) {
    %c0_i32 = arith.constant 0 : i32
    %c0_i32_0 = arith.constant 0 : i32
    %c0_i32_1 = arith.constant 0 : i32
    return %c0_i32, %arg0, %c0_i32_0 : i32, i32, i32
  }
  func.func @transform_3(%arg0: i32) -> (i32, i32) {
    %c0_i32 = arith.constant 0 : i32
    %c0_i32_0 = arith.constant 0 : i32
    %c0_i32_1 = arith.constant 0 : i32
    return %c0_i32, %c0_i32_0 : i32, i32
  }
  func.func @transform_4(%arg0: i32) -> (i32, i32) {
    %c0_i32 = arith.constant 0 : i32
    %c0_i32_0 = arith.constant 0 : i32
    return %arg0, %c0_i32 : i32, i32
  }
}

</mosaic_0001>

<sc_bundles>
// kernel: kernel.6.cloned.1.call-start
scs
__scs_entry_jumppad:
0x0: {  	(pc) =	sbr.rel $0x88, $3  }
0x1: {  	(tag) =	ssettag $0x0;
	lr =	simm.s32 $0x1  }
0x2: {  	[smem:$0x3F9B] =	sst lr;
	_ =	strace $0xD0000000  }
0x3: {  	_ = 	snop  }
0x4: {  	_ = 	snop  }
0x5: {  	_ = 	snop  }
0x6: {  	_ = 	snop  }
0x7: {  	_ = 	snop  }
__scs_overlays_trampoline_lowered:
0x8: {  	[smem:$0x3FAA] =	sst s0  }
0x9: {  	[smem:$0x3FAB] =	sst s1  }
0xa: {  	[smem:$0x3FAC] =	sst s2  }
0xb: {  	[smem:$0x3FAD] =	sst s3  }
0xc: {  	[smem:$0x3FAE] =	sst s4  }
0xd: {  	[smem:$0x3FAF] =	sst s5  }
0xe: {  	[smem:$0x3FB0] =	sst s6  }
0xf: {  	[smem:$0x3FB1] =	sst s7  }
0x10: {  	[smem:$0x3FB2] =	sst s8  }
0x11: {  	[smem:$0x3FB3] =	sst s9;
	s0 =	simm.s32 @!p0 $0x0  }
0x12: {  	s1 =	sld [smem:$0x3F99];
	s0 =	simm.s32 @p0 $0x1  }
0x13: {  	[smem:$0x3FB4] =	sst s0;
	s0 =	simm.s32 @!p1 $0x0  }
0x14: {  	s2 =	sld [smem:$0x3F98];
	s0 =	simm.s32 @p1 $0x1  }
0x15: {  	[smem:$0x3FB5] =	sst s0;
	s0 =	simm.s32 @!p2 $0x0  }
0x16: {  	s3 =	sld [smem:$0x3FDB];
	s0 =	simm.s32 @p2 $0x1  }
0x17: {  	s4 =	simm.s32 $0x1BF5;
	[smem:$0x3FB7] =	sst s0  }
0x18: {  	s0 =	sld [smem:$0x3F9A];
	_ =	swait.ge [sflag:s4], $0x0  }
0x19: {  	s7 =	sld [smem:$0x3F9B]  }
0x1a: {  	s8 =	sadd.s32 $0xFFFFE003, lr  }
0x1b: {  	s9 =	sadd.s32 $0xFFFFFEF7, lr;
	s5 =	simm.s32 $0xFFFFFFFF;
	p2 =	slt.u32 s8, $0xFFFFF086  }
0x1c: {  	p1 =	slt.u32 s9, $0xF7A;
	s5 =	simm.s32 @!p2 $0x0  }
0x1d: {  	s5 =	simm.s32 @p1 $0x1;
	p0 =	seq.s32 s7, s2  }
0x1e: {  	s7 =	smul.u32 @!p0 $0xF7A, s2;
	p2 =	seq.s32 @!p0 s5, $0x0  }
0x1f: {  	s9 =	smul.u32 $0xF7A, s1;
	s8 =	simm.s32 @!p0 $0x1BF5;
	p2 =	por !p2, p0  }
0x20: {  	[sflag:s8] =	ssyncset.s32 @!p0 $0xFFFFF086;
	s6 =	sadd.s32 @!p0 s3, s7;
	s7 =	simm.s32 @!p0 $0x108  }
0x21: {  	s3 =	sadd.s32 s3, s9;
	s6 =	sadd.s32 @!p0 $0x88, s6;
	s7 =	simm.s32 @p2 $0x1082  }
0x22: {  	[simem:s7], [sflag:s8] =	dma.local @!p0 [hbm:s6], $0xF7A  }
0x23: {  	s9 =	sor.u32 $0xD0000000, s2;
	s6 =	simm.s32 $0x108;
	_ =	swait.ge @!p0 [sflag:s8], $0x0  }
0x24: {  	s3 =	sadd.s32 $0x88, s3;
	s6 =	simm.s32 @!p1 $0x1082;
	[sflag:s4] =	ssyncset.s32 $0xFFFFF086  }
0x25: {  	[simem:s6], [sflag:s4] =	dma.local [hbm:s3], $0xF7A  }
0x26: {  	[smem:$0x3F9B] =	sst s1;
	(tag) =	ssettag s2;
	_ =	strace s9  }
0x27: {  	s1 =	sld [smem:$0x3FAB]  }
0x28: {  	s2 =	sld [smem:$0x3FAC]  }
0x29: {  	s4 =	sld [smem:$0x3FAE]  }
0x2a: {  	p0 =	seq.s32 s5, $0x0;
	s5 =	sld [smem:$0x3FAF]  }
0x2b: {  	s6 =	sld [smem:$0x3FB0]  }
0x2c: {  	s7 =	sld [smem:$0x3FB1]  }
0x2d: {  	s3 =	simm.s32 $0x108;
	s8 =	sld [smem:$0x3FB2]  }
0x2e: {  	s3 =	simm.s32 @!p0 $0x1082;
	s9 =	sld [smem:$0x3FB3]  }
0x2f: {  	lr =	sadd.s32 s0, s3;
	s0 =	sld [smem:$0x3FAA]  }
0x30: {  	s3 =	sld [smem:$0x3FAD]  }
0x31: {  	[smem:$0x3FB6] =	sst s10  }
0x32: {  	s10 =	sld [smem:$0x3FB4];
	_ =	sdelay $0x3  }
0x33: {  	p0 =	seq.s32 s10, $0x1;
	s10 =	sld [smem:$0x3FB6];
	_ =	sdelay $0x3  }
0x34: {  	[smem:$0x3FB6] =	sst s10  }
0x35: {  	s10 =	sld [smem:$0x3FB5];
	_ =	sdelay $0x3  }
0x36: {  	p1 =	seq.s32 s10, $0x1;
	s10 =	sld [smem:$0x3FB6];
	_ =	sdelay $0x3  }
0x37: {  	[smem:$0x3FB6] =	sst s10  }
0x38: {  	s10 =	sld [smem:$0x3FB7]  }
0x39: {  	_ = 	snop;
	(pc) =	sbr.ind lr, $3  }
0x3a: {  	_ = 	snop  }
0x3b: {  	_ = 	snop  }
0x3c: {  	p2 =	seq.s32 s10, $0x1;
	s10 =	sld [smem:$0x3FB6]  }
0x3d: {  	_ =	shalt  }
0x3e: {  	_ =	shalt  }
0x3f: {  	_ =	shalt  }
0x40: {  	_ =	shalt  }
0x41: {  	_ =	shalt  }
0x42: {  	_ =	shalt  }
0x43: {  	_ =	shalt  }
0x44: {  	_ =	shalt  }
0x45: {  	_ =	shalt  }
0x46: {  	_ =	shalt  }
0x47: {  	_ =	shalt  }
0x48: {  	_ =	shalt  }
0x49: {  	_ =	shalt  }
0x4a: {  	_ =	shalt  }
0x4b: {  	_ =	shalt  }
0x4c: {  	_ =	shalt  }
0x4d: {  	_ =	shalt  }
0x4e: {  	_ =	shalt  }
0x4f: {  	_ =	shalt  }
0x50: {  	_ =	shalt  }
0x51: {  	_ =	shalt  }
0x52: {  	_ =	shalt  }
0x53: {  	_ =	shalt  }
0x54: {  	_ =	shalt  }
0x55: {  	_ =	shalt  }
0x56: {  	_ =	shalt  }
0x57: {  	_ =	shalt  }
0x58: {  	_ =	shalt  }
0x59: {  	_ =	shalt  }
0x5a: {  	_ =	shalt  }
0x5b: {  	_ =	shalt  }
0x5c: {  	_ =	shalt  }
0x5d: {  	_ =	shalt  }
0x5e: {  	_ =	shalt  }
0x5f: {  	_ =	shalt  }
0x60: {  	_ =	shalt  }
0x61: {  	_ =	shalt  }
0x62: {  	_ =	shalt  }
0x63: {  	_ =	shalt  }
0x64: {  	_ =	shalt  }
0x65: {  	_ =	shalt  }
0x66: {  	_ =	shalt  }
0x67: {  	_ =	shalt  }
0x68: {  	_ =	shalt  }
0x69: {  	_ =	shalt  }
0x6a: {  	_ =	shalt  }
0x6b: {  	_ =	shalt  }
0x6c: {  	_ =	shalt  }
0x6d: {  	_ =	shalt  }
0x6e: {  	_ =	shalt  }
0x6f: {  	_ =	shalt  }
0x70: {  	_ =	shalt  }
0x71: {  	_ =	shalt  }
0x72: {  	_ =	shalt  }
0x73: {  	_ =	shalt  }
0x74: {  	_ =	shalt  }
0x75: {  	_ =	shalt  }
0x76: {  	_ =	shalt  }
0x77: {  	_ =	shalt  }
0x78: {  	_ =	shalt  }
0x79: {  	_ =	shalt  }
0x7a: {  	_ =	shalt  }
0x7b: {  	_ =	shalt  }
0x7c: {  	_ =	shalt  }
0x7d: {  	_ =	shalt  }
0x7e: {  	_ =	shalt  }
0x7f: {  	_ =	shalt  }
0x80: {  	_ =	shalt  }
0x81: {  	_ =	shalt  }
0x82: {  	_ =	shalt  }
0x83: {  	_ =	shalt  }
0x84: {  	_ =	shalt  }
0x85: {  	_ =	shalt  }
0x86: {  	_ =	shalt  }
0x87: {  	_ =	shalt  }
.Lfunc_end0:
.L_simem_size_0:
called_computation_lowered:
.L_overlay_start_0:
0x88: {  	s2 =	sld [smem:$0x3FD9]  }
0x89: {  	s3 =	sld [smem:$0x3FFE];
	_ =	sdelay $0x1  }
0x8a: {  	s1 =	srdreg.scid  }
0x8b: {  	s0 =	sand.u32 $0x1, s1  }
0x8c: {  	s17 =	sshll.u32 s0, $0xA;
	s2 =	sadd.s32 s3, s2  }
0x8d: {  	s2 =	sadd.s32 s2, s17  }
0x8e: {  	[smem:$0x3FC2] =	sst s2  }
0x8f: {  	_ = 	snop  }
0x90: {  	s18 =	sld [smem:$0x3FD0];
	(tm) =	ssettm $0x1  }
0x91: {  	s19 =	sld [smem:$0x3FFB];
	_ =	sdelay $0x3  }
0x92: {  	_ =	strace s19  }
0x93: {  	s2 =	sld [smem:$0x3FFC];
	_ =	sdelay $0x3  }
0x94: {  	_ =	strace s2  }
0x95: {  	s2 =	sld [smem:$0x3FFD];
	_ =	sdelay $0x3  }
0x96: {  	_ =	strace s2  }
0x97: {  	_ =	strace $0x8FFFFFFF  }
0x98: {  	s20 =	sld [smem:$0x3FDB];
	_ =	sdelay $0x1  }
0x99: {  	s4 =	simm.s32 $_scs_section_size  }
0x9a: {  	s5 =	simm.s32 $_size__tile_overlayer_lowered;
	s6 =	simm.s32 $_tile_overlayer_lowered  }
0x9b: {  	s7 =	simm.s32 $0x1BFF;
	s21 =	sshll.u32 s6, $0x1;
	s4 =	sadd.s32 s4, s20  }
0x9c: {  	s22 =	simm.s32 $0x0;
	s5 =	sshll.u32 s5, $0x1;
	s6 =	sadd.s32 s21, s4  }
0x9d: {  	[timem:s22], [sflag:s7] =	dma.local [hbm:s6], s5  }
0x9e: {  	_ =	swait.ge [sflag:s7], s5  }
0x9f: {  	s5 =	ssub.s32 $0x0, s5;
	[sflag:s7] =	ssyncset.done $0x0  }
0xa0: {  	[sflag:s7] =	ssyncadd.s32 s5;
	_ =	sdelay $0x1  }
0xa1: {  	s23 =	simm.s32 $0x1B8B  }
0xa2: {  	_ =	swait.ge [sflag:s23], $0x1  }
0xa3: {  	[sflag:s23] =	ssyncset.done $0x0  }
0xa4: {  	[sflag:s23] =	ssyncadd.s32 $0xFFFFFFFF  }
0xa5: {  	s5 =	sld [smem:$0x0]  }
0xa6: {  	s6 =	sand.u32 $0xFFFFFFFE, s1  }
0xa7: {  	p0 =	sne.s32 s1, s6  }
0xa8: {  	s6 =	sshll.u32 @p0 s6, $0xE  }
0xa9: {  	s6 =	sadd.s32 @p0 $0x11B8D, s6;
	s7 =	sshll.u32 @p0 s5, $0x11  }
0xaa: {  	s6 =	sor.u32 @p0 s7, s6  }
0xab: {  	[sflag:s6] =	ssyncadd.remote.s32 @p0 $0x1;
	_ =	sdelay $0x1  }
0xac: {  	s6 =	simm.s32 @p0 $0x1B8D  }
0xad: {  	_ =	swait.eq @p0 [sflag:s6], $0x1  }
0xae: {  	[sflag:s6] =	ssyncadd.s32 @p0 $0xFFFFFFFF  }
0xaf: {  	s7 =	sshll.u32 @!p0 s1, $0xE  }
0xb0: {  	s7 =	sor.u32 @!p0 $0x4000, s7;
	s6 =	simm.s32 @!p0 $0x1B8D  }
0xb1: {  	s5 =	sshll.u32 @!p0 s5, $0x11;
	s7 =	sadd.s32 @!p0 $0x11B8D, s7;
	_ =	swait.eq @!p0 [sflag:s6], $0x1  }
0xb2: {  	s5 =	sor.u32 @!p0 s5, s7;
	[sflag:s6] =	ssyncadd.s32 @!p0 $0xFFFFFFFF  }
0xb3: {  	s25 =	simm.s32 $0x1B8E;
	s24 =	sld [smem:$0x3FFE];
	[sflag:s5] =	ssyncadd.remote.s32 @!p0 $0x1  }
0xb4: {  	s26 =	simm.s32 $execute0_lowered;
	[smem:$0x3FD2] =	sst s25  }
0xb5: {  	s6 =	sshll.u32 s26, $0x1;
	_ =	strace $0x80000049;
	[dreg:$0x1] =	wrdreg $0xFFFFFFFF  }
0xb6: {  	s28 =	simm.s32 $_size_execute0_lowered;
	s4 =	sadd.s32 s4, s6;
	[dreg:$0x0] =	wrdreg $0x0  }
0xb7: {  	s6 =	sshll.u32 s28, $0x1;
	[dreg:$0x2] =	wrdreg s4  }
0xb8: {  	[dreg:$0x3] =	wrdreg s6  }
0xb9: {  	[dreg:$0x4] =	wrdreg $0xC0  }
0xba: {  	_ =	task [dreg:s22], $0x5FFFF  }
0xbb: {  	[dreg:$0x1] =	wrdreg $0xFFFFFFFF  }
0xbc: {  	[dreg:$0x0] =	wrdreg $0x60  }
0xbd: {  	[dreg:$0x2] =	wrdreg s18  }
0xbe: {  	[dreg:$0x3] =	wrdreg s24  }
0xbf: {  	[dreg:$0x4] =	wrdreg $0xAC000  }
0xc0: {  	[dreg:$0x5] =	wrdreg $0x9  }
0xc1: {  	_ =	task.clear_ibuf [dreg:s22], $0x6FFFF;
	_ =	strace $0x90000049  }
0xc2: {  	s29 =	simm.s32 $0x9;
	_ =	strace $0x8000004B  }
0xc3: {  	_ =	swait.ge [sflag:s29], $0x1  }
0xc4: {  	[sflag:s29] =	ssyncadd.s32 $0xFFFFFFFF  }
0xc5: {  	_ =	strace $0x9000004B  }
0xc6: {  	_ =	sfence  }
0xc7: {  	s30 =	sld [smem:$0x0];
	_ =	sdelay $0x2  }
0xc8: {  	s31 =	sshll.u32 s1, $0xD;
	s1 =	sshrl.u32 s1, $0x2  }
0xc9: {  	s4 =	sand.u32 $0x4000, s31;
	s1 =	sadd.s32 s1, s30  }
0xca: {  	s0 =	sor.u32 s4, s0;
	s1 =	sshll.u32 s1, $0x11  }
0xcb: {  	s0 =	sor.u32 s1, s0  }
0xcc: {  	s0 =	sadd.s32 $0x8F2B, s0  }
0xcd: {  	[sflag:s0] =	ssyncadd.remote.s32 $0x1  }
0xce: {  	_ =	sfence.sel $0xFFFF  }
0xcf: {  	[dreg:$0x0] =	wrdreg $0xFFFFFFFF;
	(pc) =	sbr.abs _section_cstart, $3  }
0xd0: {  	[dreg:$0x1] =	wrdreg $0xFFFFFFFF  }
0xd1: {  	_ =	task.clear_ibuf [dreg:s22], $0x2FFFF;
	_ =	strace $0x9FFFFFFF  }
0xd2: {  	(tm) =	ssettm $0x7FFFFFFF  }
0xd3: {  	_ =	shalt  }
tec
execute0_lowered:
.L_overlay_start_1:
0x0: {  	(tag) =	ssettag $0x1  }
0x1: {  	s2 =	rddreg [dreg:$0x0]  }
0x2: {  	s0 =	srdreg.scid;
	s4 =	rddreg [dreg:$0x1]  }
0x3: {  	s7 =	stileid.u32;
	s3 =	rddreg [dreg:$0x2]  }
0x4: {  	s8 =	simm.s32 $0x0;
	s28 =	simm.s32 $0x8C00;
	s29 =	simm.s32 $0x1  }
0x5: {  	s30 =	simm.s32 $0x2A00;
	s31 =	simm.s32 $0x2;
	s9 =	simm.s32 $0x6  }
0x6: {  	s10 =	simm.s32 $0x7;
	s0 =	sand.u32 $0x1, s0;
	s6 =	smul.u32 $0x13C00, s7  }
0x7: {  	s11 =	simm.s32 $0x8;
	s1 =	sshll.u32 s0, $0x4;
	s5 =	smul.u32 $0x13C000, s0  }
0x8: {  	s12 =	simm.s32 $0x0;
	s1 =	sor.u32 s7, s1;
	s7 =	smul.u32 $0x4F000, s7  }
0x9: {  	[smem:$0x7FF] =	sst s8;
	s8 =	simm.s32 $0x5;
	s1 =	smul.u32 $0x500, s1  }
0xa: {  	_ =	strace $0x8000004A;
	s0 =	ssub.s32 $0x2, s0;
	s5 =	sadd.s32 s6, s5  }
0xb: {  	s5 =	sshrl.u32 s5, $0x3;
	s17 =	sshrl.u32 s7, $0x2;
	s1 =	sadd.s32 s1, s4  }
0xc: {  	s4 =	sadd.s32 s5, s4;
	s5 =	sadd.s32 s17, s3;
	s1 =	sadd.s32 $0x1600, s1  }
0xd: {  	s18 =	sshrl.u32 s0, $0x1;
	s19 =	sadd.s32 $0x2000, s5;
	[dreg:$0x4] =	wrdreg s1  }
0xe: {  	s0 =	ssub.s32 s0, s18;
	s20 =	sadd.s32 $0x4000, s5;
	[dreg:$0x5] =	wrdreg s19  }
0xf: {  	s18 =	simm.s32 $0x9;
	s21 =	sadd.s32 $0x6000, s5;
	[dreg:$0x6] =	wrdreg s20  }
0x10: {  	s6 =	simm.s32 $0x4;
	s22 =	sadd.s32 $0x8000, s5;
	[dreg:$0x7] =	wrdreg s21  }
0x11: {  	s7 =	simm.s32 $0x2B80;
	s23 =	sadd.s32 $0xA000, s5;
	[dreg:$0x8] =	wrdreg s22  }
0x12: {  	s17 =	smax.u32 s0, $0x1;
	s24 =	sadd.s32 $0xC000, s5;
	[dreg:$0x9] =	wrdreg s23  }
0x13: {  	s0 =	simm.s32 $0x2B00;
	s25 =	sadd.s32 $0xE000, s5;
	[dreg:$0xa] =	wrdreg s24  }
0x14: {  	s26 =	sadd.s32 $0x10000, s5;
	s15 =	sadd.s32 $0x12000, s5;
	[dreg:$0xb] =	wrdreg s25  }
0x15: {  	s16 =	sadd.s32 $0x15400, s4;
	s4 =	simm.s32 $0x3;
	[dreg:$0xc] =	wrdreg s26  }
0x16: {  	s19 =	simm.s32 $0x2C00;
	s20 =	simm.s32 $0x40;
	s21 =	simm.s32 $0x2800  }
0x17: {  	s22 =	simm.s32 $0x2880;
	s23 =	simm.s32 $0x4C00;
	s24 =	simm.s32 $0x2900  }
0x18: {  	v0 =	vimm.f32 $0.0e+00;
	s25 =	simm.s32 $0x6C00;
	s26 =	simm.s32 $0x2980;
	s1 =	simm.s32 $0x2A80  }
.LBB2_1:
0x19: {  	s13 =	simm.s32 $0x0;
	s14 =	rddreg [dreg:$0x4]  }
0x1a: {  	[tilespmem:s13], [sflag:$0x9] =	stream.linear.gather [hbm4b:s14+s13], $0x2800, $0x38;
	[tilespmem:$0x1E800] =	vst v63  }
0x1b: {  	_ =	swait.ge [sflag:s18], $0x2800  }
0x1c: {  	[sflag:s18] =	ssyncset.done $0x0  }
0x1d: {  	s13 =	simm.s32 $0x0;
	s14 =	simm.s32 $0x200;
	[sflag:s18] =	ssyncadd.s32 $0xFFFFD800  }
.LBB2_2:
0x1e: {  	p0 =	sne.s32 s14, $0x7E00;
	[tilespmem:s13+$0x2C70] =	vst v0  }
0x1f: {  	[tilespmem:s13+$0x2C00] =	vst v0  }
0x20: {  	[tilespmem:s13+$0x2C10] =	vst v0  }
.Ltmp0:
0x21: {  	[tilespmem:s13+$0x2C20] =	vst v0;
	(pc) =	sbr.rel @p0 .LBB2_2-.Ltmp0, $4  }
0x22: {  	[tilespmem:s13+$0x2C30] =	vst v0  }
0x23: {  	[tilespmem:s13+$0x2C40] =	vst v0  }
0x24: {  	[tilespmem:s13+$0x2C50] =	vst v0  }
0x25: {  	[tilespmem:s13+$0x2C60] =	vst v0;
	s13 =	sshra.s32 s14, $0x2;
	s14 =	sadd.s32 $0x200, s14  }
0x26: {  	[tilespmem:s13+$0x2C70] =	vst v0  }
0x27: {  	[tilespmem:s13+$0x2C00] =	vst v0  }
0x28: {  	[tilespmem:s13+$0x2C10] =	vst v0  }
0x29: {  	[tilespmem:s13+$0x2C20] =	vst v0  }
0x2a: {  	[tilespmem:s13+$0x2C30] =	vst v0  }
0x2b: {  	[tilespmem:s13+$0x2C40] =	vst v0  }
0x2c: {  	[tilespmem:s13+$0x2C50] =	vst v0  }
0x2d: {  	[tilespmem:s13+$0x2C60] =	vst v0  }
0x2e: {  	[spmem:s5] =	stream.linear.scatter [tilespmem:s19], [sflag:$0x9], $0x2000, $0x38;
	[tilespmem:$0x1E800] =	vst v63  }
0x2f: {  	_ =	swait.ge [sflag:s18], $0x2000  }
0x30: {  	[sflag:s18] =	ssyncset.done $0x0  }
0x31: {  	s14 =	rddreg [dreg:$0x5];
	[sflag:s18] =	ssyncadd.s32 $0xFFFFE000  }
0x32: {  	[spmem:s14] =	stream.linear.scatter [tilespmem:s19], [sflag:$0x9], $0x2000, $0x38;
	[tilespmem:$0x1E800] =	vst v63  }
0x33: {  	_ =	swait.ge [sflag:s18], $0x2000  }
0x34: {  	[sflag:s18] =	ssyncset.done $0x0  }
0x35: {  	s14 =	rddreg [dreg:$0x6];
	[sflag:s18] =	ssyncadd.s32 $0xFFFFE000  }
0x36: {  	[spmem:s14] =	stream.linear.scatter [tilespmem:s19], [sflag:$0x9], $0x2000, $0x38;
	[tilespmem:$0x1E800] =	vst v63  }
0x37: {  	_ =	swait.ge [sflag:s18], $0x2000  }
0x38: {  	[sflag:s18] =	ssyncset.done $0x0  }
0x39: {  	s14 =	rddreg [dreg:$0x7];
	[sflag:s18] =	ssyncadd.s32 $0xFFFFE000  }
0x3a: {  	[spmem:s14] =	stream.linear.scatter [tilespmem:s19], [sflag:$0x9], $0x2000, $0x38;
	[tilespmem:$0x1E800] =	vst v63  }
0x3b: {  	_ =	swait.ge [sflag:s18], $0x2000  }
0x3c: {  	[sflag:s18] =	ssyncset.done $0x0  }
0x3d: {  	s14 =	rddreg [dreg:$0x8];
	[sflag:s18] =	ssyncadd.s32 $0xFFFFE000  }
0x3e: {  	[spmem:s14] =	stream.linear.scatter [tilespmem:s19], [sflag:$0x9], $0x2000, $0x38;
	[tilespmem:$0x1E800] =	vst v63  }
0x3f: {  	_ =	swait.ge [sflag:s18], $0x2000  }
0x40: {  	[sflag:s18] =	ssyncset.done $0x0  }
0x41: {  	s14 =	rddreg [dreg:$0x9];
	[sflag:s18] =	ssyncadd.s32 $0xFFFFE000  }
0x42: {  	[spmem:s14] =	stream.linear.scatter [tilespmem:s19], [sflag:$0x9], $0x2000, $0x38;
	[tilespmem:$0x1E800] =	vst v63  }
0x43: {  	_ =	swait.ge [sflag:s18], $0x2000  }
0x44: {  	[sflag:s18] =	ssyncset.done $0x0  }
0x45: {  	s14 =	rddreg [dreg:$0xa];
	[sflag:s18] =	ssyncadd.s32 $0xFFFFE000  }
0x46: {  	[spmem:s14] =	stream.linear.scatter [tilespmem:s19], [sflag:$0x9], $0x2000, $0x38;
	[tilespmem:$0x1E800] =	vst v63  }
0x47: {  	_ =	swait.ge [sflag:s18], $0x2000  }
0x48: {  	[sflag:s18] =	ssyncset.done $0x0  }
0x49: {  	s14 =	rddreg [dreg:$0xb];
	[sflag:s18] =	ssyncadd.s32 $0xFFFFE000  }
0x4a: {  	[spmem:s14] =	stream.linear.scatter [tilespmem:s19], [sflag:$0x9], $0x2000, $0x38;
	[tilespmem:$0x1E800] =	vst v63  }
0x4b: {  	_ =	swait.ge [sflag:s18], $0x2000  }
0x4c: {  	[sflag:s18] =	ssyncset.done $0x0  }
0x4d: {  	s14 =	rddreg [dreg:$0xc];
	[sflag:s18] =	ssyncadd.s32 $0xFFFFE000  }
0x4e: {  	[spmem:s14] =	stream.linear.scatter [tilespmem:s19], [sflag:$0x9], $0x2000, $0x38;
	[tilespmem:$0x1E800] =	vst v63  }
0x4f: {  	_ =	swait.ge [sflag:s18], $0x2000  }
0x50: {  	[sflag:s18] =	ssyncset.done $0x0  }
0x51: {  	[sflag:s18] =	ssyncadd.s32 $0xFFFFE000  }
0x52: {  	[spmem:s15] =	stream.linear.scatter [tilespmem:s19], [sflag:$0x9], $0x1C00, $0x38;
	[tilespmem:$0x1E800] =	vst v63  }
0x53: {  	_ =	swait.ge [sflag:s18], $0x1C00  }
0x54: {  	[sflag:s18] =	ssyncset.done $0x0  }
0x55: {  	[sflag:s18] =	ssyncadd.s32 $0xFFFFE400  }
0x56: {  	[bflag:$0x0] =	sbarrier.arrive $0xFFFF  }
0x57: {  	v1 =	vld [tilespmem:$0x0]  }
0x58: {  	v2 =	vld [tilespmem:$0x10]  }
0x59: {  	v3 =	vld [tilespmem:$0x20]  }
0x5a: {  	v4 =	vld [tilespmem:$0x30];
	_ =	sdelay $0x1  }
0x5b: {  	v1 =	vand.u32 $0x3FFF, v1  }
0x5c: {  	[tilespmem:$0x2800] =	vst v1;
	v1 =	vand.u32 $0x3FFF, v2  }
0x5d: {  	[tilespmem:$0x2810] =	vst v1;
	v1 =	vand.u32 $0x3FFF, v3  }
0x5e: {  	[tilespmem:$0x2820] =	vst v1;
	v1 =	vand.u32 $0x3FFF, v4  }
0x5f: {  	[tilespmem:$0x2830] =	vst v1  }
0x60: {  	[tilespmem:s19], [sflag:$0x1] =	stream.indirect.gather [hbm4b:s2+s20], $0x80, s21, s20, $0xb8;
	[tilespmem:$0x1E800] =	vst v63  }
0x61: {  	v1 =	vld [tilespmem:$0x40]  }
0x62: {  	v2 =	vld [tilespmem:$0x50]  }
0x63: {  	v3 =	vld [tilespmem:$0x60]  }
0x64: {  	v61 =	vld [tilespmem:$0x70];
	_ =	sdelay $0x1  }
0x65: {  	v1 =	vand.u32 $0x3FFF, v1  }
0x66: {  	[tilespmem:$0x2880] =	vst v1;
	v1 =	vand.u32 $0x3FFF, v2  }
0x67: {  	[tilespmem:$0x2890] =	vst v1;
	v1 =	vand.u32 $0x3FFF, v3  }
0x68: {  	[tilespmem:$0x28A0] =	vst v1;
	v1 =	vand.u32 $0x3FFF, v61  }
0x69: {  	[tilespmem:$0x28B0] =	vst v1  }
0x6a: {  	[tilespmem:s23], [sflag:$0x2] =	stream.indirect.gather [hbm4b:s2+s20], $0x80, s22, s20, $0xb8;
	[tilespmem:$0x1E800] =	vst v63  }
0x6b: {  	v1 =	vld [tilespmem:$0x80]  }
0x6c: {  	v2 =	vld [tilespmem:$0x90]  }
0x6d: {  	v3 =	vld [tilespmem:$0xA0]  }
0x6e: {  	v62 =	vld [tilespmem:$0xB0];
	_ =	sdelay $0x1  }
0x6f: {  	v1 =	vand.u32 $0x3FFF, v1  }
0x70: {  	[tilespmem:$0x2900] =	vst v1;
	v1 =	vand.u32 $0x3FFF, v2  }
0x71: {  	[tilespmem:$0x2910] =	vst v1;
	v1 =	vand.u32 $0x3FFF, v3  }
0x72: {  	[tilespmem:$0x2920] =	vst v1;
	v1 =	vand.u32 $0x3FFF, v62  }
0x73: {  	[tilespmem:$0x2930] =	vst v1  }
0x74: {  	[tilespmem:s25], [sflag:$0x3] =	stream.indirect.gather [hbm4b:s2+s20], $0x80, s24, s20, $0xb8;
	[tilespmem:$0x1E800] =	vst v63  }
0x75: {  	v1 =	vld [tilespmem:$0xC0]  }
0x76: {  	v2 =	vld [tilespmem:$0xD0]  }
0x77: {  	v3 =	vld [tilespmem:$0xE0]  }
0x78: {  	v63 =	vld [tilespmem:$0xF0];
	_ =	sdelay $0x1  }
0x79: {  	v1 =	vand.u32 $0x3FFF, v1  }
0x7a: {  	[tilespmem:$0x2980] =	vst v1;
	v1 =	vand.u32 $0x3FFF, v2  }
0x7b: {  	[tilespmem:$0x2990] =	vst v1;
	v1 =	vand.u32 $0x3FFF, v3  }
0x7c: {  	[tilespmem:$0x29A0] =	vst v1;
	v1 =	vand.u32 $0x3FFF, v63  }
0x7d: {  	[tilespmem:$0x29B0] =	vst v1  }
0x7e: {  	[tilespmem:s28], [sflag:$0x4] =	stream.indirect.gather [hbm4b:s2+s20], $0x80, s26, s20, $0xb8;
	[tilespmem:$0x1E800] =	vst v63  }
0x7f: {  	_ =	swait.ge [sflag:s29], $0x2000  }
0x80: {  	[sflag:s29] =	ssyncset.done $0x0  }
0x81: {  	s14 =	simm.s32 $0x0;
	[sflag:s29] =	ssyncadd.s32 $0xFFFFE000  }
0x82: {  	v1 =	vld [tilespmem:s14+$0x0];
	_ =	sdelay $0x4  }
0x83: {  	v1 =	vshrl.u32 v1, $0xE  }
0x84: {  	v1 =	vand.u32 $0x3FFF, v1  }
0x85: {  	[tilespmem:$0x2A00] =	vst v1  }
0x86: {  	v1 =	vld [tilespmem:s14+$0x10];
	_ =	sdelay $0x4  }
0x87: {  	v1 =	vshrl.u32 v1, $0xE  }
0x88: {  	v1 =	vand.u32 $0x3FFF, v1  }
0x89: {  	[tilespmem:$0x2A10] =	vst v1  }
0x8a: {  	v1 =	vld [tilespmem:s14+$0x20];
	_ =	sdelay $0x4  }
0x8b: {  	v1 =	vshrl.u32 v1, $0xE  }
0x8c: {  	v1 =	vand.u32 $0x3FFF, v1  }
0x8d: {  	[tilespmem:$0x2A20] =	vst v1  }
0x8e: {  	v1 =	vld [tilespmem:s14+$0x30];
	_ =	sdelay $0x4  }
0x8f: {  	v1 =	vshrl.u32 v1, $0xE  }
0x90: {  	v1 =	vand.u32 $0x3FFF, v1  }
0x91: {  	[tilespmem:$0x2A30] =	vst v1  }
0x92: {  	[spmem:s3] =	stream.indirect.scatter.add.f32 [tilespmem:s19], [sflag:$0x5], $0x80, s30, s20, $0xb8;
	[tilespmem:$0x1E800] =	vst v63  }
0x93: {  	_ =	swait.ge [sflag:s31], $0x2000  }
0x94: {  	[sflag:s31] =	ssyncset.done $0x0  }
0x95: {  	[sflag:s31] =	ssyncadd.s32 $0xFFFFE000  }
0x96: {  	v1 =	vld [tilespmem:s14+$0x40];
	_ =	sdelay $0x4  }
0x97: {  	v1 =	vshrl.u32 v1, $0xE  }
0x98: {  	v1 =	vand.u32 $0x3FFF, v1  }
0x99: {  	[tilespmem:$0x2A80] =	vst v1  }
0x9a: {  	v1 =	vld [tilespmem:s14+$0x50];
	_ =	sdelay $0x4  }
0x9b: {  	v1 =	vshrl.u32 v1, $0xE  }
0x9c: {  	v1 =	vand.u32 $0x3FFF, v1  }
0x9d: {  	[tilespmem:$0x2A90] =	vst v1  }
0x9e: {  	v1 =	vld [tilespmem:s14+$0x60];
	_ =	sdelay $0x4  }
0x9f: {  	v1 =	vshrl.u32 v1, $0xE  }
0xa0: {  	v1 =	vand.u32 $0x3FFF, v1  }
0xa1: {  	[tilespmem:$0x2AA0] =	vst v1  }
0xa2: {  	v1 =	vld [tilespmem:s14+$0x70];
	_ =	sdelay $0x4  }
0xa3: {  	v1 =	vshrl.u32 v1, $0xE  }
0xa4: {  	v1 =	vand.u32 $0x3FFF, v1  }
0xa5: {  	[tilespmem:$0x2AB0] =	vst v1  }
0xa6: {  	[spmem:s3] =	stream.indirect.scatter.add.f32 [tilespmem:s23], [sflag:$0x6], $0x80, s1, s20, $0xb8;
	[tilespmem:$0x1E800] =	vst v63  }
0xa7: {  	_ =	swait.ge [sflag:s4], $0x2000  }
0xa8: {  	[sflag:s4] =	ssyncset.done $0x0  }
0xa9: {  	[sflag:s4] =	ssyncadd.s32 $0xFFFFE000  }
0xaa: {  	v1 =	vld [tilespmem:s14+$0x80];
	_ =	sdelay $0x4  }
0xab: {  	v1 =	vshrl.u32 v1, $0xE  }
0xac: {  	v1 =	vand.u32 $0x3FFF, v1  }
0xad: {  	[tilespmem:$0x2B00] =	vst v1  }
0xae: {  	v1 =	vld [tilespmem:s14+$0x90];
	_ =	sdelay $0x4  }
0xaf: {  	v1 =	vshrl.u32 v1, $0xE  }
0xb0: {  	v1 =	vand.u32 $0x3FFF, v1  }
0xb1: {  	[tilespmem:$0x2B10] =	vst v1  }
0xb2: {  	v1 =	vld [tilespmem:s14+$0xA0];
	_ =	sdelay $0x4  }
0xb3: {  	v1 =	vshrl.u32 v1, $0xE  }
0xb4: {  	v1 =	vand.u32 $0x3FFF, v1  }
0xb5: {  	[tilespmem:$0x2B20] =	vst v1  }
0xb6: {  	v1 =	vld [tilespmem:s14+$0xB0];
	_ =	sdelay $0x4  }
0xb7: {  	v1 =	vshrl.u32 v1, $0xE  }
0xb8: {  	v1 =	vand.u32 $0x3FFF, v1  }
0xb9: {  	[tilespmem:$0x2B30] =	vst v1  }
0xba: {  	[spmem:s3] =	stream.indirect.scatter.add.f32 [tilespmem:s25], [sflag:$0x7], $0x80, s0, s20, $0xb8;
	[tilespmem:$0x1E800] =	vst v63  }
0xbb: {  	_ =	swait.ge [sflag:s6], $0x2000  }
0xbc: {  	[sflag:s6] =	ssyncset.done $0x0  }
0xbd: {  	[sflag:s6] =	ssyncadd.s32 $0xFFFFE000  }
0xbe: {  	v1 =	vld [tilespmem:s14+$0xC0];
	_ =	sdelay $0x4  }
0xbf: {  	v1 =	vshrl.u32 v1, $0xE  }
0xc0: {  	v1 =	vand.u32 $0x3FFF, v1  }
0xc1: {  	[tilespmem:$0x2B80] =	vst v1  }
0xc2: {  	v1 =	vld [tilespmem:s14+$0xD0];
	_ =	sdelay $0x4  }
0xc3: {  	v1 =	vshrl.u32 v1, $0xE  }
0xc4: {  	v1 =	vand.u32 $0x3FFF, v1  }
0xc5: {  	[tilespmem:$0x2B90] =	vst v1  }
0xc6: {  	v1 =	vld [tilespmem:s14+$0xE0];
	_ =	sdelay $0x4  }
0xc7: {  	v1 =	vshrl.u32 v1, $0xE  }
0xc8: {  	v1 =	vand.u32 $0x3FFF, v1  }
0xc9: {  	[tilespmem:$0x2BA0] =	vst v1  }
0xca: {  	v1 =	vld [tilespmem:s14+$0xF0];
	_ =	sdelay $0x4  }
0xcb: {  	v1 =	vshrl.u32 v1, $0xE  }
0xcc: {  	v1 =	vand.u32 $0x3FFF, v1  }
0xcd: {  	[tilespmem:$0x2BB0] =	vst v1  }
0xce: {  	[spmem:s3] =	stream.indirect.scatter.add.f32 [tilespmem:s28], [sflag:$0x8], $0x80, s7, s20, $0xb8;
	[tilespmem:$0x1E800] =	vst v63  }
0xcf: {  	_ =	swait.ge [sflag:s8], $0x2000  }
0xd0: {  	[sflag:s8] =	ssyncset.done $0x0  }
0xd1: {  	[sflag:s8] =	ssyncadd.s32 $0xFFFFE000  }
0xd2: {  	v1 =	vld [tilespmem:s14+$0x100];
	_ =	sdelay $0x4  }
0xd3: {  	v1 =	vand.u32 $0x3FFF, v1  }
0xd4: {  	[tilespmem:$0x2800] =	vst v1  }
0xd5: {  	v1 =	vld [tilespmem:s14+$0x110];
	_ =	sdelay $0x4  }
0xd6: {  	v1 =	vand.u32 $0x3FFF, v1  }
0xd7: {  	[tilespmem:$0x2810] =	vst v1  }
0xd8: {  	v1 =	vld [tilespmem:s14+$0x120];
	_ =	sdelay $0x4  }
0xd9: {  	v1 =	vand.u32 $0x3FFF, v1  }
0xda: {  	[tilespmem:$0x2820] =	vst v1  }
0xdb: {  	v1 =	vld [tilespmem:s14+$0x130];
	_ =	sdelay $0x4  }
0xdc: {  	v1 =	vand.u32 $0x3FFF, v1  }
0xdd: {  	[tilespmem:$0x2830] =	vst v1  }
0xde: {  	[tilespmem:s19], [sflag:$0x1] =	stream.indirect.gather [hbm4b:s2+s20], $0x80, s21, s20, $0xb8;
	[tilespmem:$0x1E800] =	vst v63  }
0xdf: {  	_ =	swait.ge [sflag:s9], $0x2000  }
0xe0: {  	[sflag:s9] =	ssyncset.done $0x0  }
0xe1: {  	[sflag:s9] =	ssyncadd.s32 $0xFFFFE000  }
0xe2: {  	v1 =	vld [tilespmem:s14+$0x140];
	_ =	sdelay $0x4  }
0xe3: {  	v1 =	vand.u32 $0x3FFF, v1  }
0xe4: {  	[tilespmem:$0x2880] =	vst v1  }
0xe5: {  	v1 =	vld [tilespmem:s14+$0x150];
	_ =	sdelay $0x4  }
0xe6: {  	v1 =	vand.u32 $0x3FFF, v1  }
0xe7: {  	[tilespmem:$0x2890] =	vst v1  }
0xe8: {  	v1 =	vld [tilespmem:s14+$0x160];
	_ =	sdelay $0x4  }
0xe9: {  	v1 =	vand.u32 $0x3FFF, v1  }
0xea: {  	[tilespmem:$0x28A0] =	vst v1  }
0xeb: {  	v1 =	vld [tilespmem:s14+$0x170];
	_ =	sdelay $0x4  }
0xec: {  	v1 =	vand.u32 $0x3FFF, v1  }
0xed: {  	[tilespmem:$0x28B0] =	vst v1  }
0xee: {  	[tilespmem:s23], [sflag:$0x2] =	stream.indirect.gather [hbm4b:s2+s20], $0x80, s22, s20, $0xb8;
	[tilespmem:$0x1E800] =	vst v63  }
0xef: {  	_ =	swait.ge [sflag:s10], $0x2000  }
0xf0: {  	[sflag:s10] =	ssyncset.done $0x0  }
0xf1: {  	[sflag:s10] =	ssyncadd.s32 $0xFFFFE000  }
0xf2: {  	v1 =	vld [tilespmem:s14+$0x180];
	_ =	sdelay $0x4  }
0xf3: {  	v1 =	vand.u32 $0x3FFF, v1  }
0xf4: {  	[tilespmem:$0x2900] =	vst v1  }
0xf5: {  	v1 =	vld [tilespmem:s14+$0x190];
	_ =	sdelay $0x4  }
0xf6: {  	v1 =	vand.u32 $0x3FFF, v1  }
0xf7: {  	[tilespmem:$0x2910] =	vst v1  }
0xf8: {  	v1 =	vld [tilespmem:s14+$0x1A0];
	_ =	sdelay $0x4  }
0xf9: {  	v1 =	vand.u32 $0x3FFF, v1  }
0xfa: {  	[tilespmem:$0x2920] =	vst v1  }
0xfb: {  	v1 =	vld [tilespmem:s14+$0x1B0];
	_ =	sdelay $0x4  }
0xfc: {  	v1 =	vand.u32 $0x3FFF, v1  }
0xfd: {  	[tilespmem:$0x2930] =	vst v1  }
0xfe: {  	[tilespmem:s25], [sflag:$0x3] =	stream.indirect.gather [hbm4b:s2+s20], $0x80, s24, s20, $0xb8;
	[tilespmem:$0x1E800] =	vst v63  }
0xff: {  	_ =	swait.ge [sflag:s11], $0x2000  }
0x100: {  	[sflag:s11] =	ssyncset.done $0x0  }
0x101: {  	[sflag:s11] =	ssyncadd.s32 $0xFFFFE000  }
0x102: {  	v1 =	vld [tilespmem:s14+$0x1C0];
	_ =	sdelay $0x4  }
0x103: {  	v1 =	vand.u32 $0x3FFF, v1  }
0x104: {  	[tilespmem:$0x2980] =	vst v1  }
0x105: {  	v1 =	vld [tilespmem:s14+$0x1D0];
	_ =	sdelay $0x4  }
0x106: {  	v1 =	vand.u32 $0x3FFF, v1  }
0x107: {  	[tilespmem:$0x2990] =	vst v1  }
0x108: {  	v1 =	vld [tilespmem:s14+$0x1E0];
	_ =	sdelay $0x4  }
0x109: {  	v1 =	vand.u32 $0x3FFF, v1  }
0x10a: {  	[tilespmem:$0x29A0] =	vst v1  }
0x10b: {  	v1 =	vld [tilespmem:s14+$0x1F0];
	_ =	sdelay $0x4  }
0x10c: {  	v1 =	vand.u32 $0x3FFF, v1  }
0x10d: {  	s13 =	simm.s32 $0x400;
	[tilespmem:$0x29B0] =	vst v1  }
.LBB2_4:
0x10e: {  	[tilespmem:s28], [sflag:$0x4] =	stream.indirect.gather [hbm4b:s2+s20], $0x80, s26, s20, $0xb8;
	[tilespmem:$0x1E800] =	vst v63  }
0x10f: {  	s14 =	smov.u32 s13  }
0x110: {  	p0 =	sne.s32 s13, $0x9800;
	s13 =	sadd.s32 $0x400, s13;
	_ =	swait.ge [sflag:s29], $0x2000  }
0x111: {  	[sflag:s29] =	ssyncset.done $0x0  }
0x112: {  	s14 =	sshra.s32 s14, $0x2;
	[sflag:s29] =	ssyncadd.s32 $0xFFFFE000  }
0x113: {  	v1 =	vld [tilespmem:s14+$0x0];
	_ =	sdelay $0x4  }
0x114: {  	v1 =	vshrl.u32 v1, $0xE  }
0x115: {  	v1 =	vand.u32 $0x3FFF, v1  }
0x116: {  	[tilespmem:$0x2A00] =	vst v1  }
0x117: {  	v1 =	vld [tilespmem:s14+$0x10];
	_ =	sdelay $0x4  }
0x118: {  	v1 =	vshrl.u32 v1, $0xE  }
0x119: {  	v1 =	vand.u32 $0x3FFF, v1  }
0x11a: {  	[tilespmem:$0x2A10] =	vst v1  }
0x11b: {  	v1 =	vld [tilespmem:s14+$0x20];
	_ =	sdelay $0x4  }
0x11c: {  	v1 =	vshrl.u32 v1, $0xE  }
0x11d: {  	v1 =	vand.u32 $0x3FFF, v1  }
0x11e: {  	[tilespmem:$0x2A20] =	vst v1  }
0x11f: {  	v1 =	vld [tilespmem:s14+$0x30];
	_ =	sdelay $0x4  }
0x120: {  	v1 =	vshrl.u32 v1, $0xE  }
0x121: {  	v1 =	vand.u32 $0x3FFF, v1  }
0x122: {  	[tilespmem:$0x2A30] =	vst v1  }
0x123: {  	[spmem:s3] =	stream.indirect.scatter.add.f32 [tilespmem:s19], [sflag:$0x5], $0x80, s30, s20, $0xb8;
	[tilespmem:$0x1E800] =	vst v63  }
0x124: {  	_ =	swait.ge [sflag:s31], $0x2000  }
0x125: {  	[sflag:s31] =	ssyncset.done $0x0  }
0x126: {  	[sflag:s31] =	ssyncadd.s32 $0xFFFFE000  }
0x127: {  	v1 =	vld [tilespmem:s14+$0x40];
	_ =	sdelay $0x4  }
0x128: {  	v1 =	vshrl.u32 v1, $0xE  }
0x129: {  	v1 =	vand.u32 $0x3FFF, v1  }
0x12a: {  	[tilespmem:$0x2A80] =	vst v1  }
0x12b: {  	v1 =	vld [tilespmem:s14+$0x50];
	_ =	sdelay $0x4  }
0x12c: {  	v1 =	vshrl.u32 v1, $0xE  }
0x12d: {  	v1 =	vand.u32 $0x3FFF, v1  }
0x12e: {  	[tilespmem:$0x2A90] =	vst v1  }
0x12f: {  	v1 =	vld [tilespmem:s14+$0x60];
	_ =	sdelay $0x4  }
0x130: {  	v1 =	vshrl.u32 v1, $0xE  }
0x131: {  	v1 =	vand.u32 $0x3FFF, v1  }
0x132: {  	[tilespmem:$0x2AA0] =	vst v1  }
0x133: {  	v1 =	vld [tilespmem:s14+$0x70];
	_ =	sdelay $0x4  }
0x134: {  	v1 =	vshrl.u32 v1, $0xE  }
0x135: {  	v1 =	vand.u32 $0x3FFF, v1  }
0x136: {  	[tilespmem:$0x2AB0] =	vst v1  }
0x137: {  	[spmem:s3] =	stream.indirect.scatter.add.f32 [tilespmem:s23], [sflag:$0x6], $0x80, s1, s20, $0xb8;
	[tilespmem:$0x1E800] =	vst v63  }
0x138: {  	_ =	swait.ge [sflag:s4], $0x2000  }
0x139: {  	[sflag:s4] =	ssyncset.done $0x0  }
0x13a: {  	[sflag:s4] =	ssyncadd.s32 $0xFFFFE000  }
0x13b: {  	v1 =	vld [tilespmem:s14+$0x80];
	_ =	sdelay $0x4  }
0x13c: {  	v1 =	vshrl.u32 v1, $0xE  }
0x13d: {  	v1 =	vand.u32 $0x3FFF, v1  }
0x13e: {  	[tilespmem:$0x2B00] =	vst v1  }
0x13f: {  	v1 =	vld [tilespmem:s14+$0x90];
	_ =	sdelay $0x4  }
0x140: {  	v1 =	vshrl.u32 v1, $0xE  }
0x141: {  	v1 =	vand.u32 $0x3FFF, v1  }
0x142: {  	[tilespmem:$0x2B10] =	vst v1  }
0x143: {  	v1 =	vld [tilespmem:s14+$0xA0];
	_ =	sdelay $0x4  }
0x144: {  	v1 =	vshrl.u32 v1, $0xE  }
0x145: {  	v1 =	vand.u32 $0x3FFF, v1  }
0x146: {  	[tilespmem:$0x2B20] =	vst v1  }
0x147: {  	v1 =	vld [tilespmem:s14+$0xB0];
	_ =	sdelay $0x4  }
0x148: {  	v1 =	vshrl.u32 v1, $0xE  }
0x149: {  	v1 =	vand.u32 $0x3FFF, v1  }
0x14a: {  	[tilespmem:$0x2B30] =	vst v1  }
0x14b: {  	[spmem:s3] =	stream.indirect.scatter.add.f32 [tilespmem:s25], [sflag:$0x7], $0x80, s0, s20, $0xb8;
	[tilespmem:$0x1E800] =	vst v63  }
0x14c: {  	_ =	swait.ge [sflag:s6], $0x2000  }
0x14d: {  	[sflag:s6] =	ssyncset.done $0x0  }
0x14e: {  	[sflag:s6] =	ssyncadd.s32 $0xFFFFE000  }
0x14f: {  	v1 =	vld [tilespmem:s14+$0xC0];
	_ =	sdelay $0x4  }
0x150: {  	v1 =	vshrl.u32 v1, $0xE  }
0x151: {  	v1 =	vand.u32 $0x3FFF, v1  }
0x152: {  	[tilespmem:$0x2B80] =	vst v1  }
0x153: {  	v1 =	vld [tilespmem:s14+$0xD0];
	_ =	sdelay $0x4  }
0x154: {  	v1 =	vshrl.u32 v1, $0xE  }
0x155: {  	v1 =	vand.u32 $0x3FFF, v1  }
0x156: {  	[tilespmem:$0x2B90] =	vst v1  }
0x157: {  	v1 =	vld [tilespmem:s14+$0xE0];
	_ =	sdelay $0x4  }
0x158: {  	v1 =	vshrl.u32 v1, $0xE  }
0x159: {  	v1 =	vand.u32 $0x3FFF, v1  }
0x15a: {  	[tilespmem:$0x2BA0] =	vst v1  }
0x15b: {  	v1 =	vld [tilespmem:s14+$0xF0];
	_ =	sdelay $0x4  }
0x15c: {  	v1 =	vshrl.u32 v1, $0xE  }
0x15d: {  	v1 =	vand.u32 $0x3FFF, v1  }
0x15e: {  	[tilespmem:$0x2BB0] =	vst v1  }
0x15f: {  	[spmem:s3] =	stream.indirect.scatter.add.f32 [tilespmem:s28], [sflag:$0x8], $0x80, s7, s20, $0xb8;
	[tilespmem:$0x1E800] =	vst v63  }
0x160: {  	_ =	swait.ge [sflag:s8], $0x2000  }
0x161: {  	[sflag:s8] =	ssyncset.done $0x0  }
0x162: {  	[sflag:s8] =	ssyncadd.s32 $0xFFFFE000  }
0x163: {  	v1 =	vld [tilespmem:s14+$0x100];
	_ =	sdelay $0x4  }
0x164: {  	v1 =	vand.u32 $0x3FFF, v1  }
0x165: {  	[tilespmem:$0x2800] =	vst v1  }
0x166: {  	v1 =	vld [tilespmem:s14+$0x110];
	_ =	sdelay $0x4  }
0x167: {  	v1 =	vand.u32 $0x3FFF, v1  }
0x168: {  	[tilespmem:$0x2810] =	vst v1  }
0x169: {  	v1 =	vld [tilespmem:s14+$0x120];
	_ =	sdelay $0x4  }
0x16a: {  	v1 =	vand.u32 $0x3FFF, v1  }
0x16b: {  	[tilespmem:$0x2820] =	vst v1  }
0x16c: {  	v1 =	vld [tilespmem:s14+$0x130];
	_ =	sdelay $0x4  }
0x16d: {  	v1 =	vand.u32 $0x3FFF, v1  }
0x16e: {  	[tilespmem:$0x2830] =	vst v1  }
0x16f: {  	[tilespmem:s19], [sflag:$0x1] =	stream.indirect.gather [hbm4b:s2+s20], $0x80, s21, s20, $0xb8;
	[tilespmem:$0x1E800] =	vst v63  }
0x170: {  	_ =	swait.ge [sflag:s9], $0x2000  }
0x171: {  	[sflag:s9] =	ssyncset.done $0x0  }
0x172: {  	[sflag:s9] =	ssyncadd.s32 $0xFFFFE000  }
0x173: {  	v1 =	vld [tilespmem:s14+$0x140];
	_ =	sdelay $0x4  }
0x174: {  	v1 =	vand.u32 $0x3FFF, v1  }
0x175: {  	[tilespmem:$0x2880] =	vst v1  }
0x176: {  	v1 =	vld [tilespmem:s14+$0x150];
	_ =	sdelay $0x4  }
0x177: {  	v1 =	vand.u32 $0x3FFF, v1  }
0x178: {  	[tilespmem:$0x2890] =	vst v1  }
0x179: {  	v1 =	vld [tilespmem:s14+$0x160];
	_ =	sdelay $0x4  }
0x17a: {  	v1 =	vand.u32 $0x3FFF, v1  }
0x17b: {  	[tilespmem:$0x28A0] =	vst v1  }
0x17c: {  	v1 =	vld [tilespmem:s14+$0x170];
	_ =	sdelay $0x4  }
0x17d: {  	v1 =	vand.u32 $0x3FFF, v1  }
0x17e: {  	[tilespmem:$0x28B0] =	vst v1  }
0x17f: {  	[tilespmem:s23], [sflag:$0x2] =	stream.indirect.gather [hbm4b:s2+s20], $0x80, s22, s20, $0xb8;
	[tilespmem:$0x1E800] =	vst v63  }
0x180: {  	_ =	swait.ge [sflag:s10], $0x2000  }
0x181: {  	[sflag:s10] =	ssyncset.done $0x0  }
0x182: {  	[sflag:s10] =	ssyncadd.s32 $0xFFFFE000  }
0x183: {  	v1 =	vld [tilespmem:s14+$0x180];
	_ =	sdelay $0x4  }
0x184: {  	v1 =	vand.u32 $0x3FFF, v1  }
0x185: {  	[tilespmem:$0x2900] =	vst v1  }
0x186: {  	v1 =	vld [tilespmem:s14+$0x190];
	_ =	sdelay $0x4  }
0x187: {  	v1 =	vand.u32 $0x3FFF, v1  }
0x188: {  	[tilespmem:$0x2910] =	vst v1  }
0x189: {  	v1 =	vld [tilespmem:s14+$0x1A0];
	_ =	sdelay $0x4  }
0x18a: {  	v1 =	vand.u32 $0x3FFF, v1  }
0x18b: {  	[tilespmem:$0x2920] =	vst v1  }
0x18c: {  	v1 =	vld [tilespmem:s14+$0x1B0];
	_ =	sdelay $0x4  }
0x18d: {  	v1 =	vand.u32 $0x3FFF, v1  }
0x18e: {  	[tilespmem:$0x2930] =	vst v1  }
0x18f: {  	[tilespmem:s25], [sflag:$0x3] =	stream.indirect.gather [hbm4b:s2+s20], $0x80, s24, s20, $0xb8;
	[tilespmem:$0x1E800] =	vst v63  }
0x190: {  	_ =	swait.ge [sflag:s11], $0x2000  }
0x191: {  	[sflag:s11] =	ssyncset.done $0x0  }
0x192: {  	[sflag:s11] =	ssyncadd.s32 $0xFFFFE000  }
0x193: {  	v1 =	vld [tilespmem:s14+$0x1C0];
	_ =	sdelay $0x4  }
0x194: {  	v1 =	vand.u32 $0x3FFF, v1  }
0x195: {  	[tilespmem:$0x2980] =	vst v1  }
0x196: {  	v1 =	vld [tilespmem:s14+$0x1D0];
	_ =	sdelay $0x4  }
0x197: {  	v1 =	vand.u32 $0x3FFF, v1  }
0x198: {  	[tilespmem:$0x2990] =	vst v1  }
0x199: {  	v1 =	vld [tilespmem:s14+$0x1E0];
	_ =	sdelay $0x4  }
0x19a: {  	v1 =	vand.u32 $0x3FFF, v1  }
0x19b: {  	[tilespmem:$0x29A0] =	vst v1  }
0x19c: {  	v1 =	vld [tilespmem:s14+$0x1F0];
	_ =	sdelay $0x1  }
.Ltmp1:
0x19d: {  	(pc) =	sbr.rel @p0 .LBB2_4-.Ltmp1, $3  }
0x19e: {  	_ =	sdelay $0x1  }
0x19f: {  	v1 =	vand.u32 $0x3FFF, v1  }
0x1a0: {  	[tilespmem:$0x29B0] =	vst v1  }
0x1a1: {  	[tilespmem:s28], [sflag:$0x4] =	stream.indirect.gather [hbm4b:s2+s20], $0x80, s26, s20, $0xb8;
	[tilespmem:$0x1E800] =	vst v63  }
0x1a2: {  	_ =	swait.ge [sflag:s29], $0x2000  }
0x1a3: {  	[sflag:s29] =	ssyncset.done $0x0  }
0x1a4: {  	[sflag:s29] =	ssyncadd.s32 $0xFFFFE000  }
0x1a5: {  	v1 =	vld [tilespmem:$0x2700]  }
0x1a6: {  	v2 =	vld [tilespmem:$0x2710]  }
0x1a7: {  	v3 =	vld [tilespmem:$0x2720]  }
0x1a8: {  	v4 =	vld [tilespmem:$0x2730];
	_ =	sdelay $0x1  }
0x1a9: {  	v1 =	vshrl.u32 v1, $0xE  }
0x1aa: {  	v2 =	vshrl.u32 v2, $0xE;
	v1 =	vand.u32 $0x3FFF, v1  }
0x1ab: {  	[tilespmem:$0x2A00] =	vst v1;
	v1 =	vand.u32 $0x3FFF, v2;
	v2 =	vshrl.u32 v3, $0xE  }
0x1ac: {  	[tilespmem:$0x2A10] =	vst v1;
	v1 =	vand.u32 $0x3FFF, v2;
	v2 =	vshrl.u32 v4, $0xE  }
0x1ad: {  	[tilespmem:$0x2A20] =	vst v1;
	v1 =	vand.u32 $0x3FFF, v2  }
0x1ae: {  	[tilespmem:$0x2A30] =	vst v1  }
0x1af: {  	[spmem:s3] =	stream.indirect.scatter.add.f32 [tilespmem:s19], [sflag:$0x5], $0x80, s30, s20, $0xb8;
	[tilespmem:$0x1E800] =	vst v63  }
0x1b0: {  	_ =	swait.ge [sflag:s31], $0x2000  }
0x1b1: {  	[sflag:s31] =	ssyncset.done $0x0  }
0x1b2: {  	[sflag:s31] =	ssyncadd.s32 $0xFFFFE000  }
0x1b3: {  	v1 =	vld [tilespmem:$0x2740]  }
0x1b4: {  	v2 =	vld [tilespmem:$0x2750]  }
0x1b5: {  	v3 =	vld [tilespmem:$0x2760]  }
0x1b6: {  	v61 =	vld [tilespmem:$0x2770];
	_ =	sdelay $0x1  }
0x1b7: {  	v1 =	vshrl.u32 v1, $0xE  }
0x1b8: {  	v2 =	vshrl.u32 v2, $0xE;
	v1 =	vand.u32 $0x3FFF, v1  }
0x1b9: {  	[tilespmem:$0x2A80] =	vst v1;
	v1 =	vand.u32 $0x3FFF, v2;
	v2 =	vshrl.u32 v3, $0xE  }
0x1ba: {  	[tilespmem:$0x2A90] =	vst v1;
	v1 =	vand.u32 $0x3FFF, v2;
	v2 =	vshrl.u32 v61, $0xE  }
0x1bb: {  	[tilespmem:$0x2AA0] =	vst v1;
	v1 =	vand.u32 $0x3FFF, v2  }
0x1bc: {  	[tilespmem:$0x2AB0] =	vst v1  }
0x1bd: {  	[spmem:s3] =	stream.indirect.scatter.add.f32 [tilespmem:s23], [sflag:$0x6], $0x80, s1, s20, $0xb8;
	[tilespmem:$0x1E800] =	vst v63  }
0x1be: {  	_ =	swait.ge [sflag:s4], $0x2000  }
0x1bf: {  	[sflag:s4] =	ssyncset.done $0x0  }
0x1c0: {  	[sflag:s4] =	ssyncadd.s32 $0xFFFFE000  }
0x1c1: {  	v1 =	vld [tilespmem:$0x2780]  }
0x1c2: {  	v2 =	vld [tilespmem:$0x2790]  }
0x1c3: {  	v3 =	vld [tilespmem:$0x27A0]  }
0x1c4: {  	v62 =	vld [tilespmem:$0x27B0];
	_ =	sdelay $0x1  }
0x1c5: {  	v1 =	vshrl.u32 v1, $0xE  }
0x1c6: {  	v2 =	vshrl.u32 v2, $0xE;
	v1 =	vand.u32 $0x3FFF, v1  }
0x1c7: {  	[tilespmem:$0x2B00] =	vst v1;
	v1 =	vand.u32 $0x3FFF, v2;
	v2 =	vshrl.u32 v3, $0xE  }
0x1c8: {  	[tilespmem:$0x2B10] =	vst v1;
	v1 =	vand.u32 $0x3FFF, v2;
	v2 =	vshrl.u32 v62, $0xE  }
0x1c9: {  	[tilespmem:$0x2B20] =	vst v1;
	v1 =	vand.u32 $0x3FFF, v2  }
0x1ca: {  	[tilespmem:$0x2B30] =	vst v1  }
0x1cb: {  	[spmem:s3] =	stream.indirect.scatter.add.f32 [tilespmem:s25], [sflag:$0x7], $0x80, s0, s20, $0xb8;
	[tilespmem:$0x1E800] =	vst v63  }
0x1cc: {  	_ =	swait.ge [sflag:s6], $0x2000  }
0x1cd: {  	[sflag:s6] =	ssyncset.done $0x0  }
0x1ce: {  	[sflag:s6] =	ssyncadd.s32 $0xFFFFE000  }
0x1cf: {  	v1 =	vld [tilespmem:$0x27C0]  }
0x1d0: {  	v2 =	vld [tilespmem:$0x27D0]  }
0x1d1: {  	v3 =	vld [tilespmem:$0x27E0]  }
0x1d2: {  	v63 =	vld [tilespmem:$0x27F0];
	_ =	sdelay $0x1  }
0x1d3: {  	v1 =	vshrl.u32 v1, $0xE  }
0x1d4: {  	v2 =	vshrl.u32 v2, $0xE;
	v1 =	vand.u32 $0x3FFF, v1  }
0x1d5: {  	[tilespmem:$0x2B80] =	vst v1;
	v1 =	vand.u32 $0x3FFF, v2;
	v2 =	vshrl.u32 v3, $0xE  }
0x1d6: {  	[tilespmem:$0x2B90] =	vst v1;
	v1 =	vand.u32 $0x3FFF, v2;
	v2 =	vshrl.u32 v63, $0xE  }
0x1d7: {  	[tilespmem:$0x2BA0] =	vst v1;
	v1 =	vand.u32 $0x3FFF, v2  }
0x1d8: {  	[tilespmem:$0x2BB0] =	vst v1  }
0x1d9: {  	[spmem:s3] =	stream.indirect.scatter.add.f32 [tilespmem:s28], [sflag:$0x8], $0x80, s7, s20, $0xb8;
	[tilespmem:$0x1E800] =	vst v63  }
0x1da: {  	_ =	swait.ge [sflag:s8], $0x2000  }
0x1db: {  	[sflag:s8] =	ssyncset.done $0x0  }
0x1dc: {  	[sflag:s8] =	ssyncadd.s32 $0xFFFFE000  }
0x1dd: {  	_ =	swait.ge [sflag:s9], $0x2000  }
0x1de: {  	[sflag:s9] =	ssyncset.done $0x0  }
0x1df: {  	[sflag:s9] =	ssyncadd.s32 $0xFFFFE000  }
0x1e0: {  	_ =	swait.ge [sflag:s10], $0x2000  }
0x1e1: {  	[sflag:s10] =	ssyncset.done $0x0  }
0x1e2: {  	[sflag:s10] =	ssyncadd.s32 $0xFFFFE000  }
0x1e3: {  	s13 =	stileid.u32;
	_ =	swait.ge [sflag:s11], $0x2000  }
0x1e4: {  	s14 =	sshrl.u32 s5, $0x3;
	s12 =	sadd.s32 $0x1, s12;
	[sflag:s11] =	ssyncset.done $0x0  }
0x1e5: {  	s13 =	sshll.u32 s13, $0x6;
	p0 =	sne.s32 s12, s17;
	[sflag:s11] =	ssyncadd.s32 $0xFFFFE000  }
.Ltmp2:
0x1e6: {  	s13 =	sor.u32 $0x1C09, s13;
	[bflag:$0x0] =	sbarrier.arrive $0xFFFF;
	(pc) =	sbr.rel @p0 .LBB2_1-.Ltmp2, $4  }
0x1e7: {  	[hbm:s16], [sflag:s13] =	dma.local [spmem:s14], $0x2780  }
0x1e8: {  	_ =	swait.ge [sflag:s18], $0x2780  }
0x1e9: {  	[sflag:s18] =	ssyncset.done $0x0  }
0x1ea: {  	[sflag:s18] =	ssyncadd.s32 $0xFFFFD880  }
0x1eb: {  	_ =	sfence.sel $0x180000  }
0x1ec: {  	[bflag:$0x0] =	sbarrier.arrive $0xFFFF  }
0x1ed: {  	_ =	strace $0x9000004A  }
0x1ee: {  	s0 =	stileid.u32;
	[bflag:$0x2] =	sbarrier.arrive $0xFFFF  }
0x1ef: {  	p0 =	sne.s32 s0, $0x0;
	s0 =	rddreg [dreg:$0x3]  }
0x1f0: {  	s0 =	sadd.s32 @!p0 $0x100000, s0  }
0x1f1: {  	[sflag:s0] =	ssyncadd.tile.s32 @!p0 $0x1;
	_ =	shalt  }
.Lfunc_end2:
_tile_overlayer_lowered:
.L_overlay_start_2:
0x1f2: {  	(tag) =	ssettag $0x2  }
0x1f3: {  	s0 =	rddreg [dreg:$0x0];
	s2 =	stileid.u32  }
0x1f4: {  	s1 =	rddreg [dreg:$0x1];
	p0 =	sne.s32 s2, $0x0  }
0x1f5: {  	s3 =	rddreg [dreg:$0x2];
	[bflag:$0x3] =	sbarrier.arrive $0xFFFF;
	s2 =	simm.s32 @!p0 $0x1C09  }
0x1f6: {  	[timem:s3], [sflag:s2] =	dma.local @!p0 [hbm:s0], s1  }
0x1f7: {  	s0 =	simm.s32 @!p0 $0x9  }
0x1f8: {  	_ =	swait.ge @!p0 [sflag:s0], s1  }
0x1f9: {  	s1 =	ssub.s32 @!p0 $0x0, s1;
	[sflag:s0] =	ssyncset.done @!p0 $0x0  }
0x1fa: {  	[sflag:s0] =	ssyncadd.s32 @!p0 s1  }
0x1fb: {  	[bflag:$0x3] =	sbarrier.arrive $0xFFFF  }
0x1fc: {  	_ =	shalt  }

// kernel: kernel.9.cloned.1.call-start
scs
__scs_entry_jumppad:
0x0: {  	(pc) =	sbr.rel $0x88, $3  }
0x1: {  	(tag) =	ssettag $0x0;
	lr =	simm.s32 $0x1  }
0x2: {  	[smem:$0x3F9B] =	sst lr;
	_ =	strace $0xD0000000  }
0x3: {  	_ = 	snop  }
0x4: {  	_ = 	snop  }
0x5: {  	_ = 	snop  }
0x6: {  	_ = 	snop  }
0x7: {  	_ = 	snop  }
__scs_overlays_trampoline_lowered:
0x8: {  	[smem:$0x3FAA] =	sst s0  }
0x9: {  	[smem:$0x3FAB] =	sst s1  }
0xa: {  	[smem:$0x3FAC] =	sst s2  }
0xb: {  	[smem:$0x3FAD] =	sst s3  }
0xc: {  	[smem:$0x3FAE] =	sst s4  }
0xd: {  	[smem:$0x3FAF] =	sst s5  }
0xe: {  	[smem:$0x3FB0] =	sst s6  }
0xf: {  	[smem:$0x3FB1] =	sst s7  }
0x10: {  	[smem:$0x3FB2] =	sst s8  }
0x11: {  	[smem:$0x3FB3] =	sst s9;
	s0 =	simm.s32 @!p0 $0x0  }
0x12: {  	s1 =	sld [smem:$0x3F99];
	s0 =	simm.s32 @p0 $0x1  }
0x13: {  	[smem:$0x3FB4] =	sst s0;
	s0 =	simm.s32 @!p1 $0x0  }
0x14: {  	s2 =	sld [smem:$0x3F98];
	s0 =	simm.s32 @p1 $0x1  }
0x15: {  	[smem:$0x3FB5] =	sst s0;
	s0 =	simm.s32 @!p2 $0x0  }
0x16: {  	s3 =	sld [smem:$0x3FDB];
	s0 =	simm.s32 @p2 $0x1  }
0x17: {  	s4 =	simm.s32 $0x1BF5;
	[smem:$0x3FB7] =	sst s0  }
0x18: {  	s0 =	sld [smem:$0x3F9A];
	_ =	swait.ge [sflag:s4], $0x0  }
0x19: {  	s7 =	sld [smem:$0x3F9B]  }
0x1a: {  	s8 =	sadd.s32 $0xFFFFE003, lr  }
0x1b: {  	s9 =	sadd.s32 $0xFFFFFEF7, lr;
	s5 =	simm.s32 $0xFFFFFFFF;
	p2 =	slt.u32 s8, $0xFFFFF086  }
0x1c: {  	p1 =	slt.u32 s9, $0xF7A;
	s5 =	simm.s32 @!p2 $0x0  }
0x1d: {  	s5 =	simm.s32 @p1 $0x1;
	p0 =	seq.s32 s7, s2  }
0x1e: {  	s7 =	smul.u32 @!p0 $0xF7A, s2;
	p2 =	seq.s32 @!p0 s5, $0x0  }
0x1f: {  	s9 =	smul.u32 $0xF7A, s1;
	s8 =	simm.s32 @!p0 $0x1BF5;
	p2 =	por !p2, p0  }
0x20: {  	[sflag:s8] =	ssyncset.s32 @!p0 $0xFFFFF086;
	s6 =	sadd.s32 @!p0 s3, s7;
	s7 =	simm.s32 @!p0 $0x108  }
0x21: {  	s3 =	sadd.s32 s3, s9;
	s6 =	sadd.s32 @!p0 $0x88, s6;
	s7 =	simm.s32 @p2 $0x1082  }
0x22: {  	[simem:s7], [sflag:s8] =	dma.local @!p0 [hbm:s6], $0xF7A  }
0x23: {  	s9 =	sor.u32 $0xD0000000, s2;
	s6 =	simm.s32 $0x108;
	_ =	swait.ge @!p0 [sflag:s8], $0x0  }
0x24: {  	s3 =	sadd.s32 $0x88, s3;
	s6 =	simm.s32 @!p1 $0x1082;
	[sflag:s4] =	ssyncset.s32 $0xFFFFF086  }
0x25: {  	[simem:s6], [sflag:s4] =	dma.local [hbm:s3], $0xF7A  }
0x26: {  	[smem:$0x3F9B] =	sst s1;
	(tag) =	ssettag s2;
	_ =	strace s9  }
0x27: {  	s1 =	sld [smem:$0x3FAB]  }
0x28: {  	s2 =	sld [smem:$0x3FAC]  }
0x29: {  	s4 =	sld [smem:$0x3FAE]  }
0x2a: {  	p0 =	seq.s32 s5, $0x0;
	s5 =	sld [smem:$0x3FAF]  }
0x2b: {  	s6 =	sld [smem:$0x3FB0]  }
0x2c: {  	s7 =	sld [smem:$0x3FB1]  }
0x2d: {  	s3 =	simm.s32 $0x108;
	s8 =	sld [smem:$0x3FB2]  }
0x2e: {  	s3 =	simm.s32 @!p0 $0x1082;
	s9 =	sld [smem:$0x3FB3]  }
0x2f: {  	lr =	sadd.s32 s0, s3;
	s0 =	sld [smem:$0x3FAA]  }
0x30: {  	s3 =	sld [smem:$0x3FAD]  }
0x31: {  	[smem:$0x3FB6] =	sst s10  }
0x32: {  	s10 =	sld [smem:$0x3FB4];
	_ =	sdelay $0x3  }
0x33: {  	p0 =	seq.s32 s10, $0x1;
	s10 =	sld [smem:$0x3FB6];
	_ =	sdelay $0x3  }
0x34: {  	[smem:$0x3FB6] =	sst s10  }
0x35: {  	s10 =	sld [smem:$0x3FB5];
	_ =	sdelay $0x3  }
0x36: {  	p1 =	seq.s32 s10, $0x1;
	s10 =	sld [smem:$0x3FB6];
	_ =	sdelay $0x3  }
0x37: {  	[smem:$0x3FB6] =	sst s10  }
0x38: {  	s10 =	sld [smem:$0x3FB7]  }
0x39: {  	_ = 	snop;
	(pc) =	sbr.ind lr, $3  }
0x3a: {  	_ = 	snop  }
0x3b: {  	_ = 	snop  }
0x3c: {  	p2 =	seq.s32 s10, $0x1;
	s10 =	sld [smem:$0x3FB6]  }
0x3d: {  	_ =	shalt  }
0x3e: {  	_ =	shalt  }
0x3f: {  	_ =	shalt  }
0x40: {  	_ =	shalt  }
0x41: {  	_ =	shalt  }
0x42: {  	_ =	shalt  }
0x43: {  	_ =	shalt  }
0x44: {  	_ =	shalt  }
0x45: {  	_ =	shalt  }
0x46: {  	_ =	shalt  }
0x47: {  	_ =	shalt  }
0x48: {  	_ =	shalt  }
0x49: {  	_ =	shalt  }
0x4a: {  	_ =	shalt  }
0x4b: {  	_ =	shalt  }
0x4c: {  	_ =	shalt  }
0x4d: {  	_ =	shalt  }
0x4e: {  	_ =	shalt  }
0x4f: {  	_ =	shalt  }
0x50: {  	_ =	shalt  }
0x51: {  	_ =	shalt  }
0x52: {  	_ =	shalt  }
0x53: {  	_ =	shalt  }
0x54: {  	_ =	shalt  }
0x55: {  	_ =	shalt  }
0x56: {  	_ =	shalt  }
0x57: {  	_ =	shalt  }
0x58: {  	_ =	shalt  }
0x59: {  	_ =	shalt  }
0x5a: {  	_ =	shalt  }
0x5b: {  	_ =	shalt  }
0x5c: {  	_ =	shalt  }
0x5d: {  	_ =	shalt  }
0x5e: {  	_ =	shalt  }
0x5f: {  	_ =	shalt  }
0x60: {  	_ =	shalt  }
0x61: {  	_ =	shalt  }
0x62: {  	_ =	shalt  }
0x63: {  	_ =	shalt  }
0x64: {  	_ =	shalt  }
0x65: {  	_ =	shalt  }
0x66: {  	_ =	shalt  }
0x67: {  	_ =	shalt  }
0x68: {  	_ =	shalt  }
0x69: {  	_ =	shalt  }
0x6a: {  	_ =	shalt  }
0x6b: {  	_ =	shalt  }
0x6c: {  	_ =	shalt  }
0x6d: {  	_ =	shalt  }
0x6e: {  	_ =	shalt  }
0x6f: {  	_ =	shalt  }
0x70: {  	_ =	shalt  }
0x71: {  	_ =	shalt  }
0x72: {  	_ =	shalt  }
0x73: {  	_ =	shalt  }
0x74: {  	_ =	shalt  }
0x75: {  	_ =	shalt  }
0x76: {  	_ =	shalt  }
0x77: {  	_ =	shalt  }
0x78: {  	_ =	shalt  }
0x79: {  	_ =	shalt  }
0x7a: {  	_ =	shalt  }
0x7b: {  	_ =	shalt  }
0x7c: {  	_ =	shalt  }
0x7d: {  	_ =	shalt  }
0x7e: {  	_ =	shalt  }
0x7f: {  	_ =	shalt  }
0x80: {  	_ =	shalt  }
0x81: {  	_ =	shalt  }
0x82: {  	_ =	shalt  }
0x83: {  	_ =	shalt  }
0x84: {  	_ =	shalt  }
0x85: {  	_ =	shalt  }
0x86: {  	_ =	shalt  }
0x87: {  	_ =	shalt  }
.Lfunc_end0:
.L_simem_size_0:
called_computation.1_lowered:
.L_overlay_start_0:
0x88: {  	s2 =	sld [smem:$0x3FD9]  }
0x89: {  	s3 =	sld [smem:$0x3FFE];
	_ =	sdelay $0x1  }
0x8a: {  	s1 =	srdreg.scid  }
0x8b: {  	s0 =	sand.u32 $0x1, s1  }
0x8c: {  	s16 =	sshll.u32 s0, $0xA;
	s2 =	sadd.s32 s3, s2  }
0x8d: {  	s2 =	sadd.s32 s2, s16  }
0x8e: {  	[smem:$0x3FC2] =	sst s2  }
0x8f: {  	_ = 	snop  }
0x90: {  	(tm) =	ssettm $0x1  }
0x91: {  	s17 =	sld [smem:$0x3FFB];
	_ =	sdelay $0x3  }
0x92: {  	_ =	strace s17  }
0x93: {  	s2 =	sld [smem:$0x3FFC];
	_ =	sdelay $0x3  }
0x94: {  	_ =	strace s2  }
0x95: {  	s2 =	sld [smem:$0x3FFD];
	_ =	sdelay $0x3  }
0x96: {  	_ =	strace s2  }
0x97: {  	_ =	strace $0x8FFFFFFF  }
0x98: {  	s18 =	sld [smem:$0x3FDB];
	_ =	sdelay $0x1  }
0x99: {  	s19 =	simm.s32 $_scs_section_size  }
0x9a: {  	s4 =	simm.s32 $_size__tile_overlayer_lowered;
	s5 =	simm.s32 $_tile_overlayer_lowered  }
0x9b: {  	s22 =	simm.s32 $0x1BFF;
	s21 =	sshll.u32 s5, $0x1;
	s2 =	sadd.s32 s19, s18  }
0x9c: {  	s6 =	simm.s32 $0x0;
	s20 =	sshll.u32 s4, $0x1;
	s4 =	sadd.s32 s21, s2  }
0x9d: {  	[timem:s6], [sflag:s22] =	dma.local [hbm:s4], s20  }
0x9e: {  	_ =	swait.ge [sflag:s22], s20  }
0x9f: {  	s3 =	ssub.s32 $0x0, s20;
	[sflag:s22] =	ssyncset.done $0x0  }
0xa0: {  	[sflag:s22] =	ssyncadd.s32 s3;
	_ =	sdelay $0x1  }
0xa1: {  	s23 =	simm.s32 $0x1B8B  }
0xa2: {  	_ =	swait.ge [sflag:s23], $0x1  }
0xa3: {  	[sflag:s23] =	ssyncset.done $0x0  }
0xa4: {  	s25 =	simm.s32 $0x1B8E;
	s24 =	sld [smem:$0x3FFE];
	[sflag:s23] =	ssyncadd.s32 $0xFFFFFFFF  }
0xa5: {  	s26 =	simm.s32 $execute0_lowered;
	[smem:$0x3FD2] =	sst s25  }
0xa6: {  	s4 =	sshll.u32 s26, $0x1;
	_ =	strace $0x80000046;
	[dreg:$0x1] =	wrdreg $0xFFFFFFFF  }
0xa7: {  	s28 =	simm.s32 $_size_execute0_lowered;
	s2 =	sadd.s32 s2, s4;
	[dreg:$0x0] =	wrdreg $0x0  }
0xa8: {  	s4 =	sshll.u32 s28, $0x1;
	[dreg:$0x2] =	wrdreg s2  }
0xa9: {  	[dreg:$0x3] =	wrdreg s4  }
0xaa: {  	[dreg:$0x4] =	wrdreg $0xC0  }
0xab: {  	_ =	task [dreg:s6], $0x5FFFF  }
0xac: {  	[dreg:$0x1] =	wrdreg $0xFFFFFFFF  }
0xad: {  	[dreg:$0x0] =	wrdreg $0x60  }
0xae: {  	[dreg:$0x2] =	wrdreg s24  }
0xaf: {  	[dreg:$0x3] =	wrdreg $0x31000  }
0xb0: {  	[dreg:$0x4] =	wrdreg $0xA  }
0xb1: {  	_ =	task.clear_ibuf [dreg:s6], $0x5FFFF;
	_ =	strace $0x90000046  }
0xb2: {  	s29 =	simm.s32 $0xA;
	_ =	strace $0x80000048  }
0xb3: {  	_ =	swait.ge [sflag:s29], $0x1  }
0xb4: {  	[sflag:s29] =	ssyncadd.s32 $0xFFFFFFFF  }
0xb5: {  	_ =	strace $0x90000048  }
0xb6: {  	_ =	sfence  }
0xb7: {  	s30 =	sld [smem:$0x0];
	_ =	sdelay $0x2  }
0xb8: {  	s31 =	sshll.u32 s1, $0xD;
	s1 =	sshrl.u32 s1, $0x2  }
0xb9: {  	s3 =	sand.u32 $0x4000, s31;
	s1 =	sadd.s32 s1, s30  }
0xba: {  	s0 =	sor.u32 s3, s0;
	s1 =	sshll.u32 s1, $0x11  }
0xbb: {  	s0 =	sor.u32 s1, s0  }
0xbc: {  	s0 =	sadd.s32 $0x8F2B, s0  }
0xbd: {  	[sflag:s0] =	ssyncadd.remote.s32 $0x1  }
0xbe: {  	_ =	sfence.sel $0xFFFF  }
0xbf: {  	[dreg:$0x0] =	wrdreg $0xFFFFFFFF;
	(pc) =	sbr.abs _section_cstart, $3  }
0xc0: {  	[dreg:$0x1] =	wrdreg $0xFFFFFFFF  }
0xc1: {  	_ =	task.clear_ibuf [dreg:s6], $0x2FFFF;
	_ =	strace $0x9FFFFFFF  }
0xc2: {  	(tm) =	ssettm $0x7FFFFFFF  }
0xc3: {  	_ =	shalt  }
tec
execute0_lowered:
.L_overlay_start_1:
0x0: {  	(tag) =	ssettag $0x1  }
0x1: {  	s0 =	srdreg.scid;
	s5 =	rddreg [dreg:$0x0]  }
0x2: {  	s2 =	rddreg [dreg:$0x1];
	s3 =	simm.s32 $0x0;
	s13 =	simm.s32 $0x1  }
0x3: {  	s14 =	simm.s32 $0x80;
	s15 =	simm.s32 $0x2800;
	s16 =	simm.s32 $0x2880  }
0x4: {  	s19 =	simm.s32 $0x20;
	s4 =	sand.u32 $0x1, s0;
	s0 =	stileid.u32  }
0x5: {  	s20 =	simm.s32 $0x10;
	[smem:$0x7FF] =	sst s3;
	s7 =	smul.u32 $0x4F00, s0  }
0x6: {  	s1 =	sshll.u32 s4, $0x4;
	s8 =	sshll.u32 s4, $0x7;
	s9 =	smul.u32 $0x9E00, s0  }
0x7: {  	s29 =	ssub.s32 $0x2, s4;
	s17 =	sshll.u32 s0, $0x6;
	s1 =	sor.u32 s0, s1  }
0x8: {  	s31 =	sshrl.u32 s29, $0x1;
	s17 =	sor.u32 $0x1C01, s17;
	s6 =	smul.u32 $0x500, s1  }
0x9: {  	s1 =	rddreg [dreg:$0x2];
	_ =	strace $0x80000047;
	s30 =	sshrl.u32 s9, $0x2  }
0xa: {  	s28 =	sor.u32 s8, s7;
	s12 =	ssub.s32 s29, s31;
	s4 =	sadd.s32 s30, s2  }
0xb: {  	s10 =	sadd.s32 s6, s5;
	s6 =	sshrl.u32 s28, $0x3;
	s7 =	sadd.s32 $0x1800, s4  }
0xc: {  	s8 =	sadd.s32 $0x2000, s4;
	s18 =	sshrl.u32 s4, $0x3;
	s11 =	sadd.s32 s6, s5  }
0xd: {  	s5 =	sadd.s32 $0x800, s4;
	s6 =	sadd.s32 $0x1000, s4;
	s9 =	sadd.s32 $0x1600, s10  }
0xe: {  	v0 =	vimm.f32 $0.0e+00;
	v1 =	vimm.f32 $1.000000000e+00;
	s10 =	sadd.s32 $0xB600, s11;
	s11 =	smax.u32 s12, $0x1;
	s12 =	simm.s32 $0x2900  }
.LBB2_1:
0xf: {  	s21 =	simm.s32 $0x40;
	s22 =	simm.s32 $0x0  }
.LBB2_2:
0x10: {  	p0 =	sne.s32 s21, $0x1FC0;
	[tilespmem:s22+$0x2900] =	vst v0;
	s22 =	smov.u32 s21;
	s21 =	sadd.s32 $0x40, s21  }
.Ltmp0:
0x11: {  	(pc) =	sbr.rel @p0 .LBB2_2-.Ltmp0, $2  }
0x12: {  	_ =	sdelay $0x2  }
0x13: {  	s22 =	sshra.s32 s22, $0x2  }
0x14: {  	[tilespmem:s22+$0x2900] =	vst v0  }
0x15: {  	[tilespmem:$0x2880] =	vst v1  }
0x16: {  	[tilespmem:$0x2890] =	vst v1  }
0x17: {  	[tilespmem:$0x28A0] =	vst v1  }
0x18: {  	[tilespmem:$0x28B0] =	vst v1  }
0x19: {  	[tilespmem:$0x28C0] =	vst v1  }
0x1a: {  	[tilespmem:$0x28D0] =	vst v1  }
0x1b: {  	[tilespmem:$0x28E0] =	vst v1  }
0x1c: {  	[tilespmem:$0x28F0] =	vst v1  }
0x1d: {  	[spmem:s4] =	stream.linear.scatter [tilespmem:s12], [sflag:$0x1], $0x800, $0x38;
	[tilespmem:$0x5880] =	vst v63  }
0x1e: {  	_ =	swait.ge [sflag:s13], $0x800  }
0x1f: {  	[sflag:s13] =	ssyncset.done $0x0  }
0x20: {  	[sflag:s13] =	ssyncadd.s32 $0xFFFFF800  }
0x21: {  	[spmem:s5] =	stream.linear.scatter [tilespmem:s12], [sflag:$0x1], $0x800, $0x38;
	[tilespmem:$0x5880] =	vst v63  }
0x22: {  	_ =	swait.ge [sflag:s13], $0x800  }
0x23: {  	[sflag:s13] =	ssyncset.done $0x0  }
0x24: {  	[sflag:s13] =	ssyncadd.s32 $0xFFFFF800  }
0x25: {  	[spmem:s6] =	stream.linear.scatter [tilespmem:s12], [sflag:$0x1], $0x800, $0x38;
	[tilespmem:$0x5880] =	vst v63  }
0x26: {  	_ =	swait.ge [sflag:s13], $0x800  }
0x27: {  	[sflag:s13] =	ssyncset.done $0x0  }
0x28: {  	[sflag:s13] =	ssyncadd.s32 $0xFFFFF800  }
0x29: {  	[spmem:s7] =	stream.linear.scatter [tilespmem:s12], [sflag:$0x1], $0x800, $0x38;
	[tilespmem:$0x5880] =	vst v63  }
0x2a: {  	_ =	swait.ge [sflag:s13], $0x800  }
0x2b: {  	[sflag:s13] =	ssyncset.done $0x0  }
0x2c: {  	[sflag:s13] =	ssyncadd.s32 $0xFFFFF800  }
0x2d: {  	[spmem:s8] =	stream.linear.scatter [tilespmem:s12], [sflag:$0x1], $0x780, $0x38;
	[tilespmem:$0x5880] =	vst v63  }
0x2e: {  	_ =	swait.ge [sflag:s13], $0x780  }
0x2f: {  	[sflag:s13] =	ssyncset.done $0x0  }
0x30: {  	s21 =	simm.s32 $0x0;
	[sflag:s13] =	ssyncadd.s32 $0xFFFFF880  }
0x31: {  	[tilespmem:s21], [sflag:$0x1] =	stream.linear.gather [hbm4b:s9+s21], $0x2800, $0x38;
	[tilespmem:$0x5880] =	vst v63  }
0x32: {  	_ =	swait.ge [sflag:s13], $0x2800  }
0x33: {  	[sflag:s13] =	ssyncset.done $0x0  }
0x34: {  	[sflag:s13] =	ssyncadd.s32 $0xFFFFD800  }
0x35: {  	s31 =	simm.s32 $0x0;
	[bflag:$0x0] =	sbarrier.arrive $0xFFFF  }
0x36: {  	v2 =	vld [tilespmem:s31+$0x0];
	_ =	sdelay $0x4  }
0x37: {  	v3 =	vshrl.u32 v2, $0xA  }
0x38: {  	v2 =	vshrl.u32 v2, $0x1C;
	v3 =	vand.u32 $0x3FFF0, v3  }
0x39: {  	v2 =	vor.u32 v2, v3  }
0x3a: {  	[tilespmem:$0x2800] =	vst v2  }
0x3b: {  	v2 =	vld [tilespmem:s31+$0x10];
	_ =	sdelay $0x4  }
0x3c: {  	v3 =	vshrl.u32 v2, $0xA  }
0x3d: {  	v2 =	vshrl.u32 v2, $0x1C;
	v3 =	vand.u32 $0x3FFF0, v3  }
0x3e: {  	v2 =	vor.u32 v2, v3  }
0x3f: {  	[tilespmem:$0x2810] =	vst v2  }
0x40: {  	v2 =	vld [tilespmem:s31+$0x20];
	_ =	sdelay $0x4  }
0x41: {  	v3 =	vshrl.u32 v2, $0xA  }
0x42: {  	v2 =	vshrl.u32 v2, $0x1C;
	v3 =	vand.u32 $0x3FFF0, v3  }
0x43: {  	v2 =	vor.u32 v2, v3  }
0x44: {  	[tilespmem:$0x2820] =	vst v2  }
0x45: {  	v2 =	vld [tilespmem:s31+$0x30];
	_ =	sdelay $0x4  }
0x46: {  	v3 =	vshrl.u32 v2, $0xA  }
0x47: {  	v2 =	vshrl.u32 v2, $0x1C;
	v3 =	vand.u32 $0x3FFF0, v3  }
0x48: {  	v2 =	vor.u32 v2, v3  }
0x49: {  	[tilespmem:$0x2830] =	vst v2  }
0x4a: {  	v2 =	vld [tilespmem:s31+$0x40];
	_ =	sdelay $0x4  }
0x4b: {  	v3 =	vshrl.u32 v2, $0xA  }
0x4c: {  	v2 =	vshrl.u32 v2, $0x1C;
	v3 =	vand.u32 $0x3FFF0, v3  }
0x4d: {  	v2 =	vor.u32 v2, v3  }
0x4e: {  	[tilespmem:$0x2840] =	vst v2  }
0x4f: {  	v2 =	vld [tilespmem:s31+$0x50];
	_ =	sdelay $0x4  }
0x50: {  	v3 =	vshrl.u32 v2, $0xA  }
0x51: {  	v2 =	vshrl.u32 v2, $0x1C;
	v3 =	vand.u32 $0x3FFF0, v3  }
0x52: {  	v2 =	vor.u32 v2, v3  }
0x53: {  	[tilespmem:$0x2850] =	vst v2  }
0x54: {  	v2 =	vld [tilespmem:s31+$0x60];
	_ =	sdelay $0x4  }
0x55: {  	v3 =	vshrl.u32 v2, $0xA  }
0x56: {  	v2 =	vshrl.u32 v2, $0x1C;
	v3 =	vand.u32 $0x3FFF0, v3  }
0x57: {  	v2 =	vor.u32 v2, v3  }
0x58: {  	[tilespmem:$0x2860] =	vst v2  }
0x59: {  	v2 =	vld [tilespmem:s31+$0x70];
	_ =	sdelay $0x4  }
0x5a: {  	v3 =	vshrl.u32 v2, $0xA  }
0x5b: {  	v2 =	vshrl.u32 v2, $0x1C;
	v3 =	vand.u32 $0x3FFF0, v3  }
0x5c: {  	v2 =	vor.u32 v2, v3  }
0x5d: {  	[tilespmem:$0x2870] =	vst v2  }
0x5e: {  	[spmem:s2] =	stream.indirect.scatter.add.f32 [tilespmem:s16], [sflag:$0x1], $0x1, s15, s14, $0xb8;
	[tilespmem:$0x5880] =	vst v63  }
0x5f: {  	_ =	swait.ge [sflag:s13], $0x80  }
0x60: {  	s24 =	simm.s32 $0x400;
	s21 =	simm.s32 $0x200;
	[sflag:s13] =	ssyncset.done $0x0  }
.LBB2_4:
0x61: {  	s23 =	sshra.s32 s21, $0x2  }
0x62: {  	[sflag:s13] =	ssyncadd.s32 $0xFFFFFF80;
	s21 =	smov.u32 s24;
	s22 =	sadd.s32 $0x200, s24  }
0x63: {  	p0 =	sne.s32 s24, $0x9E00;
	v2 =	vld [tilespmem:s23+$0x0];
	_ =	sdelay $0x4  }
0x64: {  	v3 =	vshrl.u32 v2, $0xA  }
0x65: {  	v2 =	vshrl.u32 v2, $0x1C;
	v3 =	vand.u32 $0x3FFF0, v3  }
0x66: {  	v2 =	vor.u32 v2, v3  }
0x67: {  	[tilespmem:$0x2800] =	vst v2  }
0x68: {  	v2 =	vld [tilespmem:s23+$0x10];
	_ =	sdelay $0x4  }
0x69: {  	v3 =	vshrl.u32 v2, $0xA  }
0x6a: {  	v2 =	vshrl.u32 v2, $0x1C;
	v3 =	vand.u32 $0x3FFF0, v3  }
0x6b: {  	v2 =	vor.u32 v2, v3  }
0x6c: {  	[tilespmem:$0x2810] =	vst v2  }
0x6d: {  	v2 =	vld [tilespmem:s23+$0x20];
	_ =	sdelay $0x4  }
0x6e: {  	v3 =	vshrl.u32 v2, $0xA  }
0x6f: {  	v2 =	vshrl.u32 v2, $0x1C;
	v3 =	vand.u32 $0x3FFF0, v3  }
0x70: {  	v2 =	vor.u32 v2, v3  }
0x71: {  	[tilespmem:$0x2820] =	vst v2  }
0x72: {  	v2 =	vld [tilespmem:s23+$0x30];
	_ =	sdelay $0x4  }
0x73: {  	v3 =	vshrl.u32 v2, $0xA  }
0x74: {  	v2 =	vshrl.u32 v2, $0x1C;
	v3 =	vand.u32 $0x3FFF0, v3  }
0x75: {  	v2 =	vor.u32 v2, v3  }
0x76: {  	[tilespmem:$0x2830] =	vst v2  }
0x77: {  	v2 =	vld [tilespmem:s23+$0x40];
	_ =	sdelay $0x4  }
0x78: {  	v3 =	vshrl.u32 v2, $0xA  }
0x79: {  	v2 =	vshrl.u32 v2, $0x1C;
	v3 =	vand.u32 $0x3FFF0, v3  }
0x7a: {  	v2 =	vor.u32 v2, v3  }
0x7b: {  	[tilespmem:$0x2840] =	vst v2  }
0x7c: {  	v2 =	vld [tilespmem:s23+$0x50];
	_ =	sdelay $0x4  }
0x7d: {  	v3 =	vshrl.u32 v2, $0xA  }
0x7e: {  	v2 =	vshrl.u32 v2, $0x1C;
	v3 =	vand.u32 $0x3FFF0, v3  }
0x7f: {  	v2 =	vor.u32 v2, v3  }
0x80: {  	[tilespmem:$0x2850] =	vst v2  }
0x81: {  	v2 =	vld [tilespmem:s23+$0x60];
	_ =	sdelay $0x4  }
0x82: {  	v3 =	vshrl.u32 v2, $0xA  }
0x83: {  	v2 =	vshrl.u32 v2, $0x1C;
	v3 =	vand.u32 $0x3FFF0, v3  }
0x84: {  	v2 =	vor.u32 v2, v3  }
0x85: {  	[tilespmem:$0x2860] =	vst v2  }
0x86: {  	v2 =	vld [tilespmem:s23+$0x70];
	_ =	sdelay $0x4  }
0x87: {  	v3 =	vshrl.u32 v2, $0xA  }
0x88: {  	v2 =	vshrl.u32 v2, $0x1C;
	v3 =	vand.u32 $0x3FFF0, v3  }
.Ltmp1:
0x89: {  	v2 =	vor.u32 v2, v3;
	(pc) =	sbr.rel @p0 .LBB2_4-.Ltmp1, $4  }
0x8a: {  	[tilespmem:$0x2870] =	vst v2  }
0x8b: {  	[spmem:s2] =	stream.indirect.scatter.add.f32 [tilespmem:s16], [sflag:$0x1], $0x1, s15, s14, $0xb8;
	[tilespmem:$0x5880] =	vst v63  }
0x8c: {  	_ =	swait.ge [sflag:s13], $0x80  }
0x8d: {  	s24 =	smov.u32 s22;
	[sflag:s13] =	ssyncset.done $0x0  }
0x8e: {  	s21 =	sshra.s32 s21, $0x2;
	[sflag:s13] =	ssyncadd.s32 $0xFFFFFF80  }
0x8f: {  	v2 =	vld [tilespmem:s21+$0x0];
	_ =	sdelay $0x4  }
0x90: {  	v3 =	vshrl.u32 v2, $0xA  }
0x91: {  	v2 =	vshrl.u32 v2, $0x1C;
	v3 =	vand.u32 $0x3FFF0, v3  }
0x92: {  	v2 =	vor.u32 v2, v3  }
0x93: {  	[tilespmem:$0x2800] =	vst v2  }
0x94: {  	v2 =	vld [tilespmem:s21+$0x10];
	_ =	sdelay $0x4  }
0x95: {  	v3 =	vshrl.u32 v2, $0xA  }
0x96: {  	v2 =	vshrl.u32 v2, $0x1C;
	v3 =	vand.u32 $0x3FFF0, v3  }
0x97: {  	v2 =	vor.u32 v2, v3  }
0x98: {  	[tilespmem:$0x2810] =	vst v2  }
0x99: {  	v2 =	vld [tilespmem:s21+$0x20];
	_ =	sdelay $0x4  }
0x9a: {  	v3 =	vshrl.u32 v2, $0xA  }
0x9b: {  	v2 =	vshrl.u32 v2, $0x1C;
	v3 =	vand.u32 $0x3FFF0, v3  }
0x9c: {  	v2 =	vor.u32 v2, v3  }
0x9d: {  	[tilespmem:$0x2820] =	vst v2  }
0x9e: {  	v2 =	vld [tilespmem:s21+$0x30];
	_ =	sdelay $0x4  }
0x9f: {  	v3 =	vshrl.u32 v2, $0xA  }
0xa0: {  	v2 =	vshrl.u32 v2, $0x1C;
	v3 =	vand.u32 $0x3FFF0, v3  }
0xa1: {  	v2 =	vor.u32 v2, v3  }
0xa2: {  	[tilespmem:$0x2830] =	vst v2  }
0xa3: {  	v2 =	vld [tilespmem:s21+$0x40];
	_ =	sdelay $0x4  }
0xa4: {  	v3 =	vshrl.u32 v2, $0xA  }
0xa5: {  	v2 =	vshrl.u32 v2, $0x1C;
	v3 =	vand.u32 $0x3FFF0, v3  }
0xa6: {  	v2 =	vor.u32 v2, v3  }
0xa7: {  	[tilespmem:$0x2840] =	vst v2  }
0xa8: {  	v2 =	vld [tilespmem:s21+$0x50];
	_ =	sdelay $0x4  }
0xa9: {  	v3 =	vshrl.u32 v2, $0xA  }
0xaa: {  	v2 =	vshrl.u32 v2, $0x1C;
	v3 =	vand.u32 $0x3FFF0, v3  }
0xab: {  	v2 =	vor.u32 v2, v3  }
0xac: {  	[tilespmem:$0x2850] =	vst v2  }
0xad: {  	v2 =	vld [tilespmem:s21+$0x60];
	_ =	sdelay $0x4  }
0xae: {  	v3 =	vshrl.u32 v2, $0xA  }
0xaf: {  	v2 =	vshrl.u32 v2, $0x1C;
	v3 =	vand.u32 $0x3FFF0, v3  }
0xb0: {  	v2 =	vor.u32 v2, v3  }
0xb1: {  	[tilespmem:$0x2860] =	vst v2  }
0xb2: {  	v2 =	vld [tilespmem:s21+$0x70];
	_ =	sdelay $0x4  }
0xb3: {  	v3 =	vshrl.u32 v2, $0xA  }
0xb4: {  	v2 =	vshrl.u32 v2, $0x1C;
	v3 =	vand.u32 $0x3FFF0, v3  }
0xb5: {  	v2 =	vor.u32 v2, v3  }
0xb6: {  	[tilespmem:$0x2870] =	vst v2  }
0xb7: {  	[spmem:s2] =	stream.indirect.scatter.add.f32 [tilespmem:s16], [sflag:$0x1], $0x1, s15, s14, $0xb8;
	[tilespmem:$0x5880] =	vst v63  }
0xb8: {  	_ =	swait.ge [sflag:s13], $0x80  }
0xb9: {  	s3 =	sadd.s32 $0x1, s3;
	[sflag:s13] =	ssyncset.done $0x0  }
0xba: {  	p0 =	sne.s32 s3, s11;
	[sflag:s13] =	ssyncadd.s32 $0xFFFFFF80  }
.Ltmp2:
0xbb: {  	[bflag:$0x0] =	sbarrier.arrive $0xFFFF;
	(pc) =	sbr.rel @p0 .LBB2_1-.Ltmp2, $4  }
0xbc: {  	[hbm:s10@s19], [sflag:s17] =	dma.strided [spmem:s18@s20], $0x4F0, s13, $0x10   }
0xbd: {  	_ =	swait.ge [sflag:s13], $0x4F0  }
0xbe: {  	[sflag:s13] =	ssyncset.done $0x0  }
0xbf: {  	[sflag:s13] =	ssyncadd.s32 $0xFFFFFB10  }
0xc0: {  	_ =	sfence.sel $0x180000  }
0xc1: {  	[bflag:$0x0] =	sbarrier.arrive $0xFFFF  }
0xc2: {  	p0 =	sne.s32 s0, $0x0;
	_ =	strace $0x90000047  }
0xc3: {  	s0 =	sadd.s32 @!p0 $0x100000, s1;
	[bflag:$0x2] =	sbarrier.arrive $0xFFFF  }
0xc4: {  	[sflag:s0] =	ssyncadd.tile.s32 @!p0 $0x1;
	_ =	shalt  }
.Lfunc_end2:
_tile_overlayer_lowered:
.L_overlay_start_2:
0xc5: {  	(tag) =	ssettag $0x2  }
0xc6: {  	s0 =	rddreg [dreg:$0x0];
	s2 =	stileid.u32  }
0xc7: {  	s1 =	rddreg [dreg:$0x1];
	p0 =	sne.s32 s2, $0x0  }
0xc8: {  	s3 =	rddreg [dreg:$0x2];
	[bflag:$0x3] =	sbarrier.arrive $0xFFFF;
	s2 =	simm.s32 @!p0 $0x1C01  }
0xc9: {  	[timem:s3], [sflag:s2] =	dma.local @!p0 [hbm:s0], s1  }
0xca: {  	s0 =	simm.s32 @!p0 $0x1  }
0xcb: {  	_ =	swait.ge @!p0 [sflag:s0], s1  }
0xcc: {  	s1 =	ssub.s32 @!p0 $0x0, s1;
	[sflag:s0] =	ssyncset.done @!p0 $0x0  }
0xcd: {  	[sflag:s0] =	ssyncadd.s32 @!p0 s1  }
0xce: {  	[bflag:$0x3] =	sbarrier.arrive $0xFFFF  }
0xcf: {  	_ =	shalt  }

</sc_bundles>
